<compile_context>
chip_gen: v7x
topology: tpu7x:2x2x1
jax: 0.10.2.dev20260603
libtpu: 0.0.44.dev20260713+nightly
codegen_flags: <defaults>
</compile_context>

<pallas_src>
import jax
import jax.numpy as jnp
from jax import lax
from jax.experimental import pallas as pl
from jax.experimental.pallas import tpu as pltpu
from jax.experimental.pallas import tpu_sc as plsc

N = 10000
E = 320000
D = 128
NC = 2
NS = 16
NW = NC * NS
CHUNK = 128
CPW = 80
PADE = NW * CPW * CHUNK
NP_ = 10240
DUMMY = N
RPT = NP_ // NS
WB = 128
DEGW = 128
DEG_Q = 20
IDXB = 40

_MESH = plsc.VectorSubcoreMesh(
    core_axis_name="c", subcore_axis_name="s", num_cores=NC, num_subcores=NS
)


@pl.kernel(
    out_type=jax.ShapeDtypeStruct((NC, NP_, D), jnp.float32),
    mesh=_MESH,
    scratch_types=[
        pltpu.VMEM((IDXB, CHUNK), jnp.int32),
        pltpu.VMEM((IDXB, CHUNK), jnp.int32),
        pltpu.VMEM((CHUNK, D), jnp.float32),
        pltpu.VMEM((CHUNK, D), jnp.float32),
        pltpu.VMEM_SHARED((NP_, D), jnp.float32),
        pltpu.SemaphoreType.DMA,
        pltpu.SemaphoreType.DMA,
    ],
)
def _agg(x_hbm, src_hbm, dst_hbm, zrow_hbm, out_hbm,
         src_v, dst_v, b0, b1, acc_sh, s0, s1):
  c = lax.axis_index("c")
  s = lax.axis_index("s")
  wid = c * NS + s
  r0 = s * RPT

  def g_start(jc, buf, sem):
    pltpu.async_copy(x_hbm.at[src_v.at[jc]], buf, sem)

  def g_wait(buf, sem):
    pltpu.make_async_copy(x_hbm.at[pl.ds(0, CHUNK)], buf, sem).wait()

  pltpu.sync_copy(zrow_hbm, b0)
  for k in range(RPT // WB):
    pltpu.async_copy(b0, acc_sh.at[pl.ds(r0 + k * WB, WB)], s0)
  for k in range(RPT // WB):
    pltpu.make_async_copy(b0, acc_sh.at[pl.ds(0, WB)], s0).wait()
  plsc.subcore_barrier()

  def step(i, carry):
    c0 = 2 * i
    c1 = 2 * i + 1
    g_wait(b0, s0)
    pltpu.sync_copy(b0, acc_sh.at[dst_v.at[c0]], add=True)

    @pl.when(c0 + 2 < IDXB)
    def _():
      g_start(c0 + 2, b0, s0)

    g_wait(b1, s1)
    pltpu.sync_copy(b1, acc_sh.at[dst_v.at[c1]], add=True)

    @pl.when(c1 + 2 < IDXB)
    def _():
      g_start(c1 + 2, b1, s1)

    return carry

  for ph in range(CPW // IDXB):
    pltpu.sync_copy(src_hbm.at[wid, pl.ds(ph * IDXB, IDXB)], src_v)
    pltpu.sync_copy(dst_hbm.at[wid, pl.ds(ph * IDXB, IDXB)], dst_v)
    g_start(0, b0, s0)
    g_start(1, b1, s1)
    lax.fori_loop(0, IDXB // 2, step, 0)

  plsc.subcore_barrier()

  bufs = (b0, b1)
  sems = (s0, s1)
  for k in range(RPT // WB):
    b, sm = bufs[k % 2], sems[k % 2]
    if k >= 2:
      pltpu.make_async_copy(b, out_hbm.at[c, pl.ds(0, WB)], sm).wait()
    pltpu.sync_copy(acc_sh.at[pl.ds(r0 + k * WB, WB)], b)
    pltpu.async_copy(b, out_hbm.at[c, pl.ds(r0 + k * WB, WB)], sm)
  for k in (RPT // WB - 2, RPT // WB - 1):
    b, sm = bufs[k % 2], sems[k % 2]
    pltpu.make_async_copy(b, out_hbm.at[c, pl.ds(0, WB)], sm).wait()


@pl.kernel(
    out_type=jax.ShapeDtypeStruct((NC, NP_, DEGW), jnp.float32),
    mesh=_MESH,
    scratch_types=[
        pltpu.VMEM((CPW, CHUNK), jnp.int32),
        pltpu.VMEM((CHUNK, DEGW), jnp.float32),
        pltpu.VMEM((CHUNK, DEGW), jnp.float32),
        pltpu.VMEM_SHARED((NP_, DEGW), jnp.float32),
        pltpu.SemaphoreType.DMA,
        pltpu.SemaphoreType.DMA,
    ],
)
def _deg(dst_hbm, zdeg_hbm, ones_hbm, deg_out_hbm, dst_v, small_v, small2,
         deg_sh, sem, sem2):
  c = lax.axis_index("c")
  s = lax.axis_index("s")
  wid = c * NS + s
  r0 = s * RPT

  pltpu.sync_copy(dst_hbm.at[wid], dst_v)
  pltpu.sync_copy(zdeg_hbm, small_v)
  for k in range(RPT // WB):
    pltpu.async_copy(small_v, deg_sh.at[pl.ds(r0 + k * WB, WB)], sem)
  for k in range(RPT // WB):
    pltpu.make_async_copy(small_v, deg_sh.at[pl.ds(0, WB)], sem).wait()
  pltpu.sync_copy(ones_hbm, small_v)
  plsc.subcore_barrier()

  def step(i, carry):
    for t in range(DEG_Q):
      pltpu.async_copy(small_v, deg_sh.at[dst_v.at[DEG_Q * i + t]], sem,
                       add=True)
    for t in range(DEG_Q):
      pltpu.make_async_copy(small_v, deg_sh.at[pl.ds(0, CHUNK)], sem).wait()
    return carry

  lax.fori_loop(0, CPW // DEG_Q, step, 0)
  plsc.subcore_barrier()

  bufs = (small_v, small2)
  sems = (sem, sem2)
  for k in range(RPT // WB):
    b, sm = bufs[k % 2], sems[k % 2]
    if k >= 2:
      pltpu.make_async_copy(b, deg_out_hbm.at[c, pl.ds(0, WB)], sm).wait()
    pltpu.sync_copy(deg_sh.at[pl.ds(r0 + k * WB, WB)], b)
    pltpu.async_copy(b, deg_out_hbm.at[c, pl.ds(r0 + k * WB, WB)], sm)
  for k in (RPT // WB - 2, RPT // WB - 1):
    b, sm = bufs[k % 2], sems[k % 2]
    pltpu.make_async_copy(b, deg_out_hbm.at[c, pl.ds(0, WB)], sm).wait()


def _dense(part, degp, xin, w_l, w_r, b, do_relu):
  rows = 1000

  def body(p_ref, d_ref, x_ref, wl_ref, wr_ref, b_ref, o_ref):
    agg = p_ref[0] + p_ref[1]
    deg = d_ref[0] + d_ref[1]
    degc = jnp.max(deg, axis=1, keepdims=True)
    mean = agg / jnp.maximum(degc, 1.0)
    acc = jnp.dot(mean, wl_ref[...], preferred_element_type=jnp.float32)
    acc = acc + jnp.dot(x_ref[...], wr_ref[...], preferred_element_type=jnp.float32)
    acc = acc + b_ref[...]
    if do_relu:
      acc = jnp.maximum(acc, 0.0)
    o_ref[...] = acc

  return pl.pallas_call(
      body,
      grid=(N // rows,),
      in_specs=[
          pl.BlockSpec((NC, rows, D), lambda i: (0, i, 0)),
          pl.BlockSpec((NC, rows, DEGW), lambda i: (0, i, 0)),
          pl.BlockSpec((rows, D), lambda i: (i, 0)),
          pl.BlockSpec((D, D), lambda i: (0, 0)),
          pl.BlockSpec((D, D), lambda i: (0, 0)),
          pl.BlockSpec((1, D), lambda i: (0, 0)),
      ],
      out_specs=pl.BlockSpec((rows, D), lambda i: (i, 0)),
      out_shape=jax.ShapeDtypeStruct((N, D), jnp.float32),
  )(part, degp, xin, w_l, w_r, b.reshape(1, D))


def kernel(x, edge_index, W1_l, W1_r, b1, W2_l, W2_r, b2):
  src = edge_index[0].astype(jnp.int32)
  dst = edge_index[1].astype(jnp.int32)
  pad = PADE - E
  pad_src = jnp.arange(pad, dtype=jnp.int32) % N
  pad_dst = DUMMY + jnp.arange(pad, dtype=jnp.int32) % (NP_ - N)
  srcp = jnp.concatenate([src, pad_src])
  dstp = jnp.concatenate([dst, pad_dst])
  src3 = srcp.reshape(NW, CPW, CHUNK)
  dst3 = dstp.reshape(NW, CPW, CHUNK)
  zrow = jnp.zeros((WB, D), jnp.float32)
  zdeg = jnp.zeros((CHUNK, DEGW), jnp.float32)
  ones = jnp.ones((CHUNK, DEGW), jnp.float32)

  degp = _deg(dst3, zdeg, ones)
  part1 = _agg(x, src3, dst3, zrow)
  h = _dense(part1, degp, x, W1_l, W1_r, b1, True)
  part2 = _agg(h, src3, dst3, zrow)
  out = _dense(part2, degp, h, W2_l, W2_r, b2, False)
  return out

# --- scband reference (transcript-rebuilt; emitter-appended) ---
"""Pipeline reference for scband-graph-sage-12558484373968 (READ-ONLY COPY).

The authoritative reference and input builder live on the scoring server;
editing this copy changes nothing except your own understanding.
"""

import jax, jax.numpy as jnp
import numpy as np

N_NODES = 10000
N_EDGES = 320000
D_IN = 128
D_HID = 128
D_OUT = 128


def setup_inputs(seed: int = 0) -> dict:
    key = jax.random.key(seed)
    ks = [jax.random.fold_in(key, i) for i in range(10)]
    x = jax.random.normal(ks[0], (N_NODES, D_IN), dtype=jnp.float32)
    edge_index = jax.random.randint(ks[1], (2, N_EDGES), 0, N_NODES, dtype=jnp.int64)
    W1_l = jax.random.normal(ks[2], (D_IN, D_HID), dtype=jnp.float32) * (1.0 / np.sqrt(D_IN))
    W1_r = jax.random.normal(ks[3], (D_IN, D_HID), dtype=jnp.float32) * (1.0 / np.sqrt(D_IN))
    b1 = jnp.zeros((D_HID,), dtype=jnp.float32)
    W2_l = jax.random.normal(ks[4], (D_HID, D_OUT), dtype=jnp.float32) * (1.0 / np.sqrt(D_HID))
    W2_r = jax.random.normal(ks[5], (D_HID, D_OUT), dtype=jnp.float32) * (1.0 / np.sqrt(D_HID))
    b2 = jnp.zeros((D_OUT,), dtype=jnp.float32)
    return {"x": x, "edge_index": edge_index, "W1_l": W1_l, "W1_r": W1_r, "b1": b1,
            "W2_l": W2_l, "W2_r": W2_r, "b2": b2}


def _sage_conv(x, edge_index, W_l, W_r, b):
    # PyG SAGEConv with mean aggregation:
    #   out = lin_l(mean_{j in N(i)} x_j) + lin_r(x_i)
    src = edge_index[0]
    dst = edge_index[1]
    n = x.shape[0]
    msg = x[src]  # gather: [E, d]
    agg = jax.ops.segment_sum(msg, dst, num_segments=n)  # scatter-add: [N, d]
    deg = jax.ops.segment_sum(jnp.ones((src.shape[0],), dtype=x.dtype), dst, num_segments=n)
    mean = agg / jnp.clip(deg, 1.0, None)[:, None]
    return mean @ W_l + x @ W_r + b


def reference(x, edge_index, W1_l, W1_r, b1, W2_l, W2_r, b2):
    h = _sage_conv(x, edge_index, W1_l, W1_r, b1)
    h = jax.nn.relu(h)
    out = _sage_conv(h, edge_index, W2_l, W2_r, b2)
    return out

if __name__ == "__main__":
    import jax
    _d = setup_inputs()
    print(jax.jit(kernel)(*tuple(_d.values())))

</pallas_src>

<mosaic_0001>
#map = affine_map<(d0, d1) -> (0, 0)>
#map1 = affine_map<(d0, d1) -> (0, 0, 0)>
module attributes {stable_mosaic.version = 14 : i64} {
  func.func @_agg(%arg0: i32, %arg1: i32, %arg2: memref<10000x128xf32, #tpu.memory_space<hbm>>, %arg3: memref<32x80x128xi32, #tpu.memory_space<hbm>>, %arg4: memref<32x80x128xi32, #tpu.memory_space<hbm>>, %arg5: memref<128x128xf32, #tpu.memory_space<hbm>>, %arg6: memref<2x10240x128xf32, #tpu.memory_space<hbm>>, %arg7: memref<40x128xi32, #tpu.memory_space<vmem>>, %arg8: memref<40x128xi32, #tpu.memory_space<vmem>>, %arg9: memref<128x128xf32, #tpu.memory_space<vmem>>, %arg10: memref<128x128xf32, #tpu.memory_space<vmem>>, %arg11: memref<10240x128xf32, #tpu.memory_space<vmem_shared>>, %arg12: memref<!tpu.dma_semaphore, #tpu.memory_space<semaphore_mem>>, %arg13: memref<!tpu.dma_semaphore, #tpu.memory_space<semaphore_mem>>) attributes {dimension_semantics = [#tpu.dimension_semantics<core_parallel>, #tpu.dimension_semantics<subcore_parallel>], iteration_bounds = array<i64: 2, 16>, scalar_prefetch = 0 : i64, scratch_operands = 7 : i64, tpu.core_type = #tpu.core_type<sc_vector_subcore>, window_params = [{transform_indices = #map}, {transform_indices = #map1}, {transform_indices = #map1}, {transform_indices = #map}, {transform_indices = #map1}]} {
    %mul3A = arith.constant 16 : i32
    %mul3A_0 = arith.muli %arg0, %mul3A : i32
    %add3A = arith.addi %mul3A_0, %arg1 : i32
    %mul3A_1 = arith.constant 640 : i32
    %mul3A_2 = arith.muli %arg1, %mul3A_1 : i32
    "tpu.region"() ({
      %run_scoped3A = tpu.sem_alloc : memref<!tpu.dma_semaphore, #tpu.memory_space<semaphore_mem>>
      tpu.enqueue_dma source(%arg5 : memref<128x128xf32, #tpu.memory_space<hbm>>) target(%arg9 : memref<128x128xf32, #tpu.memory_space<vmem>>) target_semaphore(%run_scoped3A : memref<!tpu.dma_semaphore, #tpu.memory_space<semaphore_mem>>)
      tpu.wait_dma2 semaphore(%run_scoped3A : memref<!tpu.dma_semaphore, #tpu.memory_space<semaphore_mem>>) src(%arg5 : memref<128x128xf32, #tpu.memory_space<hbm>>) dst(%arg9 : memref<128x128xf32, #tpu.memory_space<vmem>>)
      tpu.yield
    }) : () -> ()
    %add3A_3 = arith.constant 0 : i32
    %add3A_4 = arith.addi %mul3A_2, %add3A_3 : i32
    %dma_start3A = arith.constant 0 : i32
    %dma_start3A_5 = tpu.memref_slice %arg11[%add3A_4, %dma_start3A] : memref<10240x128xf32, #tpu.memory_space<vmem_shared>> -> memref<128x128xf32, #tpu.memory_space<vmem_shared>>
    %dma_start3A_6 = arith.constant 0 : i32
    %dma_start3A_7 = tpu.memref_slice %arg11[%add3A_4, %dma_start3A_6] : memref<10240x128xf32, #tpu.memory_space<vmem_shared>> -> memref<128x128xf32, #tpu.memory_space<vmem_shared>>
    tpu.enqueue_dma source(%arg9 : memref<128x128xf32, #tpu.memory_space<vmem>>) target(%dma_start3A_7 : memref<128x128xf32, #tpu.memory_space<vmem_shared>>) target_semaphore(%arg12 : memref<!tpu.dma_semaphore, #tpu.memory_space<semaphore_mem>>)
    %add3A_8 = arith.constant 128 : i32
    %add3A_9 = arith.addi %mul3A_2, %add3A_8 : i32
    %dma_start3A_10 = arith.constant 0 : i32
    %dma_start3A_11 = tpu.memref_slice %arg11[%add3A_9, %dma_start3A_10] : memref<10240x128xf32, #tpu.memory_space<vmem_shared>> -> memref<128x128xf32, #tpu.memory_space<vmem_shared>>
    %dma_start3A_12 = arith.constant 0 : i32
    %dma_start3A_13 = tpu.memref_slice %arg11[%add3A_9, %dma_start3A_12] : memref<10240x128xf32, #tpu.memory_space<vmem_shared>> -> memref<128x128xf32, #tpu.memory_space<vmem_shared>>
    tpu.enqueue_dma source(%arg9 : memref<128x128xf32, #tpu.memory_space<vmem>>) target(%dma_start3A_13 : memref<128x128xf32, #tpu.memory_space<vmem_shared>>) target_semaphore(%arg12 : memref<!tpu.dma_semaphore, #tpu.memory_space<semaphore_mem>>)
    %add3A_14 = arith.constant 256 : i32
    %add3A_15 = arith.addi %mul3A_2, %add3A_14 : i32
    %dma_start3A_16 = arith.constant 0 : i32
    %dma_start3A_17 = tpu.memref_slice %arg11[%add3A_15, %dma_start3A_16] : memref<10240x128xf32, #tpu.memory_space<vmem_shared>> -> memref<128x128xf32, #tpu.memory_space<vmem_shared>>
    %dma_start3A_18 = arith.constant 0 : i32
    %dma_start3A_19 = tpu.memref_slice %arg11[%add3A_15, %dma_start3A_18] : memref<10240x128xf32, #tpu.memory_space<vmem_shared>> -> memref<128x128xf32, #tpu.memory_space<vmem_shared>>
    tpu.enqueue_dma source(%arg9 : memref<128x128xf32, #tpu.memory_space<vmem>>) target(%dma_start3A_19 : memref<128x128xf32, #tpu.memory_space<vmem_shared>>) target_semaphore(%arg12 : memref<!tpu.dma_semaphore, #tpu.memory_space<semaphore_mem>>)
    %add3A_20 = arith.constant 384 : i32
    %add3A_21 = arith.addi %mul3A_2, %add3A_20 : i32
    %dma_start3A_22 = arith.constant 0 : i32
    %dma_start3A_23 = tpu.memref_slice %arg11[%add3A_21, %dma_start3A_22] : memref<10240x128xf32, #tpu.memory_space<vmem_shared>> -> memref<128x128xf32, #tpu.memory_space<vmem_shared>>
    %dma_start3A_24 = arith.constant 0 : i32
    %dma_start3A_25 = tpu.memref_slice %arg11[%add3A_21, %dma_start3A_24] : memref<10240x128xf32, #tpu.memory_space<vmem_shared>> -> memref<128x128xf32, #tpu.memory_space<vmem_shared>>
    tpu.enqueue_dma source(%arg9 : memref<128x128xf32, #tpu.memory_space<vmem>>) target(%dma_start3A_25 : memref<128x128xf32, #tpu.memory_space<vmem_shared>>) target_semaphore(%arg12 : memref<!tpu.dma_semaphore, #tpu.memory_space<semaphore_mem>>)
    %add3A_26 = arith.constant 512 : i32
    %add3A_27 = arith.addi %mul3A_2, %add3A_26 : i32
    %dma_start3A_28 = arith.constant 0 : i32
    %dma_start3A_29 = tpu.memref_slice %arg11[%add3A_27, %dma_start3A_28] : memref<10240x128xf32, #tpu.memory_space<vmem_shared>> -> memref<128x128xf32, #tpu.memory_space<vmem_shared>>
    %dma_start3A_30 = arith.constant 0 : i32
    %dma_start3A_31 = tpu.memref_slice %arg11[%add3A_27, %dma_start3A_30] : memref<10240x128xf32, #tpu.memory_space<vmem_shared>> -> memref<128x128xf32, #tpu.memory_space<vmem_shared>>
    tpu.enqueue_dma source(%arg9 : memref<128x128xf32, #tpu.memory_space<vmem>>) target(%dma_start3A_31 : memref<128x128xf32, #tpu.memory_space<vmem_shared>>) target_semaphore(%arg12 : memref<!tpu.dma_semaphore, #tpu.memory_space<semaphore_mem>>)
    %dma_wait3A = arith.constant 0 : i32
    %dma_wait3A_32 = arith.constant 0 : i32
    %dma_wait3A_33 = tpu.memref_slice %arg11[%dma_wait3A, %dma_wait3A_32] : memref<10240x128xf32, #tpu.memory_space<vmem_shared>> -> memref<128x128xf32, #tpu.memory_space<vmem_shared>>
    %dma_wait3A_34 = arith.constant 0 : i32
    %dma_wait3A_35 = arith.constant 0 : i32
    %dma_wait3A_36 = tpu.memref_slice %arg11[%dma_wait3A_34, %dma_wait3A_35] : memref<10240x128xf32, #tpu.memory_space<vmem_shared>> -> memref<128x128xf32, #tpu.memory_space<vmem_shared>>
    tpu.wait_dma2 semaphore(%arg12 : memref<!tpu.dma_semaphore, #tpu.memory_space<semaphore_mem>>) src(%arg9 : memref<128x128xf32, #tpu.memory_space<vmem>>) dst(%dma_wait3A_36 : memref<128x128xf32, #tpu.memory_space<vmem_shared>>)
    %dma_wait3A_37 = arith.constant 0 : i32
    %dma_wait3A_38 = arith.constant 0 : i32
    %dma_wait3A_39 = tpu.memref_slice %arg11[%dma_wait3A_37, %dma_wait3A_38] : memref<10240x128xf32, #tpu.memory_space<vmem_shared>> -> memref<128x128xf32, #tpu.memory_space<vmem_shared>>
    %dma_wait3A_40 = arith.constant 0 : i32
    %dma_wait3A_41 = arith.constant 0 : i32
    %dma_wait3A_42 = tpu.memref_slice %arg11[%dma_wait3A_40, %dma_wait3A_41] : memref<10240x128xf32, #tpu.memory_space<vmem_shared>> -> memref<128x128xf32, #tpu.memory_space<vmem_shared>>
    tpu.wait_dma2 semaphore(%arg12 : memref<!tpu.dma_semaphore, #tpu.memory_space<semaphore_mem>>) src(%arg9 : memref<128x128xf32, #tpu.memory_space<vmem>>) dst(%dma_wait3A_42 : memref<128x128xf32, #tpu.memory_space<vmem_shared>>)
    %dma_wait3A_43 = arith.constant 0 : i32
    %dma_wait3A_44 = arith.constant 0 : i32
    %dma_wait3A_45 = tpu.memref_slice %arg11[%dma_wait3A_43, %dma_wait3A_44] : memref<10240x128xf32, #tpu.memory_space<vmem_shared>> -> memref<128x128xf32, #tpu.memory_space<vmem_shared>>
    %dma_wait3A_46 = arith.constant 0 : i32
    %dma_wait3A_47 = arith.constant 0 : i32
    %dma_wait3A_48 = tpu.memref_slice %arg11[%dma_wait3A_46, %dma_wait3A_47] : memref<10240x128xf32, #tpu.memory_space<vmem_shared>> -> memref<128x128xf32, #tpu.memory_space<vmem_shared>>
    tpu.wait_dma2 semaphore(%arg12 : memref<!tpu.dma_semaphore, #tpu.memory_space<semaphore_mem>>) src(%arg9 : memref<128x128xf32, #tpu.memory_space<vmem>>) dst(%dma_wait3A_48 : memref<128x128xf32, #tpu.memory_space<vmem_shared>>)
    %dma_wait3A_49 = arith.constant 0 : i32
    %dma_wait3A_50 = arith.constant 0 : i32
    %dma_wait3A_51 = tpu.memref_slice %arg11[%dma_wait3A_49, %dma_wait3A_50] : memref<10240x128xf32, #tpu.memory_space<vmem_shared>> -> memref<128x128xf32, #tpu.memory_space<vmem_shared>>
    %dma_wait3A_52 = arith.constant 0 : i32
    %dma_wait3A_53 = arith.constant 0 : i32
    %dma_wait3A_54 = tpu.memref_slice %arg11[%dma_wait3A_52, %dma_wait3A_53] : memref<10240x128xf32, #tpu.memory_space<vmem_shared>> -> memref<128x128xf32, #tpu.memory_space<vmem_shared>>
    tpu.wait_dma2 semaphore(%arg12 : memref<!tpu.dma_semaphore, #tpu.memory_space<semaphore_mem>>) src(%arg9 : memref<128x128xf32, #tpu.memory_space<vmem>>) dst(%dma_wait3A_54 : memref<128x128xf32, #tpu.memory_space<vmem_shared>>)
    %dma_wait3A_55 = arith.constant 0 : i32
    %dma_wait3A_56 = arith.constant 0 : i32
    %dma_wait3A_57 = tpu.memref_slice %arg11[%dma_wait3A_55, %dma_wait3A_56] : memref<10240x128xf32, #tpu.memory_space<vmem_shared>> -> memref<128x128xf32, #tpu.memory_space<vmem_shared>>
    %dma_wait3A_58 = arith.constant 0 : i32
    %dma_wait3A_59 = arith.constant 0 : i32
    %dma_wait3A_60 = tpu.memref_slice %arg11[%dma_wait3A_58, %dma_wait3A_59] : memref<10240x128xf32, #tpu.memory_space<vmem_shared>> -> memref<128x128xf32, #tpu.memory_space<vmem_shared>>
    tpu.wait_dma2 semaphore(%arg12 : memref<!tpu.dma_semaphore, #tpu.memory_space<semaphore_mem>>) src(%arg9 : memref<128x128xf32, #tpu.memory_space<vmem>>) dst(%dma_wait3A_60 : memref<128x128xf32, #tpu.memory_space<vmem_shared>>)
    %barrier3A = arith.constant 0 : index
    tpu.barrier barrier_id(%barrier3A)
    "tpu.region"() ({
      %run_scoped3A = tpu.sem_alloc : memref<!tpu.dma_semaphore, #tpu.memory_space<semaphore_mem>>
      %dma_start3A_191 = arith.constant 0 : i32
      %dma_start3A_192 = arith.constant 0 : i32
      %dma_start3A_193 = tpu.memref_slice %arg3[%add3A, %dma_start3A_191, %dma_start3A_192] : memref<32x80x128xi32, #tpu.memory_space<hbm>> -> memref<1x40x128xi32, #tpu.memory_space<hbm>>
      %dma_start3A_194 = tpu.memref_squeeze %dma_start3A_193 : memref<1x40x128xi32, #tpu.memory_space<hbm>> -> memref<40x128xi32, #tpu.memory_space<hbm>>
      %dma_start3A_195 = arith.constant 0 : i32
      %dma_start3A_196 = arith.constant 0 : i32
      %dma_start3A_197 = tpu.memref_slice %arg3[%add3A, %dma_start3A_195, %dma_start3A_196] : memref<32x80x128xi32, #tpu.memory_space<hbm>> -> memref<1x40x128xi32, #tpu.memory_space<hbm>>
      %dma_start3A_198 = tpu.memref_squeeze %dma_start3A_197 : memref<1x40x128xi32, #tpu.memory_space<hbm>> -> memref<40x128xi32, #tpu.memory_space<hbm>>
      tpu.enqueue_dma source(%dma_start3A_198 : memref<40x128xi32, #tpu.memory_space<hbm>>) target(%arg7 : memref<40x128xi32, #tpu.memory_space<vmem>>) target_semaphore(%run_scoped3A : memref<!tpu.dma_semaphore, #tpu.memory_space<semaphore_mem>>)
      %dma_wait3A_199 = arith.constant 0 : i32
      %dma_wait3A_200 = arith.constant 0 : i32
      %dma_wait3A_201 = tpu.memref_slice %arg3[%add3A, %dma_wait3A_199, %dma_wait3A_200] : memref<32x80x128xi32, #tpu.memory_space<hbm>> -> memref<1x40x128xi32, #tpu.memory_space<hbm>>
      %dma_wait3A_202 = tpu.memref_squeeze %dma_wait3A_201 : memref<1x40x128xi32, #tpu.memory_space<hbm>> -> memref<40x128xi32, #tpu.memory_space<hbm>>
      %dma_wait3A_203 = arith.constant 0 : i32
      %dma_wait3A_204 = arith.constant 0 : i32
      %dma_wait3A_205 = tpu.memref_slice %arg3[%add3A, %dma_wait3A_203, %dma_wait3A_204] : memref<32x80x128xi32, #tpu.memory_space<hbm>> -> memref<1x40x128xi32, #tpu.memory_space<hbm>>
      %dma_wait3A_206 = tpu.memref_squeeze %dma_wait3A_205 : memref<1x40x128xi32, #tpu.memory_space<hbm>> -> memref<40x128xi32, #tpu.memory_space<hbm>>
      tpu.wait_dma2 semaphore(%run_scoped3A : memref<!tpu.dma_semaphore, #tpu.memory_space<semaphore_mem>>) src(%dma_wait3A_206 : memref<40x128xi32, #tpu.memory_space<hbm>>) dst(%arg7 : memref<40x128xi32, #tpu.memory_space<vmem>>)
      tpu.yield
    }) : () -> ()
    "tpu.region"() ({
      %run_scoped3A = tpu.sem_alloc : memref<!tpu.dma_semaphore, #tpu.memory_space<semaphore_mem>>
      %dma_start3A_191 = arith.constant 0 : i32
      %dma_start3A_192 = arith.constant 0 : i32
      %dma_start3A_193 = tpu.memref_slice %arg4[%add3A, %dma_start3A_191, %dma_start3A_192] : memref<32x80x128xi32, #tpu.memory_space<hbm>> -> memref<1x40x128xi32, #tpu.memory_space<hbm>>
      %dma_start3A_194 = tpu.memref_squeeze %dma_start3A_193 : memref<1x40x128xi32, #tpu.memory_space<hbm>> -> memref<40x128xi32, #tpu.memory_space<hbm>>
      %dma_start3A_195 = arith.constant 0 : i32
      %dma_start3A_196 = arith.constant 0 : i32
      %dma_start3A_197 = tpu.memref_slice %arg4[%add3A, %dma_start3A_195, %dma_start3A_196] : memref<32x80x128xi32, #tpu.memory_space<hbm>> -> memref<1x40x128xi32, #tpu.memory_space<hbm>>
      %dma_start3A_198 = tpu.memref_squeeze %dma_start3A_197 : memref<1x40x128xi32, #tpu.memory_space<hbm>> -> memref<40x128xi32, #tpu.memory_space<hbm>>
      tpu.enqueue_dma source(%dma_start3A_198 : memref<40x128xi32, #tpu.memory_space<hbm>>) target(%arg8 : memref<40x128xi32, #tpu.memory_space<vmem>>) target_semaphore(%run_scoped3A : memref<!tpu.dma_semaphore, #tpu.memory_space<semaphore_mem>>)
      %dma_wait3A_199 = arith.constant 0 : i32
      %dma_wait3A_200 = arith.constant 0 : i32
      %dma_wait3A_201 = tpu.memref_slice %arg4[%add3A, %dma_wait3A_199, %dma_wait3A_200] : memref<32x80x128xi32, #tpu.memory_space<hbm>> -> memref<1x40x128xi32, #tpu.memory_space<hbm>>
      %dma_wait3A_202 = tpu.memref_squeeze %dma_wait3A_201 : memref<1x40x128xi32, #tpu.memory_space<hbm>> -> memref<40x128xi32, #tpu.memory_space<hbm>>
      %dma_wait3A_203 = arith.constant 0 : i32
      %dma_wait3A_204 = arith.constant 0 : i32
      %dma_wait3A_205 = tpu.memref_slice %arg4[%add3A, %dma_wait3A_203, %dma_wait3A_204] : memref<32x80x128xi32, #tpu.memory_space<hbm>> -> memref<1x40x128xi32, #tpu.memory_space<hbm>>
      %dma_wait3A_206 = tpu.memref_squeeze %dma_wait3A_205 : memref<1x40x128xi32, #tpu.memory_space<hbm>> -> memref<40x128xi32, #tpu.memory_space<hbm>>
      tpu.wait_dma2 semaphore(%run_scoped3A : memref<!tpu.dma_semaphore, #tpu.memory_space<semaphore_mem>>) src(%dma_wait3A_206 : memref<40x128xi32, #tpu.memory_space<hbm>>) dst(%arg8 : memref<40x128xi32, #tpu.memory_space<vmem>>)
      tpu.yield
    }) : () -> ()
    %dma_start3A_61 = arith.constant 0 : i32
    %dma_start3A_62 = arith.constant 0 : i32
    %dma_start3A_63 = tpu.memref_slice %arg7[%dma_start3A_61, %dma_start3A_62] : memref<40x128xi32, #tpu.memory_space<vmem>> -> memref<1x128xi32, #tpu.memory_space<vmem>>
    %dma_start3A_64 = tpu.memref_squeeze %dma_start3A_63 : memref<1x128xi32, #tpu.memory_space<vmem>> -> memref<128xi32, #tpu.memory_space<vmem>>
    %dma_start3A_65 = arith.constant 0 : i32
    %dma_start3A_66 = arith.constant 0 : i32
    %dma_start3A_67 = tpu.memref_slice %arg2[%dma_start3A_65, %dma_start3A_66] : memref<10000x128xf32, #tpu.memory_space<hbm>> -> memref<10000x128xf32, #tpu.memory_space<hbm>>
    tpu.enqueue_indirect_dma source(%dma_start3A_67 : memref<10000x128xf32, #tpu.memory_space<hbm>>) target(%arg9 : memref<128x128xf32, #tpu.memory_space<vmem>>) offsets(%dma_start3A_64 : memref<128xi32, #tpu.memory_space<vmem>>) semaphore(%arg12 : memref<!tpu.dma_semaphore, #tpu.memory_space<semaphore_mem>>)
    %dma_start3A_68 = arith.constant 1 : i32
    %dma_start3A_69 = arith.constant 0 : i32
    %dma_start3A_70 = tpu.memref_slice %arg7[%dma_start3A_68, %dma_start3A_69] : memref<40x128xi32, #tpu.memory_space<vmem>> -> memref<1x128xi32, #tpu.memory_space<vmem>>
    %dma_start3A_71 = tpu.memref_squeeze %dma_start3A_70 : memref<1x128xi32, #tpu.memory_space<vmem>> -> memref<128xi32, #tpu.memory_space<vmem>>
    %dma_start3A_72 = arith.constant 0 : i32
    %dma_start3A_73 = arith.constant 0 : i32
    %dma_start3A_74 = tpu.memref_slice %arg2[%dma_start3A_72, %dma_start3A_73] : memref<10000x128xf32, #tpu.memory_space<hbm>> -> memref<10000x128xf32, #tpu.memory_space<hbm>>
    tpu.enqueue_indirect_dma source(%dma_start3A_74 : memref<10000x128xf32, #tpu.memory_space<hbm>>) target(%arg10 : memref<128x128xf32, #tpu.memory_space<vmem>>) offsets(%dma_start3A_71 : memref<128xi32, #tpu.memory_space<vmem>>) semaphore(%arg13 : memref<!tpu.dma_semaphore, #tpu.memory_space<semaphore_mem>>)
    %scan3A = arith.constant 0 : i32
    %scan3A_75 = arith.constant 0 : i32
    %scan3A_76 = arith.constant 20 : i32
    %scan3A_77 = arith.addi %scan3A_75, %scan3A_76 : i32
    %scan3A_78 = arith.constant 1 : i32
    scf.for %scan3A_191 = %scan3A_75 to %scan3A_77 step %scan3A_78  : i32 {
      %mul3A_192 = arith.constant 2 : i32
      %mul3A_193 = arith.muli %mul3A_192, %scan3A_191 : i32
      %mul3A_194 = arith.constant 2 : i32
      %mul3A_195 = arith.muli %mul3A_194, %scan3A_191 : i32
      %add3A_196 = arith.constant 1 : i32
      %add3A_197 = arith.addi %mul3A_195, %add3A_196 : i32
      %dma_wait3A_198 = arith.constant 0 : i32
      %dma_wait3A_199 = arith.constant 0 : i32
      %dma_wait3A_200 = tpu.memref_slice %arg2[%dma_wait3A_198, %dma_wait3A_199] : memref<10000x128xf32, #tpu.memory_space<hbm>> -> memref<128x128xf32, #tpu.memory_space<hbm>>
      %dma_wait3A_201 = arith.constant 0 : i32
      %dma_wait3A_202 = arith.constant 0 : i32
      %dma_wait3A_203 = tpu.memref_slice %arg2[%dma_wait3A_201, %dma_wait3A_202] : memref<10000x128xf32, #tpu.memory_space<hbm>> -> memref<128x128xf32, #tpu.memory_space<hbm>>
      tpu.wait_dma2 semaphore(%arg12 : memref<!tpu.dma_semaphore, #tpu.memory_space<semaphore_mem>>) src(%dma_wait3A_203 : memref<128x128xf32, #tpu.memory_space<hbm>>) dst(%arg9 : memref<128x128xf32, #tpu.memory_space<vmem>>)
      "tpu.region"() ({
        %run_scoped3A = tpu.sem_alloc : memref<!tpu.dma_semaphore, #tpu.memory_space<semaphore_mem>>
        %dma_start3A_221 = arith.constant 0 : i32
        %dma_start3A_222 = tpu.memref_slice %arg8[%mul3A_193, %dma_start3A_221] : memref<40x128xi32, #tpu.memory_space<vmem>> -> memref<1x128xi32, #tpu.memory_space<vmem>>
        %dma_start3A_223 = tpu.memref_squeeze %dma_start3A_222 : memref<1x128xi32, #tpu.memory_space<vmem>> -> memref<128xi32, #tpu.memory_space<vmem>>
        %dma_start3A_224 = arith.constant 0 : i32
        %dma_start3A_225 = arith.constant 0 : i32
        %dma_start3A_226 = tpu.memref_slice %arg11[%dma_start3A_224, %dma_start3A_225] : memref<10240x128xf32, #tpu.memory_space<vmem_shared>> -> memref<10240x128xf32, #tpu.memory_space<vmem_shared>>
        tpu.enqueue_indirect_dma source(%arg9 : memref<128x128xf32, #tpu.memory_space<vmem>>) target(%dma_start3A_226 : memref<10240x128xf32, #tpu.memory_space<vmem_shared>>) offsets(%dma_start3A_223 : memref<128xi32, #tpu.memory_space<vmem>>) semaphore(%run_scoped3A : memref<!tpu.dma_semaphore, #tpu.memory_space<semaphore_mem>>) {add = true}
        %dma_wait3A_227 = arith.constant 0 : i32
        %dma_wait3A_228 = tpu.memref_slice %arg8[%mul3A_193, %dma_wait3A_227] : memref<40x128xi32, #tpu.memory_space<vmem>> -> memref<1x128xi32, #tpu.memory_space<vmem>>
        %dma_wait3A_229 = tpu.memref_squeeze %dma_wait3A_228 : memref<1x128xi32, #tpu.memory_space<vmem>> -> memref<128xi32, #tpu.memory_space<vmem>>
        %dma_wait3A_230 = arith.constant 0 : i32
        %dma_wait3A_231 = arith.constant 0 : i32
        %dma_wait3A_232 = tpu.memref_slice %arg11[%dma_wait3A_230, %dma_wait3A_231] : memref<10240x128xf32, #tpu.memory_space<vmem_shared>> -> memref<10240x128xf32, #tpu.memory_space<vmem_shared>>
        tpu.wait_indirect_dma semaphore(%run_scoped3A : memref<!tpu.dma_semaphore, #tpu.memory_space<semaphore_mem>>) src(%arg9 : memref<128x128xf32, #tpu.memory_space<vmem>>) dst(%dma_wait3A_232 : memref<10240x128xf32, #tpu.memory_space<vmem_shared>>)
        tpu.yield
      }) : () -> ()
      %add3A_204 = arith.constant 2 : i32
      %add3A_205 = arith.addi %mul3A_193, %add3A_204 : i32
      %lt3A = arith.constant 40 : i32
      %lt3A_206 = arith.cmpi slt, %add3A_205, %lt3A : i32
      %convert_element_type3A = arith.extui %lt3A_206 : i1 to i32
      %cond3A = arith.constant 0 : i32
      %cond3A_207 = arith.cmpi ne, %convert_element_type3A, %cond3A : i32
      scf.if %cond3A_207 {
        %add3A_221 = arith.constant 2 : i32
        %add3A_222 = arith.addi %mul3A_193, %add3A_221 : i32
        %dma_start3A_223 = arith.constant 0 : i32
        %dma_start3A_224 = tpu.memref_slice %arg7[%add3A_222, %dma_start3A_223] : memref<40x128xi32, #tpu.memory_space<vmem>> -> memref<1x128xi32, #tpu.memory_space<vmem>>
        %dma_start3A_225 = tpu.memref_squeeze %dma_start3A_224 : memref<1x128xi32, #tpu.memory_space<vmem>> -> memref<128xi32, #tpu.memory_space<vmem>>
        %dma_start3A_226 = arith.constant 0 : i32
        %dma_start3A_227 = arith.constant 0 : i32
        %dma_start3A_228 = tpu.memref_slice %arg2[%dma_start3A_226, %dma_start3A_227] : memref<10000x128xf32, #tpu.memory_space<hbm>> -> memref<10000x128xf32, #tpu.memory_space<hbm>>
        tpu.enqueue_indirect_dma source(%dma_start3A_228 : memref<10000x128xf32, #tpu.memory_space<hbm>>) target(%arg9 : memref<128x128xf32, #tpu.memory_space<vmem>>) offsets(%dma_start3A_225 : memref<128xi32, #tpu.memory_space<vmem>>) semaphore(%arg12 : memref<!tpu.dma_semaphore, #tpu.memory_space<semaphore_mem>>)
      } else {
      }
      %dma_wait3A_208 = arith.constant 0 : i32
      %dma_wait3A_209 = arith.constant 0 : i32
      %dma_wait3A_210 = tpu.memref_slice %arg2[%dma_wait3A_208, %dma_wait3A_209] : memref<10000x128xf32, #tpu.memory_space<hbm>> -> memref<128x128xf32, #tpu.memory_space<hbm>>
      %dma_wait3A_211 = arith.constant 0 : i32
      %dma_wait3A_212 = arith.constant 0 : i32
      %dma_wait3A_213 = tpu.memref_slice %arg2[%dma_wait3A_211, %dma_wait3A_212] : memref<10000x128xf32, #tpu.memory_space<hbm>> -> memref<128x128xf32, #tpu.memory_space<hbm>>
      tpu.wait_dma2 semaphore(%arg13 : memref<!tpu.dma_semaphore, #tpu.memory_space<semaphore_mem>>) src(%dma_wait3A_213 : memref<128x128xf32, #tpu.memory_space<hbm>>) dst(%arg10 : memref<128x128xf32, #tpu.memory_space<vmem>>)
      "tpu.region"() ({
        %run_scoped3A = tpu.sem_alloc : memref<!tpu.dma_semaphore, #tpu.memory_space<semaphore_mem>>
        %dma_start3A_221 = arith.constant 0 : i32
        %dma_start3A_222 = tpu.memref_slice %arg8[%add3A_197, %dma_start3A_221] : memref<40x128xi32, #tpu.memory_space<vmem>> -> memref<1x128xi32, #tpu.memory_space<vmem>>
        %dma_start3A_223 = tpu.memref_squeeze %dma_start3A_222 : memref<1x128xi32, #tpu.memory_space<vmem>> -> memref<128xi32, #tpu.memory_space<vmem>>
        %dma_start3A_224 = arith.constant 0 : i32
        %dma_start3A_225 = arith.constant 0 : i32
        %dma_start3A_226 = tpu.memref_slice %arg11[%dma_start3A_224, %dma_start3A_225] : memref<10240x128xf32, #tpu.memory_space<vmem_shared>> -> memref<10240x128xf32, #tpu.memory_space<vmem_shared>>
        tpu.enqueue_indirect_dma source(%arg10 : memref<128x128xf32, #tpu.memory_space<vmem>>) target(%dma_start3A_226 : memref<10240x128xf32, #tpu.memory_space<vmem_shared>>) offsets(%dma_start3A_223 : memref<128xi32, #tpu.memory_space<vmem>>) semaphore(%run_scoped3A : memref<!tpu.dma_semaphore, #tpu.memory_space<semaphore_mem>>) {add = true}
        %dma_wait3A_227 = arith.constant 0 : i32
        %dma_wait3A_228 = tpu.memref_slice %arg8[%add3A_197, %dma_wait3A_227] : memref<40x128xi32, #tpu.memory_space<vmem>> -> memref<1x128xi32, #tpu.memory_space<vmem>>
        %dma_wait3A_229 = tpu.memref_squeeze %dma_wait3A_228 : memref<1x128xi32, #tpu.memory_space<vmem>> -> memref<128xi32, #tpu.memory_space<vmem>>
        %dma_wait3A_230 = arith.constant 0 : i32
        %dma_wait3A_231 = arith.constant 0 : i32
        %dma_wait3A_232 = tpu.memref_slice %arg11[%dma_wait3A_230, %dma_wait3A_231] : memref<10240x128xf32, #tpu.memory_space<vmem_shared>> -> memref<10240x128xf32, #tpu.memory_space<vmem_shared>>
        tpu.wait_indirect_dma semaphore(%run_scoped3A : memref<!tpu.dma_semaphore, #tpu.memory_space<semaphore_mem>>) src(%arg10 : memref<128x128xf32, #tpu.memory_space<vmem>>) dst(%dma_wait3A_232 : memref<10240x128xf32, #tpu.memory_space<vmem_shared>>)
        tpu.yield
      }) : () -> ()
      %add3A_214 = arith.constant 2 : i32
      %add3A_215 = arith.addi %add3A_197, %add3A_214 : i32
      %lt3A_216 = arith.constant 40 : i32
      %lt3A_217 = arith.cmpi slt, %add3A_215, %lt3A_216 : i32
      %convert_element_type3A_218 = arith.extui %lt3A_217 : i1 to i32
      %cond3A_219 = arith.constant 0 : i32
      %cond3A_220 = arith.cmpi ne, %convert_element_type3A_218, %cond3A_219 : i32
      scf.if %cond3A_220 {
        %add3A_221 = arith.constant 2 : i32
        %add3A_222 = arith.addi %add3A_197, %add3A_221 : i32
        %dma_start3A_223 = arith.constant 0 : i32
        %dma_start3A_224 = tpu.memref_slice %arg7[%add3A_222, %dma_start3A_223] : memref<40x128xi32, #tpu.memory_space<vmem>> -> memref<1x128xi32, #tpu.memory_space<vmem>>
        %dma_start3A_225 = tpu.memref_squeeze %dma_start3A_224 : memref<1x128xi32, #tpu.memory_space<vmem>> -> memref<128xi32, #tpu.memory_space<vmem>>
        %dma_start3A_226 = arith.constant 0 : i32
        %dma_start3A_227 = arith.constant 0 : i32
        %dma_start3A_228 = tpu.memref_slice %arg2[%dma_start3A_226, %dma_start3A_227] : memref<10000x128xf32, #tpu.memory_space<hbm>> -> memref<10000x128xf32, #tpu.memory_space<hbm>>
        tpu.enqueue_indirect_dma source(%dma_start3A_228 : memref<10000x128xf32, #tpu.memory_space<hbm>>) target(%arg10 : memref<128x128xf32, #tpu.memory_space<vmem>>) offsets(%dma_start3A_225 : memref<128xi32, #tpu.memory_space<vmem>>) semaphore(%arg13 : memref<!tpu.dma_semaphore, #tpu.memory_space<semaphore_mem>>)
      } else {
      }
    }
    %scan3A_79 = arith.constant 20 : i32
    "tpu.region"() ({
      %run_scoped3A = tpu.sem_alloc : memref<!tpu.dma_semaphore, #tpu.memory_space<semaphore_mem>>
      %dma_start3A_191 = arith.constant 40 : i32
      %dma_start3A_192 = arith.constant 0 : i32
      %dma_start3A_193 = tpu.memref_slice %arg3[%add3A, %dma_start3A_191, %dma_start3A_192] : memref<32x80x128xi32, #tpu.memory_space<hbm>> -> memref<1x40x128xi32, #tpu.memory_space<hbm>>
      %dma_start3A_194 = tpu.memref_squeeze %dma_start3A_193 : memref<1x40x128xi32, #tpu.memory_space<hbm>> -> memref<40x128xi32, #tpu.memory_space<hbm>>
      %dma_start3A_195 = arith.constant 40 : i32
      %dma_start3A_196 = arith.constant 0 : i32
      %dma_start3A_197 = tpu.memref_slice %arg3[%add3A, %dma_start3A_195, %dma_start3A_196] : memref<32x80x128xi32, #tpu.memory_space<hbm>> -> memref<1x40x128xi32, #tpu.memory_space<hbm>>
      %dma_start3A_198 = tpu.memref_squeeze %dma_start3A_197 : memref<1x40x128xi32, #tpu.memory_space<hbm>> -> memref<40x128xi32, #tpu.memory_space<hbm>>
      tpu.enqueue_dma source(%dma_start3A_198 : memref<40x128xi32, #tpu.memory_space<hbm>>) target(%arg7 : memref<40x128xi32, #tpu.memory_space<vmem>>) target_semaphore(%run_scoped3A : memref<!tpu.dma_semaphore, #tpu.memory_space<semaphore_mem>>)
      %dma_wait3A_199 = arith.constant 40 : i32
      %dma_wait3A_200 = arith.constant 0 : i32
      %dma_wait3A_201 = tpu.memref_slice %arg3[%add3A, %dma_wait3A_199, %dma_wait3A_200] : memref<32x80x128xi32, #tpu.memory_space<hbm>> -> memref<1x40x128xi32, #tpu.memory_space<hbm>>
      %dma_wait3A_202 = tpu.memref_squeeze %dma_wait3A_201 : memref<1x40x128xi32, #tpu.memory_space<hbm>> -> memref<40x128xi32, #tpu.memory_space<hbm>>
      %dma_wait3A_203 = arith.constant 40 : i32
      %dma_wait3A_204 = arith.constant 0 : i32
      %dma_wait3A_205 = tpu.memref_slice %arg3[%add3A, %dma_wait3A_203, %dma_wait3A_204] : memref<32x80x128xi32, #tpu.memory_space<hbm>> -> memref<1x40x128xi32, #tpu.memory_space<hbm>>
      %dma_wait3A_206 = tpu.memref_squeeze %dma_wait3A_205 : memref<1x40x128xi32, #tpu.memory_space<hbm>> -> memref<40x128xi32, #tpu.memory_space<hbm>>
      tpu.wait_dma2 semaphore(%run_scoped3A : memref<!tpu.dma_semaphore, #tpu.memory_space<semaphore_mem>>) src(%dma_wait3A_206 : memref<40x128xi32, #tpu.memory_space<hbm>>) dst(%arg7 : memref<40x128xi32, #tpu.memory_space<vmem>>)
      tpu.yield
    }) : () -> ()
    "tpu.region"() ({
      %run_scoped3A = tpu.sem_alloc : memref<!tpu.dma_semaphore, #tpu.memory_space<semaphore_mem>>
      %dma_start3A_191 = arith.constant 40 : i32
      %dma_start3A_192 = arith.constant 0 : i32
      %dma_start3A_193 = tpu.memref_slice %arg4[%add3A, %dma_start3A_191, %dma_start3A_192] : memref<32x80x128xi32, #tpu.memory_space<hbm>> -> memref<1x40x128xi32, #tpu.memory_space<hbm>>
      %dma_start3A_194 = tpu.memref_squeeze %dma_start3A_193 : memref<1x40x128xi32, #tpu.memory_space<hbm>> -> memref<40x128xi32, #tpu.memory_space<hbm>>
      %dma_start3A_195 = arith.constant 40 : i32
      %dma_start3A_196 = arith.constant 0 : i32
      %dma_start3A_197 = tpu.memref_slice %arg4[%add3A, %dma_start3A_195, %dma_start3A_196] : memref<32x80x128xi32, #tpu.memory_space<hbm>> -> memref<1x40x128xi32, #tpu.memory_space<hbm>>
      %dma_start3A_198 = tpu.memref_squeeze %dma_start3A_197 : memref<1x40x128xi32, #tpu.memory_space<hbm>> -> memref<40x128xi32, #tpu.memory_space<hbm>>
      tpu.enqueue_dma source(%dma_start3A_198 : memref<40x128xi32, #tpu.memory_space<hbm>>) target(%arg8 : memref<40x128xi32, #tpu.memory_space<vmem>>) target_semaphore(%run_scoped3A : memref<!tpu.dma_semaphore, #tpu.memory_space<semaphore_mem>>)
      %dma_wait3A_199 = arith.constant 40 : i32
      %dma_wait3A_200 = arith.constant 0 : i32
      %dma_wait3A_201 = tpu.memref_slice %arg4[%add3A, %dma_wait3A_199, %dma_wait3A_200] : memref<32x80x128xi32, #tpu.memory_space<hbm>> -> memref<1x40x128xi32, #tpu.memory_space<hbm>>
      %dma_wait3A_202 = tpu.memref_squeeze %dma_wait3A_201 : memref<1x40x128xi32, #tpu.memory_space<hbm>> -> memref<40x128xi32, #tpu.memory_space<hbm>>
      %dma_wait3A_203 = arith.constant 40 : i32
      %dma_wait3A_204 = arith.constant 0 : i32
      %dma_wait3A_205 = tpu.memref_slice %arg4[%add3A, %dma_wait3A_203, %dma_wait3A_204] : memref<32x80x128xi32, #tpu.memory_space<hbm>> -> memref<1x40x128xi32, #tpu.memory_space<hbm>>
      %dma_wait3A_206 = tpu.memref_squeeze %dma_wait3A_205 : memref<1x40x128xi32, #tpu.memory_space<hbm>> -> memref<40x128xi32, #tpu.memory_space<hbm>>
      tpu.wait_dma2 semaphore(%run_scoped3A : memref<!tpu.dma_semaphore, #tpu.memory_space<semaphore_mem>>) src(%dma_wait3A_206 : memref<40x128xi32, #tpu.memory_space<hbm>>) dst(%arg8 : memref<40x128xi32, #tpu.memory_space<vmem>>)
      tpu.yield
    }) : () -> ()
    %dma_start3A_80 = arith.constant 0 : i32
    %dma_start3A_81 = arith.constant 0 : i32
    %dma_start3A_82 = tpu.memref_slice %arg7[%dma_start3A_80, %dma_start3A_81] : memref<40x128xi32, #tpu.memory_space<vmem>> -> memref<1x128xi32, #tpu.memory_space<vmem>>
    %dma_start3A_83 = tpu.memref_squeeze %dma_start3A_82 : memref<1x128xi32, #tpu.memory_space<vmem>> -> memref<128xi32, #tpu.memory_space<vmem>>
    %dma_start3A_84 = arith.constant 0 : i32
    %dma_start3A_85 = arith.constant 0 : i32
    %dma_start3A_86 = tpu.memref_slice %arg2[%dma_start3A_84, %dma_start3A_85] : memref<10000x128xf32, #tpu.memory_space<hbm>> -> memref<10000x128xf32, #tpu.memory_space<hbm>>
    tpu.enqueue_indirect_dma source(%dma_start3A_86 : memref<10000x128xf32, #tpu.memory_space<hbm>>) target(%arg9 : memref<128x128xf32, #tpu.memory_space<vmem>>) offsets(%dma_start3A_83 : memref<128xi32, #tpu.memory_space<vmem>>) semaphore(%arg12 : memref<!tpu.dma_semaphore, #tpu.memory_space<semaphore_mem>>)
    %dma_start3A_87 = arith.constant 1 : i32
    %dma_start3A_88 = arith.constant 0 : i32
    %dma_start3A_89 = tpu.memref_slice %arg7[%dma_start3A_87, %dma_start3A_88] : memref<40x128xi32, #tpu.memory_space<vmem>> -> memref<1x128xi32, #tpu.memory_space<vmem>>
    %dma_start3A_90 = tpu.memref_squeeze %dma_start3A_89 : memref<1x128xi32, #tpu.memory_space<vmem>> -> memref<128xi32, #tpu.memory_space<vmem>>
    %dma_start3A_91 = arith.constant 0 : i32
    %dma_start3A_92 = arith.constant 0 : i32
    %dma_start3A_93 = tpu.memref_slice %arg2[%dma_start3A_91, %dma_start3A_92] : memref<10000x128xf32, #tpu.memory_space<hbm>> -> memref<10000x128xf32, #tpu.memory_space<hbm>>
    tpu.enqueue_indirect_dma source(%dma_start3A_93 : memref<10000x128xf32, #tpu.memory_space<hbm>>) target(%arg10 : memref<128x128xf32, #tpu.memory_space<vmem>>) offsets(%dma_start3A_90 : memref<128xi32, #tpu.memory_space<vmem>>) semaphore(%arg13 : memref<!tpu.dma_semaphore, #tpu.memory_space<semaphore_mem>>)
    %scan3A_94 = arith.constant 0 : i32
    %scan3A_95 = arith.constant 0 : i32
    %scan3A_96 = arith.constant 20 : i32
    %scan3A_97 = arith.addi %scan3A_95, %scan3A_96 : i32
    %scan3A_98 = arith.constant 1 : i32
    scf.for %scan3A_191 = %scan3A_95 to %scan3A_97 step %scan3A_98  : i32 {
      %mul3A_192 = arith.constant 2 : i32
      %mul3A_193 = arith.muli %mul3A_192, %scan3A_191 : i32
      %mul3A_194 = arith.constant 2 : i32
      %mul3A_195 = arith.muli %mul3A_194, %scan3A_191 : i32
      %add3A_196 = arith.constant 1 : i32
      %add3A_197 = arith.addi %mul3A_195, %add3A_196 : i32
      %dma_wait3A_198 = arith.constant 0 : i32
      %dma_wait3A_199 = arith.constant 0 : i32
      %dma_wait3A_200 = tpu.memref_slice %arg2[%dma_wait3A_198, %dma_wait3A_199] : memref<10000x128xf32, #tpu.memory_space<hbm>> -> memref<128x128xf32, #tpu.memory_space<hbm>>
      %dma_wait3A_201 = arith.constant 0 : i32
      %dma_wait3A_202 = arith.constant 0 : i32
      %dma_wait3A_203 = tpu.memref_slice %arg2[%dma_wait3A_201, %dma_wait3A_202] : memref<10000x128xf32, #tpu.memory_space<hbm>> -> memref<128x128xf32, #tpu.memory_space<hbm>>
      tpu.wait_dma2 semaphore(%arg12 : memref<!tpu.dma_semaphore, #tpu.memory_space<semaphore_mem>>) src(%dma_wait3A_203 : memref<128x128xf32, #tpu.memory_space<hbm>>) dst(%arg9 : memref<128x128xf32, #tpu.memory_space<vmem>>)
      "tpu.region"() ({
        %run_scoped3A = tpu.sem_alloc : memref<!tpu.dma_semaphore, #tpu.memory_space<semaphore_mem>>
        %dma_start3A_221 = arith.constant 0 : i32
        %dma_start3A_222 = tpu.memref_slice %arg8[%mul3A_193, %dma_start3A_221] : memref<40x128xi32, #tpu.memory_space<vmem>> -> memref<1x128xi32, #tpu.memory_space<vmem>>
        %dma_start3A_223 = tpu.memref_squeeze %dma_start3A_222 : memref<1x128xi32, #tpu.memory_space<vmem>> -> memref<128xi32, #tpu.memory_space<vmem>>
        %dma_start3A_224 = arith.constant 0 : i32
        %dma_start3A_225 = arith.constant 0 : i32
        %dma_start3A_226 = tpu.memref_slice %arg11[%dma_start3A_224, %dma_start3A_225] : memref<10240x128xf32, #tpu.memory_space<vmem_shared>> -> memref<10240x128xf32, #tpu.memory_space<vmem_shared>>
        tpu.enqueue_indirect_dma source(%arg9 : memref<128x128xf32, #tpu.memory_space<vmem>>) target(%dma_start3A_226 : memref<10240x128xf32, #tpu.memory_space<vmem_shared>>) offsets(%dma_start3A_223 : memref<128xi32, #tpu.memory_space<vmem>>) semaphore(%run_scoped3A : memref<!tpu.dma_semaphore, #tpu.memory_space<semaphore_mem>>) {add = true}
        %dma_wait3A_227 = arith.constant 0 : i32
        %dma_wait3A_228 = tpu.memref_slice %arg8[%mul3A_193, %dma_wait3A_227] : memref<40x128xi32, #tpu.memory_space<vmem>> -> memref<1x128xi32, #tpu.memory_space<vmem>>
        %dma_wait3A_229 = tpu.memref_squeeze %dma_wait3A_228 : memref<1x128xi32, #tpu.memory_space<vmem>> -> memref<128xi32, #tpu.memory_space<vmem>>
        %dma_wait3A_230 = arith.constant 0 : i32
        %dma_wait3A_231 = arith.constant 0 : i32
        %dma_wait3A_232 = tpu.memref_slice %arg11[%dma_wait3A_230, %dma_wait3A_231] : memref<10240x128xf32, #tpu.memory_space<vmem_shared>> -> memref<10240x128xf32, #tpu.memory_space<vmem_shared>>
        tpu.wait_indirect_dma semaphore(%run_scoped3A : memref<!tpu.dma_semaphore, #tpu.memory_space<semaphore_mem>>) src(%arg9 : memref<128x128xf32, #tpu.memory_space<vmem>>) dst(%dma_wait3A_232 : memref<10240x128xf32, #tpu.memory_space<vmem_shared>>)
        tpu.yield
      }) : () -> ()
      %add3A_204 = arith.constant 2 : i32
      %add3A_205 = arith.addi %mul3A_193, %add3A_204 : i32
      %lt3A = arith.constant 40 : i32
      %lt3A_206 = arith.cmpi slt, %add3A_205, %lt3A : i32
      %convert_element_type3A = arith.extui %lt3A_206 : i1 to i32
      %cond3A = arith.constant 0 : i32
      %cond3A_207 = arith.cmpi ne, %convert_element_type3A, %cond3A : i32
      scf.if %cond3A_207 {
        %add3A_221 = arith.constant 2 : i32
        %add3A_222 = arith.addi %mul3A_193, %add3A_221 : i32
        %dma_start3A_223 = arith.constant 0 : i32
        %dma_start3A_224 = tpu.memref_slice %arg7[%add3A_222, %dma_start3A_223] : memref<40x128xi32, #tpu.memory_space<vmem>> -> memref<1x128xi32, #tpu.memory_space<vmem>>
        %dma_start3A_225 = tpu.memref_squeeze %dma_start3A_224 : memref<1x128xi32, #tpu.memory_space<vmem>> -> memref<128xi32, #tpu.memory_space<vmem>>
        %dma_start3A_226 = arith.constant 0 : i32
        %dma_start3A_227 = arith.constant 0 : i32
        %dma_start3A_228 = tpu.memref_slice %arg2[%dma_start3A_226, %dma_start3A_227] : memref<10000x128xf32, #tpu.memory_space<hbm>> -> memref<10000x128xf32, #tpu.memory_space<hbm>>
        tpu.enqueue_indirect_dma source(%dma_start3A_228 : memref<10000x128xf32, #tpu.memory_space<hbm>>) target(%arg9 : memref<128x128xf32, #tpu.memory_space<vmem>>) offsets(%dma_start3A_225 : memref<128xi32, #tpu.memory_space<vmem>>) semaphore(%arg12 : memref<!tpu.dma_semaphore, #tpu.memory_space<semaphore_mem>>)
      } else {
      }
      %dma_wait3A_208 = arith.constant 0 : i32
      %dma_wait3A_209 = arith.constant 0 : i32
      %dma_wait3A_210 = tpu.memref_slice %arg2[%dma_wait3A_208, %dma_wait3A_209] : memref<10000x128xf32, #tpu.memory_space<hbm>> -> memref<128x128xf32, #tpu.memory_space<hbm>>
      %dma_wait3A_211 = arith.constant 0 : i32
      %dma_wait3A_212 = arith.constant 0 : i32
      %dma_wait3A_213 = tpu.memref_slice %arg2[%dma_wait3A_211, %dma_wait3A_212] : memref<10000x128xf32, #tpu.memory_space<hbm>> -> memref<128x128xf32, #tpu.memory_space<hbm>>
      tpu.wait_dma2 semaphore(%arg13 : memref<!tpu.dma_semaphore, #tpu.memory_space<semaphore_mem>>) src(%dma_wait3A_213 : memref<128x128xf32, #tpu.memory_space<hbm>>) dst(%arg10 : memref<128x128xf32, #tpu.memory_space<vmem>>)
      "tpu.region"() ({
        %run_scoped3A = tpu.sem_alloc : memref<!tpu.dma_semaphore, #tpu.memory_space<semaphore_mem>>
        %dma_start3A_221 = arith.constant 0 : i32
        %dma_start3A_222 = tpu.memref_slice %arg8[%add3A_197, %dma_start3A_221] : memref<40x128xi32, #tpu.memory_space<vmem>> -> memref<1x128xi32, #tpu.memory_space<vmem>>
        %dma_start3A_223 = tpu.memref_squeeze %dma_start3A_222 : memref<1x128xi32, #tpu.memory_space<vmem>> -> memref<128xi32, #tpu.memory_space<vmem>>
        %dma_start3A_224 = arith.constant 0 : i32
        %dma_start3A_225 = arith.constant 0 : i32
        %dma_start3A_226 = tpu.memref_slice %arg11[%dma_start3A_224, %dma_start3A_225] : memref<10240x128xf32, #tpu.memory_space<vmem_shared>> -> memref<10240x128xf32, #tpu.memory_space<vmem_shared>>
        tpu.enqueue_indirect_dma source(%arg10 : memref<128x128xf32, #tpu.memory_space<vmem>>) target(%dma_start3A_226 : memref<10240x128xf32, #tpu.memory_space<vmem_shared>>) offsets(%dma_start3A_223 : memref<128xi32, #tpu.memory_space<vmem>>) semaphore(%run_scoped3A : memref<!tpu.dma_semaphore, #tpu.memory_space<semaphore_mem>>) {add = true}
        %dma_wait3A_227 = arith.constant 0 : i32
        %dma_wait3A_228 = tpu.memref_slice %arg8[%add3A_197, %dma_wait3A_227] : memref<40x128xi32, #tpu.memory_space<vmem>> -> memref<1x128xi32, #tpu.memory_space<vmem>>
        %dma_wait3A_229 = tpu.memref_squeeze %dma_wait3A_228 : memref<1x128xi32, #tpu.memory_space<vmem>> -> memref<128xi32, #tpu.memory_space<vmem>>
        %dma_wait3A_230 = arith.constant 0 : i32
        %dma_wait3A_231 = arith.constant 0 : i32
        %dma_wait3A_232 = tpu.memref_slice %arg11[%dma_wait3A_230, %dma_wait3A_231] : memref<10240x128xf32, #tpu.memory_space<vmem_shared>> -> memref<10240x128xf32, #tpu.memory_space<vmem_shared>>
        tpu.wait_indirect_dma semaphore(%run_scoped3A : memref<!tpu.dma_semaphore, #tpu.memory_space<semaphore_mem>>) src(%arg10 : memref<128x128xf32, #tpu.memory_space<vmem>>) dst(%dma_wait3A_232 : memref<10240x128xf32, #tpu.memory_space<vmem_shared>>)
        tpu.yield
      }) : () -> ()
      %add3A_214 = arith.constant 2 : i32
      %add3A_215 = arith.addi %add3A_197, %add3A_214 : i32
      %lt3A_216 = arith.constant 40 : i32
      %lt3A_217 = arith.cmpi slt, %add3A_215, %lt3A_216 : i32
      %convert_element_type3A_218 = arith.extui %lt3A_217 : i1 to i32
      %cond3A_219 = arith.constant 0 : i32
      %cond3A_220 = arith.cmpi ne, %convert_element_type3A_218, %cond3A_219 : i32
      scf.if %cond3A_220 {
        %add3A_221 = arith.constant 2 : i32
        %add3A_222 = arith.addi %add3A_197, %add3A_221 : i32
        %dma_start3A_223 = arith.constant 0 : i32
        %dma_start3A_224 = tpu.memref_slice %arg7[%add3A_222, %dma_start3A_223] : memref<40x128xi32, #tpu.memory_space<vmem>> -> memref<1x128xi32, #tpu.memory_space<vmem>>
        %dma_start3A_225 = tpu.memref_squeeze %dma_start3A_224 : memref<1x128xi32, #tpu.memory_space<vmem>> -> memref<128xi32, #tpu.memory_space<vmem>>
        %dma_start3A_226 = arith.constant 0 : i32
        %dma_start3A_227 = arith.constant 0 : i32
        %dma_start3A_228 = tpu.memref_slice %arg2[%dma_start3A_226, %dma_start3A_227] : memref<10000x128xf32, #tpu.memory_space<hbm>> -> memref<10000x128xf32, #tpu.memory_space<hbm>>
        tpu.enqueue_indirect_dma source(%dma_start3A_228 : memref<10000x128xf32, #tpu.memory_space<hbm>>) target(%arg10 : memref<128x128xf32, #tpu.memory_space<vmem>>) offsets(%dma_start3A_225 : memref<128xi32, #tpu.memory_space<vmem>>) semaphore(%arg13 : memref<!tpu.dma_semaphore, #tpu.memory_space<semaphore_mem>>)
      } else {
      }
    }
    %scan3A_99 = arith.constant 20 : i32
    %barrier3A_100 = arith.constant 0 : index
    tpu.barrier barrier_id(%barrier3A_100)
    %add3A_101 = arith.constant 0 : i32
    %add3A_102 = arith.addi %mul3A_2, %add3A_101 : i32
    "tpu.region"() ({
      %run_scoped3A = tpu.sem_alloc : memref<!tpu.dma_semaphore, #tpu.memory_space<semaphore_mem>>
      %dma_start3A_191 = arith.constant 0 : i32
      %dma_start3A_192 = tpu.memref_slice %arg11[%add3A_102, %dma_start3A_191] : memref<10240x128xf32, #tpu.memory_space<vmem_shared>> -> memref<128x128xf32, #tpu.memory_space<vmem_shared>>
      %dma_start3A_193 = arith.constant 0 : i32
      %dma_start3A_194 = tpu.memref_slice %arg11[%add3A_102, %dma_start3A_193] : memref<10240x128xf32, #tpu.memory_space<vmem_shared>> -> memref<128x128xf32, #tpu.memory_space<vmem_shared>>
      tpu.enqueue_dma source(%dma_start3A_194 : memref<128x128xf32, #tpu.memory_space<vmem_shared>>) target(%arg9 : memref<128x128xf32, #tpu.memory_space<vmem>>) target_semaphore(%run_scoped3A : memref<!tpu.dma_semaphore, #tpu.memory_space<semaphore_mem>>)
      %dma_wait3A_195 = arith.constant 0 : i32
      %dma_wait3A_196 = tpu.memref_slice %arg11[%add3A_102, %dma_wait3A_195] : memref<10240x128xf32, #tpu.memory_space<vmem_shared>> -> memref<128x128xf32, #tpu.memory_space<vmem_shared>>
      %dma_wait3A_197 = arith.constant 0 : i32
      %dma_wait3A_198 = tpu.memref_slice %arg11[%add3A_102, %dma_wait3A_197] : memref<10240x128xf32, #tpu.memory_space<vmem_shared>> -> memref<128x128xf32, #tpu.memory_space<vmem_shared>>
      tpu.wait_dma2 semaphore(%run_scoped3A : memref<!tpu.dma_semaphore, #tpu.memory_space<semaphore_mem>>) src(%dma_wait3A_198 : memref<128x128xf32, #tpu.memory_space<vmem_shared>>) dst(%arg9 : memref<128x128xf32, #tpu.memory_space<vmem>>)
      tpu.yield
    }) : () -> ()
    %add3A_103 = arith.constant 0 : i32
    %add3A_104 = arith.addi %mul3A_2, %add3A_103 : i32
    %dma_start3A_105 = arith.constant 0 : i32
    %dma_start3A_106 = tpu.memref_slice %arg6[%arg0, %add3A_104, %dma_start3A_105] : memref<2x10240x128xf32, #tpu.memory_space<hbm>> -> memref<1x128x128xf32, #tpu.memory_space<hbm>>
    %dma_start3A_107 = tpu.memref_squeeze %dma_start3A_106 : memref<1x128x128xf32, #tpu.memory_space<hbm>> -> memref<128x128xf32, #tpu.memory_space<hbm>>
    %dma_start3A_108 = arith.constant 0 : i32
    %dma_start3A_109 = tpu.memref_slice %arg6[%arg0, %add3A_104, %dma_start3A_108] : memref<2x10240x128xf32, #tpu.memory_space<hbm>> -> memref<1x128x128xf32, #tpu.memory_space<hbm>>
    %dma_start3A_110 = tpu.memref_squeeze %dma_start3A_109 : memref<1x128x128xf32, #tpu.memory_space<hbm>> -> memref<128x128xf32, #tpu.memory_space<hbm>>
    tpu.enqueue_dma source(%arg9 : memref<128x128xf32, #tpu.memory_space<vmem>>) target(%dma_start3A_110 : memref<128x128xf32, #tpu.memory_space<hbm>>) target_semaphore(%arg12 : memref<!tpu.dma_semaphore, #tpu.memory_space<semaphore_mem>>)
    %add3A_111 = arith.constant 128 : i32
    %add3A_112 = arith.addi %mul3A_2, %add3A_111 : i32
    "tpu.region"() ({
      %run_scoped3A = tpu.sem_alloc : memref<!tpu.dma_semaphore, #tpu.memory_space<semaphore_mem>>
      %dma_start3A_191 = arith.constant 0 : i32
      %dma_start3A_192 = tpu.memref_slice %arg11[%add3A_112, %dma_start3A_191] : memref<10240x128xf32, #tpu.memory_space<vmem_shared>> -> memref<128x128xf32, #tpu.memory_space<vmem_shared>>
      %dma_start3A_193 = arith.constant 0 : i32
      %dma_start3A_194 = tpu.memref_slice %arg11[%add3A_112, %dma_start3A_193] : memref<10240x128xf32, #tpu.memory_space<vmem_shared>> -> memref<128x128xf32, #tpu.memory_space<vmem_shared>>
      tpu.enqueue_dma source(%dma_start3A_194 : memref<128x128xf32, #tpu.memory_space<vmem_shared>>) target(%arg10 : memref<128x128xf32, #tpu.memory_space<vmem>>) target_semaphore(%run_scoped3A : memref<!tpu.dma_semaphore, #tpu.memory_space<semaphore_mem>>)
      %dma_wait3A_195 = arith.constant 0 : i32
      %dma_wait3A_196 = tpu.memref_slice %arg11[%add3A_112, %dma_wait3A_195] : memref<10240x128xf32, #tpu.memory_space<vmem_shared>> -> memref<128x128xf32, #tpu.memory_space<vmem_shared>>
      %dma_wait3A_197 = arith.constant 0 : i32
      %dma_wait3A_198 = tpu.memref_slice %arg11[%add3A_112, %dma_wait3A_197] : memref<10240x128xf32, #tpu.memory_space<vmem_shared>> -> memref<128x128xf32, #tpu.memory_space<vmem_shared>>
      tpu.wait_dma2 semaphore(%run_scoped3A : memref<!tpu.dma_semaphore, #tpu.memory_space<semaphore_mem>>) src(%dma_wait3A_198 : memref<128x128xf32, #tpu.memory_space<vmem_shared>>) dst(%arg10 : memref<128x128xf32, #tpu.memory_space<vmem>>)
      tpu.yield
    }) : () -> ()
    %add3A_113 = arith.constant 128 : i32
    %add3A_114 = arith.addi %mul3A_2, %add3A_113 : i32
    %dma_start3A_115 = arith.constant 0 : i32
    %dma_start3A_116 = tpu.memref_slice %arg6[%arg0, %add3A_114, %dma_start3A_115] : memref<2x10240x128xf32, #tpu.memory_space<hbm>> -> memref<1x128x128xf32, #tpu.memory_space<hbm>>
    %dma_start3A_117 = tpu.memref_squeeze %dma_start3A_116 : memref<1x128x128xf32, #tpu.memory_space<hbm>> -> memref<128x128xf32, #tpu.memory_space<hbm>>
    %dma_start3A_118 = arith.constant 0 : i32
    %dma_start3A_119 = tpu.memref_slice %arg6[%arg0, %add3A_114, %dma_start3A_118] : memref<2x10240x128xf32, #tpu.memory_space<hbm>> -> memref<1x128x128xf32, #tpu.memory_space<hbm>>
    %dma_start3A_120 = tpu.memref_squeeze %dma_start3A_119 : memref<1x128x128xf32, #tpu.memory_space<hbm>> -> memref<128x128xf32, #tpu.memory_space<hbm>>
    tpu.enqueue_dma source(%arg10 : memref<128x128xf32, #tpu.memory_space<vmem>>) target(%dma_start3A_120 : memref<128x128xf32, #tpu.memory_space<hbm>>) target_semaphore(%arg13 : memref<!tpu.dma_semaphore, #tpu.memory_space<semaphore_mem>>)
    %dma_wait3A_121 = arith.constant 0 : i32
    %dma_wait3A_122 = arith.constant 0 : i32
    %dma_wait3A_123 = tpu.memref_slice %arg6[%arg0, %dma_wait3A_121, %dma_wait3A_122] : memref<2x10240x128xf32, #tpu.memory_space<hbm>> -> memref<1x128x128xf32, #tpu.memory_space<hbm>>
    %dma_wait3A_124 = tpu.memref_squeeze %dma_wait3A_123 : memref<1x128x128xf32, #tpu.memory_space<hbm>> -> memref<128x128xf32, #tpu.memory_space<hbm>>
    %dma_wait3A_125 = arith.constant 0 : i32
    %dma_wait3A_126 = arith.constant 0 : i32
    %dma_wait3A_127 = tpu.memref_slice %arg6[%arg0, %dma_wait3A_125, %dma_wait3A_126] : memref<2x10240x128xf32, #tpu.memory_space<hbm>> -> memref<1x128x128xf32, #tpu.memory_space<hbm>>
    %dma_wait3A_128 = tpu.memref_squeeze %dma_wait3A_127 : memref<1x128x128xf32, #tpu.memory_space<hbm>> -> memref<128x128xf32, #tpu.memory_space<hbm>>
    tpu.wait_dma2 semaphore(%arg12 : memref<!tpu.dma_semaphore, #tpu.memory_space<semaphore_mem>>) src(%arg9 : memref<128x128xf32, #tpu.memory_space<vmem>>) dst(%dma_wait3A_128 : memref<128x128xf32, #tpu.memory_space<hbm>>)
    %add3A_129 = arith.constant 256 : i32
    %add3A_130 = arith.addi %mul3A_2, %add3A_129 : i32
    "tpu.region"() ({
      %run_scoped3A = tpu.sem_alloc : memref<!tpu.dma_semaphore, #tpu.memory_space<semaphore_mem>>
      %dma_start3A_191 = arith.constant 0 : i32
      %dma_start3A_192 = tpu.memref_slice %arg11[%add3A_130, %dma_start3A_191] : memref<10240x128xf32, #tpu.memory_space<vmem_shared>> -> memref<128x128xf32, #tpu.memory_space<vmem_shared>>
      %dma_start3A_193 = arith.constant 0 : i32
      %dma_start3A_194 = tpu.memref_slice %arg11[%add3A_130, %dma_start3A_193] : memref<10240x128xf32, #tpu.memory_space<vmem_shared>> -> memref<128x128xf32, #tpu.memory_space<vmem_shared>>
      tpu.enqueue_dma source(%dma_start3A_194 : memref<128x128xf32, #tpu.memory_space<vmem_shared>>) target(%arg9 : memref<128x128xf32, #tpu.memory_space<vmem>>) target_semaphore(%run_scoped3A : memref<!tpu.dma_semaphore, #tpu.memory_space<semaphore_mem>>)
      %dma_wait3A_195 = arith.constant 0 : i32
      %dma_wait3A_196 = tpu.memref_slice %arg11[%add3A_130, %dma_wait3A_195] : memref<10240x128xf32, #tpu.memory_space<vmem_shared>> -> memref<128x128xf32, #tpu.memory_space<vmem_shared>>
      %dma_wait3A_197 = arith.constant 0 : i32
      %dma_wait3A_198 = tpu.memref_slice %arg11[%add3A_130, %dma_wait3A_197] : memref<10240x128xf32, #tpu.memory_space<vmem_shared>> -> memref<128x128xf32, #tpu.memory_space<vmem_shared>>
      tpu.wait_dma2 semaphore(%run_scoped3A : memref<!tpu.dma_semaphore, #tpu.memory_space<semaphore_mem>>) src(%dma_wait3A_198 : memref<128x128xf32, #tpu.memory_space<vmem_shared>>) dst(%arg9 : memref<128x128xf32, #tpu.memory_space<vmem>>)
      tpu.yield
    }) : () -> ()
    %add3A_131 = arith.constant 256 : i32
    %add3A_132 = arith.addi %mul3A_2, %add3A_131 : i32
    %dma_start3A_133 = arith.constant 0 : i32
    %dma_start3A_134 = tpu.memref_slice %arg6[%arg0, %add3A_132, %dma_start3A_133] : memref<2x10240x128xf32, #tpu.memory_space<hbm>> -> memref<1x128x128xf32, #tpu.memory_space<hbm>>
    %dma_start3A_135 = tpu.memref_squeeze %dma_start3A_134 : memref<1x128x128xf32, #tpu.memory_space<hbm>> -> memref<128x128xf32, #tpu.memory_space<hbm>>
    %dma_start3A_136 = arith.constant 0 : i32
    %dma_start3A_137 = tpu.memref_slice %arg6[%arg0, %add3A_132, %dma_start3A_136] : memref<2x10240x128xf32, #tpu.memory_space<hbm>> -> memref<1x128x128xf32, #tpu.memory_space<hbm>>
    %dma_start3A_138 = tpu.memref_squeeze %dma_start3A_137 : memref<1x128x128xf32, #tpu.memory_space<hbm>> -> memref<128x128xf32, #tpu.memory_space<hbm>>
    tpu.enqueue_dma source(%arg9 : memref<128x128xf32, #tpu.memory_space<vmem>>) target(%dma_start3A_138 : memref<128x128xf32, #tpu.memory_space<hbm>>) target_semaphore(%arg12 : memref<!tpu.dma_semaphore, #tpu.memory_space<semaphore_mem>>)
    %dma_wait3A_139 = arith.constant 0 : i32
    %dma_wait3A_140 = arith.constant 0 : i32
    %dma_wait3A_141 = tpu.memref_slice %arg6[%arg0, %dma_wait3A_139, %dma_wait3A_140] : memref<2x10240x128xf32, #tpu.memory_space<hbm>> -> memref<1x128x128xf32, #tpu.memory_space<hbm>>
    %dma_wait3A_142 = tpu.memref_squeeze %dma_wait3A_141 : memref<1x128x128xf32, #tpu.memory_space<hbm>> -> memref<128x128xf32, #tpu.memory_space<hbm>>
    %dma_wait3A_143 = arith.constant 0 : i32
    %dma_wait3A_144 = arith.constant 0 : i32
    %dma_wait3A_145 = tpu.memref_slice %arg6[%arg0, %dma_wait3A_143, %dma_wait3A_144] : memref<2x10240x128xf32, #tpu.memory_space<hbm>> -> memref<1x128x128xf32, #tpu.memory_space<hbm>>
    %dma_wait3A_146 = tpu.memref_squeeze %dma_wait3A_145 : memref<1x128x128xf32, #tpu.memory_space<hbm>> -> memref<128x128xf32, #tpu.memory_space<hbm>>
    tpu.wait_dma2 semaphore(%arg13 : memref<!tpu.dma_semaphore, #tpu.memory_space<semaphore_mem>>) src(%arg10 : memref<128x128xf32, #tpu.memory_space<vmem>>) dst(%dma_wait3A_146 : memref<128x128xf32, #tpu.memory_space<hbm>>)
    %add3A_147 = arith.constant 384 : i32
    %add3A_148 = arith.addi %mul3A_2, %add3A_147 : i32
    "tpu.region"() ({
      %run_scoped3A = tpu.sem_alloc : memref<!tpu.dma_semaphore, #tpu.memory_space<semaphore_mem>>
      %dma_start3A_191 = arith.constant 0 : i32
      %dma_start3A_192 = tpu.memref_slice %arg11[%add3A_148, %dma_start3A_191] : memref<10240x128xf32, #tpu.memory_space<vmem_shared>> -> memref<128x128xf32, #tpu.memory_space<vmem_shared>>
      %dma_start3A_193 = arith.constant 0 : i32
      %dma_start3A_194 = tpu.memref_slice %arg11[%add3A_148, %dma_start3A_193] : memref<10240x128xf32, #tpu.memory_space<vmem_shared>> -> memref<128x128xf32, #tpu.memory_space<vmem_shared>>
      tpu.enqueue_dma source(%dma_start3A_194 : memref<128x128xf32, #tpu.memory_space<vmem_shared>>) target(%arg10 : memref<128x128xf32, #tpu.memory_space<vmem>>) target_semaphore(%run_scoped3A : memref<!tpu.dma_semaphore, #tpu.memory_space<semaphore_mem>>)
      %dma_wait3A_195 = arith.constant 0 : i32
      %dma_wait3A_196 = tpu.memref_slice %arg11[%add3A_148, %dma_wait3A_195] : memref<10240x128xf32, #tpu.memory_space<vmem_shared>> -> memref<128x128xf32, #tpu.memory_space<vmem_shared>>
      %dma_wait3A_197 = arith.constant 0 : i32
      %dma_wait3A_198 = tpu.memref_slice %arg11[%add3A_148, %dma_wait3A_197] : memref<10240x128xf32, #tpu.memory_space<vmem_shared>> -> memref<128x128xf32, #tpu.memory_space<vmem_shared>>
      tpu.wait_dma2 semaphore(%run_scoped3A : memref<!tpu.dma_semaphore, #tpu.memory_space<semaphore_mem>>) src(%dma_wait3A_198 : memref<128x128xf32, #tpu.memory_space<vmem_shared>>) dst(%arg10 : memref<128x128xf32, #tpu.memory_space<vmem>>)
      tpu.yield
    }) : () -> ()
    %add3A_149 = arith.constant 384 : i32
    %add3A_150 = arith.addi %mul3A_2, %add3A_149 : i32
    %dma_start3A_151 = arith.constant 0 : i32
    %dma_start3A_152 = tpu.memref_slice %arg6[%arg0, %add3A_150, %dma_start3A_151] : memref<2x10240x128xf32, #tpu.memory_space<hbm>> -> memref<1x128x128xf32, #tpu.memory_space<hbm>>
    %dma_start3A_153 = tpu.memref_squeeze %dma_start3A_152 : memref<1x128x128xf32, #tpu.memory_space<hbm>> -> memref<128x128xf32, #tpu.memory_space<hbm>>
    %dma_start3A_154 = arith.constant 0 : i32
    %dma_start3A_155 = tpu.memref_slice %arg6[%arg0, %add3A_150, %dma_start3A_154] : memref<2x10240x128xf32, #tpu.memory_space<hbm>> -> memref<1x128x128xf32, #tpu.memory_space<hbm>>
    %dma_start3A_156 = tpu.memref_squeeze %dma_start3A_155 : memref<1x128x128xf32, #tpu.memory_space<hbm>> -> memref<128x128xf32, #tpu.memory_space<hbm>>
    tpu.enqueue_dma source(%arg10 : memref<128x128xf32, #tpu.memory_space<vmem>>) target(%dma_start3A_156 : memref<128x128xf32, #tpu.memory_space<hbm>>) target_semaphore(%arg13 : memref<!tpu.dma_semaphore, #tpu.memory_space<semaphore_mem>>)
    %dma_wait3A_157 = arith.constant 0 : i32
    %dma_wait3A_158 = arith.constant 0 : i32
    %dma_wait3A_159 = tpu.memref_slice %arg6[%arg0, %dma_wait3A_157, %dma_wait3A_158] : memref<2x10240x128xf32, #tpu.memory_space<hbm>> -> memref<1x128x128xf32, #tpu.memory_space<hbm>>
    %dma_wait3A_160 = tpu.memref_squeeze %dma_wait3A_159 : memref<1x128x128xf32, #tpu.memory_space<hbm>> -> memref<128x128xf32, #tpu.memory_space<hbm>>
    %dma_wait3A_161 = arith.constant 0 : i32
    %dma_wait3A_162 = arith.constant 0 : i32
    %dma_wait3A_163 = tpu.memref_slice %arg6[%arg0, %dma_wait3A_161, %dma_wait3A_162] : memref<2x10240x128xf32, #tpu.memory_space<hbm>> -> memref<1x128x128xf32, #tpu.memory_space<hbm>>
    %dma_wait3A_164 = tpu.memref_squeeze %dma_wait3A_163 : memref<1x128x128xf32, #tpu.memory_space<hbm>> -> memref<128x128xf32, #tpu.memory_space<hbm>>
    tpu.wait_dma2 semaphore(%arg12 : memref<!tpu.dma_semaphore, #tpu.memory_space<semaphore_mem>>) src(%arg9 : memref<128x128xf32, #tpu.memory_space<vmem>>) dst(%dma_wait3A_164 : memref<128x128xf32, #tpu.memory_space<hbm>>)
    %add3A_165 = arith.constant 512 : i32
    %add3A_166 = arith.addi %mul3A_2, %add3A_165 : i32
    "tpu.region"() ({
      %run_scoped3A = tpu.sem_alloc : memref<!tpu.dma_semaphore, #tpu.memory_space<semaphore_mem>>
      %dma_start3A_191 = arith.constant 0 : i32
      %dma_start3A_192 = tpu.memref_slice %arg11[%add3A_166, %dma_start3A_191] : memref<10240x128xf32, #tpu.memory_space<vmem_shared>> -> memref<128x128xf32, #tpu.memory_space<vmem_shared>>
      %dma_start3A_193 = arith.constant 0 : i32
      %dma_start3A_194 = tpu.memref_slice %arg11[%add3A_166, %dma_start3A_193] : memref<10240x128xf32, #tpu.memory_space<vmem_shared>> -> memref<128x128xf32, #tpu.memory_space<vmem_shared>>
      tpu.enqueue_dma source(%dma_start3A_194 : memref<128x128xf32, #tpu.memory_space<vmem_shared>>) target(%arg9 : memref<128x128xf32, #tpu.memory_space<vmem>>) target_semaphore(%run_scoped3A : memref<!tpu.dma_semaphore, #tpu.memory_space<semaphore_mem>>)
      %dma_wait3A_195 = arith.constant 0 : i32
      %dma_wait3A_196 = tpu.memref_slice %arg11[%add3A_166, %dma_wait3A_195] : memref<10240x128xf32, #tpu.memory_space<vmem_shared>> -> memref<128x128xf32, #tpu.memory_space<vmem_shared>>
      %dma_wait3A_197 = arith.constant 0 : i32
      %dma_wait3A_198 = tpu.memref_slice %arg11[%add3A_166, %dma_wait3A_197] : memref<10240x128xf32, #tpu.memory_space<vmem_shared>> -> memref<128x128xf32, #tpu.memory_space<vmem_shared>>
      tpu.wait_dma2 semaphore(%run_scoped3A : memref<!tpu.dma_semaphore, #tpu.memory_space<semaphore_mem>>) src(%dma_wait3A_198 : memref<128x128xf32, #tpu.memory_space<vmem_shared>>) dst(%arg9 : memref<128x128xf32, #tpu.memory_space<vmem>>)
      tpu.yield
    }) : () -> ()
    %add3A_167 = arith.constant 512 : i32
    %add3A_168 = arith.addi %mul3A_2, %add3A_167 : i32
    %dma_start3A_169 = arith.constant 0 : i32
    %dma_start3A_170 = tpu.memref_slice %arg6[%arg0, %add3A_168, %dma_start3A_169] : memref<2x10240x128xf32, #tpu.memory_space<hbm>> -> memref<1x128x128xf32, #tpu.memory_space<hbm>>
    %dma_start3A_171 = tpu.memref_squeeze %dma_start3A_170 : memref<1x128x128xf32, #tpu.memory_space<hbm>> -> memref<128x128xf32, #tpu.memory_space<hbm>>
    %dma_start3A_172 = arith.constant 0 : i32
    %dma_start3A_173 = tpu.memref_slice %arg6[%arg0, %add3A_168, %dma_start3A_172] : memref<2x10240x128xf32, #tpu.memory_space<hbm>> -> memref<1x128x128xf32, #tpu.memory_space<hbm>>
    %dma_start3A_174 = tpu.memref_squeeze %dma_start3A_173 : memref<1x128x128xf32, #tpu.memory_space<hbm>> -> memref<128x128xf32, #tpu.memory_space<hbm>>
    tpu.enqueue_dma source(%arg9 : memref<128x128xf32, #tpu.memory_space<vmem>>) target(%dma_start3A_174 : memref<128x128xf32, #tpu.memory_space<hbm>>) target_semaphore(%arg12 : memref<!tpu.dma_semaphore, #tpu.memory_space<semaphore_mem>>)
    %dma_wait3A_175 = arith.constant 0 : i32
    %dma_wait3A_176 = arith.constant 0 : i32
    %dma_wait3A_177 = tpu.memref_slice %arg6[%arg0, %dma_wait3A_175, %dma_wait3A_176] : memref<2x10240x128xf32, #tpu.memory_space<hbm>> -> memref<1x128x128xf32, #tpu.memory_space<hbm>>
    %dma_wait3A_178 = tpu.memref_squeeze %dma_wait3A_177 : memref<1x128x128xf32, #tpu.memory_space<hbm>> -> memref<128x128xf32, #tpu.memory_space<hbm>>
    %dma_wait3A_179 = arith.constant 0 : i32
    %dma_wait3A_180 = arith.constant 0 : i32
    %dma_wait3A_181 = tpu.memref_slice %arg6[%arg0, %dma_wait3A_179, %dma_wait3A_180] : memref<2x10240x128xf32, #tpu.memory_space<hbm>> -> memref<1x128x128xf32, #tpu.memory_space<hbm>>
    %dma_wait3A_182 = tpu.memref_squeeze %dma_wait3A_181 : memref<1x128x128xf32, #tpu.memory_space<hbm>> -> memref<128x128xf32, #tpu.memory_space<hbm>>
    tpu.wait_dma2 semaphore(%arg13 : memref<!tpu.dma_semaphore, #tpu.memory_space<semaphore_mem>>) src(%arg10 : memref<128x128xf32, #tpu.memory_space<vmem>>) dst(%dma_wait3A_182 : memref<128x128xf32, #tpu.memory_space<hbm>>)
    %dma_wait3A_183 = arith.constant 0 : i32
    %dma_wait3A_184 = arith.constant 0 : i32
    %dma_wait3A_185 = tpu.memref_slice %arg6[%arg0, %dma_wait3A_183, %dma_wait3A_184] : memref<2x10240x128xf32, #tpu.memory_space<hbm>> -> memref<1x128x128xf32, #tpu.memory_space<hbm>>
    %dma_wait3A_186 = tpu.memref_squeeze %dma_wait3A_185 : memref<1x128x128xf32, #tpu.memory_space<hbm>> -> memref<128x128xf32, #tpu.memory_space<hbm>>
    %dma_wait3A_187 = arith.constant 0 : i32
    %dma_wait3A_188 = arith.constant 0 : i32
    %dma_wait3A_189 = tpu.memref_slice %arg6[%arg0, %dma_wait3A_187, %dma_wait3A_188] : memref<2x10240x128xf32, #tpu.memory_space<hbm>> -> memref<1x128x128xf32, #tpu.memory_space<hbm>>
    %dma_wait3A_190 = tpu.memref_squeeze %dma_wait3A_189 : memref<1x128x128xf32, #tpu.memory_space<hbm>> -> memref<128x128xf32, #tpu.memory_space<hbm>>
    tpu.wait_dma2 semaphore(%arg12 : memref<!tpu.dma_semaphore, #tpu.memory_space<semaphore_mem>>) src(%arg9 : memref<128x128xf32, #tpu.memory_space<vmem>>) dst(%dma_wait3A_190 : memref<128x128xf32, #tpu.memory_space<hbm>>)
    return
  }
}

#map = affine_map<(d0, d1) -> (0, 0)>
#map1 = affine_map<(d0, d1) -> (0, 0, 0)>
module attributes {stable_mosaic.version = 14 : i64} {
  func.func @_agg(%arg0: i32, %arg1: i32, %arg2: memref<10000x128xf32, #tpu.memory_space<hbm>>, %arg3: memref<32x80x128xi32, #tpu.memory_space<hbm>>, %arg4: memref<32x80x128xi32, #tpu.memory_space<hbm>>, %arg5: memref<128x128xf32, #tpu.memory_space<hbm>>, %arg6: memref<2x10240x128xf32, #tpu.memory_space<hbm>>, %arg7: memref<40x128xi32, #tpu.memory_space<vmem>>, %arg8: memref<40x128xi32, #tpu.memory_space<vmem>>, %arg9: memref<128x128xf32, #tpu.memory_space<vmem>>, %arg10: memref<128x128xf32, #tpu.memory_space<vmem>>, %arg11: memref<10240x128xf32, #tpu.memory_space<vmem_shared>>, %arg12: memref<!tpu.dma_semaphore, #tpu.memory_space<semaphore_mem>>, %arg13: memref<!tpu.dma_semaphore, #tpu.memory_space<semaphore_mem>>) attributes {dimension_semantics = [#tpu.dimension_semantics<core_parallel>, #tpu.dimension_semantics<subcore_parallel>], iteration_bounds = array<i64: 2, 16>, scalar_prefetch = 0 : i64, scratch_operands = 7 : i64, tpu.core_type = #tpu.core_type<sc_vector_subcore>, window_params = [{transform_indices = #map}, {transform_indices = #map1}, {transform_indices = #map1}, {transform_indices = #map}, {transform_indices = #map1}]} {
    %mul3A = arith.constant 16 : i32
    %mul3A_0 = arith.muli %arg0, %mul3A : i32
    %add3A = arith.addi %mul3A_0, %arg1 : i32
    %mul3A_1 = arith.constant 640 : i32
    %mul3A_2 = arith.muli %arg1, %mul3A_1 : i32
    "tpu.region"() ({
      %run_scoped3A = tpu.sem_alloc : memref<!tpu.dma_semaphore, #tpu.memory_space<semaphore_mem>>
      tpu.enqueue_dma source(%arg5 : memref<128x128xf32, #tpu.memory_space<hbm>>) target(%arg9 : memref<128x128xf32, #tpu.memory_space<vmem>>) target_semaphore(%run_scoped3A : memref<!tpu.dma_semaphore, #tpu.memory_space<semaphore_mem>>)
      tpu.wait_dma2 semaphore(%run_scoped3A : memref<!tpu.dma_semaphore, #tpu.memory_space<semaphore_mem>>) src(%arg5 : memref<128x128xf32, #tpu.memory_space<hbm>>) dst(%arg9 : memref<128x128xf32, #tpu.memory_space<vmem>>)
      tpu.yield
    }) : () -> ()
    %add3A_3 = arith.constant 0 : i32
    %add3A_4 = arith.addi %mul3A_2, %add3A_3 : i32
    %dma_start3A = arith.constant 0 : i32
    %dma_start3A_5 = tpu.memref_slice %arg11[%add3A_4, %dma_start3A] : memref<10240x128xf32, #tpu.memory_space<vmem_shared>> -> memref<128x128xf32, #tpu.memory_space<vmem_shared>>
    %dma_start3A_6 = arith.constant 0 : i32
    %dma_start3A_7 = tpu.memref_slice %arg11[%add3A_4, %dma_start3A_6] : memref<10240x128xf32, #tpu.memory_space<vmem_shared>> -> memref<128x128xf32, #tpu.memory_space<vmem_shared>>
    tpu.enqueue_dma source(%arg9 : memref<128x128xf32, #tpu.memory_space<vmem>>) target(%dma_start3A_7 : memref<128x128xf32, #tpu.memory_space<vmem_shared>>) target_semaphore(%arg12 : memref<!tpu.dma_semaphore, #tpu.memory_space<semaphore_mem>>)
    %add3A_8 = arith.constant 128 : i32
    %add3A_9 = arith.addi %mul3A_2, %add3A_8 : i32
    %dma_start3A_10 = arith.constant 0 : i32
    %dma_start3A_11 = tpu.memref_slice %arg11[%add3A_9, %dma_start3A_10] : memref<10240x128xf32, #tpu.memory_space<vmem_shared>> -> memref<128x128xf32, #tpu.memory_space<vmem_shared>>
    %dma_start3A_12 = arith.constant 0 : i32
    %dma_start3A_13 = tpu.memref_slice %arg11[%add3A_9, %dma_start3A_12] : memref<10240x128xf32, #tpu.memory_space<vmem_shared>> -> memref<128x128xf32, #tpu.memory_space<vmem_shared>>
    tpu.enqueue_dma source(%arg9 : memref<128x128xf32, #tpu.memory_space<vmem>>) target(%dma_start3A_13 : memref<128x128xf32, #tpu.memory_space<vmem_shared>>) target_semaphore(%arg12 : memref<!tpu.dma_semaphore, #tpu.memory_space<semaphore_mem>>)
    %add3A_14 = arith.constant 256 : i32
    %add3A_15 = arith.addi %mul3A_2, %add3A_14 : i32
    %dma_start3A_16 = arith.constant 0 : i32
    %dma_start3A_17 = tpu.memref_slice %arg11[%add3A_15, %dma_start3A_16] : memref<10240x128xf32, #tpu.memory_space<vmem_shared>> -> memref<128x128xf32, #tpu.memory_space<vmem_shared>>
    %dma_start3A_18 = arith.constant 0 : i32
    %dma_start3A_19 = tpu.memref_slice %arg11[%add3A_15, %dma_start3A_18] : memref<10240x128xf32, #tpu.memory_space<vmem_shared>> -> memref<128x128xf32, #tpu.memory_space<vmem_shared>>
    tpu.enqueue_dma source(%arg9 : memref<128x128xf32, #tpu.memory_space<vmem>>) target(%dma_start3A_19 : memref<128x128xf32, #tpu.memory_space<vmem_shared>>) target_semaphore(%arg12 : memref<!tpu.dma_semaphore, #tpu.memory_space<semaphore_mem>>)
    %add3A_20 = arith.constant 384 : i32
    %add3A_21 = arith.addi %mul3A_2, %add3A_20 : i32
    %dma_start3A_22 = arith.constant 0 : i32
    %dma_start3A_23 = tpu.memref_slice %arg11[%add3A_21, %dma_start3A_22] : memref<10240x128xf32, #tpu.memory_space<vmem_shared>> -> memref<128x128xf32, #tpu.memory_space<vmem_shared>>
    %dma_start3A_24 = arith.constant 0 : i32
    %dma_start3A_25 = tpu.memref_slice %arg11[%add3A_21, %dma_start3A_24] : memref<10240x128xf32, #tpu.memory_space<vmem_shared>> -> memref<128x128xf32, #tpu.memory_space<vmem_shared>>
    tpu.enqueue_dma source(%arg9 : memref<128x128xf32, #tpu.memory_space<vmem>>) target(%dma_start3A_25 : memref<128x128xf32, #tpu.memory_space<vmem_shared>>) target_semaphore(%arg12 : memref<!tpu.dma_semaphore, #tpu.memory_space<semaphore_mem>>)
    %add3A_26 = arith.constant 512 : i32
    %add3A_27 = arith.addi %mul3A_2, %add3A_26 : i32
    %dma_start3A_28 = arith.constant 0 : i32
    %dma_start3A_29 = tpu.memref_slice %arg11[%add3A_27, %dma_start3A_28] : memref<10240x128xf32, #tpu.memory_space<vmem_shared>> -> memref<128x128xf32, #tpu.memory_space<vmem_shared>>
    %dma_start3A_30 = arith.constant 0 : i32
    %dma_start3A_31 = tpu.memref_slice %arg11[%add3A_27, %dma_start3A_30] : memref<10240x128xf32, #tpu.memory_space<vmem_shared>> -> memref<128x128xf32, #tpu.memory_space<vmem_shared>>
    tpu.enqueue_dma source(%arg9 : memref<128x128xf32, #tpu.memory_space<vmem>>) target(%dma_start3A_31 : memref<128x128xf32, #tpu.memory_space<vmem_shared>>) target_semaphore(%arg12 : memref<!tpu.dma_semaphore, #tpu.memory_space<semaphore_mem>>)
    %dma_wait3A = arith.constant 0 : i32
    %dma_wait3A_32 = arith.constant 0 : i32
    %dma_wait3A_33 = tpu.memref_slice %arg11[%dma_wait3A, %dma_wait3A_32] : memref<10240x128xf32, #tpu.memory_space<vmem_shared>> -> memref<128x128xf32, #tpu.memory_space<vmem_shared>>
    %dma_wait3A_34 = arith.constant 0 : i32
    %dma_wait3A_35 = arith.constant 0 : i32
    %dma_wait3A_36 = tpu.memref_slice %arg11[%dma_wait3A_34, %dma_wait3A_35] : memref<10240x128xf32, #tpu.memory_space<vmem_shared>> -> memref<128x128xf32, #tpu.memory_space<vmem_shared>>
    tpu.wait_dma2 semaphore(%arg12 : memref<!tpu.dma_semaphore, #tpu.memory_space<semaphore_mem>>) src(%arg9 : memref<128x128xf32, #tpu.memory_space<vmem>>) dst(%dma_wait3A_36 : memref<128x128xf32, #tpu.memory_space<vmem_shared>>)
    %dma_wait3A_37 = arith.constant 0 : i32
    %dma_wait3A_38 = arith.constant 0 : i32
    %dma_wait3A_39 = tpu.memref_slice %arg11[%dma_wait3A_37, %dma_wait3A_38] : memref<10240x128xf32, #tpu.memory_space<vmem_shared>> -> memref<128x128xf32, #tpu.memory_space<vmem_shared>>
    %dma_wait3A_40 = arith.constant 0 : i32
    %dma_wait3A_41 = arith.constant 0 : i32
    %dma_wait3A_42 = tpu.memref_slice %arg11[%dma_wait3A_40, %dma_wait3A_41] : memref<10240x128xf32, #tpu.memory_space<vmem_shared>> -> memref<128x128xf32, #tpu.memory_space<vmem_shared>>
    tpu.wait_dma2 semaphore(%arg12 : memref<!tpu.dma_semaphore, #tpu.memory_space<semaphore_mem>>) src(%arg9 : memref<128x128xf32, #tpu.memory_space<vmem>>) dst(%dma_wait3A_42 : memref<128x128xf32, #tpu.memory_space<vmem_shared>>)
    %dma_wait3A_43 = arith.constant 0 : i32
    %dma_wait3A_44 = arith.constant 0 : i32
    %dma_wait3A_45 = tpu.memref_slice %arg11[%dma_wait3A_43, %dma_wait3A_44] : memref<10240x128xf32, #tpu.memory_space<vmem_shared>> -> memref<128x128xf32, #tpu.memory_space<vmem_shared>>
    %dma_wait3A_46 = arith.constant 0 : i32
    %dma_wait3A_47 = arith.constant 0 : i32
    %dma_wait3A_48 = tpu.memref_slice %arg11[%dma_wait3A_46, %dma_wait3A_47] : memref<10240x128xf32, #tpu.memory_space<vmem_shared>> -> memref<128x128xf32, #tpu.memory_space<vmem_shared>>
    tpu.wait_dma2 semaphore(%arg12 : memref<!tpu.dma_semaphore, #tpu.memory_space<semaphore_mem>>) src(%arg9 : memref<128x128xf32, #tpu.memory_space<vmem>>) dst(%dma_wait3A_48 : memref<128x128xf32, #tpu.memory_space<vmem_shared>>)
    %dma_wait3A_49 = arith.constant 0 : i32
    %dma_wait3A_50 = arith.constant 0 : i32
    %dma_wait3A_51 = tpu.memref_slice %arg11[%dma_wait3A_49, %dma_wait3A_50] : memref<10240x128xf32, #tpu.memory_space<vmem_shared>> -> memref<128x128xf32, #tpu.memory_space<vmem_shared>>
    %dma_wait3A_52 = arith.constant 0 : i32
    %dma_wait3A_53 = arith.constant 0 : i32
    %dma_wait3A_54 = tpu.memref_slice %arg11[%dma_wait3A_52, %dma_wait3A_53] : memref<10240x128xf32, #tpu.memory_space<vmem_shared>> -> memref<128x128xf32, #tpu.memory_space<vmem_shared>>
    tpu.wait_dma2 semaphore(%arg12 : memref<!tpu.dma_semaphore, #tpu.memory_space<semaphore_mem>>) src(%arg9 : memref<128x128xf32, #tpu.memory_space<vmem>>) dst(%dma_wait3A_54 : memref<128x128xf32, #tpu.memory_space<vmem_shared>>)
    %dma_wait3A_55 = arith.constant 0 : i32
    %dma_wait3A_56 = arith.constant 0 : i32
    %dma_wait3A_57 = tpu.memref_slice %arg11[%dma_wait3A_55, %dma_wait3A_56] : memref<10240x128xf32, #tpu.memory_space<vmem_shared>> -> memref<128x128xf32, #tpu.memory_space<vmem_shared>>
    %dma_wait3A_58 = arith.constant 0 : i32
    %dma_wait3A_59 = arith.constant 0 : i32
    %dma_wait3A_60 = tpu.memref_slice %arg11[%dma_wait3A_58, %dma_wait3A_59] : memref<10240x128xf32, #tpu.memory_space<vmem_shared>> -> memref<128x128xf32, #tpu.memory_space<vmem_shared>>
    tpu.wait_dma2 semaphore(%arg12 : memref<!tpu.dma_semaphore, #tpu.memory_space<semaphore_mem>>) src(%arg9 : memref<128x128xf32, #tpu.memory_space<vmem>>) dst(%dma_wait3A_60 : memref<128x128xf32, #tpu.memory_space<vmem_shared>>)
    %barrier3A = arith.constant 0 : index
    tpu.barrier barrier_id(%barrier3A)
    "tpu.region"() ({
      %run_scoped3A = tpu.sem_alloc : memref<!tpu.dma_semaphore, #tpu.memory_space<semaphore_mem>>
      %dma_start3A_191 = arith.constant 0 : i32
      %dma_start3A_192 = arith.constant 0 : i32
      %dma_start3A_193 = tpu.memref_slice %arg3[%add3A, %dma_start3A_191, %dma_start3A_192] : memref<32x80x128xi32, #tpu.memory_space<hbm>> -> memref<1x40x128xi32, #tpu.memory_space<hbm>>
      %dma_start3A_194 = tpu.memref_squeeze %dma_start3A_193 : memref<1x40x128xi32, #tpu.memory_space<hbm>> -> memref<40x128xi32, #tpu.memory_space<hbm>>
      %dma_start3A_195 = arith.constant 0 : i32
      %dma_start3A_196 = arith.constant 0 : i32
      %dma_start3A_197 = tpu.memref_slice %arg3[%add3A, %dma_start3A_195, %dma_start3A_196] : memref<32x80x128xi32, #tpu.memory_space<hbm>> -> memref<1x40x128xi32, #tpu.memory_space<hbm>>
      %dma_start3A_198 = tpu.memref_squeeze %dma_start3A_197 : memref<1x40x128xi32, #tpu.memory_space<hbm>> -> memref<40x128xi32, #tpu.memory_space<hbm>>
      tpu.enqueue_dma source(%dma_start3A_198 : memref<40x128xi32, #tpu.memory_space<hbm>>) target(%arg7 : memref<40x128xi32, #tpu.memory_space<vmem>>) target_semaphore(%run_scoped3A : memref<!tpu.dma_semaphore, #tpu.memory_space<semaphore_mem>>)
      %dma_wait3A_199 = arith.constant 0 : i32
      %dma_wait3A_200 = arith.constant 0 : i32
      %dma_wait3A_201 = tpu.memref_slice %arg3[%add3A, %dma_wait3A_199, %dma_wait3A_200] : memref<32x80x128xi32, #tpu.memory_space<hbm>> -> memref<1x40x128xi32, #tpu.memory_space<hbm>>
      %dma_wait3A_202 = tpu.memref_squeeze %dma_wait3A_201 : memref<1x40x128xi32, #tpu.memory_space<hbm>> -> memref<40x128xi32, #tpu.memory_space<hbm>>
      %dma_wait3A_203 = arith.constant 0 : i32
      %dma_wait3A_204 = arith.constant 0 : i32
      %dma_wait3A_205 = tpu.memref_slice %arg3[%add3A, %dma_wait3A_203, %dma_wait3A_204] : memref<32x80x128xi32, #tpu.memory_space<hbm>> -> memref<1x40x128xi32, #tpu.memory_space<hbm>>
      %dma_wait3A_206 = tpu.memref_squeeze %dma_wait3A_205 : memref<1x40x128xi32, #tpu.memory_space<hbm>> -> memref<40x128xi32, #tpu.memory_space<hbm>>
      tpu.wait_dma2 semaphore(%run_scoped3A : memref<!tpu.dma_semaphore, #tpu.memory_space<semaphore_mem>>) src(%dma_wait3A_206 : memref<40x128xi32, #tpu.memory_space<hbm>>) dst(%arg7 : memref<40x128xi32, #tpu.memory_space<vmem>>)
      tpu.yield
    }) : () -> ()
    "tpu.region"() ({
      %run_scoped3A = tpu.sem_alloc : memref<!tpu.dma_semaphore, #tpu.memory_space<semaphore_mem>>
      %dma_start3A_191 = arith.constant 0 : i32
      %dma_start3A_192 = arith.constant 0 : i32
      %dma_start3A_193 = tpu.memref_slice %arg4[%add3A, %dma_start3A_191, %dma_start3A_192] : memref<32x80x128xi32, #tpu.memory_space<hbm>> -> memref<1x40x128xi32, #tpu.memory_space<hbm>>
      %dma_start3A_194 = tpu.memref_squeeze %dma_start3A_193 : memref<1x40x128xi32, #tpu.memory_space<hbm>> -> memref<40x128xi32, #tpu.memory_space<hbm>>
      %dma_start3A_195 = arith.constant 0 : i32
      %dma_start3A_196 = arith.constant 0 : i32
      %dma_start3A_197 = tpu.memref_slice %arg4[%add3A, %dma_start3A_195, %dma_start3A_196] : memref<32x80x128xi32, #tpu.memory_space<hbm>> -> memref<1x40x128xi32, #tpu.memory_space<hbm>>
      %dma_start3A_198 = tpu.memref_squeeze %dma_start3A_197 : memref<1x40x128xi32, #tpu.memory_space<hbm>> -> memref<40x128xi32, #tpu.memory_space<hbm>>
      tpu.enqueue_dma source(%dma_start3A_198 : memref<40x128xi32, #tpu.memory_space<hbm>>) target(%arg8 : memref<40x128xi32, #tpu.memory_space<vmem>>) target_semaphore(%run_scoped3A : memref<!tpu.dma_semaphore, #tpu.memory_space<semaphore_mem>>)
      %dma_wait3A_199 = arith.constant 0 : i32
      %dma_wait3A_200 = arith.constant 0 : i32
      %dma_wait3A_201 = tpu.memref_slice %arg4[%add3A, %dma_wait3A_199, %dma_wait3A_200] : memref<32x80x128xi32, #tpu.memory_space<hbm>> -> memref<1x40x128xi32, #tpu.memory_space<hbm>>
      %dma_wait3A_202 = tpu.memref_squeeze %dma_wait3A_201 : memref<1x40x128xi32, #tpu.memory_space<hbm>> -> memref<40x128xi32, #tpu.memory_space<hbm>>
      %dma_wait3A_203 = arith.constant 0 : i32
      %dma_wait3A_204 = arith.constant 0 : i32
      %dma_wait3A_205 = tpu.memref_slice %arg4[%add3A, %dma_wait3A_203, %dma_wait3A_204] : memref<32x80x128xi32, #tpu.memory_space<hbm>> -> memref<1x40x128xi32, #tpu.memory_space<hbm>>
      %dma_wait3A_206 = tpu.memref_squeeze %dma_wait3A_205 : memref<1x40x128xi32, #tpu.memory_space<hbm>> -> memref<40x128xi32, #tpu.memory_space<hbm>>
      tpu.wait_dma2 semaphore(%run_scoped3A : memref<!tpu.dma_semaphore, #tpu.memory_space<semaphore_mem>>) src(%dma_wait3A_206 : memref<40x128xi32, #tpu.memory_space<hbm>>) dst(%arg8 : memref<40x128xi32, #tpu.memory_space<vmem>>)
      tpu.yield
    }) : () -> ()
    %dma_start3A_61 = arith.constant 0 : i32
    %dma_start3A_62 = arith.constant 0 : i32
    %dma_start3A_63 = tpu.memref_slice %arg7[%dma_start3A_61, %dma_start3A_62] : memref<40x128xi32, #tpu.memory_space<vmem>> -> memref<1x128xi32, #tpu.memory_space<vmem>>
    %dma_start3A_64 = tpu.memref_squeeze %dma_start3A_63 : memref<1x128xi32, #tpu.memory_space<vmem>> -> memref<128xi32, #tpu.memory_space<vmem>>
    %dma_start3A_65 = arith.constant 0 : i32
    %dma_start3A_66 = arith.constant 0 : i32
    %dma_start3A_67 = tpu.memref_slice %arg2[%dma_start3A_65, %dma_start3A_66] : memref<10000x128xf32, #tpu.memory_space<hbm>> -> memref<10000x128xf32, #tpu.memory_space<hbm>>
    tpu.enqueue_indirect_dma source(%dma_start3A_67 : memref<10000x128xf32, #tpu.memory_space<hbm>>) target(%arg9 : memref<128x128xf32, #tpu.memory_space<vmem>>) offsets(%dma_start3A_64 : memref<128xi32, #tpu.memory_space<vmem>>) semaphore(%arg12 : memref<!tpu.dma_semaphore, #tpu.memory_space<semaphore_mem>>)
    %dma_start3A_68 = arith.constant 1 : i32
    %dma_start3A_69 = arith.constant 0 : i32
    %dma_start3A_70 = tpu.memref_slice %arg7[%dma_start3A_68, %dma_start3A_69] : memref<40x128xi32, #tpu.memory_space<vmem>> -> memref<1x128xi32, #tpu.memory_space<vmem>>
    %dma_start3A_71 = tpu.memref_squeeze %dma_start3A_70 : memref<1x128xi32, #tpu.memory_space<vmem>> -> memref<128xi32, #tpu.memory_space<vmem>>
    %dma_start3A_72 = arith.constant 0 : i32
    %dma_start3A_73 = arith.constant 0 : i32
    %dma_start3A_74 = tpu.memref_slice %arg2[%dma_start3A_72, %dma_start3A_73] : memref<10000x128xf32, #tpu.memory_space<hbm>> -> memref<10000x128xf32, #tpu.memory_space<hbm>>
    tpu.enqueue_indirect_dma source(%dma_start3A_74 : memref<10000x128xf32, #tpu.memory_space<hbm>>) target(%arg10 : memref<128x128xf32, #tpu.memory_space<vmem>>) offsets(%dma_start3A_71 : memref<128xi32, #tpu.memory_space<vmem>>) semaphore(%arg13 : memref<!tpu.dma_semaphore, #tpu.memory_space<semaphore_mem>>)
    %scan3A = arith.constant 0 : i32
    %scan3A_75 = arith.constant 0 : i32
    %scan3A_76 = arith.constant 20 : i32
    %scan3A_77 = arith.addi %scan3A_75, %scan3A_76 : i32
    %scan3A_78 = arith.constant 1 : i32
    scf.for %scan3A_191 = %scan3A_75 to %scan3A_77 step %scan3A_78  : i32 {
      %mul3A_192 = arith.constant 2 : i32
      %mul3A_193 = arith.muli %mul3A_192, %scan3A_191 : i32
      %mul3A_194 = arith.constant 2 : i32
      %mul3A_195 = arith.muli %mul3A_194, %scan3A_191 : i32
      %add3A_196 = arith.constant 1 : i32
      %add3A_197 = arith.addi %mul3A_195, %add3A_196 : i32
      %dma_wait3A_198 = arith.constant 0 : i32
      %dma_wait3A_199 = arith.constant 0 : i32
      %dma_wait3A_200 = tpu.memref_slice %arg2[%dma_wait3A_198, %dma_wait3A_199] : memref<10000x128xf32, #tpu.memory_space<hbm>> -> memref<128x128xf32, #tpu.memory_space<hbm>>
      %dma_wait3A_201 = arith.constant 0 : i32
      %dma_wait3A_202 = arith.constant 0 : i32
      %dma_wait3A_203 = tpu.memref_slice %arg2[%dma_wait3A_201, %dma_wait3A_202] : memref<10000x128xf32, #tpu.memory_space<hbm>> -> memref<128x128xf32, #tpu.memory_space<hbm>>
      tpu.wait_dma2 semaphore(%arg12 : memref<!tpu.dma_semaphore, #tpu.memory_space<semaphore_mem>>) src(%dma_wait3A_203 : memref<128x128xf32, #tpu.memory_space<hbm>>) dst(%arg9 : memref<128x128xf32, #tpu.memory_space<vmem>>)
      "tpu.region"() ({
        %run_scoped3A = tpu.sem_alloc : memref<!tpu.dma_semaphore, #tpu.memory_space<semaphore_mem>>
        %dma_start3A_221 = arith.constant 0 : i32
        %dma_start3A_222 = tpu.memref_slice %arg8[%mul3A_193, %dma_start3A_221] : memref<40x128xi32, #tpu.memory_space<vmem>> -> memref<1x128xi32, #tpu.memory_space<vmem>>
        %dma_start3A_223 = tpu.memref_squeeze %dma_start3A_222 : memref<1x128xi32, #tpu.memory_space<vmem>> -> memref<128xi32, #tpu.memory_space<vmem>>
        %dma_start3A_224 = arith.constant 0 : i32
        %dma_start3A_225 = arith.constant 0 : i32
        %dma_start3A_226 = tpu.memref_slice %arg11[%dma_start3A_224, %dma_start3A_225] : memref<10240x128xf32, #tpu.memory_space<vmem_shared>> -> memref<10240x128xf32, #tpu.memory_space<vmem_shared>>
        tpu.enqueue_indirect_dma source(%arg9 : memref<128x128xf32, #tpu.memory_space<vmem>>) target(%dma_start3A_226 : memref<10240x128xf32, #tpu.memory_space<vmem_shared>>) offsets(%dma_start3A_223 : memref<128xi32, #tpu.memory_space<vmem>>) semaphore(%run_scoped3A : memref<!tpu.dma_semaphore, #tpu.memory_space<semaphore_mem>>) {add = true}
        %dma_wait3A_227 = arith.constant 0 : i32
        %dma_wait3A_228 = tpu.memref_slice %arg8[%mul3A_193, %dma_wait3A_227] : memref<40x128xi32, #tpu.memory_space<vmem>> -> memref<1x128xi32, #tpu.memory_space<vmem>>
        %dma_wait3A_229 = tpu.memref_squeeze %dma_wait3A_228 : memref<1x128xi32, #tpu.memory_space<vmem>> -> memref<128xi32, #tpu.memory_space<vmem>>
        %dma_wait3A_230 = arith.constant 0 : i32
        %dma_wait3A_231 = arith.constant 0 : i32
        %dma_wait3A_232 = tpu.memref_slice %arg11[%dma_wait3A_230, %dma_wait3A_231] : memref<10240x128xf32, #tpu.memory_space<vmem_shared>> -> memref<10240x128xf32, #tpu.memory_space<vmem_shared>>
        tpu.wait_indirect_dma semaphore(%run_scoped3A : memref<!tpu.dma_semaphore, #tpu.memory_space<semaphore_mem>>) src(%arg9 : memref<128x128xf32, #tpu.memory_space<vmem>>) dst(%dma_wait3A_232 : memref<10240x128xf32, #tpu.memory_space<vmem_shared>>)
        tpu.yield
      }) : () -> ()
      %add3A_204 = arith.constant 2 : i32
      %add3A_205 = arith.addi %mul3A_193, %add3A_204 : i32
      %lt3A = arith.constant 40 : i32
      %lt3A_206 = arith.cmpi slt, %add3A_205, %lt3A : i32
      %convert_element_type3A = arith.extui %lt3A_206 : i1 to i32
      %cond3A = arith.constant 0 : i32
      %cond3A_207 = arith.cmpi ne, %convert_element_type3A, %cond3A : i32
      scf.if %cond3A_207 {
        %add3A_221 = arith.constant 2 : i32
        %add3A_222 = arith.addi %mul3A_193, %add3A_221 : i32
        %dma_start3A_223 = arith.constant 0 : i32
        %dma_start3A_224 = tpu.memref_slice %arg7[%add3A_222, %dma_start3A_223] : memref<40x128xi32, #tpu.memory_space<vmem>> -> memref<1x128xi32, #tpu.memory_space<vmem>>
        %dma_start3A_225 = tpu.memref_squeeze %dma_start3A_224 : memref<1x128xi32, #tpu.memory_space<vmem>> -> memref<128xi32, #tpu.memory_space<vmem>>
        %dma_start3A_226 = arith.constant 0 : i32
        %dma_start3A_227 = arith.constant 0 : i32
        %dma_start3A_228 = tpu.memref_slice %arg2[%dma_start3A_226, %dma_start3A_227] : memref<10000x128xf32, #tpu.memory_space<hbm>> -> memref<10000x128xf32, #tpu.memory_space<hbm>>
        tpu.enqueue_indirect_dma source(%dma_start3A_228 : memref<10000x128xf32, #tpu.memory_space<hbm>>) target(%arg9 : memref<128x128xf32, #tpu.memory_space<vmem>>) offsets(%dma_start3A_225 : memref<128xi32, #tpu.memory_space<vmem>>) semaphore(%arg12 : memref<!tpu.dma_semaphore, #tpu.memory_space<semaphore_mem>>)
      } else {
      }
      %dma_wait3A_208 = arith.constant 0 : i32
      %dma_wait3A_209 = arith.constant 0 : i32
      %dma_wait3A_210 = tpu.memref_slice %arg2[%dma_wait3A_208, %dma_wait3A_209] : memref<10000x128xf32, #tpu.memory_space<hbm>> -> memref<128x128xf32, #tpu.memory_space<hbm>>
      %dma_wait3A_211 = arith.constant 0 : i32
      %dma_wait3A_212 = arith.constant 0 : i32
      %dma_wait3A_213 = tpu.memref_slice %arg2[%dma_wait3A_211, %dma_wait3A_212] : memref<10000x128xf32, #tpu.memory_space<hbm>> -> memref<128x128xf32, #tpu.memory_space<hbm>>
      tpu.wait_dma2 semaphore(%arg13 : memref<!tpu.dma_semaphore, #tpu.memory_space<semaphore_mem>>) src(%dma_wait3A_213 : memref<128x128xf32, #tpu.memory_space<hbm>>) dst(%arg10 : memref<128x128xf32, #tpu.memory_space<vmem>>)
      "tpu.region"() ({
        %run_scoped3A = tpu.sem_alloc : memref<!tpu.dma_semaphore, #tpu.memory_space<semaphore_mem>>
        %dma_start3A_221 = arith.constant 0 : i32
        %dma_start3A_222 = tpu.memref_slice %arg8[%add3A_197, %dma_start3A_221] : memref<40x128xi32, #tpu.memory_space<vmem>> -> memref<1x128xi32, #tpu.memory_space<vmem>>
        %dma_start3A_223 = tpu.memref_squeeze %dma_start3A_222 : memref<1x128xi32, #tpu.memory_space<vmem>> -> memref<128xi32, #tpu.memory_space<vmem>>
        %dma_start3A_224 = arith.constant 0 : i32
        %dma_start3A_225 = arith.constant 0 : i32
        %dma_start3A_226 = tpu.memref_slice %arg11[%dma_start3A_224, %dma_start3A_225] : memref<10240x128xf32, #tpu.memory_space<vmem_shared>> -> memref<10240x128xf32, #tpu.memory_space<vmem_shared>>
        tpu.enqueue_indirect_dma source(%arg10 : memref<128x128xf32, #tpu.memory_space<vmem>>) target(%dma_start3A_226 : memref<10240x128xf32, #tpu.memory_space<vmem_shared>>) offsets(%dma_start3A_223 : memref<128xi32, #tpu.memory_space<vmem>>) semaphore(%run_scoped3A : memref<!tpu.dma_semaphore, #tpu.memory_space<semaphore_mem>>) {add = true}
        %dma_wait3A_227 = arith.constant 0 : i32
        %dma_wait3A_228 = tpu.memref_slice %arg8[%add3A_197, %dma_wait3A_227] : memref<40x128xi32, #tpu.memory_space<vmem>> -> memref<1x128xi32, #tpu.memory_space<vmem>>
        %dma_wait3A_229 = tpu.memref_squeeze %dma_wait3A_228 : memref<1x128xi32, #tpu.memory_space<vmem>> -> memref<128xi32, #tpu.memory_space<vmem>>
        %dma_wait3A_230 = arith.constant 0 : i32
        %dma_wait3A_231 = arith.constant 0 : i32
        %dma_wait3A_232 = tpu.memref_slice %arg11[%dma_wait3A_230, %dma_wait3A_231] : memref<10240x128xf32, #tpu.memory_space<vmem_shared>> -> memref<10240x128xf32, #tpu.memory_space<vmem_shared>>
        tpu.wait_indirect_dma semaphore(%run_scoped3A : memref<!tpu.dma_semaphore, #tpu.memory_space<semaphore_mem>>) src(%arg10 : memref<128x128xf32, #tpu.memory_space<vmem>>) dst(%dma_wait3A_232 : memref<10240x128xf32, #tpu.memory_space<vmem_shared>>)
        tpu.yield
      }) : () -> ()
      %add3A_214 = arith.constant 2 : i32
      %add3A_215 = arith.addi %add3A_197, %add3A_214 : i32
      %lt3A_216 = arith.constant 40 : i32
      %lt3A_217 = arith.cmpi slt, %add3A_215, %lt3A_216 : i32
      %convert_element_type3A_218 = arith.extui %lt3A_217 : i1 to i32
      %cond3A_219 = arith.constant 0 : i32
      %cond3A_220 = arith.cmpi ne, %convert_element_type3A_218, %cond3A_219 : i32
      scf.if %cond3A_220 {
        %add3A_221 = arith.constant 2 : i32
        %add3A_222 = arith.addi %add3A_197, %add3A_221 : i32
        %dma_start3A_223 = arith.constant 0 : i32
        %dma_start3A_224 = tpu.memref_slice %arg7[%add3A_222, %dma_start3A_223] : memref<40x128xi32, #tpu.memory_space<vmem>> -> memref<1x128xi32, #tpu.memory_space<vmem>>
        %dma_start3A_225 = tpu.memref_squeeze %dma_start3A_224 : memref<1x128xi32, #tpu.memory_space<vmem>> -> memref<128xi32, #tpu.memory_space<vmem>>
        %dma_start3A_226 = arith.constant 0 : i32
        %dma_start3A_227 = arith.constant 0 : i32
        %dma_start3A_228 = tpu.memref_slice %arg2[%dma_start3A_226, %dma_start3A_227] : memref<10000x128xf32, #tpu.memory_space<hbm>> -> memref<10000x128xf32, #tpu.memory_space<hbm>>
        tpu.enqueue_indirect_dma source(%dma_start3A_228 : memref<10000x128xf32, #tpu.memory_space<hbm>>) target(%arg10 : memref<128x128xf32, #tpu.memory_space<vmem>>) offsets(%dma_start3A_225 : memref<128xi32, #tpu.memory_space<vmem>>) semaphore(%arg13 : memref<!tpu.dma_semaphore, #tpu.memory_space<semaphore_mem>>)
      } else {
      }
    }
    %scan3A_79 = arith.constant 20 : i32
    "tpu.region"() ({
      %run_scoped3A = tpu.sem_alloc : memref<!tpu.dma_semaphore, #tpu.memory_space<semaphore_mem>>
      %dma_start3A_191 = arith.constant 40 : i32
      %dma_start3A_192 = arith.constant 0 : i32
      %dma_start3A_193 = tpu.memref_slice %arg3[%add3A, %dma_start3A_191, %dma_start3A_192] : memref<32x80x128xi32, #tpu.memory_space<hbm>> -> memref<1x40x128xi32, #tpu.memory_space<hbm>>
      %dma_start3A_194 = tpu.memref_squeeze %dma_start3A_193 : memref<1x40x128xi32, #tpu.memory_space<hbm>> -> memref<40x128xi32, #tpu.memory_space<hbm>>
      %dma_start3A_195 = arith.constant 40 : i32
      %dma_start3A_196 = arith.constant 0 : i32
      %dma_start3A_197 = tpu.memref_slice %arg3[%add3A, %dma_start3A_195, %dma_start3A_196] : memref<32x80x128xi32, #tpu.memory_space<hbm>> -> memref<1x40x128xi32, #tpu.memory_space<hbm>>
      %dma_start3A_198 = tpu.memref_squeeze %dma_start3A_197 : memref<1x40x128xi32, #tpu.memory_space<hbm>> -> memref<40x128xi32, #tpu.memory_space<hbm>>
      tpu.enqueue_dma source(%dma_start3A_198 : memref<40x128xi32, #tpu.memory_space<hbm>>) target(%arg7 : memref<40x128xi32, #tpu.memory_space<vmem>>) target_semaphore(%run_scoped3A : memref<!tpu.dma_semaphore, #tpu.memory_space<semaphore_mem>>)
      %dma_wait3A_199 = arith.constant 40 : i32
      %dma_wait3A_200 = arith.constant 0 : i32
      %dma_wait3A_201 = tpu.memref_slice %arg3[%add3A, %dma_wait3A_199, %dma_wait3A_200] : memref<32x80x128xi32, #tpu.memory_space<hbm>> -> memref<1x40x128xi32, #tpu.memory_space<hbm>>
      %dma_wait3A_202 = tpu.memref_squeeze %dma_wait3A_201 : memref<1x40x128xi32, #tpu.memory_space<hbm>> -> memref<40x128xi32, #tpu.memory_space<hbm>>
      %dma_wait3A_203 = arith.constant 40 : i32
      %dma_wait3A_204 = arith.constant 0 : i32
      %dma_wait3A_205 = tpu.memref_slice %arg3[%add3A, %dma_wait3A_203, %dma_wait3A_204] : memref<32x80x128xi32, #tpu.memory_space<hbm>> -> memref<1x40x128xi32, #tpu.memory_space<hbm>>
      %dma_wait3A_206 = tpu.memref_squeeze %dma_wait3A_205 : memref<1x40x128xi32, #tpu.memory_space<hbm>> -> memref<40x128xi32, #tpu.memory_space<hbm>>
      tpu.wait_dma2 semaphore(%run_scoped3A : memref<!tpu.dma_semaphore, #tpu.memory_space<semaphore_mem>>) src(%dma_wait3A_206 : memref<40x128xi32, #tpu.memory_space<hbm>>) dst(%arg7 : memref<40x128xi32, #tpu.memory_space<vmem>>)
      tpu.yield
    }) : () -> ()
    "tpu.region"() ({
      %run_scoped3A = tpu.sem_alloc : memref<!tpu.dma_semaphore, #tpu.memory_space<semaphore_mem>>
      %dma_start3A_191 = arith.constant 40 : i32
      %dma_start3A_192 = arith.constant 0 : i32
      %dma_start3A_193 = tpu.memref_slice %arg4[%add3A, %dma_start3A_191, %dma_start3A_192] : memref<32x80x128xi32, #tpu.memory_space<hbm>> -> memref<1x40x128xi32, #tpu.memory_space<hbm>>
      %dma_start3A_194 = tpu.memref_squeeze %dma_start3A_193 : memref<1x40x128xi32, #tpu.memory_space<hbm>> -> memref<40x128xi32, #tpu.memory_space<hbm>>
      %dma_start3A_195 = arith.constant 40 : i32
      %dma_start3A_196 = arith.constant 0 : i32
      %dma_start3A_197 = tpu.memref_slice %arg4[%add3A, %dma_start3A_195, %dma_start3A_196] : memref<32x80x128xi32, #tpu.memory_space<hbm>> -> memref<1x40x128xi32, #tpu.memory_space<hbm>>
      %dma_start3A_198 = tpu.memref_squeeze %dma_start3A_197 : memref<1x40x128xi32, #tpu.memory_space<hbm>> -> memref<40x128xi32, #tpu.memory_space<hbm>>
      tpu.enqueue_dma source(%dma_start3A_198 : memref<40x128xi32, #tpu.memory_space<hbm>>) target(%arg8 : memref<40x128xi32, #tpu.memory_space<vmem>>) target_semaphore(%run_scoped3A : memref<!tpu.dma_semaphore, #tpu.memory_space<semaphore_mem>>)
      %dma_wait3A_199 = arith.constant 40 : i32
      %dma_wait3A_200 = arith.constant 0 : i32
      %dma_wait3A_201 = tpu.memref_slice %arg4[%add3A, %dma_wait3A_199, %dma_wait3A_200] : memref<32x80x128xi32, #tpu.memory_space<hbm>> -> memref<1x40x128xi32, #tpu.memory_space<hbm>>
      %dma_wait3A_202 = tpu.memref_squeeze %dma_wait3A_201 : memref<1x40x128xi32, #tpu.memory_space<hbm>> -> memref<40x128xi32, #tpu.memory_space<hbm>>
      %dma_wait3A_203 = arith.constant 40 : i32
      %dma_wait3A_204 = arith.constant 0 : i32
      %dma_wait3A_205 = tpu.memref_slice %arg4[%add3A, %dma_wait3A_203, %dma_wait3A_204] : memref<32x80x128xi32, #tpu.memory_space<hbm>> -> memref<1x40x128xi32, #tpu.memory_space<hbm>>
      %dma_wait3A_206 = tpu.memref_squeeze %dma_wait3A_205 : memref<1x40x128xi32, #tpu.memory_space<hbm>> -> memref<40x128xi32, #tpu.memory_space<hbm>>
      tpu.wait_dma2 semaphore(%run_scoped3A : memref<!tpu.dma_semaphore, #tpu.memory_space<semaphore_mem>>) src(%dma_wait3A_206 : memref<40x128xi32, #tpu.memory_space<hbm>>) dst(%arg8 : memref<40x128xi32, #tpu.memory_space<vmem>>)
      tpu.yield
    }) : () -> ()
    %dma_start3A_80 = arith.constant 0 : i32
    %dma_start3A_81 = arith.constant 0 : i32
    %dma_start3A_82 = tpu.memref_slice %arg7[%dma_start3A_80, %dma_start3A_81] : memref<40x128xi32, #tpu.memory_space<vmem>> -> memref<1x128xi32, #tpu.memory_space<vmem>>
    %dma_start3A_83 = tpu.memref_squeeze %dma_start3A_82 : memref<1x128xi32, #tpu.memory_space<vmem>> -> memref<128xi32, #tpu.memory_space<vmem>>
    %dma_start3A_84 = arith.constant 0 : i32
    %dma_start3A_85 = arith.constant 0 : i32
    %dma_start3A_86 = tpu.memref_slice %arg2[%dma_start3A_84, %dma_start3A_85] : memref<10000x128xf32, #tpu.memory_space<hbm>> -> memref<10000x128xf32, #tpu.memory_space<hbm>>
    tpu.enqueue_indirect_dma source(%dma_start3A_86 : memref<10000x128xf32, #tpu.memory_space<hbm>>) target(%arg9 : memref<128x128xf32, #tpu.memory_space<vmem>>) offsets(%dma_start3A_83 : memref<128xi32, #tpu.memory_space<vmem>>) semaphore(%arg12 : memref<!tpu.dma_semaphore, #tpu.memory_space<semaphore_mem>>)
    %dma_start3A_87 = arith.constant 1 : i32
    %dma_start3A_88 = arith.constant 0 : i32
    %dma_start3A_89 = tpu.memref_slice %arg7[%dma_start3A_87, %dma_start3A_88] : memref<40x128xi32, #tpu.memory_space<vmem>> -> memref<1x128xi32, #tpu.memory_space<vmem>>
    %dma_start3A_90 = tpu.memref_squeeze %dma_start3A_89 : memref<1x128xi32, #tpu.memory_space<vmem>> -> memref<128xi32, #tpu.memory_space<vmem>>
    %dma_start3A_91 = arith.constant 0 : i32
    %dma_start3A_92 = arith.constant 0 : i32
    %dma_start3A_93 = tpu.memref_slice %arg2[%dma_start3A_91, %dma_start3A_92] : memref<10000x128xf32, #tpu.memory_space<hbm>> -> memref<10000x128xf32, #tpu.memory_space<hbm>>
    tpu.enqueue_indirect_dma source(%dma_start3A_93 : memref<10000x128xf32, #tpu.memory_space<hbm>>) target(%arg10 : memref<128x128xf32, #tpu.memory_space<vmem>>) offsets(%dma_start3A_90 : memref<128xi32, #tpu.memory_space<vmem>>) semaphore(%arg13 : memref<!tpu.dma_semaphore, #tpu.memory_space<semaphore_mem>>)
    %scan3A_94 = arith.constant 0 : i32
    %scan3A_95 = arith.constant 0 : i32
    %scan3A_96 = arith.constant 20 : i32
    %scan3A_97 = arith.addi %scan3A_95, %scan3A_96 : i32
    %scan3A_98 = arith.constant 1 : i32
    scf.for %scan3A_191 = %scan3A_95 to %scan3A_97 step %scan3A_98  : i32 {
      %mul3A_192 = arith.constant 2 : i32
      %mul3A_193 = arith.muli %mul3A_192, %scan3A_191 : i32
      %mul3A_194 = arith.constant 2 : i32
      %mul3A_195 = arith.muli %mul3A_194, %scan3A_191 : i32
      %add3A_196 = arith.constant 1 : i32
      %add3A_197 = arith.addi %mul3A_195, %add3A_196 : i32
      %dma_wait3A_198 = arith.constant 0 : i32
      %dma_wait3A_199 = arith.constant 0 : i32
      %dma_wait3A_200 = tpu.memref_slice %arg2[%dma_wait3A_198, %dma_wait3A_199] : memref<10000x128xf32, #tpu.memory_space<hbm>> -> memref<128x128xf32, #tpu.memory_space<hbm>>
      %dma_wait3A_201 = arith.constant 0 : i32
      %dma_wait3A_202 = arith.constant 0 : i32
      %dma_wait3A_203 = tpu.memref_slice %arg2[%dma_wait3A_201, %dma_wait3A_202] : memref<10000x128xf32, #tpu.memory_space<hbm>> -> memref<128x128xf32, #tpu.memory_space<hbm>>
      tpu.wait_dma2 semaphore(%arg12 : memref<!tpu.dma_semaphore, #tpu.memory_space<semaphore_mem>>) src(%dma_wait3A_203 : memref<128x128xf32, #tpu.memory_space<hbm>>) dst(%arg9 : memref<128x128xf32, #tpu.memory_space<vmem>>)
      "tpu.region"() ({
        %run_scoped3A = tpu.sem_alloc : memref<!tpu.dma_semaphore, #tpu.memory_space<semaphore_mem>>
        %dma_start3A_221 = arith.constant 0 : i32
        %dma_start3A_222 = tpu.memref_slice %arg8[%mul3A_193, %dma_start3A_221] : memref<40x128xi32, #tpu.memory_space<vmem>> -> memref<1x128xi32, #tpu.memory_space<vmem>>
        %dma_start3A_223 = tpu.memref_squeeze %dma_start3A_222 : memref<1x128xi32, #tpu.memory_space<vmem>> -> memref<128xi32, #tpu.memory_space<vmem>>
        %dma_start3A_224 = arith.constant 0 : i32
        %dma_start3A_225 = arith.constant 0 : i32
        %dma_start3A_226 = tpu.memref_slice %arg11[%dma_start3A_224, %dma_start3A_225] : memref<10240x128xf32, #tpu.memory_space<vmem_shared>> -> memref<10240x128xf32, #tpu.memory_space<vmem_shared>>
        tpu.enqueue_indirect_dma source(%arg9 : memref<128x128xf32, #tpu.memory_space<vmem>>) target(%dma_start3A_226 : memref<10240x128xf32, #tpu.memory_space<vmem_shared>>) offsets(%dma_start3A_223 : memref<128xi32, #tpu.memory_space<vmem>>) semaphore(%run_scoped3A : memref<!tpu.dma_semaphore, #tpu.memory_space<semaphore_mem>>) {add = true}
        %dma_wait3A_227 = arith.constant 0 : i32
        %dma_wait3A_228 = tpu.memref_slice %arg8[%mul3A_193, %dma_wait3A_227] : memref<40x128xi32, #tpu.memory_space<vmem>> -> memref<1x128xi32, #tpu.memory_space<vmem>>
        %dma_wait3A_229 = tpu.memref_squeeze %dma_wait3A_228 : memref<1x128xi32, #tpu.memory_space<vmem>> -> memref<128xi32, #tpu.memory_space<vmem>>
        %dma_wait3A_230 = arith.constant 0 : i32
        %dma_wait3A_231 = arith.constant 0 : i32
        %dma_wait3A_232 = tpu.memref_slice %arg11[%dma_wait3A_230, %dma_wait3A_231] : memref<10240x128xf32, #tpu.memory_space<vmem_shared>> -> memref<10240x128xf32, #tpu.memory_space<vmem_shared>>
        tpu.wait_indirect_dma semaphore(%run_scoped3A : memref<!tpu.dma_semaphore, #tpu.memory_space<semaphore_mem>>) src(%arg9 : memref<128x128xf32, #tpu.memory_space<vmem>>) dst(%dma_wait3A_232 : memref<10240x128xf32, #tpu.memory_space<vmem_shared>>)
        tpu.yield
      }) : () -> ()
      %add3A_204 = arith.constant 2 : i32
      %add3A_205 = arith.addi %mul3A_193, %add3A_204 : i32
      %lt3A = arith.constant 40 : i32
      %lt3A_206 = arith.cmpi slt, %add3A_205, %lt3A : i32
      %convert_element_type3A = arith.extui %lt3A_206 : i1 to i32
      %cond3A = arith.constant 0 : i32
      %cond3A_207 = arith.cmpi ne, %convert_element_type3A, %cond3A : i32
      scf.if %cond3A_207 {
        %add3A_221 = arith.constant 2 : i32
        %add3A_222 = arith.addi %mul3A_193, %add3A_221 : i32
        %dma_start3A_223 = arith.constant 0 : i32
        %dma_start3A_224 = tpu.memref_slice %arg7[%add3A_222, %dma_start3A_223] : memref<40x128xi32, #tpu.memory_space<vmem>> -> memref<1x128xi32, #tpu.memory_space<vmem>>
        %dma_start3A_225 = tpu.memref_squeeze %dma_start3A_224 : memref<1x128xi32, #tpu.memory_space<vmem>> -> memref<128xi32, #tpu.memory_space<vmem>>
        %dma_start3A_226 = arith.constant 0 : i32
        %dma_start3A_227 = arith.constant 0 : i32
        %dma_start3A_228 = tpu.memref_slice %arg2[%dma_start3A_226, %dma_start3A_227] : memref<10000x128xf32, #tpu.memory_space<hbm>> -> memref<10000x128xf32, #tpu.memory_space<hbm>>
        tpu.enqueue_indirect_dma source(%dma_start3A_228 : memref<10000x128xf32, #tpu.memory_space<hbm>>) target(%arg9 : memref<128x128xf32, #tpu.memory_space<vmem>>) offsets(%dma_start3A_225 : memref<128xi32, #tpu.memory_space<vmem>>) semaphore(%arg12 : memref<!tpu.dma_semaphore, #tpu.memory_space<semaphore_mem>>)
      } else {
      }
      %dma_wait3A_208 = arith.constant 0 : i32
      %dma_wait3A_209 = arith.constant 0 : i32
      %dma_wait3A_210 = tpu.memref_slice %arg2[%dma_wait3A_208, %dma_wait3A_209] : memref<10000x128xf32, #tpu.memory_space<hbm>> -> memref<128x128xf32, #tpu.memory_space<hbm>>
      %dma_wait3A_211 = arith.constant 0 : i32
      %dma_wait3A_212 = arith.constant 0 : i32
      %dma_wait3A_213 = tpu.memref_slice %arg2[%dma_wait3A_211, %dma_wait3A_212] : memref<10000x128xf32, #tpu.memory_space<hbm>> -> memref<128x128xf32, #tpu.memory_space<hbm>>
      tpu.wait_dma2 semaphore(%arg13 : memref<!tpu.dma_semaphore, #tpu.memory_space<semaphore_mem>>) src(%dma_wait3A_213 : memref<128x128xf32, #tpu.memory_space<hbm>>) dst(%arg10 : memref<128x128xf32, #tpu.memory_space<vmem>>)
      "tpu.region"() ({
        %run_scoped3A = tpu.sem_alloc : memref<!tpu.dma_semaphore, #tpu.memory_space<semaphore_mem>>
        %dma_start3A_221 = arith.constant 0 : i32
        %dma_start3A_222 = tpu.memref_slice %arg8[%add3A_197, %dma_start3A_221] : memref<40x128xi32, #tpu.memory_space<vmem>> -> memref<1x128xi32, #tpu.memory_space<vmem>>
        %dma_start3A_223 = tpu.memref_squeeze %dma_start3A_222 : memref<1x128xi32, #tpu.memory_space<vmem>> -> memref<128xi32, #tpu.memory_space<vmem>>
        %dma_start3A_224 = arith.constant 0 : i32
        %dma_start3A_225 = arith.constant 0 : i32
        %dma_start3A_226 = tpu.memref_slice %arg11[%dma_start3A_224, %dma_start3A_225] : memref<10240x128xf32, #tpu.memory_space<vmem_shared>> -> memref<10240x128xf32, #tpu.memory_space<vmem_shared>>
        tpu.enqueue_indirect_dma source(%arg10 : memref<128x128xf32, #tpu.memory_space<vmem>>) target(%dma_start3A_226 : memref<10240x128xf32, #tpu.memory_space<vmem_shared>>) offsets(%dma_start3A_223 : memref<128xi32, #tpu.memory_space<vmem>>) semaphore(%run_scoped3A : memref<!tpu.dma_semaphore, #tpu.memory_space<semaphore_mem>>) {add = true}
        %dma_wait3A_227 = arith.constant 0 : i32
        %dma_wait3A_228 = tpu.memref_slice %arg8[%add3A_197, %dma_wait3A_227] : memref<40x128xi32, #tpu.memory_space<vmem>> -> memref<1x128xi32, #tpu.memory_space<vmem>>
        %dma_wait3A_229 = tpu.memref_squeeze %dma_wait3A_228 : memref<1x128xi32, #tpu.memory_space<vmem>> -> memref<128xi32, #tpu.memory_space<vmem>>
        %dma_wait3A_230 = arith.constant 0 : i32
        %dma_wait3A_231 = arith.constant 0 : i32
        %dma_wait3A_232 = tpu.memref_slice %arg11[%dma_wait3A_230, %dma_wait3A_231] : memref<10240x128xf32, #tpu.memory_space<vmem_shared>> -> memref<10240x128xf32, #tpu.memory_space<vmem_shared>>
        tpu.wait_indirect_dma semaphore(%run_scoped3A : memref<!tpu.dma_semaphore, #tpu.memory_space<semaphore_mem>>) src(%arg10 : memref<128x128xf32, #tpu.memory_space<vmem>>) dst(%dma_wait3A_232 : memref<10240x128xf32, #tpu.memory_space<vmem_shared>>)
        tpu.yield
      }) : () -> ()
      %add3A_214 = arith.constant 2 : i32
      %add3A_215 = arith.addi %add3A_197, %add3A_214 : i32
      %lt3A_216 = arith.constant 40 : i32
      %lt3A_217 = arith.cmpi slt, %add3A_215, %lt3A_216 : i32
      %convert_element_type3A_218 = arith.extui %lt3A_217 : i1 to i32
      %cond3A_219 = arith.constant 0 : i32
      %cond3A_220 = arith.cmpi ne, %convert_element_type3A_218, %cond3A_219 : i32
      scf.if %cond3A_220 {
        %add3A_221 = arith.constant 2 : i32
        %add3A_222 = arith.addi %add3A_197, %add3A_221 : i32
        %dma_start3A_223 = arith.constant 0 : i32
        %dma_start3A_224 = tpu.memref_slice %arg7[%add3A_222, %dma_start3A_223] : memref<40x128xi32, #tpu.memory_space<vmem>> -> memref<1x128xi32, #tpu.memory_space<vmem>>
        %dma_start3A_225 = tpu.memref_squeeze %dma_start3A_224 : memref<1x128xi32, #tpu.memory_space<vmem>> -> memref<128xi32, #tpu.memory_space<vmem>>
        %dma_start3A_226 = arith.constant 0 : i32
        %dma_start3A_227 = arith.constant 0 : i32
        %dma_start3A_228 = tpu.memref_slice %arg2[%dma_start3A_226, %dma_start3A_227] : memref<10000x128xf32, #tpu.memory_space<hbm>> -> memref<10000x128xf32, #tpu.memory_space<hbm>>
        tpu.enqueue_indirect_dma source(%dma_start3A_228 : memref<10000x128xf32, #tpu.memory_space<hbm>>) target(%arg10 : memref<128x128xf32, #tpu.memory_space<vmem>>) offsets(%dma_start3A_225 : memref<128xi32, #tpu.memory_space<vmem>>) semaphore(%arg13 : memref<!tpu.dma_semaphore, #tpu.memory_space<semaphore_mem>>)
      } else {
      }
    }
    %scan3A_99 = arith.constant 20 : i32
    %barrier3A_100 = arith.constant 0 : index
    tpu.barrier barrier_id(%barrier3A_100)
    %add3A_101 = arith.constant 0 : i32
    %add3A_102 = arith.addi %mul3A_2, %add3A_101 : i32
    "tpu.region"() ({
      %run_scoped3A = tpu.sem_alloc : memref<!tpu.dma_semaphore, #tpu.memory_space<semaphore_mem>>
      %dma_start3A_191 = arith.constant 0 : i32
      %dma_start3A_192 = tpu.memref_slice %arg11[%add3A_102, %dma_start3A_191] : memref<10240x128xf32, #tpu.memory_space<vmem_shared>> -> memref<128x128xf32, #tpu.memory_space<vmem_shared>>
      %dma_start3A_193 = arith.constant 0 : i32
      %dma_start3A_194 = tpu.memref_slice %arg11[%add3A_102, %dma_start3A_193] : memref<10240x128xf32, #tpu.memory_space<vmem_shared>> -> memref<128x128xf32, #tpu.memory_space<vmem_shared>>
      tpu.enqueue_dma source(%dma_start3A_194 : memref<128x128xf32, #tpu.memory_space<vmem_shared>>) target(%arg9 : memref<128x128xf32, #tpu.memory_space<vmem>>) target_semaphore(%run_scoped3A : memref<!tpu.dma_semaphore, #tpu.memory_space<semaphore_mem>>)
      %dma_wait3A_195 = arith.constant 0 : i32
      %dma_wait3A_196 = tpu.memref_slice %arg11[%add3A_102, %dma_wait3A_195] : memref<10240x128xf32, #tpu.memory_space<vmem_shared>> -> memref<128x128xf32, #tpu.memory_space<vmem_shared>>
      %dma_wait3A_197 = arith.constant 0 : i32
      %dma_wait3A_198 = tpu.memref_slice %arg11[%add3A_102, %dma_wait3A_197] : memref<10240x128xf32, #tpu.memory_space<vmem_shared>> -> memref<128x128xf32, #tpu.memory_space<vmem_shared>>
      tpu.wait_dma2 semaphore(%run_scoped3A : memref<!tpu.dma_semaphore, #tpu.memory_space<semaphore_mem>>) src(%dma_wait3A_198 : memref<128x128xf32, #tpu.memory_space<vmem_shared>>) dst(%arg9 : memref<128x128xf32, #tpu.memory_space<vmem>>)
      tpu.yield
    }) : () -> ()
    %add3A_103 = arith.constant 0 : i32
    %add3A_104 = arith.addi %mul3A_2, %add3A_103 : i32
    %dma_start3A_105 = arith.constant 0 : i32
    %dma_start3A_106 = tpu.memref_slice %arg6[%arg0, %add3A_104, %dma_start3A_105] : memref<2x10240x128xf32, #tpu.memory_space<hbm>> -> memref<1x128x128xf32, #tpu.memory_space<hbm>>
    %dma_start3A_107 = tpu.memref_squeeze %dma_start3A_106 : memref<1x128x128xf32, #tpu.memory_space<hbm>> -> memref<128x128xf32, #tpu.memory_space<hbm>>
    %dma_start3A_108 = arith.constant 0 : i32
    %dma_start3A_109 = tpu.memref_slice %arg6[%arg0, %add3A_104, %dma_start3A_108] : memref<2x10240x128xf32, #tpu.memory_space<hbm>> -> memref<1x128x128xf32, #tpu.memory_space<hbm>>
    %dma_start3A_110 = tpu.memref_squeeze %dma_start3A_109 : memref<1x128x128xf32, #tpu.memory_space<hbm>> -> memref<128x128xf32, #tpu.memory_space<hbm>>
    tpu.enqueue_dma source(%arg9 : memref<128x128xf32, #tpu.memory_space<vmem>>) target(%dma_start3A_110 : memref<128x128xf32, #tpu.memory_space<hbm>>) target_semaphore(%arg12 : memref<!tpu.dma_semaphore, #tpu.memory_space<semaphore_mem>>)
    %add3A_111 = arith.constant 128 : i32
    %add3A_112 = arith.addi %mul3A_2, %add3A_111 : i32
    "tpu.region"() ({
      %run_scoped3A = tpu.sem_alloc : memref<!tpu.dma_semaphore, #tpu.memory_space<semaphore_mem>>
      %dma_start3A_191 = arith.constant 0 : i32
      %dma_start3A_192 = tpu.memref_slice %arg11[%add3A_112, %dma_start3A_191] : memref<10240x128xf32, #tpu.memory_space<vmem_shared>> -> memref<128x128xf32, #tpu.memory_space<vmem_shared>>
      %dma_start3A_193 = arith.constant 0 : i32
      %dma_start3A_194 = tpu.memref_slice %arg11[%add3A_112, %dma_start3A_193] : memref<10240x128xf32, #tpu.memory_space<vmem_shared>> -> memref<128x128xf32, #tpu.memory_space<vmem_shared>>
      tpu.enqueue_dma source(%dma_start3A_194 : memref<128x128xf32, #tpu.memory_space<vmem_shared>>) target(%arg10 : memref<128x128xf32, #tpu.memory_space<vmem>>) target_semaphore(%run_scoped3A : memref<!tpu.dma_semaphore, #tpu.memory_space<semaphore_mem>>)
      %dma_wait3A_195 = arith.constant 0 : i32
      %dma_wait3A_196 = tpu.memref_slice %arg11[%add3A_112, %dma_wait3A_195] : memref<10240x128xf32, #tpu.memory_space<vmem_shared>> -> memref<128x128xf32, #tpu.memory_space<vmem_shared>>
      %dma_wait3A_197 = arith.constant 0 : i32
      %dma_wait3A_198 = tpu.memref_slice %arg11[%add3A_112, %dma_wait3A_197] : memref<10240x128xf32, #tpu.memory_space<vmem_shared>> -> memref<128x128xf32, #tpu.memory_space<vmem_shared>>
      tpu.wait_dma2 semaphore(%run_scoped3A : memref<!tpu.dma_semaphore, #tpu.memory_space<semaphore_mem>>) src(%dma_wait3A_198 : memref<128x128xf32, #tpu.memory_space<vmem_shared>>) dst(%arg10 : memref<128x128xf32, #tpu.memory_space<vmem>>)
      tpu.yield
    }) : () -> ()
    %add3A_113 = arith.constant 128 : i32
    %add3A_114 = arith.addi %mul3A_2, %add3A_113 : i32
    %dma_start3A_115 = arith.constant 0 : i32
    %dma_start3A_116 = tpu.memref_slice %arg6[%arg0, %add3A_114, %dma_start3A_115] : memref<2x10240x128xf32, #tpu.memory_space<hbm>> -> memref<1x128x128xf32, #tpu.memory_space<hbm>>
    %dma_start3A_117 = tpu.memref_squeeze %dma_start3A_116 : memref<1x128x128xf32, #tpu.memory_space<hbm>> -> memref<128x128xf32, #tpu.memory_space<hbm>>
    %dma_start3A_118 = arith.constant 0 : i32
    %dma_start3A_119 = tpu.memref_slice %arg6[%arg0, %add3A_114, %dma_start3A_118] : memref<2x10240x128xf32, #tpu.memory_space<hbm>> -> memref<1x128x128xf32, #tpu.memory_space<hbm>>
    %dma_start3A_120 = tpu.memref_squeeze %dma_start3A_119 : memref<1x128x128xf32, #tpu.memory_space<hbm>> -> memref<128x128xf32, #tpu.memory_space<hbm>>
    tpu.enqueue_dma source(%arg10 : memref<128x128xf32, #tpu.memory_space<vmem>>) target(%dma_start3A_120 : memref<128x128xf32, #tpu.memory_space<hbm>>) target_semaphore(%arg13 : memref<!tpu.dma_semaphore, #tpu.memory_space<semaphore_mem>>)
    %dma_wait3A_121 = arith.constant 0 : i32
    %dma_wait3A_122 = arith.constant 0 : i32
    %dma_wait3A_123 = tpu.memref_slice %arg6[%arg0, %dma_wait3A_121, %dma_wait3A_122] : memref<2x10240x128xf32, #tpu.memory_space<hbm>> -> memref<1x128x128xf32, #tpu.memory_space<hbm>>
    %dma_wait3A_124 = tpu.memref_squeeze %dma_wait3A_123 : memref<1x128x128xf32, #tpu.memory_space<hbm>> -> memref<128x128xf32, #tpu.memory_space<hbm>>
    %dma_wait3A_125 = arith.constant 0 : i32
    %dma_wait3A_126 = arith.constant 0 : i32
    %dma_wait3A_127 = tpu.memref_slice %arg6[%arg0, %dma_wait3A_125, %dma_wait3A_126] : memref<2x10240x128xf32, #tpu.memory_space<hbm>> -> memref<1x128x128xf32, #tpu.memory_space<hbm>>
    %dma_wait3A_128 = tpu.memref_squeeze %dma_wait3A_127 : memref<1x128x128xf32, #tpu.memory_space<hbm>> -> memref<128x128xf32, #tpu.memory_space<hbm>>
    tpu.wait_dma2 semaphore(%arg12 : memref<!tpu.dma_semaphore, #tpu.memory_space<semaphore_mem>>) src(%arg9 : memref<128x128xf32, #tpu.memory_space<vmem>>) dst(%dma_wait3A_128 : memref<128x128xf32, #tpu.memory_space<hbm>>)
    %add3A_129 = arith.constant 256 : i32
    %add3A_130 = arith.addi %mul3A_2, %add3A_129 : i32
    "tpu.region"() ({
      %run_scoped3A = tpu.sem_alloc : memref<!tpu.dma_semaphore, #tpu.memory_space<semaphore_mem>>
      %dma_start3A_191 = arith.constant 0 : i32
      %dma_start3A_192 = tpu.memref_slice %arg11[%add3A_130, %dma_start3A_191] : memref<10240x128xf32, #tpu.memory_space<vmem_shared>> -> memref<128x128xf32, #tpu.memory_space<vmem_shared>>
      %dma_start3A_193 = arith.constant 0 : i32
      %dma_start3A_194 = tpu.memref_slice %arg11[%add3A_130, %dma_start3A_193] : memref<10240x128xf32, #tpu.memory_space<vmem_shared>> -> memref<128x128xf32, #tpu.memory_space<vmem_shared>>
      tpu.enqueue_dma source(%dma_start3A_194 : memref<128x128xf32, #tpu.memory_space<vmem_shared>>) target(%arg9 : memref<128x128xf32, #tpu.memory_space<vmem>>) target_semaphore(%run_scoped3A : memref<!tpu.dma_semaphore, #tpu.memory_space<semaphore_mem>>)
      %dma_wait3A_195 = arith.constant 0 : i32
      %dma_wait3A_196 = tpu.memref_slice %arg11[%add3A_130, %dma_wait3A_195] : memref<10240x128xf32, #tpu.memory_space<vmem_shared>> -> memref<128x128xf32, #tpu.memory_space<vmem_shared>>
      %dma_wait3A_197 = arith.constant 0 : i32
      %dma_wait3A_198 = tpu.memref_slice %arg11[%add3A_130, %dma_wait3A_197] : memref<10240x128xf32, #tpu.memory_space<vmem_shared>> -> memref<128x128xf32, #tpu.memory_space<vmem_shared>>
      tpu.wait_dma2 semaphore(%run_scoped3A : memref<!tpu.dma_semaphore, #tpu.memory_space<semaphore_mem>>) src(%dma_wait3A_198 : memref<128x128xf32, #tpu.memory_space<vmem_shared>>) dst(%arg9 : memref<128x128xf32, #tpu.memory_space<vmem>>)
      tpu.yield
    }) : () -> ()
    %add3A_131 = arith.constant 256 : i32
    %add3A_132 = arith.addi %mul3A_2, %add3A_131 : i32
    %dma_start3A_133 = arith.constant 0 : i32
    %dma_start3A_134 = tpu.memref_slice %arg6[%arg0, %add3A_132, %dma_start3A_133] : memref<2x10240x128xf32, #tpu.memory_space<hbm>> -> memref<1x128x128xf32, #tpu.memory_space<hbm>>
    %dma_start3A_135 = tpu.memref_squeeze %dma_start3A_134 : memref<1x128x128xf32, #tpu.memory_space<hbm>> -> memref<128x128xf32, #tpu.memory_space<hbm>>
    %dma_start3A_136 = arith.constant 0 : i32
    %dma_start3A_137 = tpu.memref_slice %arg6[%arg0, %add3A_132, %dma_start3A_136] : memref<2x10240x128xf32, #tpu.memory_space<hbm>> -> memref<1x128x128xf32, #tpu.memory_space<hbm>>
    %dma_start3A_138 = tpu.memref_squeeze %dma_start3A_137 : memref<1x128x128xf32, #tpu.memory_space<hbm>> -> memref<128x128xf32, #tpu.memory_space<hbm>>
    tpu.enqueue_dma source(%arg9 : memref<128x128xf32, #tpu.memory_space<vmem>>) target(%dma_start3A_138 : memref<128x128xf32, #tpu.memory_space<hbm>>) target_semaphore(%arg12 : memref<!tpu.dma_semaphore, #tpu.memory_space<semaphore_mem>>)
    %dma_wait3A_139 = arith.constant 0 : i32
    %dma_wait3A_140 = arith.constant 0 : i32
    %dma_wait3A_141 = tpu.memref_slice %arg6[%arg0, %dma_wait3A_139, %dma_wait3A_140] : memref<2x10240x128xf32, #tpu.memory_space<hbm>> -> memref<1x128x128xf32, #tpu.memory_space<hbm>>
    %dma_wait3A_142 = tpu.memref_squeeze %dma_wait3A_141 : memref<1x128x128xf32, #tpu.memory_space<hbm>> -> memref<128x128xf32, #tpu.memory_space<hbm>>
    %dma_wait3A_143 = arith.constant 0 : i32
    %dma_wait3A_144 = arith.constant 0 : i32
    %dma_wait3A_145 = tpu.memref_slice %arg6[%arg0, %dma_wait3A_143, %dma_wait3A_144] : memref<2x10240x128xf32, #tpu.memory_space<hbm>> -> memref<1x128x128xf32, #tpu.memory_space<hbm>>
    %dma_wait3A_146 = tpu.memref_squeeze %dma_wait3A_145 : memref<1x128x128xf32, #tpu.memory_space<hbm>> -> memref<128x128xf32, #tpu.memory_space<hbm>>
    tpu.wait_dma2 semaphore(%arg13 : memref<!tpu.dma_semaphore, #tpu.memory_space<semaphore_mem>>) src(%arg10 : memref<128x128xf32, #tpu.memory_space<vmem>>) dst(%dma_wait3A_146 : memref<128x128xf32, #tpu.memory_space<hbm>>)
    %add3A_147 = arith.constant 384 : i32
    %add3A_148 = arith.addi %mul3A_2, %add3A_147 : i32
    "tpu.region"() ({
      %run_scoped3A = tpu.sem_alloc : memref<!tpu.dma_semaphore, #tpu.memory_space<semaphore_mem>>
      %dma_start3A_191 = arith.constant 0 : i32
      %dma_start3A_192 = tpu.memref_slice %arg11[%add3A_148, %dma_start3A_191] : memref<10240x128xf32, #tpu.memory_space<vmem_shared>> -> memref<128x128xf32, #tpu.memory_space<vmem_shared>>
      %dma_start3A_193 = arith.constant 0 : i32
      %dma_start3A_194 = tpu.memref_slice %arg11[%add3A_148, %dma_start3A_193] : memref<10240x128xf32, #tpu.memory_space<vmem_shared>> -> memref<128x128xf32, #tpu.memory_space<vmem_shared>>
      tpu.enqueue_dma source(%dma_start3A_194 : memref<128x128xf32, #tpu.memory_space<vmem_shared>>) target(%arg10 : memref<128x128xf32, #tpu.memory_space<vmem>>) target_semaphore(%run_scoped3A : memref<!tpu.dma_semaphore, #tpu.memory_space<semaphore_mem>>)
      %dma_wait3A_195 = arith.constant 0 : i32
      %dma_wait3A_196 = tpu.memref_slice %arg11[%add3A_148, %dma_wait3A_195] : memref<10240x128xf32, #tpu.memory_space<vmem_shared>> -> memref<128x128xf32, #tpu.memory_space<vmem_shared>>
      %dma_wait3A_197 = arith.constant 0 : i32
      %dma_wait3A_198 = tpu.memref_slice %arg11[%add3A_148, %dma_wait3A_197] : memref<10240x128xf32, #tpu.memory_space<vmem_shared>> -> memref<128x128xf32, #tpu.memory_space<vmem_shared>>
      tpu.wait_dma2 semaphore(%run_scoped3A : memref<!tpu.dma_semaphore, #tpu.memory_space<semaphore_mem>>) src(%dma_wait3A_198 : memref<128x128xf32, #tpu.memory_space<vmem_shared>>) dst(%arg10 : memref<128x128xf32, #tpu.memory_space<vmem>>)
      tpu.yield
    }) : () -> ()
    %add3A_149 = arith.constant 384 : i32
    %add3A_150 = arith.addi %mul3A_2, %add3A_149 : i32
    %dma_start3A_151 = arith.constant 0 : i32
    %dma_start3A_152 = tpu.memref_slice %arg6[%arg0, %add3A_150, %dma_start3A_151] : memref<2x10240x128xf32, #tpu.memory_space<hbm>> -> memref<1x128x128xf32, #tpu.memory_space<hbm>>
    %dma_start3A_153 = tpu.memref_squeeze %dma_start3A_152 : memref<1x128x128xf32, #tpu.memory_space<hbm>> -> memref<128x128xf32, #tpu.memory_space<hbm>>
    %dma_start3A_154 = arith.constant 0 : i32
    %dma_start3A_155 = tpu.memref_slice %arg6[%arg0, %add3A_150, %dma_start3A_154] : memref<2x10240x128xf32, #tpu.memory_space<hbm>> -> memref<1x128x128xf32, #tpu.memory_space<hbm>>
    %dma_start3A_156 = tpu.memref_squeeze %dma_start3A_155 : memref<1x128x128xf32, #tpu.memory_space<hbm>> -> memref<128x128xf32, #tpu.memory_space<hbm>>
    tpu.enqueue_dma source(%arg10 : memref<128x128xf32, #tpu.memory_space<vmem>>) target(%dma_start3A_156 : memref<128x128xf32, #tpu.memory_space<hbm>>) target_semaphore(%arg13 : memref<!tpu.dma_semaphore, #tpu.memory_space<semaphore_mem>>)
    %dma_wait3A_157 = arith.constant 0 : i32
    %dma_wait3A_158 = arith.constant 0 : i32
    %dma_wait3A_159 = tpu.memref_slice %arg6[%arg0, %dma_wait3A_157, %dma_wait3A_158] : memref<2x10240x128xf32, #tpu.memory_space<hbm>> -> memref<1x128x128xf32, #tpu.memory_space<hbm>>
    %dma_wait3A_160 = tpu.memref_squeeze %dma_wait3A_159 : memref<1x128x128xf32, #tpu.memory_space<hbm>> -> memref<128x128xf32, #tpu.memory_space<hbm>>
    %dma_wait3A_161 = arith.constant 0 : i32
    %dma_wait3A_162 = arith.constant 0 : i32
    %dma_wait3A_163 = tpu.memref_slice %arg6[%arg0, %dma_wait3A_161, %dma_wait3A_162] : memref<2x10240x128xf32, #tpu.memory_space<hbm>> -> memref<1x128x128xf32, #tpu.memory_space<hbm>>
    %dma_wait3A_164 = tpu.memref_squeeze %dma_wait3A_163 : memref<1x128x128xf32, #tpu.memory_space<hbm>> -> memref<128x128xf32, #tpu.memory_space<hbm>>
    tpu.wait_dma2 semaphore(%arg12 : memref<!tpu.dma_semaphore, #tpu.memory_space<semaphore_mem>>) src(%arg9 : memref<128x128xf32, #tpu.memory_space<vmem>>) dst(%dma_wait3A_164 : memref<128x128xf32, #tpu.memory_space<hbm>>)
    %add3A_165 = arith.constant 512 : i32
    %add3A_166 = arith.addi %mul3A_2, %add3A_165 : i32
    "tpu.region"() ({
      %run_scoped3A = tpu.sem_alloc : memref<!tpu.dma_semaphore, #tpu.memory_space<semaphore_mem>>
      %dma_start3A_191 = arith.constant 0 : i32
      %dma_start3A_192 = tpu.memref_slice %arg11[%add3A_166, %dma_start3A_191] : memref<10240x128xf32, #tpu.memory_space<vmem_shared>> -> memref<128x128xf32, #tpu.memory_space<vmem_shared>>
      %dma_start3A_193 = arith.constant 0 : i32
      %dma_start3A_194 = tpu.memref_slice %arg11[%add3A_166, %dma_start3A_193] : memref<10240x128xf32, #tpu.memory_space<vmem_shared>> -> memref<128x128xf32, #tpu.memory_space<vmem_shared>>
      tpu.enqueue_dma source(%dma_start3A_194 : memref<128x128xf32, #tpu.memory_space<vmem_shared>>) target(%arg9 : memref<128x128xf32, #tpu.memory_space<vmem>>) target_semaphore(%run_scoped3A : memref<!tpu.dma_semaphore, #tpu.memory_space<semaphore_mem>>)
      %dma_wait3A_195 = arith.constant 0 : i32
      %dma_wait3A_196 = tpu.memref_slice %arg11[%add3A_166, %dma_wait3A_195] : memref<10240x128xf32, #tpu.memory_space<vmem_shared>> -> memref<128x128xf32, #tpu.memory_space<vmem_shared>>
      %dma_wait3A_197 = arith.constant 0 : i32
      %dma_wait3A_198 = tpu.memref_slice %arg11[%add3A_166, %dma_wait3A_197] : memref<10240x128xf32, #tpu.memory_space<vmem_shared>> -> memref<128x128xf32, #tpu.memory_space<vmem_shared>>
      tpu.wait_dma2 semaphore(%run_scoped3A : memref<!tpu.dma_semaphore, #tpu.memory_space<semaphore_mem>>) src(%dma_wait3A_198 : memref<128x128xf32, #tpu.memory_space<vmem_shared>>) dst(%arg9 : memref<128x128xf32, #tpu.memory_space<vmem>>)
      tpu.yield
    }) : () -> ()
    %add3A_167 = arith.constant 512 : i32
    %add3A_168 = arith.addi %mul3A_2, %add3A_167 : i32
    %dma_start3A_169 = arith.constant 0 : i32
    %dma_start3A_170 = tpu.memref_slice %arg6[%arg0, %add3A_168, %dma_start3A_169] : memref<2x10240x128xf32, #tpu.memory_space<hbm>> -> memref<1x128x128xf32, #tpu.memory_space<hbm>>
    %dma_start3A_171 = tpu.memref_squeeze %dma_start3A_170 : memref<1x128x128xf32, #tpu.memory_space<hbm>> -> memref<128x128xf32, #tpu.memory_space<hbm>>
    %dma_start3A_172 = arith.constant 0 : i32
    %dma_start3A_173 = tpu.memref_slice %arg6[%arg0, %add3A_168, %dma_start3A_172] : memref<2x10240x128xf32, #tpu.memory_space<hbm>> -> memref<1x128x128xf32, #tpu.memory_space<hbm>>
    %dma_start3A_174 = tpu.memref_squeeze %dma_start3A_173 : memref<1x128x128xf32, #tpu.memory_space<hbm>> -> memref<128x128xf32, #tpu.memory_space<hbm>>
    tpu.enqueue_dma source(%arg9 : memref<128x128xf32, #tpu.memory_space<vmem>>) target(%dma_start3A_174 : memref<128x128xf32, #tpu.memory_space<hbm>>) target_semaphore(%arg12 : memref<!tpu.dma_semaphore, #tpu.memory_space<semaphore_mem>>)
    %dma_wait3A_175 = arith.constant 0 : i32
    %dma_wait3A_176 = arith.constant 0 : i32
    %dma_wait3A_177 = tpu.memref_slice %arg6[%arg0, %dma_wait3A_175, %dma_wait3A_176] : memref<2x10240x128xf32, #tpu.memory_space<hbm>> -> memref<1x128x128xf32, #tpu.memory_space<hbm>>
    %dma_wait3A_178 = tpu.memref_squeeze %dma_wait3A_177 : memref<1x128x128xf32, #tpu.memory_space<hbm>> -> memref<128x128xf32, #tpu.memory_space<hbm>>
    %dma_wait3A_179 = arith.constant 0 : i32
    %dma_wait3A_180 = arith.constant 0 : i32
    %dma_wait3A_181 = tpu.memref_slice %arg6[%arg0, %dma_wait3A_179, %dma_wait3A_180] : memref<2x10240x128xf32, #tpu.memory_space<hbm>> -> memref<1x128x128xf32, #tpu.memory_space<hbm>>
    %dma_wait3A_182 = tpu.memref_squeeze %dma_wait3A_181 : memref<1x128x128xf32, #tpu.memory_space<hbm>> -> memref<128x128xf32, #tpu.memory_space<hbm>>
    tpu.wait_dma2 semaphore(%arg13 : memref<!tpu.dma_semaphore, #tpu.memory_space<semaphore_mem>>) src(%arg10 : memref<128x128xf32, #tpu.memory_space<vmem>>) dst(%dma_wait3A_182 : memref<128x128xf32, #tpu.memory_space<hbm>>)
    %dma_wait3A_183 = arith.constant 0 : i32
    %dma_wait3A_184 = arith.constant 0 : i32
    %dma_wait3A_185 = tpu.memref_slice %arg6[%arg0, %dma_wait3A_183, %dma_wait3A_184] : memref<2x10240x128xf32, #tpu.memory_space<hbm>> -> memref<1x128x128xf32, #tpu.memory_space<hbm>>
    %dma_wait3A_186 = tpu.memref_squeeze %dma_wait3A_185 : memref<1x128x128xf32, #tpu.memory_space<hbm>> -> memref<128x128xf32, #tpu.memory_space<hbm>>
    %dma_wait3A_187 = arith.constant 0 : i32
    %dma_wait3A_188 = arith.constant 0 : i32
    %dma_wait3A_189 = tpu.memref_slice %arg6[%arg0, %dma_wait3A_187, %dma_wait3A_188] : memref<2x10240x128xf32, #tpu.memory_space<hbm>> -> memref<1x128x128xf32, #tpu.memory_space<hbm>>
    %dma_wait3A_190 = tpu.memref_squeeze %dma_wait3A_189 : memref<1x128x128xf32, #tpu.memory_space<hbm>> -> memref<128x128xf32, #tpu.memory_space<hbm>>
    tpu.wait_dma2 semaphore(%arg12 : memref<!tpu.dma_semaphore, #tpu.memory_space<semaphore_mem>>) src(%arg9 : memref<128x128xf32, #tpu.memory_space<vmem>>) dst(%dma_wait3A_190 : memref<128x128xf32, #tpu.memory_space<hbm>>)
    return
  }
}

#map = affine_map<(d0, d1) -> (0, 0, 0)>
#map1 = affine_map<(d0, d1) -> (0, 0)>
module attributes {stable_mosaic.version = 14 : i64} {
  func.func @_deg(%arg0: i32, %arg1: i32, %arg2: memref<32x80x128xi32, #tpu.memory_space<hbm>>, %arg3: memref<128x128xf32, #tpu.memory_space<hbm>>, %arg4: memref<128x128xf32, #tpu.memory_space<hbm>>, %arg5: memref<2x10240x128xf32, #tpu.memory_space<hbm>>, %arg6: memref<80x128xi32, #tpu.memory_space<vmem>>, %arg7: memref<128x128xf32, #tpu.memory_space<vmem>>, %arg8: memref<128x128xf32, #tpu.memory_space<vmem>>, %arg9: memref<10240x128xf32, #tpu.memory_space<vmem_shared>>, %arg10: memref<!tpu.dma_semaphore, #tpu.memory_space<semaphore_mem>>, %arg11: memref<!tpu.dma_semaphore, #tpu.memory_space<semaphore_mem>>) attributes {dimension_semantics = [#tpu.dimension_semantics<core_parallel>, #tpu.dimension_semantics<subcore_parallel>], iteration_bounds = array<i64: 2, 16>, scalar_prefetch = 0 : i64, scratch_operands = 6 : i64, tpu.core_type = #tpu.core_type<sc_vector_subcore>, window_params = [{transform_indices = #map}, {transform_indices = #map1}, {transform_indices = #map1}, {transform_indices = #map}]} {
    %mul3A = arith.constant 16 : i32
    %mul3A_0 = arith.muli %arg0, %mul3A : i32
    %add3A = arith.addi %mul3A_0, %arg1 : i32
    %mul3A_1 = arith.constant 640 : i32
    %mul3A_2 = arith.muli %arg1, %mul3A_1 : i32
    "tpu.region"() ({
      %run_scoped3A = tpu.sem_alloc : memref<!tpu.dma_semaphore, #tpu.memory_space<semaphore_mem>>
      %dma_start3A_157 = arith.constant 0 : i32
      %dma_start3A_158 = arith.constant 0 : i32
      %dma_start3A_159 = tpu.memref_slice %arg2[%add3A, %dma_start3A_157, %dma_start3A_158] : memref<32x80x128xi32, #tpu.memory_space<hbm>> -> memref<1x80x128xi32, #tpu.memory_space<hbm>>
      %dma_start3A_160 = tpu.memref_squeeze %dma_start3A_159 : memref<1x80x128xi32, #tpu.memory_space<hbm>> -> memref<80x128xi32, #tpu.memory_space<hbm>>
      %dma_start3A_161 = arith.constant 0 : i32
      %dma_start3A_162 = arith.constant 0 : i32
      %dma_start3A_163 = tpu.memref_slice %arg2[%add3A, %dma_start3A_161, %dma_start3A_162] : memref<32x80x128xi32, #tpu.memory_space<hbm>> -> memref<1x80x128xi32, #tpu.memory_space<hbm>>
      %dma_start3A_164 = tpu.memref_squeeze %dma_start3A_163 : memref<1x80x128xi32, #tpu.memory_space<hbm>> -> memref<80x128xi32, #tpu.memory_space<hbm>>
      tpu.enqueue_dma source(%dma_start3A_164 : memref<80x128xi32, #tpu.memory_space<hbm>>) target(%arg6 : memref<80x128xi32, #tpu.memory_space<vmem>>) target_semaphore(%run_scoped3A : memref<!tpu.dma_semaphore, #tpu.memory_space<semaphore_mem>>)
      %dma_wait3A_165 = arith.constant 0 : i32
      %dma_wait3A_166 = arith.constant 0 : i32
      %dma_wait3A_167 = tpu.memref_slice %arg2[%add3A, %dma_wait3A_165, %dma_wait3A_166] : memref<32x80x128xi32, #tpu.memory_space<hbm>> -> memref<1x80x128xi32, #tpu.memory_space<hbm>>
      %dma_wait3A_168 = tpu.memref_squeeze %dma_wait3A_167 : memref<1x80x128xi32, #tpu.memory_space<hbm>> -> memref<80x128xi32, #tpu.memory_space<hbm>>
      %dma_wait3A_169 = arith.constant 0 : i32
      %dma_wait3A_170 = arith.constant 0 : i32
      %dma_wait3A_171 = tpu.memref_slice %arg2[%add3A, %dma_wait3A_169, %dma_wait3A_170] : memref<32x80x128xi32, #tpu.memory_space<hbm>> -> memref<1x80x128xi32, #tpu.memory_space<hbm>>
      %dma_wait3A_172 = tpu.memref_squeeze %dma_wait3A_171 : memref<1x80x128xi32, #tpu.memory_space<hbm>> -> memref<80x128xi32, #tpu.memory_space<hbm>>
      tpu.wait_dma2 semaphore(%run_scoped3A : memref<!tpu.dma_semaphore, #tpu.memory_space<semaphore_mem>>) src(%dma_wait3A_172 : memref<80x128xi32, #tpu.memory_space<hbm>>) dst(%arg6 : memref<80x128xi32, #tpu.memory_space<vmem>>)
      tpu.yield
    }) : () -> ()
    "tpu.region"() ({
      %run_scoped3A = tpu.sem_alloc : memref<!tpu.dma_semaphore, #tpu.memory_space<semaphore_mem>>
      tpu.enqueue_dma source(%arg3 : memref<128x128xf32, #tpu.memory_space<hbm>>) target(%arg7 : memref<128x128xf32, #tpu.memory_space<vmem>>) target_semaphore(%run_scoped3A : memref<!tpu.dma_semaphore, #tpu.memory_space<semaphore_mem>>)
      tpu.wait_dma2 semaphore(%run_scoped3A : memref<!tpu.dma_semaphore, #tpu.memory_space<semaphore_mem>>) src(%arg3 : memref<128x128xf32, #tpu.memory_space<hbm>>) dst(%arg7 : memref<128x128xf32, #tpu.memory_space<vmem>>)
      tpu.yield
    }) : () -> ()
    %add3A_3 = arith.constant 0 : i32
    %add3A_4 = arith.addi %mul3A_2, %add3A_3 : i32
    %dma_start3A = arith.constant 0 : i32
    %dma_start3A_5 = tpu.memref_slice %arg9[%add3A_4, %dma_start3A] : memref<10240x128xf32, #tpu.memory_space<vmem_shared>> -> memref<128x128xf32, #tpu.memory_space<vmem_shared>>
    %dma_start3A_6 = arith.constant 0 : i32
    %dma_start3A_7 = tpu.memref_slice %arg9[%add3A_4, %dma_start3A_6] : memref<10240x128xf32, #tpu.memory_space<vmem_shared>> -> memref<128x128xf32, #tpu.memory_space<vmem_shared>>
    tpu.enqueue_dma source(%arg7 : memref<128x128xf32, #tpu.memory_space<vmem>>) target(%dma_start3A_7 : memref<128x128xf32, #tpu.memory_space<vmem_shared>>) target_semaphore(%arg10 : memref<!tpu.dma_semaphore, #tpu.memory_space<semaphore_mem>>)
    %add3A_8 = arith.constant 128 : i32
    %add3A_9 = arith.addi %mul3A_2, %add3A_8 : i32
    %dma_start3A_10 = arith.constant 0 : i32
    %dma_start3A_11 = tpu.memref_slice %arg9[%add3A_9, %dma_start3A_10] : memref<10240x128xf32, #tpu.memory_space<vmem_shared>> -> memref<128x128xf32, #tpu.memory_space<vmem_shared>>
    %dma_start3A_12 = arith.constant 0 : i32
    %dma_start3A_13 = tpu.memref_slice %arg9[%add3A_9, %dma_start3A_12] : memref<10240x128xf32, #tpu.memory_space<vmem_shared>> -> memref<128x128xf32, #tpu.memory_space<vmem_shared>>
    tpu.enqueue_dma source(%arg7 : memref<128x128xf32, #tpu.memory_space<vmem>>) target(%dma_start3A_13 : memref<128x128xf32, #tpu.memory_space<vmem_shared>>) target_semaphore(%arg10 : memref<!tpu.dma_semaphore, #tpu.memory_space<semaphore_mem>>)
    %add3A_14 = arith.constant 256 : i32
    %add3A_15 = arith.addi %mul3A_2, %add3A_14 : i32
    %dma_start3A_16 = arith.constant 0 : i32
    %dma_start3A_17 = tpu.memref_slice %arg9[%add3A_15, %dma_start3A_16] : memref<10240x128xf32, #tpu.memory_space<vmem_shared>> -> memref<128x128xf32, #tpu.memory_space<vmem_shared>>
    %dma_start3A_18 = arith.constant 0 : i32
    %dma_start3A_19 = tpu.memref_slice %arg9[%add3A_15, %dma_start3A_18] : memref<10240x128xf32, #tpu.memory_space<vmem_shared>> -> memref<128x128xf32, #tpu.memory_space<vmem_shared>>
    tpu.enqueue_dma source(%arg7 : memref<128x128xf32, #tpu.memory_space<vmem>>) target(%dma_start3A_19 : memref<128x128xf32, #tpu.memory_space<vmem_shared>>) target_semaphore(%arg10 : memref<!tpu.dma_semaphore, #tpu.memory_space<semaphore_mem>>)
    %add3A_20 = arith.constant 384 : i32
    %add3A_21 = arith.addi %mul3A_2, %add3A_20 : i32
    %dma_start3A_22 = arith.constant 0 : i32
    %dma_start3A_23 = tpu.memref_slice %arg9[%add3A_21, %dma_start3A_22] : memref<10240x128xf32, #tpu.memory_space<vmem_shared>> -> memref<128x128xf32, #tpu.memory_space<vmem_shared>>
    %dma_start3A_24 = arith.constant 0 : i32
    %dma_start3A_25 = tpu.memref_slice %arg9[%add3A_21, %dma_start3A_24] : memref<10240x128xf32, #tpu.memory_space<vmem_shared>> -> memref<128x128xf32, #tpu.memory_space<vmem_shared>>
    tpu.enqueue_dma source(%arg7 : memref<128x128xf32, #tpu.memory_space<vmem>>) target(%dma_start3A_25 : memref<128x128xf32, #tpu.memory_space<vmem_shared>>) target_semaphore(%arg10 : memref<!tpu.dma_semaphore, #tpu.memory_space<semaphore_mem>>)
    %add3A_26 = arith.constant 512 : i32
    %add3A_27 = arith.addi %mul3A_2, %add3A_26 : i32
    %dma_start3A_28 = arith.constant 0 : i32
    %dma_start3A_29 = tpu.memref_slice %arg9[%add3A_27, %dma_start3A_28] : memref<10240x128xf32, #tpu.memory_space<vmem_shared>> -> memref<128x128xf32, #tpu.memory_space<vmem_shared>>
    %dma_start3A_30 = arith.constant 0 : i32
    %dma_start3A_31 = tpu.memref_slice %arg9[%add3A_27, %dma_start3A_30] : memref<10240x128xf32, #tpu.memory_space<vmem_shared>> -> memref<128x128xf32, #tpu.memory_space<vmem_shared>>
    tpu.enqueue_dma source(%arg7 : memref<128x128xf32, #tpu.memory_space<vmem>>) target(%dma_start3A_31 : memref<128x128xf32, #tpu.memory_space<vmem_shared>>) target_semaphore(%arg10 : memref<!tpu.dma_semaphore, #tpu.memory_space<semaphore_mem>>)
    %dma_wait3A = arith.constant 0 : i32
    %dma_wait3A_32 = arith.constant 0 : i32
    %dma_wait3A_33 = tpu.memref_slice %arg9[%dma_wait3A, %dma_wait3A_32] : memref<10240x128xf32, #tpu.memory_space<vmem_shared>> -> memref<128x128xf32, #tpu.memory_space<vmem_shared>>
    %dma_wait3A_34 = arith.constant 0 : i32
    %dma_wait3A_35 = arith.constant 0 : i32
    %dma_wait3A_36 = tpu.memref_slice %arg9[%dma_wait3A_34, %dma_wait3A_35] : memref<10240x128xf32, #tpu.memory_space<vmem_shared>> -> memref<128x128xf32, #tpu.memory_space<vmem_shared>>
    tpu.wait_dma2 semaphore(%arg10 : memref<!tpu.dma_semaphore, #tpu.memory_space<semaphore_mem>>) src(%arg7 : memref<128x128xf32, #tpu.memory_space<vmem>>) dst(%dma_wait3A_36 : memref<128x128xf32, #tpu.memory_space<vmem_shared>>)
    %dma_wait3A_37 = arith.constant 0 : i32
    %dma_wait3A_38 = arith.constant 0 : i32
    %dma_wait3A_39 = tpu.memref_slice %arg9[%dma_wait3A_37, %dma_wait3A_38] : memref<10240x128xf32, #tpu.memory_space<vmem_shared>> -> memref<128x128xf32, #tpu.memory_space<vmem_shared>>
    %dma_wait3A_40 = arith.constant 0 : i32
    %dma_wait3A_41 = arith.constant 0 : i32
    %dma_wait3A_42 = tpu.memref_slice %arg9[%dma_wait3A_40, %dma_wait3A_41] : memref<10240x128xf32, #tpu.memory_space<vmem_shared>> -> memref<128x128xf32, #tpu.memory_space<vmem_shared>>
    tpu.wait_dma2 semaphore(%arg10 : memref<!tpu.dma_semaphore, #tpu.memory_space<semaphore_mem>>) src(%arg7 : memref<128x128xf32, #tpu.memory_space<vmem>>) dst(%dma_wait3A_42 : memref<128x128xf32, #tpu.memory_space<vmem_shared>>)
    %dma_wait3A_43 = arith.constant 0 : i32
    %dma_wait3A_44 = arith.constant 0 : i32
    %dma_wait3A_45 = tpu.memref_slice %arg9[%dma_wait3A_43, %dma_wait3A_44] : memref<10240x128xf32, #tpu.memory_space<vmem_shared>> -> memref<128x128xf32, #tpu.memory_space<vmem_shared>>
    %dma_wait3A_46 = arith.constant 0 : i32
    %dma_wait3A_47 = arith.constant 0 : i32
    %dma_wait3A_48 = tpu.memref_slice %arg9[%dma_wait3A_46, %dma_wait3A_47] : memref<10240x128xf32, #tpu.memory_space<vmem_shared>> -> memref<128x128xf32, #tpu.memory_space<vmem_shared>>
    tpu.wait_dma2 semaphore(%arg10 : memref<!tpu.dma_semaphore, #tpu.memory_space<semaphore_mem>>) src(%arg7 : memref<128x128xf32, #tpu.memory_space<vmem>>) dst(%dma_wait3A_48 : memref<128x128xf32, #tpu.memory_space<vmem_shared>>)
    %dma_wait3A_49 = arith.constant 0 : i32
    %dma_wait3A_50 = arith.constant 0 : i32
    %dma_wait3A_51 = tpu.memref_slice %arg9[%dma_wait3A_49, %dma_wait3A_50] : memref<10240x128xf32, #tpu.memory_space<vmem_shared>> -> memref<128x128xf32, #tpu.memory_space<vmem_shared>>
    %dma_wait3A_52 = arith.constant 0 : i32
    %dma_wait3A_53 = arith.constant 0 : i32
    %dma_wait3A_54 = tpu.memref_slice %arg9[%dma_wait3A_52, %dma_wait3A_53] : memref<10240x128xf32, #tpu.memory_space<vmem_shared>> -> memref<128x128xf32, #tpu.memory_space<vmem_shared>>
    tpu.wait_dma2 semaphore(%arg10 : memref<!tpu.dma_semaphore, #tpu.memory_space<semaphore_mem>>) src(%arg7 : memref<128x128xf32, #tpu.memory_space<vmem>>) dst(%dma_wait3A_54 : memref<128x128xf32, #tpu.memory_space<vmem_shared>>)
    %dma_wait3A_55 = arith.constant 0 : i32
    %dma_wait3A_56 = arith.constant 0 : i32
    %dma_wait3A_57 = tpu.memref_slice %arg9[%dma_wait3A_55, %dma_wait3A_56] : memref<10240x128xf32, #tpu.memory_space<vmem_shared>> -> memref<128x128xf32, #tpu.memory_space<vmem_shared>>
    %dma_wait3A_58 = arith.constant 0 : i32
    %dma_wait3A_59 = arith.constant 0 : i32
    %dma_wait3A_60 = tpu.memref_slice %arg9[%dma_wait3A_58, %dma_wait3A_59] : memref<10240x128xf32, #tpu.memory_space<vmem_shared>> -> memref<128x128xf32, #tpu.memory_space<vmem_shared>>
    tpu.wait_dma2 semaphore(%arg10 : memref<!tpu.dma_semaphore, #tpu.memory_space<semaphore_mem>>) src(%arg7 : memref<128x128xf32, #tpu.memory_space<vmem>>) dst(%dma_wait3A_60 : memref<128x128xf32, #tpu.memory_space<vmem_shared>>)
    "tpu.region"() ({
      %run_scoped3A = tpu.sem_alloc : memref<!tpu.dma_semaphore, #tpu.memory_space<semaphore_mem>>
      tpu.enqueue_dma source(%arg4 : memref<128x128xf32, #tpu.memory_space<hbm>>) target(%arg7 : memref<128x128xf32, #tpu.memory_space<vmem>>) target_semaphore(%run_scoped3A : memref<!tpu.dma_semaphore, #tpu.memory_space<semaphore_mem>>)
      tpu.wait_dma2 semaphore(%run_scoped3A : memref<!tpu.dma_semaphore, #tpu.memory_space<semaphore_mem>>) src(%arg4 : memref<128x128xf32, #tpu.memory_space<hbm>>) dst(%arg7 : memref<128x128xf32, #tpu.memory_space<vmem>>)
      tpu.yield
    }) : () -> ()
    %barrier3A = arith.constant 0 : index
    tpu.barrier barrier_id(%barrier3A)
    %scan3A = arith.constant 0 : i32
    %scan3A_61 = arith.constant 0 : i32
    %scan3A_62 = arith.constant 4 : i32
    %scan3A_63 = arith.addi %scan3A_61, %scan3A_62 : i32
    %scan3A_64 = arith.constant 1 : i32
    scf.for %scan3A_157 = %scan3A_61 to %scan3A_63 step %scan3A_64  : i32 {
      %mul3A_158 = arith.constant 20 : i32
      %mul3A_159 = arith.muli %mul3A_158, %scan3A_157 : i32
      %add3A_160 = arith.constant 0 : i32
      %add3A_161 = arith.addi %mul3A_159, %add3A_160 : i32
      %dma_start3A_162 = arith.constant 0 : i32
      %dma_start3A_163 = tpu.memref_slice %arg6[%add3A_161, %dma_start3A_162] : memref<80x128xi32, #tpu.memory_space<vmem>> -> memref<1x128xi32, #tpu.memory_space<vmem>>
      %dma_start3A_164 = tpu.memref_squeeze %dma_start3A_163 : memref<1x128xi32, #tpu.memory_space<vmem>> -> memref<128xi32, #tpu.memory_space<vmem>>
      %dma_start3A_165 = arith.constant 0 : i32
      %dma_start3A_166 = arith.constant 0 : i32
      %dma_start3A_167 = tpu.memref_slice %arg9[%dma_start3A_165, %dma_start3A_166] : memref<10240x128xf32, #tpu.memory_space<vmem_shared>> -> memref<10240x128xf32, #tpu.memory_space<vmem_shared>>
      tpu.enqueue_indirect_dma source(%arg7 : memref<128x128xf32, #tpu.memory_space<vmem>>) target(%dma_start3A_167 : memref<10240x128xf32, #tpu.memory_space<vmem_shared>>) offsets(%dma_start3A_164 : memref<128xi32, #tpu.memory_space<vmem>>) semaphore(%arg10 : memref<!tpu.dma_semaphore, #tpu.memory_space<semaphore_mem>>) {add = true}
      %mul3A_168 = arith.constant 20 : i32
      %mul3A_169 = arith.muli %mul3A_168, %scan3A_157 : i32
      %add3A_170 = arith.constant 1 : i32
      %add3A_171 = arith.addi %mul3A_169, %add3A_170 : i32
      %dma_start3A_172 = arith.constant 0 : i32
      %dma_start3A_173 = tpu.memref_slice %arg6[%add3A_171, %dma_start3A_172] : memref<80x128xi32, #tpu.memory_space<vmem>> -> memref<1x128xi32, #tpu.memory_space<vmem>>
      %dma_start3A_174 = tpu.memref_squeeze %dma_start3A_173 : memref<1x128xi32, #tpu.memory_space<vmem>> -> memref<128xi32, #tpu.memory_space<vmem>>
      %dma_start3A_175 = arith.constant 0 : i32
      %dma_start3A_176 = arith.constant 0 : i32
      %dma_start3A_177 = tpu.memref_slice %arg9[%dma_start3A_175, %dma_start3A_176] : memref<10240x128xf32, #tpu.memory_space<vmem_shared>> -> memref<10240x128xf32, #tpu.memory_space<vmem_shared>>
      tpu.enqueue_indirect_dma source(%arg7 : memref<128x128xf32, #tpu.memory_space<vmem>>) target(%dma_start3A_177 : memref<10240x128xf32, #tpu.memory_space<vmem_shared>>) offsets(%dma_start3A_174 : memref<128xi32, #tpu.memory_space<vmem>>) semaphore(%arg10 : memref<!tpu.dma_semaphore, #tpu.memory_space<semaphore_mem>>) {add = true}
      %mul3A_178 = arith.constant 20 : i32
      %mul3A_179 = arith.muli %mul3A_178, %scan3A_157 : i32
      %add3A_180 = arith.constant 2 : i32
      %add3A_181 = arith.addi %mul3A_179, %add3A_180 : i32
      %dma_start3A_182 = arith.constant 0 : i32
      %dma_start3A_183 = tpu.memref_slice %arg6[%add3A_181, %dma_start3A_182] : memref<80x128xi32, #tpu.memory_space<vmem>> -> memref<1x128xi32, #tpu.memory_space<vmem>>
      %dma_start3A_184 = tpu.memref_squeeze %dma_start3A_183 : memref<1x128xi32, #tpu.memory_space<vmem>> -> memref<128xi32, #tpu.memory_space<vmem>>
      %dma_start3A_185 = arith.constant 0 : i32
      %dma_start3A_186 = arith.constant 0 : i32
      %dma_start3A_187 = tpu.memref_slice %arg9[%dma_start3A_185, %dma_start3A_186] : memref<10240x128xf32, #tpu.memory_space<vmem_shared>> -> memref<10240x128xf32, #tpu.memory_space<vmem_shared>>
      tpu.enqueue_indirect_dma source(%arg7 : memref<128x128xf32, #tpu.memory_space<vmem>>) target(%dma_start3A_187 : memref<10240x128xf32, #tpu.memory_space<vmem_shared>>) offsets(%dma_start3A_184 : memref<128xi32, #tpu.memory_space<vmem>>) semaphore(%arg10 : memref<!tpu.dma_semaphore, #tpu.memory_space<semaphore_mem>>) {add = true}
      %mul3A_188 = arith.constant 20 : i32
      %mul3A_189 = arith.muli %mul3A_188, %scan3A_157 : i32
      %add3A_190 = arith.constant 3 : i32
      %add3A_191 = arith.addi %mul3A_189, %add3A_190 : i32
      %dma_start3A_192 = arith.constant 0 : i32
      %dma_start3A_193 = tpu.memref_slice %arg6[%add3A_191, %dma_start3A_192] : memref<80x128xi32, #tpu.memory_space<vmem>> -> memref<1x128xi32, #tpu.memory_space<vmem>>
      %dma_start3A_194 = tpu.memref_squeeze %dma_start3A_193 : memref<1x128xi32, #tpu.memory_space<vmem>> -> memref<128xi32, #tpu.memory_space<vmem>>
      %dma_start3A_195 = arith.constant 0 : i32
      %dma_start3A_196 = arith.constant 0 : i32
      %dma_start3A_197 = tpu.memref_slice %arg9[%dma_start3A_195, %dma_start3A_196] : memref<10240x128xf32, #tpu.memory_space<vmem_shared>> -> memref<10240x128xf32, #tpu.memory_space<vmem_shared>>
      tpu.enqueue_indirect_dma source(%arg7 : memref<128x128xf32, #tpu.memory_space<vmem>>) target(%dma_start3A_197 : memref<10240x128xf32, #tpu.memory_space<vmem_shared>>) offsets(%dma_start3A_194 : memref<128xi32, #tpu.memory_space<vmem>>) semaphore(%arg10 : memref<!tpu.dma_semaphore, #tpu.memory_space<semaphore_mem>>) {add = true}
      %mul3A_198 = arith.constant 20 : i32
      %mul3A_199 = arith.muli %mul3A_198, %scan3A_157 : i32
      %add3A_200 = arith.constant 4 : i32
      %add3A_201 = arith.addi %mul3A_199, %add3A_200 : i32
      %dma_start3A_202 = arith.constant 0 : i32
      %dma_start3A_203 = tpu.memref_slice %arg6[%add3A_201, %dma_start3A_202] : memref<80x128xi32, #tpu.memory_space<vmem>> -> memref<1x128xi32, #tpu.memory_space<vmem>>
      %dma_start3A_204 = tpu.memref_squeeze %dma_start3A_203 : memref<1x128xi32, #tpu.memory_space<vmem>> -> memref<128xi32, #tpu.memory_space<vmem>>
      %dma_start3A_205 = arith.constant 0 : i32
      %dma_start3A_206 = arith.constant 0 : i32
      %dma_start3A_207 = tpu.memref_slice %arg9[%dma_start3A_205, %dma_start3A_206] : memref<10240x128xf32, #tpu.memory_space<vmem_shared>> -> memref<10240x128xf32, #tpu.memory_space<vmem_shared>>
      tpu.enqueue_indirect_dma source(%arg7 : memref<128x128xf32, #tpu.memory_space<vmem>>) target(%dma_start3A_207 : memref<10240x128xf32, #tpu.memory_space<vmem_shared>>) offsets(%dma_start3A_204 : memref<128xi32, #tpu.memory_space<vmem>>) semaphore(%arg10 : memref<!tpu.dma_semaphore, #tpu.memory_space<semaphore_mem>>) {add = true}
      %mul3A_208 = arith.constant 20 : i32
      %mul3A_209 = arith.muli %mul3A_208, %scan3A_157 : i32
      %add3A_210 = arith.constant 5 : i32
      %add3A_211 = arith.addi %mul3A_209, %add3A_210 : i32
      %dma_start3A_212 = arith.constant 0 : i32
      %dma_start3A_213 = tpu.memref_slice %arg6[%add3A_211, %dma_start3A_212] : memref<80x128xi32, #tpu.memory_space<vmem>> -> memref<1x128xi32, #tpu.memory_space<vmem>>
      %dma_start3A_214 = tpu.memref_squeeze %dma_start3A_213 : memref<1x128xi32, #tpu.memory_space<vmem>> -> memref<128xi32, #tpu.memory_space<vmem>>
      %dma_start3A_215 = arith.constant 0 : i32
      %dma_start3A_216 = arith.constant 0 : i32
      %dma_start3A_217 = tpu.memref_slice %arg9[%dma_start3A_215, %dma_start3A_216] : memref<10240x128xf32, #tpu.memory_space<vmem_shared>> -> memref<10240x128xf32, #tpu.memory_space<vmem_shared>>
      tpu.enqueue_indirect_dma source(%arg7 : memref<128x128xf32, #tpu.memory_space<vmem>>) target(%dma_start3A_217 : memref<10240x128xf32, #tpu.memory_space<vmem_shared>>) offsets(%dma_start3A_214 : memref<128xi32, #tpu.memory_space<vmem>>) semaphore(%arg10 : memref<!tpu.dma_semaphore, #tpu.memory_space<semaphore_mem>>) {add = true}
      %mul3A_218 = arith.constant 20 : i32
      %mul3A_219 = arith.muli %mul3A_218, %scan3A_157 : i32
      %add3A_220 = arith.constant 6 : i32
      %add3A_221 = arith.addi %mul3A_219, %add3A_220 : i32
      %dma_start3A_222 = arith.constant 0 : i32
      %dma_start3A_223 = tpu.memref_slice %arg6[%add3A_221, %dma_start3A_222] : memref<80x128xi32, #tpu.memory_space<vmem>> -> memref<1x128xi32, #tpu.memory_space<vmem>>
      %dma_start3A_224 = tpu.memref_squeeze %dma_start3A_223 : memref<1x128xi32, #tpu.memory_space<vmem>> -> memref<128xi32, #tpu.memory_space<vmem>>
      %dma_start3A_225 = arith.constant 0 : i32
      %dma_start3A_226 = arith.constant 0 : i32
      %dma_start3A_227 = tpu.memref_slice %arg9[%dma_start3A_225, %dma_start3A_226] : memref<10240x128xf32, #tpu.memory_space<vmem_shared>> -> memref<10240x128xf32, #tpu.memory_space<vmem_shared>>
      tpu.enqueue_indirect_dma source(%arg7 : memref<128x128xf32, #tpu.memory_space<vmem>>) target(%dma_start3A_227 : memref<10240x128xf32, #tpu.memory_space<vmem_shared>>) offsets(%dma_start3A_224 : memref<128xi32, #tpu.memory_space<vmem>>) semaphore(%arg10 : memref<!tpu.dma_semaphore, #tpu.memory_space<semaphore_mem>>) {add = true}
      %mul3A_228 = arith.constant 20 : i32
      %mul3A_229 = arith.muli %mul3A_228, %scan3A_157 : i32
      %add3A_230 = arith.constant 7 : i32
      %add3A_231 = arith.addi %mul3A_229, %add3A_230 : i32
      %dma_start3A_232 = arith.constant 0 : i32
      %dma_start3A_233 = tpu.memref_slice %arg6[%add3A_231, %dma_start3A_232] : memref<80x128xi32, #tpu.memory_space<vmem>> -> memref<1x128xi32, #tpu.memory_space<vmem>>
      %dma_start3A_234 = tpu.memref_squeeze %dma_start3A_233 : memref<1x128xi32, #tpu.memory_space<vmem>> -> memref<128xi32, #tpu.memory_space<vmem>>
      %dma_start3A_235 = arith.constant 0 : i32
      %dma_start3A_236 = arith.constant 0 : i32
      %dma_start3A_237 = tpu.memref_slice %arg9[%dma_start3A_235, %dma_start3A_236] : memref<10240x128xf32, #tpu.memory_space<vmem_shared>> -> memref<10240x128xf32, #tpu.memory_space<vmem_shared>>
      tpu.enqueue_indirect_dma source(%arg7 : memref<128x128xf32, #tpu.memory_space<vmem>>) target(%dma_start3A_237 : memref<10240x128xf32, #tpu.memory_space<vmem_shared>>) offsets(%dma_start3A_234 : memref<128xi32, #tpu.memory_space<vmem>>) semaphore(%arg10 : memref<!tpu.dma_semaphore, #tpu.memory_space<semaphore_mem>>) {add = true}
      %mul3A_238 = arith.constant 20 : i32
      %mul3A_239 = arith.muli %mul3A_238, %scan3A_157 : i32
      %add3A_240 = arith.constant 8 : i32
      %add3A_241 = arith.addi %mul3A_239, %add3A_240 : i32
      %dma_start3A_242 = arith.constant 0 : i32
      %dma_start3A_243 = tpu.memref_slice %arg6[%add3A_241, %dma_start3A_242] : memref<80x128xi32, #tpu.memory_space<vmem>> -> memref<1x128xi32, #tpu.memory_space<vmem>>
      %dma_start3A_244 = tpu.memref_squeeze %dma_start3A_243 : memref<1x128xi32, #tpu.memory_space<vmem>> -> memref<128xi32, #tpu.memory_space<vmem>>
      %dma_start3A_245 = arith.constant 0 : i32
      %dma_start3A_246 = arith.constant 0 : i32
      %dma_start3A_247 = tpu.memref_slice %arg9[%dma_start3A_245, %dma_start3A_246] : memref<10240x128xf32, #tpu.memory_space<vmem_shared>> -> memref<10240x128xf32, #tpu.memory_space<vmem_shared>>
      tpu.enqueue_indirect_dma source(%arg7 : memref<128x128xf32, #tpu.memory_space<vmem>>) target(%dma_start3A_247 : memref<10240x128xf32, #tpu.memory_space<vmem_shared>>) offsets(%dma_start3A_244 : memref<128xi32, #tpu.memory_space<vmem>>) semaphore(%arg10 : memref<!tpu.dma_semaphore, #tpu.memory_space<semaphore_mem>>) {add = true}
      %mul3A_248 = arith.constant 20 : i32
      %mul3A_249 = arith.muli %mul3A_248, %scan3A_157 : i32
      %add3A_250 = arith.constant 9 : i32
      %add3A_251 = arith.addi %mul3A_249, %add3A_250 : i32
      %dma_start3A_252 = arith.constant 0 : i32
      %dma_start3A_253 = tpu.memref_slice %arg6[%add3A_251, %dma_start3A_252] : memref<80x128xi32, #tpu.memory_space<vmem>> -> memref<1x128xi32, #tpu.memory_space<vmem>>
      %dma_start3A_254 = tpu.memref_squeeze %dma_start3A_253 : memref<1x128xi32, #tpu.memory_space<vmem>> -> memref<128xi32, #tpu.memory_space<vmem>>
      %dma_start3A_255 = arith.constant 0 : i32
      %dma_start3A_256 = arith.constant 0 : i32
      %dma_start3A_257 = tpu.memref_slice %arg9[%dma_start3A_255, %dma_start3A_256] : memref<10240x128xf32, #tpu.memory_space<vmem_shared>> -> memref<10240x128xf32, #tpu.memory_space<vmem_shared>>
      tpu.enqueue_indirect_dma source(%arg7 : memref<128x128xf32, #tpu.memory_space<vmem>>) target(%dma_start3A_257 : memref<10240x128xf32, #tpu.memory_space<vmem_shared>>) offsets(%dma_start3A_254 : memref<128xi32, #tpu.memory_space<vmem>>) semaphore(%arg10 : memref<!tpu.dma_semaphore, #tpu.memory_space<semaphore_mem>>) {add = true}
      %mul3A_258 = arith.constant 20 : i32
      %mul3A_259 = arith.muli %mul3A_258, %scan3A_157 : i32
      %add3A_260 = arith.constant 10 : i32
      %add3A_261 = arith.addi %mul3A_259, %add3A_260 : i32
      %dma_start3A_262 = arith.constant 0 : i32
      %dma_start3A_263 = tpu.memref_slice %arg6[%add3A_261, %dma_start3A_262] : memref<80x128xi32, #tpu.memory_space<vmem>> -> memref<1x128xi32, #tpu.memory_space<vmem>>
      %dma_start3A_264 = tpu.memref_squeeze %dma_start3A_263 : memref<1x128xi32, #tpu.memory_space<vmem>> -> memref<128xi32, #tpu.memory_space<vmem>>
      %dma_start3A_265 = arith.constant 0 : i32
      %dma_start3A_266 = arith.constant 0 : i32
      %dma_start3A_267 = tpu.memref_slice %arg9[%dma_start3A_265, %dma_start3A_266] : memref<10240x128xf32, #tpu.memory_space<vmem_shared>> -> memref<10240x128xf32, #tpu.memory_space<vmem_shared>>
      tpu.enqueue_indirect_dma source(%arg7 : memref<128x128xf32, #tpu.memory_space<vmem>>) target(%dma_start3A_267 : memref<10240x128xf32, #tpu.memory_space<vmem_shared>>) offsets(%dma_start3A_264 : memref<128xi32, #tpu.memory_space<vmem>>) semaphore(%arg10 : memref<!tpu.dma_semaphore, #tpu.memory_space<semaphore_mem>>) {add = true}
      %mul3A_268 = arith.constant 20 : i32
      %mul3A_269 = arith.muli %mul3A_268, %scan3A_157 : i32
      %add3A_270 = arith.constant 11 : i32
      %add3A_271 = arith.addi %mul3A_269, %add3A_270 : i32
      %dma_start3A_272 = arith.constant 0 : i32
      %dma_start3A_273 = tpu.memref_slice %arg6[%add3A_271, %dma_start3A_272] : memref<80x128xi32, #tpu.memory_space<vmem>> -> memref<1x128xi32, #tpu.memory_space<vmem>>
      %dma_start3A_274 = tpu.memref_squeeze %dma_start3A_273 : memref<1x128xi32, #tpu.memory_space<vmem>> -> memref<128xi32, #tpu.memory_space<vmem>>
      %dma_start3A_275 = arith.constant 0 : i32
      %dma_start3A_276 = arith.constant 0 : i32
      %dma_start3A_277 = tpu.memref_slice %arg9[%dma_start3A_275, %dma_start3A_276] : memref<10240x128xf32, #tpu.memory_space<vmem_shared>> -> memref<10240x128xf32, #tpu.memory_space<vmem_shared>>
      tpu.enqueue_indirect_dma source(%arg7 : memref<128x128xf32, #tpu.memory_space<vmem>>) target(%dma_start3A_277 : memref<10240x128xf32, #tpu.memory_space<vmem_shared>>) offsets(%dma_start3A_274 : memref<128xi32, #tpu.memory_space<vmem>>) semaphore(%arg10 : memref<!tpu.dma_semaphore, #tpu.memory_space<semaphore_mem>>) {add = true}
      %mul3A_278 = arith.constant 20 : i32
      %mul3A_279 = arith.muli %mul3A_278, %scan3A_157 : i32
      %add3A_280 = arith.constant 12 : i32
      %add3A_281 = arith.addi %mul3A_279, %add3A_280 : i32
      %dma_start3A_282 = arith.constant 0 : i32
      %dma_start3A_283 = tpu.memref_slice %arg6[%add3A_281, %dma_start3A_282] : memref<80x128xi32, #tpu.memory_space<vmem>> -> memref<1x128xi32, #tpu.memory_space<vmem>>
      %dma_start3A_284 = tpu.memref_squeeze %dma_start3A_283 : memref<1x128xi32, #tpu.memory_space<vmem>> -> memref<128xi32, #tpu.memory_space<vmem>>
      %dma_start3A_285 = arith.constant 0 : i32
      %dma_start3A_286 = arith.constant 0 : i32
      %dma_start3A_287 = tpu.memref_slice %arg9[%dma_start3A_285, %dma_start3A_286] : memref<10240x128xf32, #tpu.memory_space<vmem_shared>> -> memref<10240x128xf32, #tpu.memory_space<vmem_shared>>
      tpu.enqueue_indirect_dma source(%arg7 : memref<128x128xf32, #tpu.memory_space<vmem>>) target(%dma_start3A_287 : memref<10240x128xf32, #tpu.memory_space<vmem_shared>>) offsets(%dma_start3A_284 : memref<128xi32, #tpu.memory_space<vmem>>) semaphore(%arg10 : memref<!tpu.dma_semaphore, #tpu.memory_space<semaphore_mem>>) {add = true}
      %mul3A_288 = arith.constant 20 : i32
      %mul3A_289 = arith.muli %mul3A_288, %scan3A_157 : i32
      %add3A_290 = arith.constant 13 : i32
      %add3A_291 = arith.addi %mul3A_289, %add3A_290 : i32
      %dma_start3A_292 = arith.constant 0 : i32
      %dma_start3A_293 = tpu.memref_slice %arg6[%add3A_291, %dma_start3A_292] : memref<80x128xi32, #tpu.memory_space<vmem>> -> memref<1x128xi32, #tpu.memory_space<vmem>>
      %dma_start3A_294 = tpu.memref_squeeze %dma_start3A_293 : memref<1x128xi32, #tpu.memory_space<vmem>> -> memref<128xi32, #tpu.memory_space<vmem>>
      %dma_start3A_295 = arith.constant 0 : i32
      %dma_start3A_296 = arith.constant 0 : i32
      %dma_start3A_297 = tpu.memref_slice %arg9[%dma_start3A_295, %dma_start3A_296] : memref<10240x128xf32, #tpu.memory_space<vmem_shared>> -> memref<10240x128xf32, #tpu.memory_space<vmem_shared>>
      tpu.enqueue_indirect_dma source(%arg7 : memref<128x128xf32, #tpu.memory_space<vmem>>) target(%dma_start3A_297 : memref<10240x128xf32, #tpu.memory_space<vmem_shared>>) offsets(%dma_start3A_294 : memref<128xi32, #tpu.memory_space<vmem>>) semaphore(%arg10 : memref<!tpu.dma_semaphore, #tpu.memory_space<semaphore_mem>>) {add = true}
      %mul3A_298 = arith.constant 20 : i32
      %mul3A_299 = arith.muli %mul3A_298, %scan3A_157 : i32
      %add3A_300 = arith.constant 14 : i32
      %add3A_301 = arith.addi %mul3A_299, %add3A_300 : i32
      %dma_start3A_302 = arith.constant 0 : i32
      %dma_start3A_303 = tpu.memref_slice %arg6[%add3A_301, %dma_start3A_302] : memref<80x128xi32, #tpu.memory_space<vmem>> -> memref<1x128xi32, #tpu.memory_space<vmem>>
      %dma_start3A_304 = tpu.memref_squeeze %dma_start3A_303 : memref<1x128xi32, #tpu.memory_space<vmem>> -> memref<128xi32, #tpu.memory_space<vmem>>
      %dma_start3A_305 = arith.constant 0 : i32
      %dma_start3A_306 = arith.constant 0 : i32
      %dma_start3A_307 = tpu.memref_slice %arg9[%dma_start3A_305, %dma_start3A_306] : memref<10240x128xf32, #tpu.memory_space<vmem_shared>> -> memref<10240x128xf32, #tpu.memory_space<vmem_shared>>
      tpu.enqueue_indirect_dma source(%arg7 : memref<128x128xf32, #tpu.memory_space<vmem>>) target(%dma_start3A_307 : memref<10240x128xf32, #tpu.memory_space<vmem_shared>>) offsets(%dma_start3A_304 : memref<128xi32, #tpu.memory_space<vmem>>) semaphore(%arg10 : memref<!tpu.dma_semaphore, #tpu.memory_space<semaphore_mem>>) {add = true}
      %mul3A_308 = arith.constant 20 : i32
      %mul3A_309 = arith.muli %mul3A_308, %scan3A_157 : i32
      %add3A_310 = arith.constant 15 : i32
      %add3A_311 = arith.addi %mul3A_309, %add3A_310 : i32
      %dma_start3A_312 = arith.constant 0 : i32
      %dma_start3A_313 = tpu.memref_slice %arg6[%add3A_311, %dma_start3A_312] : memref<80x128xi32, #tpu.memory_space<vmem>> -> memref<1x128xi32, #tpu.memory_space<vmem>>
      %dma_start3A_314 = tpu.memref_squeeze %dma_start3A_313 : memref<1x128xi32, #tpu.memory_space<vmem>> -> memref<128xi32, #tpu.memory_space<vmem>>
      %dma_start3A_315 = arith.constant 0 : i32
      %dma_start3A_316 = arith.constant 0 : i32
      %dma_start3A_317 = tpu.memref_slice %arg9[%dma_start3A_315, %dma_start3A_316] : memref<10240x128xf32, #tpu.memory_space<vmem_shared>> -> memref<10240x128xf32, #tpu.memory_space<vmem_shared>>
      tpu.enqueue_indirect_dma source(%arg7 : memref<128x128xf32, #tpu.memory_space<vmem>>) target(%dma_start3A_317 : memref<10240x128xf32, #tpu.memory_space<vmem_shared>>) offsets(%dma_start3A_314 : memref<128xi32, #tpu.memory_space<vmem>>) semaphore(%arg10 : memref<!tpu.dma_semaphore, #tpu.memory_space<semaphore_mem>>) {add = true}
      %mul3A_318 = arith.constant 20 : i32
      %mul3A_319 = arith.muli %mul3A_318, %scan3A_157 : i32
      %add3A_320 = arith.constant 16 : i32
      %add3A_321 = arith.addi %mul3A_319, %add3A_320 : i32
      %dma_start3A_322 = arith.constant 0 : i32
      %dma_start3A_323 = tpu.memref_slice %arg6[%add3A_321, %dma_start3A_322] : memref<80x128xi32, #tpu.memory_space<vmem>> -> memref<1x128xi32, #tpu.memory_space<vmem>>
      %dma_start3A_324 = tpu.memref_squeeze %dma_start3A_323 : memref<1x128xi32, #tpu.memory_space<vmem>> -> memref<128xi32, #tpu.memory_space<vmem>>
      %dma_start3A_325 = arith.constant 0 : i32
      %dma_start3A_326 = arith.constant 0 : i32
      %dma_start3A_327 = tpu.memref_slice %arg9[%dma_start3A_325, %dma_start3A_326] : memref<10240x128xf32, #tpu.memory_space<vmem_shared>> -> memref<10240x128xf32, #tpu.memory_space<vmem_shared>>
      tpu.enqueue_indirect_dma source(%arg7 : memref<128x128xf32, #tpu.memory_space<vmem>>) target(%dma_start3A_327 : memref<10240x128xf32, #tpu.memory_space<vmem_shared>>) offsets(%dma_start3A_324 : memref<128xi32, #tpu.memory_space<vmem>>) semaphore(%arg10 : memref<!tpu.dma_semaphore, #tpu.memory_space<semaphore_mem>>) {add = true}
      %mul3A_328 = arith.constant 20 : i32
      %mul3A_329 = arith.muli %mul3A_328, %scan3A_157 : i32
      %add3A_330 = arith.constant 17 : i32
      %add3A_331 = arith.addi %mul3A_329, %add3A_330 : i32
      %dma_start3A_332 = arith.constant 0 : i32
      %dma_start3A_333 = tpu.memref_slice %arg6[%add3A_331, %dma_start3A_332] : memref<80x128xi32, #tpu.memory_space<vmem>> -> memref<1x128xi32, #tpu.memory_space<vmem>>
      %dma_start3A_334 = tpu.memref_squeeze %dma_start3A_333 : memref<1x128xi32, #tpu.memory_space<vmem>> -> memref<128xi32, #tpu.memory_space<vmem>>
      %dma_start3A_335 = arith.constant 0 : i32
      %dma_start3A_336 = arith.constant 0 : i32
      %dma_start3A_337 = tpu.memref_slice %arg9[%dma_start3A_335, %dma_start3A_336] : memref<10240x128xf32, #tpu.memory_space<vmem_shared>> -> memref<10240x128xf32, #tpu.memory_space<vmem_shared>>
      tpu.enqueue_indirect_dma source(%arg7 : memref<128x128xf32, #tpu.memory_space<vmem>>) target(%dma_start3A_337 : memref<10240x128xf32, #tpu.memory_space<vmem_shared>>) offsets(%dma_start3A_334 : memref<128xi32, #tpu.memory_space<vmem>>) semaphore(%arg10 : memref<!tpu.dma_semaphore, #tpu.memory_space<semaphore_mem>>) {add = true}
      %mul3A_338 = arith.constant 20 : i32
      %mul3A_339 = arith.muli %mul3A_338, %scan3A_157 : i32
      %add3A_340 = arith.constant 18 : i32
      %add3A_341 = arith.addi %mul3A_339, %add3A_340 : i32
      %dma_start3A_342 = arith.constant 0 : i32
      %dma_start3A_343 = tpu.memref_slice %arg6[%add3A_341, %dma_start3A_342] : memref<80x128xi32, #tpu.memory_space<vmem>> -> memref<1x128xi32, #tpu.memory_space<vmem>>
      %dma_start3A_344 = tpu.memref_squeeze %dma_start3A_343 : memref<1x128xi32, #tpu.memory_space<vmem>> -> memref<128xi32, #tpu.memory_space<vmem>>
      %dma_start3A_345 = arith.constant 0 : i32
      %dma_start3A_346 = arith.constant 0 : i32
      %dma_start3A_347 = tpu.memref_slice %arg9[%dma_start3A_345, %dma_start3A_346] : memref<10240x128xf32, #tpu.memory_space<vmem_shared>> -> memref<10240x128xf32, #tpu.memory_space<vmem_shared>>
      tpu.enqueue_indirect_dma source(%arg7 : memref<128x128xf32, #tpu.memory_space<vmem>>) target(%dma_start3A_347 : memref<10240x128xf32, #tpu.memory_space<vmem_shared>>) offsets(%dma_start3A_344 : memref<128xi32, #tpu.memory_space<vmem>>) semaphore(%arg10 : memref<!tpu.dma_semaphore, #tpu.memory_space<semaphore_mem>>) {add = true}
      %mul3A_348 = arith.constant 20 : i32
      %mul3A_349 = arith.muli %mul3A_348, %scan3A_157 : i32
      %add3A_350 = arith.constant 19 : i32
      %add3A_351 = arith.addi %mul3A_349, %add3A_350 : i32
      %dma_start3A_352 = arith.constant 0 : i32
      %dma_start3A_353 = tpu.memref_slice %arg6[%add3A_351, %dma_start3A_352] : memref<80x128xi32, #tpu.memory_space<vmem>> -> memref<1x128xi32, #tpu.memory_space<vmem>>
      %dma_start3A_354 = tpu.memref_squeeze %dma_start3A_353 : memref<1x128xi32, #tpu.memory_space<vmem>> -> memref<128xi32, #tpu.memory_space<vmem>>
      %dma_start3A_355 = arith.constant 0 : i32
      %dma_start3A_356 = arith.constant 0 : i32
      %dma_start3A_357 = tpu.memref_slice %arg9[%dma_start3A_355, %dma_start3A_356] : memref<10240x128xf32, #tpu.memory_space<vmem_shared>> -> memref<10240x128xf32, #tpu.memory_space<vmem_shared>>
      tpu.enqueue_indirect_dma source(%arg7 : memref<128x128xf32, #tpu.memory_space<vmem>>) target(%dma_start3A_357 : memref<10240x128xf32, #tpu.memory_space<vmem_shared>>) offsets(%dma_start3A_354 : memref<128xi32, #tpu.memory_space<vmem>>) semaphore(%arg10 : memref<!tpu.dma_semaphore, #tpu.memory_space<semaphore_mem>>) {add = true}
      %dma_wait3A_358 = arith.constant 0 : i32
      %dma_wait3A_359 = arith.constant 0 : i32
      %dma_wait3A_360 = tpu.memref_slice %arg9[%dma_wait3A_358, %dma_wait3A_359] : memref<10240x128xf32, #tpu.memory_space<vmem_shared>> -> memref<128x128xf32, #tpu.memory_space<vmem_shared>>
      %dma_wait3A_361 = arith.constant 0 : i32
      %dma_wait3A_362 = arith.constant 0 : i32
      %dma_wait3A_363 = tpu.memref_slice %arg9[%dma_wait3A_361, %dma_wait3A_362] : memref<10240x128xf32, #tpu.memory_space<vmem_shared>> -> memref<128x128xf32, #tpu.memory_space<vmem_shared>>
      tpu.wait_dma2 semaphore(%arg10 : memref<!tpu.dma_semaphore, #tpu.memory_space<semaphore_mem>>) src(%arg7 : memref<128x128xf32, #tpu.memory_space<vmem>>) dst(%dma_wait3A_363 : memref<128x128xf32, #tpu.memory_space<vmem_shared>>)
      %dma_wait3A_364 = arith.constant 0 : i32
      %dma_wait3A_365 = arith.constant 0 : i32
      %dma_wait3A_366 = tpu.memref_slice %arg9[%dma_wait3A_364, %dma_wait3A_365] : memref<10240x128xf32, #tpu.memory_space<vmem_shared>> -> memref<128x128xf32, #tpu.memory_space<vmem_shared>>
      %dma_wait3A_367 = arith.constant 0 : i32
      %dma_wait3A_368 = arith.constant 0 : i32
      %dma_wait3A_369 = tpu.memref_slice %arg9[%dma_wait3A_367, %dma_wait3A_368] : memref<10240x128xf32, #tpu.memory_space<vmem_shared>> -> memref<128x128xf32, #tpu.memory_space<vmem_shared>>
      tpu.wait_dma2 semaphore(%arg10 : memref<!tpu.dma_semaphore, #tpu.memory_space<semaphore_mem>>) src(%arg7 : memref<128x128xf32, #tpu.memory_space<vmem>>) dst(%dma_wait3A_369 : memref<128x128xf32, #tpu.memory_space<vmem_shared>>)
      %dma_wait3A_370 = arith.constant 0 : i32
      %dma_wait3A_371 = arith.constant 0 : i32
      %dma_wait3A_372 = tpu.memref_slice %arg9[%dma_wait3A_370, %dma_wait3A_371] : memref<10240x128xf32, #tpu.memory_space<vmem_shared>> -> memref<128x128xf32, #tpu.memory_space<vmem_shared>>
      %dma_wait3A_373 = arith.constant 0 : i32
      %dma_wait3A_374 = arith.constant 0 : i32
      %dma_wait3A_375 = tpu.memref_slice %arg9[%dma_wait3A_373, %dma_wait3A_374] : memref<10240x128xf32, #tpu.memory_space<vmem_shared>> -> memref<128x128xf32, #tpu.memory_space<vmem_shared>>
      tpu.wait_dma2 semaphore(%arg10 : memref<!tpu.dma_semaphore, #tpu.memory_space<semaphore_mem>>) src(%arg7 : memref<128x128xf32, #tpu.memory_space<vmem>>) dst(%dma_wait3A_375 : memref<128x128xf32, #tpu.memory_space<vmem_shared>>)
      %dma_wait3A_376 = arith.constant 0 : i32
      %dma_wait3A_377 = arith.constant 0 : i32
      %dma_wait3A_378 = tpu.memref_slice %arg9[%dma_wait3A_376, %dma_wait3A_377] : memref<10240x128xf32, #tpu.memory_space<vmem_shared>> -> memref<128x128xf32, #tpu.memory_space<vmem_shared>>
      %dma_wait3A_379 = arith.constant 0 : i32
      %dma_wait3A_380 = arith.constant 0 : i32
      %dma_wait3A_381 = tpu.memref_slice %arg9[%dma_wait3A_379, %dma_wait3A_380] : memref<10240x128xf32, #tpu.memory_space<vmem_shared>> -> memref<128x128xf32, #tpu.memory_space<vmem_shared>>
      tpu.wait_dma2 semaphore(%arg10 : memref<!tpu.dma_semaphore, #tpu.memory_space<semaphore_mem>>) src(%arg7 : memref<128x128xf32, #tpu.memory_space<vmem>>) dst(%dma_wait3A_381 : memref<128x128xf32, #tpu.memory_space<vmem_shared>>)
      %dma_wait3A_382 = arith.constant 0 : i32
      %dma_wait3A_383 = arith.constant 0 : i32
      %dma_wait3A_384 = tpu.memref_slice %arg9[%dma_wait3A_382, %dma_wait3A_383] : memref<10240x128xf32, #tpu.memory_space<vmem_shared>> -> memref<128x128xf32, #tpu.memory_space<vmem_shared>>
      %dma_wait3A_385 = arith.constant 0 : i32
      %dma_wait3A_386 = arith.constant 0 : i32
      %dma_wait3A_387 = tpu.memref_slice %arg9[%dma_wait3A_385, %dma_wait3A_386] : memref<10240x128xf32, #tpu.memory_space<vmem_shared>> -> memref<128x128xf32, #tpu.memory_space<vmem_shared>>
      tpu.wait_dma2 semaphore(%arg10 : memref<!tpu.dma_semaphore, #tpu.memory_space<semaphore_mem>>) src(%arg7 : memref<128x128xf32, #tpu.memory_space<vmem>>) dst(%dma_wait3A_387 : memref<128x128xf32, #tpu.memory_space<vmem_shared>>)
      %dma_wait3A_388 = arith.constant 0 : i32
      %dma_wait3A_389 = arith.constant 0 : i32
      %dma_wait3A_390 = tpu.memref_slice %arg9[%dma_wait3A_388, %dma_wait3A_389] : memref<10240x128xf32, #tpu.memory_space<vmem_shared>> -> memref<128x128xf32, #tpu.memory_space<vmem_shared>>
      %dma_wait3A_391 = arith.constant 0 : i32
      %dma_wait3A_392 = arith.constant 0 : i32
      %dma_wait3A_393 = tpu.memref_slice %arg9[%dma_wait3A_391, %dma_wait3A_392] : memref<10240x128xf32, #tpu.memory_space<vmem_shared>> -> memref<128x128xf32, #tpu.memory_space<vmem_shared>>
      tpu.wait_dma2 semaphore(%arg10 : memref<!tpu.dma_semaphore, #tpu.memory_space<semaphore_mem>>) src(%arg7 : memref<128x128xf32, #tpu.memory_space<vmem>>) dst(%dma_wait3A_393 : memref<128x128xf32, #tpu.memory_space<vmem_shared>>)
      %dma_wait3A_394 = arith.constant 0 : i32
      %dma_wait3A_395 = arith.constant 0 : i32
      %dma_wait3A_396 = tpu.memref_slice %arg9[%dma_wait3A_394, %dma_wait3A_395] : memref<10240x128xf32, #tpu.memory_space<vmem_shared>> -> memref<128x128xf32, #tpu.memory_space<vmem_shared>>
      %dma_wait3A_397 = arith.constant 0 : i32
      %dma_wait3A_398 = arith.constant 0 : i32
      %dma_wait3A_399 = tpu.memref_slice %arg9[%dma_wait3A_397, %dma_wait3A_398] : memref<10240x128xf32, #tpu.memory_space<vmem_shared>> -> memref<128x128xf32, #tpu.memory_space<vmem_shared>>
      tpu.wait_dma2 semaphore(%arg10 : memref<!tpu.dma_semaphore, #tpu.memory_space<semaphore_mem>>) src(%arg7 : memref<128x128xf32, #tpu.memory_space<vmem>>) dst(%dma_wait3A_399 : memref<128x128xf32, #tpu.memory_space<vmem_shared>>)
      %dma_wait3A_400 = arith.constant 0 : i32
      %dma_wait3A_401 = arith.constant 0 : i32
      %dma_wait3A_402 = tpu.memref_slice %arg9[%dma_wait3A_400, %dma_wait3A_401] : memref<10240x128xf32, #tpu.memory_space<vmem_shared>> -> memref<128x128xf32, #tpu.memory_space<vmem_shared>>
      %dma_wait3A_403 = arith.constant 0 : i32
      %dma_wait3A_404 = arith.constant 0 : i32
      %dma_wait3A_405 = tpu.memref_slice %arg9[%dma_wait3A_403, %dma_wait3A_404] : memref<10240x128xf32, #tpu.memory_space<vmem_shared>> -> memref<128x128xf32, #tpu.memory_space<vmem_shared>>
      tpu.wait_dma2 semaphore(%arg10 : memref<!tpu.dma_semaphore, #tpu.memory_space<semaphore_mem>>) src(%arg7 : memref<128x128xf32, #tpu.memory_space<vmem>>) dst(%dma_wait3A_405 : memref<128x128xf32, #tpu.memory_space<vmem_shared>>)
      %dma_wait3A_406 = arith.constant 0 : i32
      %dma_wait3A_407 = arith.constant 0 : i32
      %dma_wait3A_408 = tpu.memref_slice %arg9[%dma_wait3A_406, %dma_wait3A_407] : memref<10240x128xf32, #tpu.memory_space<vmem_shared>> -> memref<128x128xf32, #tpu.memory_space<vmem_shared>>
      %dma_wait3A_409 = arith.constant 0 : i32
      %dma_wait3A_410 = arith.constant 0 : i32
      %dma_wait3A_411 = tpu.memref_slice %arg9[%dma_wait3A_409, %dma_wait3A_410] : memref<10240x128xf32, #tpu.memory_space<vmem_shared>> -> memref<128x128xf32, #tpu.memory_space<vmem_shared>>
      tpu.wait_dma2 semaphore(%arg10 : memref<!tpu.dma_semaphore, #tpu.memory_space<semaphore_mem>>) src(%arg7 : memref<128x128xf32, #tpu.memory_space<vmem>>) dst(%dma_wait3A_411 : memref<128x128xf32, #tpu.memory_space<vmem_shared>>)
      %dma_wait3A_412 = arith.constant 0 : i32
      %dma_wait3A_413 = arith.constant 0 : i32
      %dma_wait3A_414 = tpu.memref_slice %arg9[%dma_wait3A_412, %dma_wait3A_413] : memref<10240x128xf32, #tpu.memory_space<vmem_shared>> -> memref<128x128xf32, #tpu.memory_space<vmem_shared>>
      %dma_wait3A_415 = arith.constant 0 : i32
      %dma_wait3A_416 = arith.constant 0 : i32
      %dma_wait3A_417 = tpu.memref_slice %arg9[%dma_wait3A_415, %dma_wait3A_416] : memref<10240x128xf32, #tpu.memory_space<vmem_shared>> -> memref<128x128xf32, #tpu.memory_space<vmem_shared>>
      tpu.wait_dma2 semaphore(%arg10 : memref<!tpu.dma_semaphore, #tpu.memory_space<semaphore_mem>>) src(%arg7 : memref<128x128xf32, #tpu.memory_space<vmem>>) dst(%dma_wait3A_417 : memref<128x128xf32, #tpu.memory_space<vmem_shared>>)
      %dma_wait3A_418 = arith.constant 0 : i32
      %dma_wait3A_419 = arith.constant 0 : i32
      %dma_wait3A_420 = tpu.memref_slice %arg9[%dma_wait3A_418, %dma_wait3A_419] : memref<10240x128xf32, #tpu.memory_space<vmem_shared>> -> memref<128x128xf32, #tpu.memory_space<vmem_shared>>
      %dma_wait3A_421 = arith.constant 0 : i32
      %dma_wait3A_422 = arith.constant 0 : i32
      %dma_wait3A_423 = tpu.memref_slice %arg9[%dma_wait3A_421, %dma_wait3A_422] : memref<10240x128xf32, #tpu.memory_space<vmem_shared>> -> memref<128x128xf32, #tpu.memory_space<vmem_shared>>
      tpu.wait_dma2 semaphore(%arg10 : memref<!tpu.dma_semaphore, #tpu.memory_space<semaphore_mem>>) src(%arg7 : memref<128x128xf32, #tpu.memory_space<vmem>>) dst(%dma_wait3A_423 : memref<128x128xf32, #tpu.memory_space<vmem_shared>>)
      %dma_wait3A_424 = arith.constant 0 : i32
      %dma_wait3A_425 = arith.constant 0 : i32
      %dma_wait3A_426 = tpu.memref_slice %arg9[%dma_wait3A_424, %dma_wait3A_425] : memref<10240x128xf32, #tpu.memory_space<vmem_shared>> -> memref<128x128xf32, #tpu.memory_space<vmem_shared>>
      %dma_wait3A_427 = arith.constant 0 : i32
      %dma_wait3A_428 = arith.constant 0 : i32
      %dma_wait3A_429 = tpu.memref_slice %arg9[%dma_wait3A_427, %dma_wait3A_428] : memref<10240x128xf32, #tpu.memory_space<vmem_shared>> -> memref<128x128xf32, #tpu.memory_space<vmem_shared>>
      tpu.wait_dma2 semaphore(%arg10 : memref<!tpu.dma_semaphore, #tpu.memory_space<semaphore_mem>>) src(%arg7 : memref<128x128xf32, #tpu.memory_space<vmem>>) dst(%dma_wait3A_429 : memref<128x128xf32, #tpu.memory_space<vmem_shared>>)
      %dma_wait3A_430 = arith.constant 0 : i32
      %dma_wait3A_431 = arith.constant 0 : i32
      %dma_wait3A_432 = tpu.memref_slice %arg9[%dma_wait3A_430, %dma_wait3A_431] : memref<10240x128xf32, #tpu.memory_space<vmem_shared>> -> memref<128x128xf32, #tpu.memory_space<vmem_shared>>
      %dma_wait3A_433 = arith.constant 0 : i32
      %dma_wait3A_434 = arith.constant 0 : i32
      %dma_wait3A_435 = tpu.memref_slice %arg9[%dma_wait3A_433, %dma_wait3A_434] : memref<10240x128xf32, #tpu.memory_space<vmem_shared>> -> memref<128x128xf32, #tpu.memory_space<vmem_shared>>
      tpu.wait_dma2 semaphore(%arg10 : memref<!tpu.dma_semaphore, #tpu.memory_space<semaphore_mem>>) src(%arg7 : memref<128x128xf32, #tpu.memory_space<vmem>>) dst(%dma_wait3A_435 : memref<128x128xf32, #tpu.memory_space<vmem_shared>>)
      %dma_wait3A_436 = arith.constant 0 : i32
      %dma_wait3A_437 = arith.constant 0 : i32
      %dma_wait3A_438 = tpu.memref_slice %arg9[%dma_wait3A_436, %dma_wait3A_437] : memref<10240x128xf32, #tpu.memory_space<vmem_shared>> -> memref<128x128xf32, #tpu.memory_space<vmem_shared>>
      %dma_wait3A_439 = arith.constant 0 : i32
      %dma_wait3A_440 = arith.constant 0 : i32
      %dma_wait3A_441 = tpu.memref_slice %arg9[%dma_wait3A_439, %dma_wait3A_440] : memref<10240x128xf32, #tpu.memory_space<vmem_shared>> -> memref<128x128xf32, #tpu.memory_space<vmem_shared>>
      tpu.wait_dma2 semaphore(%arg10 : memref<!tpu.dma_semaphore, #tpu.memory_space<semaphore_mem>>) src(%arg7 : memref<128x128xf32, #tpu.memory_space<vmem>>) dst(%dma_wait3A_441 : memref<128x128xf32, #tpu.memory_space<vmem_shared>>)
      %dma_wait3A_442 = arith.constant 0 : i32
      %dma_wait3A_443 = arith.constant 0 : i32
      %dma_wait3A_444 = tpu.memref_slice %arg9[%dma_wait3A_442, %dma_wait3A_443] : memref<10240x128xf32, #tpu.memory_space<vmem_shared>> -> memref<128x128xf32, #tpu.memory_space<vmem_shared>>
      %dma_wait3A_445 = arith.constant 0 : i32
      %dma_wait3A_446 = arith.constant 0 : i32
      %dma_wait3A_447 = tpu.memref_slice %arg9[%dma_wait3A_445, %dma_wait3A_446] : memref<10240x128xf32, #tpu.memory_space<vmem_shared>> -> memref<128x128xf32, #tpu.memory_space<vmem_shared>>
      tpu.wait_dma2 semaphore(%arg10 : memref<!tpu.dma_semaphore, #tpu.memory_space<semaphore_mem>>) src(%arg7 : memref<128x128xf32, #tpu.memory_space<vmem>>) dst(%dma_wait3A_447 : memref<128x128xf32, #tpu.memory_space<vmem_shared>>)
      %dma_wait3A_448 = arith.constant 0 : i32
      %dma_wait3A_449 = arith.constant 0 : i32
      %dma_wait3A_450 = tpu.memref_slice %arg9[%dma_wait3A_448, %dma_wait3A_449] : memref<10240x128xf32, #tpu.memory_space<vmem_shared>> -> memref<128x128xf32, #tpu.memory_space<vmem_shared>>
      %dma_wait3A_451 = arith.constant 0 : i32
      %dma_wait3A_452 = arith.constant 0 : i32
      %dma_wait3A_453 = tpu.memref_slice %arg9[%dma_wait3A_451, %dma_wait3A_452] : memref<10240x128xf32, #tpu.memory_space<vmem_shared>> -> memref<128x128xf32, #tpu.memory_space<vmem_shared>>
      tpu.wait_dma2 semaphore(%arg10 : memref<!tpu.dma_semaphore, #tpu.memory_space<semaphore_mem>>) src(%arg7 : memref<128x128xf32, #tpu.memory_space<vmem>>) dst(%dma_wait3A_453 : memref<128x128xf32, #tpu.memory_space<vmem_shared>>)
      %dma_wait3A_454 = arith.constant 0 : i32
      %dma_wait3A_455 = arith.constant 0 : i32
      %dma_wait3A_456 = tpu.memref_slice %arg9[%dma_wait3A_454, %dma_wait3A_455] : memref<10240x128xf32, #tpu.memory_space<vmem_shared>> -> memref<128x128xf32, #tpu.memory_space<vmem_shared>>
      %dma_wait3A_457 = arith.constant 0 : i32
      %dma_wait3A_458 = arith.constant 0 : i32
      %dma_wait3A_459 = tpu.memref_slice %arg9[%dma_wait3A_457, %dma_wait3A_458] : memref<10240x128xf32, #tpu.memory_space<vmem_shared>> -> memref<128x128xf32, #tpu.memory_space<vmem_shared>>
      tpu.wait_dma2 semaphore(%arg10 : memref<!tpu.dma_semaphore, #tpu.memory_space<semaphore_mem>>) src(%arg7 : memref<128x128xf32, #tpu.memory_space<vmem>>) dst(%dma_wait3A_459 : memref<128x128xf32, #tpu.memory_space<vmem_shared>>)
      %dma_wait3A_460 = arith.constant 0 : i32
      %dma_wait3A_461 = arith.constant 0 : i32
      %dma_wait3A_462 = tpu.memref_slice %arg9[%dma_wait3A_460, %dma_wait3A_461] : memref<10240x128xf32, #tpu.memory_space<vmem_shared>> -> memref<128x128xf32, #tpu.memory_space<vmem_shared>>
      %dma_wait3A_463 = arith.constant 0 : i32
      %dma_wait3A_464 = arith.constant 0 : i32
      %dma_wait3A_465 = tpu.memref_slice %arg9[%dma_wait3A_463, %dma_wait3A_464] : memref<10240x128xf32, #tpu.memory_space<vmem_shared>> -> memref<128x128xf32, #tpu.memory_space<vmem_shared>>
      tpu.wait_dma2 semaphore(%arg10 : memref<!tpu.dma_semaphore, #tpu.memory_space<semaphore_mem>>) src(%arg7 : memref<128x128xf32, #tpu.memory_space<vmem>>) dst(%dma_wait3A_465 : memref<128x128xf32, #tpu.memory_space<vmem_shared>>)
      %dma_wait3A_466 = arith.constant 0 : i32
      %dma_wait3A_467 = arith.constant 0 : i32
      %dma_wait3A_468 = tpu.memref_slice %arg9[%dma_wait3A_466, %dma_wait3A_467] : memref<10240x128xf32, #tpu.memory_space<vmem_shared>> -> memref<128x128xf32, #tpu.memory_space<vmem_shared>>
      %dma_wait3A_469 = arith.constant 0 : i32
      %dma_wait3A_470 = arith.constant 0 : i32
      %dma_wait3A_471 = tpu.memref_slice %arg9[%dma_wait3A_469, %dma_wait3A_470] : memref<10240x128xf32, #tpu.memory_space<vmem_shared>> -> memref<128x128xf32, #tpu.memory_space<vmem_shared>>
      tpu.wait_dma2 semaphore(%arg10 : memref<!tpu.dma_semaphore, #tpu.memory_space<semaphore_mem>>) src(%arg7 : memref<128x128xf32, #tpu.memory_space<vmem>>) dst(%dma_wait3A_471 : memref<128x128xf32, #tpu.memory_space<vmem_shared>>)
      %dma_wait3A_472 = arith.constant 0 : i32
      %dma_wait3A_473 = arith.constant 0 : i32
      %dma_wait3A_474 = tpu.memref_slice %arg9[%dma_wait3A_472, %dma_wait3A_473] : memref<10240x128xf32, #tpu.memory_space<vmem_shared>> -> memref<128x128xf32, #tpu.memory_space<vmem_shared>>
      %dma_wait3A_475 = arith.constant 0 : i32
      %dma_wait3A_476 = arith.constant 0 : i32
      %dma_wait3A_477 = tpu.memref_slice %arg9[%dma_wait3A_475, %dma_wait3A_476] : memref<10240x128xf32, #tpu.memory_space<vmem_shared>> -> memref<128x128xf32, #tpu.memory_space<vmem_shared>>
      tpu.wait_dma2 semaphore(%arg10 : memref<!tpu.dma_semaphore, #tpu.memory_space<semaphore_mem>>) src(%arg7 : memref<128x128xf32, #tpu.memory_space<vmem>>) dst(%dma_wait3A_477 : memref<128x128xf32, #tpu.memory_space<vmem_shared>>)
    }
    %scan3A_65 = arith.constant 4 : i32
    %barrier3A_66 = arith.constant 0 : index
    tpu.barrier barrier_id(%barrier3A_66)
    %add3A_67 = arith.constant 0 : i32
    %add3A_68 = arith.addi %mul3A_2, %add3A_67 : i32
    "tpu.region"() ({
      %run_scoped3A = tpu.sem_alloc : memref<!tpu.dma_semaphore, #tpu.memory_space<semaphore_mem>>
      %dma_start3A_157 = arith.constant 0 : i32
      %dma_start3A_158 = tpu.memref_slice %arg9[%add3A_68, %dma_start3A_157] : memref<10240x128xf32, #tpu.memory_space<vmem_shared>> -> memref<128x128xf32, #tpu.memory_space<vmem_shared>>
      %dma_start3A_159 = arith.constant 0 : i32
      %dma_start3A_160 = tpu.memref_slice %arg9[%add3A_68, %dma_start3A_159] : memref<10240x128xf32, #tpu.memory_space<vmem_shared>> -> memref<128x128xf32, #tpu.memory_space<vmem_shared>>
      tpu.enqueue_dma source(%dma_start3A_160 : memref<128x128xf32, #tpu.memory_space<vmem_shared>>) target(%arg7 : memref<128x128xf32, #tpu.memory_space<vmem>>) target_semaphore(%run_scoped3A : memref<!tpu.dma_semaphore, #tpu.memory_space<semaphore_mem>>)
      %dma_wait3A_161 = arith.constant 0 : i32
      %dma_wait3A_162 = tpu.memref_slice %arg9[%add3A_68, %dma_wait3A_161] : memref<10240x128xf32, #tpu.memory_space<vmem_shared>> -> memref<128x128xf32, #tpu.memory_space<vmem_shared>>
      %dma_wait3A_163 = arith.constant 0 : i32
      %dma_wait3A_164 = tpu.memref_slice %arg9[%add3A_68, %dma_wait3A_163] : memref<10240x128xf32, #tpu.memory_space<vmem_shared>> -> memref<128x128xf32, #tpu.memory_space<vmem_shared>>
      tpu.wait_dma2 semaphore(%run_scoped3A : memref<!tpu.dma_semaphore, #tpu.memory_space<semaphore_mem>>) src(%dma_wait3A_164 : memref<128x128xf32, #tpu.memory_space<vmem_shared>>) dst(%arg7 : memref<128x128xf32, #tpu.memory_space<vmem>>)
      tpu.yield
    }) : () -> ()
    %add3A_69 = arith.constant 0 : i32
    %add3A_70 = arith.addi %mul3A_2, %add3A_69 : i32
    %dma_start3A_71 = arith.constant 0 : i32
    %dma_start3A_72 = tpu.memref_slice %arg5[%arg0, %add3A_70, %dma_start3A_71] : memref<2x10240x128xf32, #tpu.memory_space<hbm>> -> memref<1x128x128xf32, #tpu.memory_space<hbm>>
    %dma_start3A_73 = tpu.memref_squeeze %dma_start3A_72 : memref<1x128x128xf32, #tpu.memory_space<hbm>> -> memref<128x128xf32, #tpu.memory_space<hbm>>
    %dma_start3A_74 = arith.constant 0 : i32
    %dma_start3A_75 = tpu.memref_slice %arg5[%arg0, %add3A_70, %dma_start3A_74] : memref<2x10240x128xf32, #tpu.memory_space<hbm>> -> memref<1x128x128xf32, #tpu.memory_space<hbm>>
    %dma_start3A_76 = tpu.memref_squeeze %dma_start3A_75 : memref<1x128x128xf32, #tpu.memory_space<hbm>> -> memref<128x128xf32, #tpu.memory_space<hbm>>
    tpu.enqueue_dma source(%arg7 : memref<128x128xf32, #tpu.memory_space<vmem>>) target(%dma_start3A_76 : memref<128x128xf32, #tpu.memory_space<hbm>>) target_semaphore(%arg10 : memref<!tpu.dma_semaphore, #tpu.memory_space<semaphore_mem>>)
    %add3A_77 = arith.constant 128 : i32
    %add3A_78 = arith.addi %mul3A_2, %add3A_77 : i32
    "tpu.region"() ({
      %run_scoped3A = tpu.sem_alloc : memref<!tpu.dma_semaphore, #tpu.memory_space<semaphore_mem>>
      %dma_start3A_157 = arith.constant 0 : i32
      %dma_start3A_158 = tpu.memref_slice %arg9[%add3A_78, %dma_start3A_157] : memref<10240x128xf32, #tpu.memory_space<vmem_shared>> -> memref<128x128xf32, #tpu.memory_space<vmem_shared>>
      %dma_start3A_159 = arith.constant 0 : i32
      %dma_start3A_160 = tpu.memref_slice %arg9[%add3A_78, %dma_start3A_159] : memref<10240x128xf32, #tpu.memory_space<vmem_shared>> -> memref<128x128xf32, #tpu.memory_space<vmem_shared>>
      tpu.enqueue_dma source(%dma_start3A_160 : memref<128x128xf32, #tpu.memory_space<vmem_shared>>) target(%arg8 : memref<128x128xf32, #tpu.memory_space<vmem>>) target_semaphore(%run_scoped3A : memref<!tpu.dma_semaphore, #tpu.memory_space<semaphore_mem>>)
      %dma_wait3A_161 = arith.constant 0 : i32
      %dma_wait3A_162 = tpu.memref_slice %arg9[%add3A_78, %dma_wait3A_161] : memref<10240x128xf32, #tpu.memory_space<vmem_shared>> -> memref<128x128xf32, #tpu.memory_space<vmem_shared>>
      %dma_wait3A_163 = arith.constant 0 : i32
      %dma_wait3A_164 = tpu.memref_slice %arg9[%add3A_78, %dma_wait3A_163] : memref<10240x128xf32, #tpu.memory_space<vmem_shared>> -> memref<128x128xf32, #tpu.memory_space<vmem_shared>>
      tpu.wait_dma2 semaphore(%run_scoped3A : memref<!tpu.dma_semaphore, #tpu.memory_space<semaphore_mem>>) src(%dma_wait3A_164 : memref<128x128xf32, #tpu.memory_space<vmem_shared>>) dst(%arg8 : memref<128x128xf32, #tpu.memory_space<vmem>>)
      tpu.yield
    }) : () -> ()
    %add3A_79 = arith.constant 128 : i32
    %add3A_80 = arith.addi %mul3A_2, %add3A_79 : i32
    %dma_start3A_81 = arith.constant 0 : i32
    %dma_start3A_82 = tpu.memref_slice %arg5[%arg0, %add3A_80, %dma_start3A_81] : memref<2x10240x128xf32, #tpu.memory_space<hbm>> -> memref<1x128x128xf32, #tpu.memory_space<hbm>>
    %dma_start3A_83 = tpu.memref_squeeze %dma_start3A_82 : memref<1x128x128xf32, #tpu.memory_space<hbm>> -> memref<128x128xf32, #tpu.memory_space<hbm>>
    %dma_start3A_84 = arith.constant 0 : i32
    %dma_start3A_85 = tpu.memref_slice %arg5[%arg0, %add3A_80, %dma_start3A_84] : memref<2x10240x128xf32, #tpu.memory_space<hbm>> -> memref<1x128x128xf32, #tpu.memory_space<hbm>>
    %dma_start3A_86 = tpu.memref_squeeze %dma_start3A_85 : memref<1x128x128xf32, #tpu.memory_space<hbm>> -> memref<128x128xf32, #tpu.memory_space<hbm>>
    tpu.enqueue_dma source(%arg8 : memref<128x128xf32, #tpu.memory_space<vmem>>) target(%dma_start3A_86 : memref<128x128xf32, #tpu.memory_space<hbm>>) target_semaphore(%arg11 : memref<!tpu.dma_semaphore, #tpu.memory_space<semaphore_mem>>)
    %dma_wait3A_87 = arith.constant 0 : i32
    %dma_wait3A_88 = arith.constant 0 : i32
    %dma_wait3A_89 = tpu.memref_slice %arg5[%arg0, %dma_wait3A_87, %dma_wait3A_88] : memref<2x10240x128xf32, #tpu.memory_space<hbm>> -> memref<1x128x128xf32, #tpu.memory_space<hbm>>
    %dma_wait3A_90 = tpu.memref_squeeze %dma_wait3A_89 : memref<1x128x128xf32, #tpu.memory_space<hbm>> -> memref<128x128xf32, #tpu.memory_space<hbm>>
    %dma_wait3A_91 = arith.constant 0 : i32
    %dma_wait3A_92 = arith.constant 0 : i32
    %dma_wait3A_93 = tpu.memref_slice %arg5[%arg0, %dma_wait3A_91, %dma_wait3A_92] : memref<2x10240x128xf32, #tpu.memory_space<hbm>> -> memref<1x128x128xf32, #tpu.memory_space<hbm>>
    %dma_wait3A_94 = tpu.memref_squeeze %dma_wait3A_93 : memref<1x128x128xf32, #tpu.memory_space<hbm>> -> memref<128x128xf32, #tpu.memory_space<hbm>>
    tpu.wait_dma2 semaphore(%arg10 : memref<!tpu.dma_semaphore, #tpu.memory_space<semaphore_mem>>) src(%arg7 : memref<128x128xf32, #tpu.memory_space<vmem>>) dst(%dma_wait3A_94 : memref<128x128xf32, #tpu.memory_space<hbm>>)
    %add3A_95 = arith.constant 256 : i32
    %add3A_96 = arith.addi %mul3A_2, %add3A_95 : i32
    "tpu.region"() ({
      %run_scoped3A = tpu.sem_alloc : memref<!tpu.dma_semaphore, #tpu.memory_space<semaphore_mem>>
      %dma_start3A_157 = arith.constant 0 : i32
      %dma_start3A_158 = tpu.memref_slice %arg9[%add3A_96, %dma_start3A_157] : memref<10240x128xf32, #tpu.memory_space<vmem_shared>> -> memref<128x128xf32, #tpu.memory_space<vmem_shared>>
      %dma_start3A_159 = arith.constant 0 : i32
      %dma_start3A_160 = tpu.memref_slice %arg9[%add3A_96, %dma_start3A_159] : memref<10240x128xf32, #tpu.memory_space<vmem_shared>> -> memref<128x128xf32, #tpu.memory_space<vmem_shared>>
      tpu.enqueue_dma source(%dma_start3A_160 : memref<128x128xf32, #tpu.memory_space<vmem_shared>>) target(%arg7 : memref<128x128xf32, #tpu.memory_space<vmem>>) target_semaphore(%run_scoped3A : memref<!tpu.dma_semaphore, #tpu.memory_space<semaphore_mem>>)
      %dma_wait3A_161 = arith.constant 0 : i32
      %dma_wait3A_162 = tpu.memref_slice %arg9[%add3A_96, %dma_wait3A_161] : memref<10240x128xf32, #tpu.memory_space<vmem_shared>> -> memref<128x128xf32, #tpu.memory_space<vmem_shared>>
      %dma_wait3A_163 = arith.constant 0 : i32
      %dma_wait3A_164 = tpu.memref_slice %arg9[%add3A_96, %dma_wait3A_163] : memref<10240x128xf32, #tpu.memory_space<vmem_shared>> -> memref<128x128xf32, #tpu.memory_space<vmem_shared>>
      tpu.wait_dma2 semaphore(%run_scoped3A : memref<!tpu.dma_semaphore, #tpu.memory_space<semaphore_mem>>) src(%dma_wait3A_164 : memref<128x128xf32, #tpu.memory_space<vmem_shared>>) dst(%arg7 : memref<128x128xf32, #tpu.memory_space<vmem>>)
      tpu.yield
    }) : () -> ()
    %add3A_97 = arith.constant 256 : i32
    %add3A_98 = arith.addi %mul3A_2, %add3A_97 : i32
    %dma_start3A_99 = arith.constant 0 : i32
    %dma_start3A_100 = tpu.memref_slice %arg5[%arg0, %add3A_98, %dma_start3A_99] : memref<2x10240x128xf32, #tpu.memory_space<hbm>> -> memref<1x128x128xf32, #tpu.memory_space<hbm>>
    %dma_start3A_101 = tpu.memref_squeeze %dma_start3A_100 : memref<1x128x128xf32, #tpu.memory_space<hbm>> -> memref<128x128xf32, #tpu.memory_space<hbm>>
    %dma_start3A_102 = arith.constant 0 : i32
    %dma_start3A_103 = tpu.memref_slice %arg5[%arg0, %add3A_98, %dma_start3A_102] : memref<2x10240x128xf32, #tpu.memory_space<hbm>> -> memref<1x128x128xf32, #tpu.memory_space<hbm>>
    %dma_start3A_104 = tpu.memref_squeeze %dma_start3A_103 : memref<1x128x128xf32, #tpu.memory_space<hbm>> -> memref<128x128xf32, #tpu.memory_space<hbm>>
    tpu.enqueue_dma source(%arg7 : memref<128x128xf32, #tpu.memory_space<vmem>>) target(%dma_start3A_104 : memref<128x128xf32, #tpu.memory_space<hbm>>) target_semaphore(%arg10 : memref<!tpu.dma_semaphore, #tpu.memory_space<semaphore_mem>>)
    %dma_wait3A_105 = arith.constant 0 : i32
    %dma_wait3A_106 = arith.constant 0 : i32
    %dma_wait3A_107 = tpu.memref_slice %arg5[%arg0, %dma_wait3A_105, %dma_wait3A_106] : memref<2x10240x128xf32, #tpu.memory_space<hbm>> -> memref<1x128x128xf32, #tpu.memory_space<hbm>>
    %dma_wait3A_108 = tpu.memref_squeeze %dma_wait3A_107 : memref<1x128x128xf32, #tpu.memory_space<hbm>> -> memref<128x128xf32, #tpu.memory_space<hbm>>
    %dma_wait3A_109 = arith.constant 0 : i32
    %dma_wait3A_110 = arith.constant 0 : i32
    %dma_wait3A_111 = tpu.memref_slice %arg5[%arg0, %dma_wait3A_109, %dma_wait3A_110] : memref<2x10240x128xf32, #tpu.memory_space<hbm>> -> memref<1x128x128xf32, #tpu.memory_space<hbm>>
    %dma_wait3A_112 = tpu.memref_squeeze %dma_wait3A_111 : memref<1x128x128xf32, #tpu.memory_space<hbm>> -> memref<128x128xf32, #tpu.memory_space<hbm>>
    tpu.wait_dma2 semaphore(%arg11 : memref<!tpu.dma_semaphore, #tpu.memory_space<semaphore_mem>>) src(%arg8 : memref<128x128xf32, #tpu.memory_space<vmem>>) dst(%dma_wait3A_112 : memref<128x128xf32, #tpu.memory_space<hbm>>)
    %add3A_113 = arith.constant 384 : i32
    %add3A_114 = arith.addi %mul3A_2, %add3A_113 : i32
    "tpu.region"() ({
      %run_scoped3A = tpu.sem_alloc : memref<!tpu.dma_semaphore, #tpu.memory_space<semaphore_mem>>
      %dma_start3A_157 = arith.constant 0 : i32
      %dma_start3A_158 = tpu.memref_slice %arg9[%add3A_114, %dma_start3A_157] : memref<10240x128xf32, #tpu.memory_space<vmem_shared>> -> memref<128x128xf32, #tpu.memory_space<vmem_shared>>
      %dma_start3A_159 = arith.constant 0 : i32
      %dma_start3A_160 = tpu.memref_slice %arg9[%add3A_114, %dma_start3A_159] : memref<10240x128xf32, #tpu.memory_space<vmem_shared>> -> memref<128x128xf32, #tpu.memory_space<vmem_shared>>
      tpu.enqueue_dma source(%dma_start3A_160 : memref<128x128xf32, #tpu.memory_space<vmem_shared>>) target(%arg8 : memref<128x128xf32, #tpu.memory_space<vmem>>) target_semaphore(%run_scoped3A : memref<!tpu.dma_semaphore, #tpu.memory_space<semaphore_mem>>)
      %dma_wait3A_161 = arith.constant 0 : i32
      %dma_wait3A_162 = tpu.memref_slice %arg9[%add3A_114, %dma_wait3A_161] : memref<10240x128xf32, #tpu.memory_space<vmem_shared>> -> memref<128x128xf32, #tpu.memory_space<vmem_shared>>
      %dma_wait3A_163 = arith.constant 0 : i32
      %dma_wait3A_164 = tpu.memref_slice %arg9[%add3A_114, %dma_wait3A_163] : memref<10240x128xf32, #tpu.memory_space<vmem_shared>> -> memref<128x128xf32, #tpu.memory_space<vmem_shared>>
      tpu.wait_dma2 semaphore(%run_scoped3A : memref<!tpu.dma_semaphore, #tpu.memory_space<semaphore_mem>>) src(%dma_wait3A_164 : memref<128x128xf32, #tpu.memory_space<vmem_shared>>) dst(%arg8 : memref<128x128xf32, #tpu.memory_space<vmem>>)
      tpu.yield
    }) : () -> ()
    %add3A_115 = arith.constant 384 : i32
    %add3A_116 = arith.addi %mul3A_2, %add3A_115 : i32
    %dma_start3A_117 = arith.constant 0 : i32
    %dma_start3A_118 = tpu.memref_slice %arg5[%arg0, %add3A_116, %dma_start3A_117] : memref<2x10240x128xf32, #tpu.memory_space<hbm>> -> memref<1x128x128xf32, #tpu.memory_space<hbm>>
    %dma_start3A_119 = tpu.memref_squeeze %dma_start3A_118 : memref<1x128x128xf32, #tpu.memory_space<hbm>> -> memref<128x128xf32, #tpu.memory_space<hbm>>
    %dma_start3A_120 = arith.constant 0 : i32
    %dma_start3A_121 = tpu.memref_slice %arg5[%arg0, %add3A_116, %dma_start3A_120] : memref<2x10240x128xf32, #tpu.memory_space<hbm>> -> memref<1x128x128xf32, #tpu.memory_space<hbm>>
    %dma_start3A_122 = tpu.memref_squeeze %dma_start3A_121 : memref<1x128x128xf32, #tpu.memory_space<hbm>> -> memref<128x128xf32, #tpu.memory_space<hbm>>
    tpu.enqueue_dma source(%arg8 : memref<128x128xf32, #tpu.memory_space<vmem>>) target(%dma_start3A_122 : memref<128x128xf32, #tpu.memory_space<hbm>>) target_semaphore(%arg11 : memref<!tpu.dma_semaphore, #tpu.memory_space<semaphore_mem>>)
    %dma_wait3A_123 = arith.constant 0 : i32
    %dma_wait3A_124 = arith.constant 0 : i32
    %dma_wait3A_125 = tpu.memref_slice %arg5[%arg0, %dma_wait3A_123, %dma_wait3A_124] : memref<2x10240x128xf32, #tpu.memory_space<hbm>> -> memref<1x128x128xf32, #tpu.memory_space<hbm>>
    %dma_wait3A_126 = tpu.memref_squeeze %dma_wait3A_125 : memref<1x128x128xf32, #tpu.memory_space<hbm>> -> memref<128x128xf32, #tpu.memory_space<hbm>>
    %dma_wait3A_127 = arith.constant 0 : i32
    %dma_wait3A_128 = arith.constant 0 : i32
    %dma_wait3A_129 = tpu.memref_slice %arg5[%arg0, %dma_wait3A_127, %dma_wait3A_128] : memref<2x10240x128xf32, #tpu.memory_space<hbm>> -> memref<1x128x128xf32, #tpu.memory_space<hbm>>
    %dma_wait3A_130 = tpu.memref_squeeze %dma_wait3A_129 : memref<1x128x128xf32, #tpu.memory_space<hbm>> -> memref<128x128xf32, #tpu.memory_space<hbm>>
    tpu.wait_dma2 semaphore(%arg10 : memref<!tpu.dma_semaphore, #tpu.memory_space<semaphore_mem>>) src(%arg7 : memref<128x128xf32, #tpu.memory_space<vmem>>) dst(%dma_wait3A_130 : memref<128x128xf32, #tpu.memory_space<hbm>>)
    %add3A_131 = arith.constant 512 : i32
    %add3A_132 = arith.addi %mul3A_2, %add3A_131 : i32
    "tpu.region"() ({
      %run_scoped3A = tpu.sem_alloc : memref<!tpu.dma_semaphore, #tpu.memory_space<semaphore_mem>>
      %dma_start3A_157 = arith.constant 0 : i32
      %dma_start3A_158 = tpu.memref_slice %arg9[%add3A_132, %dma_start3A_157] : memref<10240x128xf32, #tpu.memory_space<vmem_shared>> -> memref<128x128xf32, #tpu.memory_space<vmem_shared>>
      %dma_start3A_159 = arith.constant 0 : i32
      %dma_start3A_160 = tpu.memref_slice %arg9[%add3A_132, %dma_start3A_159] : memref<10240x128xf32, #tpu.memory_space<vmem_shared>> -> memref<128x128xf32, #tpu.memory_space<vmem_shared>>
      tpu.enqueue_dma source(%dma_start3A_160 : memref<128x128xf32, #tpu.memory_space<vmem_shared>>) target(%arg7 : memref<128x128xf32, #tpu.memory_space<vmem>>) target_semaphore(%run_scoped3A : memref<!tpu.dma_semaphore, #tpu.memory_space<semaphore_mem>>)
      %dma_wait3A_161 = arith.constant 0 : i32
      %dma_wait3A_162 = tpu.memref_slice %arg9[%add3A_132, %dma_wait3A_161] : memref<10240x128xf32, #tpu.memory_space<vmem_shared>> -> memref<128x128xf32, #tpu.memory_space<vmem_shared>>
      %dma_wait3A_163 = arith.constant 0 : i32
      %dma_wait3A_164 = tpu.memref_slice %arg9[%add3A_132, %dma_wait3A_163] : memref<10240x128xf32, #tpu.memory_space<vmem_shared>> -> memref<128x128xf32, #tpu.memory_space<vmem_shared>>
      tpu.wait_dma2 semaphore(%run_scoped3A : memref<!tpu.dma_semaphore, #tpu.memory_space<semaphore_mem>>) src(%dma_wait3A_164 : memref<128x128xf32, #tpu.memory_space<vmem_shared>>) dst(%arg7 : memref<128x128xf32, #tpu.memory_space<vmem>>)
      tpu.yield
    }) : () -> ()
    %add3A_133 = arith.constant 512 : i32
    %add3A_134 = arith.addi %mul3A_2, %add3A_133 : i32
    %dma_start3A_135 = arith.constant 0 : i32
    %dma_start3A_136 = tpu.memref_slice %arg5[%arg0, %add3A_134, %dma_start3A_135] : memref<2x10240x128xf32, #tpu.memory_space<hbm>> -> memref<1x128x128xf32, #tpu.memory_space<hbm>>
    %dma_start3A_137 = tpu.memref_squeeze %dma_start3A_136 : memref<1x128x128xf32, #tpu.memory_space<hbm>> -> memref<128x128xf32, #tpu.memory_space<hbm>>
    %dma_start3A_138 = arith.constant 0 : i32
    %dma_start3A_139 = tpu.memref_slice %arg5[%arg0, %add3A_134, %dma_start3A_138] : memref<2x10240x128xf32, #tpu.memory_space<hbm>> -> memref<1x128x128xf32, #tpu.memory_space<hbm>>
    %dma_start3A_140 = tpu.memref_squeeze %dma_start3A_139 : memref<1x128x128xf32, #tpu.memory_space<hbm>> -> memref<128x128xf32, #tpu.memory_space<hbm>>
    tpu.enqueue_dma source(%arg7 : memref<128x128xf32, #tpu.memory_space<vmem>>) target(%dma_start3A_140 : memref<128x128xf32, #tpu.memory_space<hbm>>) target_semaphore(%arg10 : memref<!tpu.dma_semaphore, #tpu.memory_space<semaphore_mem>>)
    %dma_wait3A_141 = arith.constant 0 : i32
    %dma_wait3A_142 = arith.constant 0 : i32
    %dma_wait3A_143 = tpu.memref_slice %arg5[%arg0, %dma_wait3A_141, %dma_wait3A_142] : memref<2x10240x128xf32, #tpu.memory_space<hbm>> -> memref<1x128x128xf32, #tpu.memory_space<hbm>>
    %dma_wait3A_144 = tpu.memref_squeeze %dma_wait3A_143 : memref<1x128x128xf32, #tpu.memory_space<hbm>> -> memref<128x128xf32, #tpu.memory_space<hbm>>
    %dma_wait3A_145 = arith.constant 0 : i32
    %dma_wait3A_146 = arith.constant 0 : i32
    %dma_wait3A_147 = tpu.memref_slice %arg5[%arg0, %dma_wait3A_145, %dma_wait3A_146] : memref<2x10240x128xf32, #tpu.memory_space<hbm>> -> memref<1x128x128xf32, #tpu.memory_space<hbm>>
    %dma_wait3A_148 = tpu.memref_squeeze %dma_wait3A_147 : memref<1x128x128xf32, #tpu.memory_space<hbm>> -> memref<128x128xf32, #tpu.memory_space<hbm>>
    tpu.wait_dma2 semaphore(%arg11 : memref<!tpu.dma_semaphore, #tpu.memory_space<semaphore_mem>>) src(%arg8 : memref<128x128xf32, #tpu.memory_space<vmem>>) dst(%dma_wait3A_148 : memref<128x128xf32, #tpu.memory_space<hbm>>)
    %dma_wait3A_149 = arith.constant 0 : i32
    %dma_wait3A_150 = arith.constant 0 : i32
    %dma_wait3A_151 = tpu.memref_slice %arg5[%arg0, %dma_wait3A_149, %dma_wait3A_150] : memref<2x10240x128xf32, #tpu.memory_space<hbm>> -> memref<1x128x128xf32, #tpu.memory_space<hbm>>
    %dma_wait3A_152 = tpu.memref_squeeze %dma_wait3A_151 : memref<1x128x128xf32, #tpu.memory_space<hbm>> -> memref<128x128xf32, #tpu.memory_space<hbm>>
    %dma_wait3A_153 = arith.constant 0 : i32
    %dma_wait3A_154 = arith.constant 0 : i32
    %dma_wait3A_155 = tpu.memref_slice %arg5[%arg0, %dma_wait3A_153, %dma_wait3A_154] : memref<2x10240x128xf32, #tpu.memory_space<hbm>> -> memref<1x128x128xf32, #tpu.memory_space<hbm>>
    %dma_wait3A_156 = tpu.memref_squeeze %dma_wait3A_155 : memref<1x128x128xf32, #tpu.memory_space<hbm>> -> memref<128x128xf32, #tpu.memory_space<hbm>>
    tpu.wait_dma2 semaphore(%arg10 : memref<!tpu.dma_semaphore, #tpu.memory_space<semaphore_mem>>) src(%arg7 : memref<128x128xf32, #tpu.memory_space<vmem>>) dst(%dma_wait3A_156 : memref<128x128xf32, #tpu.memory_space<hbm>>)
    return
  }
}

module attributes {stable_mosaic.version = 14 : i64} {
  func.func @body(%arg0: i32, %arg1: memref<2x1000x128xf32, #tpu.memory_space<vmem>>, %arg2: memref<2x1000x128xf32, #tpu.memory_space<vmem>>, %arg3: memref<1000x128xf32, #tpu.memory_space<vmem>>, %arg4: memref<128x128xf32, #tpu.memory_space<vmem>>, %arg5: memref<128x128xf32, #tpu.memory_space<vmem>>, %arg6: memref<1x128xf32, #tpu.memory_space<vmem>>, %arg7: memref<1000x128xf32, #tpu.memory_space<vmem>>) attributes {dimension_semantics = [#tpu.dimension_semantics<arbitrary>], iteration_bounds = array<i64: 10>, scalar_prefetch = 0 : i64, scratch_operands = 0 : i64, tpu.core_type = #tpu.core_type<tc>, window_params = [{transform_indices = @transform_0, window_bounds = array<i64: 2, 1000, 128>}, {transform_indices = @transform_1, window_bounds = array<i64: 2, 1000, 128>}, {transform_indices = @transform_2, window_bounds = array<i64: 1000, 128>}, {pipeline_mode = #tpu.pipeline_mode<synchronous>, transform_indices = @transform_3, window_bounds = array<i64: 128, 128>}, {pipeline_mode = #tpu.pipeline_mode<synchronous>, transform_indices = @transform_4, window_bounds = array<i64: 128, 128>}, {pipeline_mode = #tpu.pipeline_mode<synchronous>, transform_indices = @transform_5, window_bounds = array<i64: 1, 128>}, {transform_indices = @transform_6, window_bounds = array<i64: 1000, 128>}]} {
    %get3A = arith.constant 0 : index
    %get3A_0 = arith.constant 0 : index
    %get3A_1 = arith.constant 0 : index
    %get3A_2 = vector.load %arg1[%get3A, %get3A_0, %get3A_1] : memref<2x1000x128xf32, #tpu.memory_space<vmem>>, vector<1x1000x128xf32>
    %get3A_3 = vector.shape_cast %get3A_2 : vector<1x1000x128xf32> to vector<1000x128xf32>
    %get3A_4 = arith.constant 1 : index
    %get3A_5 = arith.constant 0 : index
    %get3A_6 = arith.constant 0 : index
    %get3A_7 = vector.load %arg1[%get3A_4, %get3A_5, %get3A_6] : memref<2x1000x128xf32, #tpu.memory_space<vmem>>, vector<1x1000x128xf32>
    %get3A_8 = vector.shape_cast %get3A_7 : vector<1x1000x128xf32> to vector<1000x128xf32>
    %add3A = arith.addf %get3A_3, %get3A_8 : vector<1000x128xf32>
    %get3A_9 = arith.constant 0 : index
    %get3A_10 = arith.constant 0 : index
    %get3A_11 = arith.constant 0 : index
    %get3A_12 = vector.load %arg2[%get3A_9, %get3A_10, %get3A_11] : memref<2x1000x128xf32, #tpu.memory_space<vmem>>, vector<1x1000x128xf32>
    %get3A_13 = vector.shape_cast %get3A_12 : vector<1x1000x128xf32> to vector<1000x128xf32>
    %get3A_14 = arith.constant 1 : index
    %get3A_15 = arith.constant 0 : index
    %get3A_16 = arith.constant 0 : index
    %get3A_17 = vector.load %arg2[%get3A_14, %get3A_15, %get3A_16] : memref<2x1000x128xf32, #tpu.memory_space<vmem>>, vector<1x1000x128xf32>
    %get3A_18 = vector.shape_cast %get3A_17 : vector<1x1000x128xf32> to vector<1000x128xf32>
    %add3A_19 = arith.addf %get3A_13, %get3A_18 : vector<1000x128xf32>
    %reduce_max3A = arith.constant dense<0xFF800000> : vector<1000xf32>
    %reduce_max3A_20 = vector.multi_reduction <maximumf>, %add3A_19, %reduce_max3A [1] : vector<1000x128xf32> to vector<1000xf32>
    %broadcast_in_dim3A = vector.shape_cast %reduce_max3A_20 : vector<1000xf32> to vector<1000x1xf32>
    %max3A = arith.constant 1.000000e+00 : f32
    %max3A_21 = vector.broadcast %max3A : f32 to vector<1000x1xf32>
    %max3A_22 = arith.maximumf %broadcast_in_dim3A, %max3A_21 : vector<1000x1xf32>
    %div3A = vector.broadcast %max3A_22 : vector<1000x1xf32> to vector<1000x128xf32>
    %div3A_23 = arith.divf %add3A, %div3A : vector<1000x128xf32>
    %get3A_24 = arith.constant 0 : index
    %get3A_25 = arith.constant 0 : index
    %get3A_26 = vector.load %arg4[%get3A_24, %get3A_25] : memref<128x128xf32, #tpu.memory_space<vmem>>, vector<128x128xf32>
    %dot_general3A = arith.constant dense<0.000000e+00> : vector<1000x128xf32>
    %dot_general3A_27 = tpu.matmul %div3A_23, %get3A_26, %dot_general3A {dimension_numbers = #tpu.dot_dimension_numbers<[1], [0], [0], [1], [0, 0, 1, 1], [], []>, transpose_lhs_hint = false} : vector<1000x128xf32>, vector<128x128xf32>, vector<1000x128xf32> -> vector<1000x128xf32>
    %get3A_28 = arith.constant 0 : index
    %get3A_29 = arith.constant 0 : index
    %get3A_30 = vector.load %arg3[%get3A_28, %get3A_29] : memref<1000x128xf32, #tpu.memory_space<vmem>>, vector<1000x128xf32>
    %get3A_31 = arith.constant 0 : index
    %get3A_32 = arith.constant 0 : index
    %get3A_33 = vector.load %arg5[%get3A_31, %get3A_32] : memref<128x128xf32, #tpu.memory_space<vmem>>, vector<128x128xf32>
    %dot_general3A_34 = arith.constant dense<0.000000e+00> : vector<1000x128xf32>
    %dot_general3A_35 = tpu.matmul %get3A_30, %get3A_33, %dot_general3A_34 {dimension_numbers = #tpu.dot_dimension_numbers<[1], [0], [0], [1], [0, 0, 1, 1], [], []>, transpose_lhs_hint = false} : vector<1000x128xf32>, vector<128x128xf32>, vector<1000x128xf32> -> vector<1000x128xf32>
    %add3A_36 = arith.addf %dot_general3A_27, %dot_general3A_35 : vector<1000x128xf32>
    %get3A_37 = arith.constant 0 : index
    %get3A_38 = arith.constant 0 : index
    %get3A_39 = vector.load %arg6[%get3A_37, %get3A_38] : memref<1x128xf32, #tpu.memory_space<vmem>>, vector<1x128xf32>
    %add3A_40 = vector.broadcast %get3A_39 : vector<1x128xf32> to vector<1000x128xf32>
    %add3A_41 = arith.addf %add3A_36, %add3A_40 : vector<1000x128xf32>
    %max3A_42 = arith.constant 0.000000e+00 : f32
    %max3A_43 = vector.broadcast %max3A_42 : f32 to vector<1000x128xf32>
    %max3A_44 = arith.maximumf %add3A_41, %max3A_43 : vector<1000x128xf32>
    %swap3A = arith.constant 0 : index
    %swap3A_45 = arith.constant 0 : index
    %swap3A_46 = vector.load %arg7[%swap3A, %swap3A_45] : memref<1000x128xf32, #tpu.memory_space<vmem>>, vector<1000x128xf32>
    tpu.vector_store %arg7[%swap3A, %swap3A_45], %max3A_44 {strides = array<i32>} : memref<1000x128xf32, #tpu.memory_space<vmem>>, vector<1000x128xf32>,
    return
  }
  func.func @transform_0(%arg0: i32) -> (i32, i32, i32) {
    %c0_i32 = arith.constant 0 : i32
    %c0_i32_0 = arith.constant 0 : i32
    %c0_i32_1 = arith.constant 0 : i32
    return %c0_i32, %arg0, %c0_i32_0 : i32, i32, i32
  }
  func.func @transform_1(%arg0: i32) -> (i32, i32, i32) {
    %c0_i32 = arith.constant 0 : i32
    %c0_i32_0 = arith.constant 0 : i32
    %c0_i32_1 = arith.constant 0 : i32
    return %c0_i32, %arg0, %c0_i32_0 : i32, i32, i32
  }
  func.func @transform_2(%arg0: i32) -> (i32, i32) {
    %c0_i32 = arith.constant 0 : i32
    %c0_i32_0 = arith.constant 0 : i32
    return %arg0, %c0_i32 : i32, i32
  }
  func.func @transform_3(%arg0: i32) -> (i32, i32) {
    %c0_i32 = arith.constant 0 : i32
    %c0_i32_0 = arith.constant 0 : i32
    %c0_i32_1 = arith.constant 0 : i32
    return %c0_i32, %c0_i32_0 : i32, i32
  }
  func.func @transform_4(%arg0: i32) -> (i32, i32) {
    %c0_i32 = arith.constant 0 : i32
    %c0_i32_0 = arith.constant 0 : i32
    %c0_i32_1 = arith.constant 0 : i32
    return %c0_i32, %c0_i32_0 : i32, i32
  }
  func.func @transform_5(%arg0: i32) -> (i32, i32) {
    %c0_i32 = arith.constant 0 : i32
    %c0_i32_0 = arith.constant 0 : i32
    %c0_i32_1 = arith.constant 0 : i32
    return %c0_i32, %c0_i32_0 : i32, i32
  }
  func.func @transform_6(%arg0: i32) -> (i32, i32) {
    %c0_i32 = arith.constant 0 : i32
    %c0_i32_0 = arith.constant 0 : i32
    return %arg0, %c0_i32 : i32, i32
  }
}

module attributes {stable_mosaic.version = 14 : i64} {
  func.func @body(%arg0: i32, %arg1: memref<2x1000x128xf32, #tpu.memory_space<vmem>>, %arg2: memref<2x1000x128xf32, #tpu.memory_space<vmem>>, %arg3: memref<1000x128xf32, #tpu.memory_space<vmem>>, %arg4: memref<128x128xf32, #tpu.memory_space<vmem>>, %arg5: memref<128x128xf32, #tpu.memory_space<vmem>>, %arg6: memref<1x128xf32, #tpu.memory_space<vmem>>, %arg7: memref<1000x128xf32, #tpu.memory_space<vmem>>) attributes {dimension_semantics = [#tpu.dimension_semantics<arbitrary>], iteration_bounds = array<i64: 10>, scalar_prefetch = 0 : i64, scratch_operands = 0 : i64, tpu.core_type = #tpu.core_type<tc>, window_params = [{transform_indices = @transform_0, window_bounds = array<i64: 2, 1000, 128>}, {transform_indices = @transform_1, window_bounds = array<i64: 2, 1000, 128>}, {transform_indices = @transform_2, window_bounds = array<i64: 1000, 128>}, {pipeline_mode = #tpu.pipeline_mode<synchronous>, transform_indices = @transform_3, window_bounds = array<i64: 128, 128>}, {pipeline_mode = #tpu.pipeline_mode<synchronous>, transform_indices = @transform_4, window_bounds = array<i64: 128, 128>}, {pipeline_mode = #tpu.pipeline_mode<synchronous>, transform_indices = @transform_5, window_bounds = array<i64: 1, 128>}, {transform_indices = @transform_6, window_bounds = array<i64: 1000, 128>}]} {
    %get3A = arith.constant 0 : index
    %get3A_0 = arith.constant 0 : index
    %get3A_1 = arith.constant 0 : index
    %get3A_2 = vector.load %arg1[%get3A, %get3A_0, %get3A_1] : memref<2x1000x128xf32, #tpu.memory_space<vmem>>, vector<1x1000x128xf32>
    %get3A_3 = vector.shape_cast %get3A_2 : vector<1x1000x128xf32> to vector<1000x128xf32>
    %get3A_4 = arith.constant 1 : index
    %get3A_5 = arith.constant 0 : index
    %get3A_6 = arith.constant 0 : index
    %get3A_7 = vector.load %arg1[%get3A_4, %get3A_5, %get3A_6] : memref<2x1000x128xf32, #tpu.memory_space<vmem>>, vector<1x1000x128xf32>
    %get3A_8 = vector.shape_cast %get3A_7 : vector<1x1000x128xf32> to vector<1000x128xf32>
    %add3A = arith.addf %get3A_3, %get3A_8 : vector<1000x128xf32>
    %get3A_9 = arith.constant 0 : index
    %get3A_10 = arith.constant 0 : index
    %get3A_11 = arith.constant 0 : index
    %get3A_12 = vector.load %arg2[%get3A_9, %get3A_10, %get3A_11] : memref<2x1000x128xf32, #tpu.memory_space<vmem>>, vector<1x1000x128xf32>
    %get3A_13 = vector.shape_cast %get3A_12 : vector<1x1000x128xf32> to vector<1000x128xf32>
    %get3A_14 = arith.constant 1 : index
    %get3A_15 = arith.constant 0 : index
    %get3A_16 = arith.constant 0 : index
    %get3A_17 = vector.load %arg2[%get3A_14, %get3A_15, %get3A_16] : memref<2x1000x128xf32, #tpu.memory_space<vmem>>, vector<1x1000x128xf32>
    %get3A_18 = vector.shape_cast %get3A_17 : vector<1x1000x128xf32> to vector<1000x128xf32>
    %add3A_19 = arith.addf %get3A_13, %get3A_18 : vector<1000x128xf32>
    %reduce_max3A = arith.constant dense<0xFF800000> : vector<1000xf32>
    %reduce_max3A_20 = vector.multi_reduction <maximumf>, %add3A_19, %reduce_max3A [1] : vector<1000x128xf32> to vector<1000xf32>
    %broadcast_in_dim3A = vector.shape_cast %reduce_max3A_20 : vector<1000xf32> to vector<1000x1xf32>
    %max3A = arith.constant 1.000000e+00 : f32
    %max3A_21 = vector.broadcast %max3A : f32 to vector<1000x1xf32>
    %max3A_22 = arith.maximumf %broadcast_in_dim3A, %max3A_21 : vector<1000x1xf32>
    %div3A = vector.broadcast %max3A_22 : vector<1000x1xf32> to vector<1000x128xf32>
    %div3A_23 = arith.divf %add3A, %div3A : vector<1000x128xf32>
    %get3A_24 = arith.constant 0 : index
    %get3A_25 = arith.constant 0 : index
    %get3A_26 = vector.load %arg4[%get3A_24, %get3A_25] : memref<128x128xf32, #tpu.memory_space<vmem>>, vector<128x128xf32>
    %dot_general3A = arith.constant dense<0.000000e+00> : vector<1000x128xf32>
    %dot_general3A_27 = tpu.matmul %div3A_23, %get3A_26, %dot_general3A {dimension_numbers = #tpu.dot_dimension_numbers<[1], [0], [0], [1], [0, 0, 1, 1], [], []>, transpose_lhs_hint = false} : vector<1000x128xf32>, vector<128x128xf32>, vector<1000x128xf32> -> vector<1000x128xf32>
    %get3A_28 = arith.constant 0 : index
    %get3A_29 = arith.constant 0 : index
    %get3A_30 = vector.load %arg3[%get3A_28, %get3A_29] : memref<1000x128xf32, #tpu.memory_space<vmem>>, vector<1000x128xf32>
    %get3A_31 = arith.constant 0 : index
    %get3A_32 = arith.constant 0 : index
    %get3A_33 = vector.load %arg5[%get3A_31, %get3A_32] : memref<128x128xf32, #tpu.memory_space<vmem>>, vector<128x128xf32>
    %dot_general3A_34 = arith.constant dense<0.000000e+00> : vector<1000x128xf32>
    %dot_general3A_35 = tpu.matmul %get3A_30, %get3A_33, %dot_general3A_34 {dimension_numbers = #tpu.dot_dimension_numbers<[1], [0], [0], [1], [0, 0, 1, 1], [], []>, transpose_lhs_hint = false} : vector<1000x128xf32>, vector<128x128xf32>, vector<1000x128xf32> -> vector<1000x128xf32>
    %add3A_36 = arith.addf %dot_general3A_27, %dot_general3A_35 : vector<1000x128xf32>
    %get3A_37 = arith.constant 0 : index
    %get3A_38 = arith.constant 0 : index
    %get3A_39 = vector.load %arg6[%get3A_37, %get3A_38] : memref<1x128xf32, #tpu.memory_space<vmem>>, vector<1x128xf32>
    %add3A_40 = vector.broadcast %get3A_39 : vector<1x128xf32> to vector<1000x128xf32>
    %add3A_41 = arith.addf %add3A_36, %add3A_40 : vector<1000x128xf32>
    %swap3A = arith.constant 0 : index
    %swap3A_42 = arith.constant 0 : index
    %swap3A_43 = vector.load %arg7[%swap3A, %swap3A_42] : memref<1000x128xf32, #tpu.memory_space<vmem>>, vector<1000x128xf32>
    tpu.vector_store %arg7[%swap3A, %swap3A_42], %add3A_41 {strides = array<i32>} : memref<1000x128xf32, #tpu.memory_space<vmem>>, vector<1000x128xf32>,
    return
  }
  func.func @transform_0(%arg0: i32) -> (i32, i32, i32) {
    %c0_i32 = arith.constant 0 : i32
    %c0_i32_0 = arith.constant 0 : i32
    %c0_i32_1 = arith.constant 0 : i32
    return %c0_i32, %arg0, %c0_i32_0 : i32, i32, i32
  }
  func.func @transform_1(%arg0: i32) -> (i32, i32, i32) {
    %c0_i32 = arith.constant 0 : i32
    %c0_i32_0 = arith.constant 0 : i32
    %c0_i32_1 = arith.constant 0 : i32
    return %c0_i32, %arg0, %c0_i32_0 : i32, i32, i32
  }
  func.func @transform_2(%arg0: i32) -> (i32, i32) {
    %c0_i32 = arith.constant 0 : i32
    %c0_i32_0 = arith.constant 0 : i32
    return %arg0, %c0_i32 : i32, i32
  }
  func.func @transform_3(%arg0: i32) -> (i32, i32) {
    %c0_i32 = arith.constant 0 : i32
    %c0_i32_0 = arith.constant 0 : i32
    %c0_i32_1 = arith.constant 0 : i32
    return %c0_i32, %c0_i32_0 : i32, i32
  }
  func.func @transform_4(%arg0: i32) -> (i32, i32) {
    %c0_i32 = arith.constant 0 : i32
    %c0_i32_0 = arith.constant 0 : i32
    %c0_i32_1 = arith.constant 0 : i32
    return %c0_i32, %c0_i32_0 : i32, i32
  }
  func.func @transform_5(%arg0: i32) -> (i32, i32) {
    %c0_i32 = arith.constant 0 : i32
    %c0_i32_0 = arith.constant 0 : i32
    %c0_i32_1 = arith.constant 0 : i32
    return %c0_i32, %c0_i32_0 : i32, i32
  }
  func.func @transform_6(%arg0: i32) -> (i32, i32) {
    %c0_i32 = arith.constant 0 : i32
    %c0_i32_0 = arith.constant 0 : i32
    return %arg0, %c0_i32 : i32, i32
  }
}

</mosaic_0001>

<sc_bundles>
// kernel: kernel.10.cloned.1.call-start
scs
__scs_entry_jumppad:
0x0: {  	(pc) =	sbr.rel $0x88, $3  }
0x1: {  	(tag) =	ssettag $0x0;
	lr =	simm.s32 $0x1  }
0x2: {  	[smem:$0x3F99] =	sst lr;
	_ =	strace $0xD0000000  }
0x3: {  	_ = 	snop  }
0x4: {  	_ = 	snop  }
0x5: {  	_ = 	snop  }
0x6: {  	_ = 	snop  }
0x7: {  	_ = 	snop  }
__scs_overlays_trampoline_lowered:
0x8: {  	[smem:$0x3FA8] =	sst s0  }
0x9: {  	[smem:$0x3FA9] =	sst s1  }
0xa: {  	[smem:$0x3FAA] =	sst s2  }
0xb: {  	[smem:$0x3FAB] =	sst s3  }
0xc: {  	[smem:$0x3FAC] =	sst s4  }
0xd: {  	[smem:$0x3FAD] =	sst s5  }
0xe: {  	[smem:$0x3FAE] =	sst s6  }
0xf: {  	[smem:$0x3FAF] =	sst s7  }
0x10: {  	[smem:$0x3FB0] =	sst s8  }
0x11: {  	[smem:$0x3FB1] =	sst s9;
	s0 =	simm.s32 @!p0 $0x0  }
0x12: {  	s1 =	sld [smem:$0x3F97];
	s0 =	simm.s32 @p0 $0x1  }
0x13: {  	[smem:$0x3FB2] =	sst s0;
	s0 =	simm.s32 @!p1 $0x0  }
0x14: {  	s2 =	sld [smem:$0x3F96];
	s0 =	simm.s32 @p1 $0x1  }
0x15: {  	[smem:$0x3FB3] =	sst s0;
	s0 =	simm.s32 @!p2 $0x0  }
0x16: {  	s3 =	sld [smem:$0x3FDB];
	s0 =	simm.s32 @p2 $0x1  }
0x17: {  	s4 =	simm.s32 $0x1BF5;
	[smem:$0x3FB5] =	sst s0  }
0x18: {  	s0 =	sld [smem:$0x3F98];
	_ =	swait.ge [sflag:s4], $0x0  }
0x19: {  	s7 =	sld [smem:$0x3F99]  }
0x1a: {  	s8 =	sadd.s32 $0xFFFFE003, lr  }
0x1b: {  	s9 =	sadd.s32 $0xFFFFFEF7, lr;
	s5 =	simm.s32 $0xFFFFFFFF;
	p2 =	slt.u32 s8, $0xFFFFF086  }
0x1c: {  	p1 =	slt.u32 s9, $0xF7A;
	s5 =	simm.s32 @!p2 $0x0  }
0x1d: {  	s5 =	simm.s32 @p1 $0x1;
	p0 =	seq.s32 s7, s2  }
0x1e: {  	s7 =	smul.u32 @!p0 $0xF7A, s2;
	p2 =	seq.s32 @!p0 s5, $0x0  }
0x1f: {  	s9 =	smul.u32 $0xF7A, s1;
	s8 =	simm.s32 @!p0 $0x1BF5;
	p2 =	por !p2, p0  }
0x20: {  	[sflag:s8] =	ssyncset.s32 @!p0 $0xFFFFF086;
	s6 =	sadd.s32 @!p0 s3, s7;
	s7 =	simm.s32 @!p0 $0x108  }
0x21: {  	s3 =	sadd.s32 s3, s9;
	s6 =	sadd.s32 @!p0 $0x88, s6;
	s7 =	simm.s32 @p2 $0x1082  }
0x22: {  	[simem:s7], [sflag:s8] =	dma.local @!p0 [hbm:s6], $0xF7A  }
0x23: {  	s9 =	sor.u32 $0xD0000000, s2;
	s6 =	simm.s32 $0x108;
	_ =	swait.ge @!p0 [sflag:s8], $0x0  }
0x24: {  	s3 =	sadd.s32 $0x88, s3;
	s6 =	simm.s32 @!p1 $0x1082;
	[sflag:s4] =	ssyncset.s32 $0xFFFFF086  }
0x25: {  	[simem:s6], [sflag:s4] =	dma.local [hbm:s3], $0xF7A  }
0x26: {  	[smem:$0x3F99] =	sst s1;
	(tag) =	ssettag s2;
	_ =	strace s9  }
0x27: {  	s1 =	sld [smem:$0x3FA9]  }
0x28: {  	s2 =	sld [smem:$0x3FAA]  }
0x29: {  	s4 =	sld [smem:$0x3FAC]  }
0x2a: {  	p0 =	seq.s32 s5, $0x0;
	s5 =	sld [smem:$0x3FAD]  }
0x2b: {  	s6 =	sld [smem:$0x3FAE]  }
0x2c: {  	s7 =	sld [smem:$0x3FAF]  }
0x2d: {  	s3 =	simm.s32 $0x108;
	s8 =	sld [smem:$0x3FB0]  }
0x2e: {  	s3 =	simm.s32 @!p0 $0x1082;
	s9 =	sld [smem:$0x3FB1]  }
0x2f: {  	lr =	sadd.s32 s0, s3;
	s0 =	sld [smem:$0x3FA8]  }
0x30: {  	s3 =	sld [smem:$0x3FAB]  }
0x31: {  	[smem:$0x3FB4] =	sst s10  }
0x32: {  	s10 =	sld [smem:$0x3FB2];
	_ =	sdelay $0x3  }
0x33: {  	p0 =	seq.s32 s10, $0x1;
	s10 =	sld [smem:$0x3FB4];
	_ =	sdelay $0x3  }
0x34: {  	[smem:$0x3FB4] =	sst s10  }
0x35: {  	s10 =	sld [smem:$0x3FB3];
	_ =	sdelay $0x3  }
0x36: {  	p1 =	seq.s32 s10, $0x1;
	s10 =	sld [smem:$0x3FB4];
	_ =	sdelay $0x3  }
0x37: {  	[smem:$0x3FB4] =	sst s10  }
0x38: {  	s10 =	sld [smem:$0x3FB5]  }
0x39: {  	_ = 	snop;
	(pc) =	sbr.ind lr, $3  }
0x3a: {  	_ = 	snop  }
0x3b: {  	_ = 	snop  }
0x3c: {  	p2 =	seq.s32 s10, $0x1;
	s10 =	sld [smem:$0x3FB4]  }
0x3d: {  	_ =	shalt  }
0x3e: {  	_ =	shalt  }
0x3f: {  	_ =	shalt  }
0x40: {  	_ =	shalt  }
0x41: {  	_ =	shalt  }
0x42: {  	_ =	shalt  }
0x43: {  	_ =	shalt  }
0x44: {  	_ =	shalt  }
0x45: {  	_ =	shalt  }
0x46: {  	_ =	shalt  }
0x47: {  	_ =	shalt  }
0x48: {  	_ =	shalt  }
0x49: {  	_ =	shalt  }
0x4a: {  	_ =	shalt  }
0x4b: {  	_ =	shalt  }
0x4c: {  	_ =	shalt  }
0x4d: {  	_ =	shalt  }
0x4e: {  	_ =	shalt  }
0x4f: {  	_ =	shalt  }
0x50: {  	_ =	shalt  }
0x51: {  	_ =	shalt  }
0x52: {  	_ =	shalt  }
0x53: {  	_ =	shalt  }
0x54: {  	_ =	shalt  }
0x55: {  	_ =	shalt  }
0x56: {  	_ =	shalt  }
0x57: {  	_ =	shalt  }
0x58: {  	_ =	shalt  }
0x59: {  	_ =	shalt  }
0x5a: {  	_ =	shalt  }
0x5b: {  	_ =	shalt  }
0x5c: {  	_ =	shalt  }
0x5d: {  	_ =	shalt  }
0x5e: {  	_ =	shalt  }
0x5f: {  	_ =	shalt  }
0x60: {  	_ =	shalt  }
0x61: {  	_ =	shalt  }
0x62: {  	_ =	shalt  }
0x63: {  	_ =	shalt  }
0x64: {  	_ =	shalt  }
0x65: {  	_ =	shalt  }
0x66: {  	_ =	shalt  }
0x67: {  	_ =	shalt  }
0x68: {  	_ =	shalt  }
0x69: {  	_ =	shalt  }
0x6a: {  	_ =	shalt  }
0x6b: {  	_ =	shalt  }
0x6c: {  	_ =	shalt  }
0x6d: {  	_ =	shalt  }
0x6e: {  	_ =	shalt  }
0x6f: {  	_ =	shalt  }
0x70: {  	_ =	shalt  }
0x71: {  	_ =	shalt  }
0x72: {  	_ =	shalt  }
0x73: {  	_ =	shalt  }
0x74: {  	_ =	shalt  }
0x75: {  	_ =	shalt  }
0x76: {  	_ =	shalt  }
0x77: {  	_ =	shalt  }
0x78: {  	_ =	shalt  }
0x79: {  	_ =	shalt  }
0x7a: {  	_ =	shalt  }
0x7b: {  	_ =	shalt  }
0x7c: {  	_ =	shalt  }
0x7d: {  	_ =	shalt  }
0x7e: {  	_ =	shalt  }
0x7f: {  	_ =	shalt  }
0x80: {  	_ =	shalt  }
0x81: {  	_ =	shalt  }
0x82: {  	_ =	shalt  }
0x83: {  	_ =	shalt  }
0x84: {  	_ =	shalt  }
0x85: {  	_ =	shalt  }
0x86: {  	_ =	shalt  }
0x87: {  	_ =	shalt  }
.Lfunc_end0:
.L_simem_size_0:
called_computation.1_lowered:
.L_overlay_start_0:
0x88: {  	s2 =	sld [smem:$0x3FD9]  }
0x89: {  	s3 =	sld [smem:$0x3FFE];
	_ =	sdelay $0x1  }
0x8a: {  	s1 =	srdreg.scid  }
0x8b: {  	s0 =	sand.u32 $0x1, s1  }
0x8c: {  	s17 =	sshll.u32 s0, $0xA;
	s2 =	sadd.s32 s3, s2  }
0x8d: {  	s2 =	sadd.s32 s2, s17  }
0x8e: {  	[smem:$0x3FC0] =	sst s2  }
0x8f: {  	_ = 	snop  }
0x90: {  	s2 =	sld [smem:$0x3FC9];
	(tm) =	ssettm $0x1  }
0x91: {  	s18 =	sld [smem:$0x3FFB];
	_ =	sdelay $0x3  }
0x92: {  	_ =	strace s18  }
0x93: {  	s3 =	sld [smem:$0x3FFC];
	_ =	sdelay $0x3  }
0x94: {  	_ =	strace s3  }
0x95: {  	s3 =	sld [smem:$0x3FFD];
	_ =	sdelay $0x3  }
0x96: {  	_ =	strace s3  }
0x97: {  	_ =	strace $0x8FFFFFFF  }
0x98: {  	s19 =	sld [smem:$0x3FDB];
	_ =	sdelay $0x1  }
0x99: {  	s4 =	simm.s32 $_scs_section_size  }
0x9a: {  	s5 =	simm.s32 $_size__tile_overlayer_lowered;
	s6 =	simm.s32 $_tile_overlayer_lowered  }
0x9b: {  	s22 =	simm.s32 $0x1BFF;
	s21 =	sshll.u32 s6, $0x1;
	s3 =	sadd.s32 s4, s19  }
0x9c: {  	s7 =	simm.s32 $0x0;
	s20 =	sshll.u32 s5, $0x1;
	s5 =	sadd.s32 s21, s3  }
0x9d: {  	[timem:s7], [sflag:s22] =	dma.local [hbm:s5], s20  }
0x9e: {  	_ =	swait.ge [sflag:s22], s20  }
0x9f: {  	s4 =	ssub.s32 $0x0, s20;
	[sflag:s22] =	ssyncset.done $0x0  }
0xa0: {  	[sflag:s22] =	ssyncadd.s32 s4;
	_ =	sdelay $0x1  }
0xa1: {  	s23 =	simm.s32 $0x1B8B  }
0xa2: {  	_ =	swait.ge [sflag:s23], $0x1  }
0xa3: {  	[sflag:s23] =	ssyncset.done $0x0  }
0xa4: {  	s25 =	simm.s32 $0x1B8E;
	s24 =	sld [smem:$0x3FFE];
	[sflag:s23] =	ssyncadd.s32 $0xFFFFFFFF  }
0xa5: {  	s26 =	simm.s32 $execute0_lowered;
	[smem:$0x3FD2] =	sst s25  }
0xa6: {  	s5 =	sshll.u32 s26, $0x1;
	_ =	strace $0x80000046;
	[dreg:$0x1] =	wrdreg $0xFFFFFFFF  }
0xa7: {  	s28 =	simm.s32 $_size_execute0_lowered;
	s3 =	sadd.s32 s3, s5;
	[dreg:$0x0] =	wrdreg $0x0  }
0xa8: {  	s5 =	sshll.u32 s28, $0x1;
	[dreg:$0x2] =	wrdreg s3  }
0xa9: {  	[dreg:$0x3] =	wrdreg s5  }
0xaa: {  	[dreg:$0x4] =	wrdreg $0xC0  }
0xab: {  	_ =	task [dreg:s7], $0x5FFFF  }
0xac: {  	[dreg:$0x1] =	wrdreg $0xFFFFFFFF  }
0xad: {  	[dreg:$0x0] =	wrdreg $0x60  }
0xae: {  	[dreg:$0x2] =	wrdreg s2  }
0xaf: {  	[dreg:$0x3] =	wrdreg s24  }
0xb0: {  	[dreg:$0x4] =	wrdreg $0xA8000  }
0xb1: {  	[dreg:$0x5] =	wrdreg $0xA  }
0xb2: {  	_ =	task.clear_ibuf [dreg:s7], $0x6FFFF;
	_ =	strace $0x90000046  }
0xb3: {  	s29 =	simm.s32 $0xA;
	_ =	strace $0x80000048  }
0xb4: {  	_ =	swait.ge [sflag:s29], $0x1  }
0xb5: {  	[sflag:s29] =	ssyncadd.s32 $0xFFFFFFFF  }
0xb6: {  	_ =	strace $0x90000048  }
0xb7: {  	_ =	sfence  }
0xb8: {  	s30 =	sld [smem:$0x0];
	_ =	sdelay $0x2  }
0xb9: {  	s31 =	sshll.u32 s1, $0xD;
	s1 =	sshrl.u32 s1, $0x2  }
0xba: {  	s3 =	sand.u32 $0x4000, s31;
	s1 =	sadd.s32 s1, s30  }
0xbb: {  	s0 =	sor.u32 s3, s0;
	s1 =	sshll.u32 s1, $0x11  }
0xbc: {  	s0 =	sor.u32 s1, s0  }
0xbd: {  	s0 =	sadd.s32 $0x8F2B, s0  }
0xbe: {  	[sflag:s0] =	ssyncadd.remote.s32 $0x1  }
0xbf: {  	_ =	sfence.sel $0xFFFF  }
0xc0: {  	[dreg:$0x0] =	wrdreg $0xFFFFFFFF;
	(pc) =	sbr.abs _section_cstart, $3  }
0xc1: {  	[dreg:$0x1] =	wrdreg $0xFFFFFFFF  }
0xc2: {  	_ =	task.clear_ibuf [dreg:s7], $0x2FFFF;
	_ =	strace $0x9FFFFFFF  }
0xc3: {  	(tm) =	ssettm $0x7FFFFFFF  }
tec
execute0_lowered:
.L_overlay_start_1:
0x0: {  	(tag) =	ssettag $0x1  }
0x1: {  	s1 =	rddreg [dreg:$0x0]  }
0x2: {  	s0 =	rddreg [dreg:$0x1]  }
0x3: {  	s2 =	rddreg [dreg:$0x2];
	s3 =	simm.s32 $0x0;
	s4 =	srdreg.scid  }
0x4: {  	s5 =	stileid.u32;
	s22 =	simm.s32 $0x3;
	s23 =	simm.s32 $0x1  }
0x5: {  	s24 =	simm.s32 $0x1400;
	s28 =	simm.s32 $0x2;
	s29 =	simm.s32 $0x2700  }
0x6: {  	s30 =	simm.s32 $0x2780;
	s31 =	simm.s32 $0x0;
	[smem:$0x7FF] =	sst s3  }
0x7: {  	s13 =	sadd.s32 $0x2200, s0;
	s4 =	sand.u32 $0x1, s4;
	s14 =	sadd.s32 $0xC200, s0  }
0x8: {  	s7 =	smul.u32 $0x50000, s5;
	s8 =	sadd.s32 $0x16200, s0;
	s0 =	sadd.s32 $0x16A00, s0  }
0x9: {  	s15 =	smul.u32 $0x14000, s5;
	_ =	strace $0x80000047;
	s6 =	ssub.s32 $0x2, s4  }
0xa: {  	[dreg:$0x4] =	wrdreg s8;
	s9 =	sshll.u32 s4, $0x4;
	s4 =	smul.u32 $0x140000, s4  }
0xb: {  	s25 =	sshrl.u32 s6, $0x1;
	s7 =	sshrl.u32 s7, $0x2;
	s26 =	sor.u32 s5, s9  }
0xc: {  	s16 =	sadd.s32 $0x4000, s15;
	s17 =	sadd.s32 $0x8000, s15;
	s18 =	sadd.s32 $0xC000, s15  }
0xd: {  	s19 =	sadd.s32 $0x10000, s15;
	s20 =	ssub.s32 s6, s25;
	s6 =	sadd.s32 s7, s2  }
0xe: {  	s9 =	smul.u32 $0x2800, s26;
	s7 =	sadd.s32 s16, s2;
	s8 =	sadd.s32 s17, s2  }
0xf: {  	s10 =	sadd.s32 s19, s2;
	s15 =	sadd.s32 s15, s4;
	s16 =	sadd.s32 s4, s16  }
0x10: {  	s17 =	sadd.s32 s4, s17;
	s25 =	simm.s32 $0x80;
	s26 =	simm.s32 $0x6800  }
0x11: {  	s15 =	sshrl.u32 s15, $0x3;
	s16 =	sshrl.u32 s16, $0x3;
	s17 =	sshrl.u32 s17, $0x3  }
0x12: {  	s20 =	smax.u32 s20, $0x1;
	s21 =	sshrl.u32 s9, $0x3;
	s9 =	sadd.s32 s18, s2  }
0x13: {  	s15 =	sadd.s32 s0, s15;
	s16 =	sadd.s32 s0, s16;
	s18 =	sadd.s32 s4, s18  }
0x14: {  	s4 =	sadd.s32 s4, s19;
	s17 =	sadd.s32 s0, s17;
	s11 =	sadd.s32 s13, s21  }
0x15: {  	s12 =	sadd.s32 s14, s21;
	s21 =	sadd.s32 $0x280, s21;
	s18 =	sshrl.u32 s18, $0x3  }
0x16: {  	s4 =	sshrl.u32 s4, $0x3;
	s13 =	sadd.s32 s13, s21;
	s14 =	sadd.s32 s14, s21  }
0x17: {  	s18 =	sadd.s32 s0, s18;
	s19 =	sadd.s32 s0, s4;
	s21 =	simm.s32 $0x2800  }
.LBB2_1:
0x18: {  	s0 =	rddreg [dreg:$0x4]  }
0x19: {  	[tilespmem:s21], [sflag:$0x3] =	stream.linear.gather [hbm4b:s0+s3], $0x4000, $0x38;
	[tilespmem:$0x1E800] =	vst v63  }
0x1a: {  	_ =	swait.ge [sflag:s22], $0x4000  }
0x1b: {  	[sflag:s22] =	ssyncset.done $0x0  }
0x1c: {  	[sflag:s22] =	ssyncadd.s32 $0xFFFFC000  }
0x1d: {  	[spmem:s6] =	stream.linear.scatter [tilespmem:s21], [sflag:$0x1], $0x4000, $0x38;
	[tilespmem:$0x1E800] =	vst v63  }
0x1e: {  	_ = 	snop  }
0x1f: {  	[spmem:s7] =	stream.linear.scatter [tilespmem:s21], [sflag:$0x1], $0x4000, $0x38;
	[tilespmem:$0x1E800] =	vst v63  }
0x20: {  	_ = 	snop  }
0x21: {  	[spmem:s8] =	stream.linear.scatter [tilespmem:s21], [sflag:$0x1], $0x4000, $0x38;
	[tilespmem:$0x1E800] =	vst v63  }
0x22: {  	_ = 	snop  }
0x23: {  	[spmem:s9] =	stream.linear.scatter [tilespmem:s21], [sflag:$0x1], $0x4000, $0x38;
	[tilespmem:$0x1E800] =	vst v63  }
0x24: {  	_ = 	snop  }
0x25: {  	[spmem:s10] =	stream.linear.scatter [tilespmem:s21], [sflag:$0x1], $0x4000, $0x38;
	[tilespmem:$0x1E800] =	vst v63  }
0x26: {  	_ =	swait.ge [sflag:s23], $0x4000  }
0x27: {  	[sflag:s23] =	ssyncset.done $0x0  }
0x28: {  	[sflag:s23] =	ssyncadd.s32 $0xFFFFC000  }
0x29: {  	_ =	swait.ge [sflag:s23], $0x4000  }
0x2a: {  	[sflag:s23] =	ssyncset.done $0x0  }
0x2b: {  	[sflag:s23] =	ssyncadd.s32 $0xFFFFC000  }
0x2c: {  	_ =	swait.ge [sflag:s23], $0x4000  }
0x2d: {  	[sflag:s23] =	ssyncset.done $0x0  }
0x2e: {  	[sflag:s23] =	ssyncadd.s32 $0xFFFFC000  }
0x2f: {  	_ =	swait.ge [sflag:s23], $0x4000  }
0x30: {  	[sflag:s23] =	ssyncset.done $0x0  }
0x31: {  	[sflag:s23] =	ssyncadd.s32 $0xFFFFC000  }
0x32: {  	_ =	swait.ge [sflag:s23], $0x4000  }
0x33: {  	[sflag:s23] =	ssyncset.done $0x0  }
0x34: {  	[sflag:s23] =	ssyncadd.s32 $0xFFFFC000  }
0x35: {  	[bflag:$0x0] =	sbarrier.arrive $0xFFFF  }
0x36: {  	[tilespmem:s3], [sflag:$0x3] =	stream.linear.gather [hbm4b:s11+s3], $0x1400, $0x38;
	[tilespmem:$0x1E800] =	vst v63  }
0x37: {  	_ =	swait.ge [sflag:s22], $0x1400  }
0x38: {  	[sflag:s22] =	ssyncset.done $0x0  }
0x39: {  	[sflag:s22] =	ssyncadd.s32 $0xFFFFEC00  }
0x3a: {  	[tilespmem:s24], [sflag:$0x3] =	stream.linear.gather [hbm4b:s12+s3], $0x1400, $0x38;
	[tilespmem:$0x1E800] =	vst v63  }
0x3b: {  	_ =	swait.ge [sflag:s22], $0x1400  }
0x3c: {  	[sflag:s22] =	ssyncset.done $0x0  }
0x3d: {  	[sflag:s22] =	ssyncadd.s32 $0xFFFFEC00  }
0x3e: {  	[tilespmem:s21], [sflag:$0x1] =	stream.indirect.gather [hbm4b:s1+s25], $0x80, s3, s25, $0xb8;
	[tilespmem:$0x1E800] =	vst v63  }
0x3f: {  	_ = 	snop  }
0x40: {  	[tilespmem:s26], [sflag:$0x2] =	stream.indirect.gather [hbm4b:s1+s25], $0x80, s25, s25, $0xb8;
	[tilespmem:$0x1E800] =	vst v63  }
0x41: {  	_ =	swait.ge [sflag:s23], $0x4000  }
0x42: {  	[sflag:s23] =	ssyncset.done $0x0  }
0x43: {  	s5 =	simm.s32 $0x1400;
	[sflag:s23] =	ssyncadd.s32 $0xFFFFC000  }
0x44: {  	[spmem:s2] =	stream.indirect.scatter.add.f32 [tilespmem:s21], [sflag:$0x3], $0x80, s5, s25, $0xb8;
	[tilespmem:$0x1E800] =	vst v63  }
0x45: {  	_ =	swait.ge [sflag:s22], $0x4000  }
0x46: {  	[sflag:s22] =	ssyncset.done $0x0  }
0x47: {  	s4 =	simm.s32 $0x100;
	[sflag:s22] =	ssyncadd.s32 $0xFFFFC000  }
0x48: {  	[tilespmem:s21], [sflag:$0x1] =	stream.indirect.gather [hbm4b:s1+s25], $0x80, s4, s25, $0xb8;
	[tilespmem:$0x1E800] =	vst v63  }
0x49: {  	_ =	swait.ge [sflag:s28], $0x4000  }
0x4a: {  	[sflag:s28] =	ssyncset.done $0x0  }
0x4b: {  	s5 =	simm.s32 $0x1480;
	[sflag:s28] =	ssyncadd.s32 $0xFFFFC000  }
0x4c: {  	[spmem:s2] =	stream.indirect.scatter.add.f32 [tilespmem:s26], [sflag:$0x3], $0x80, s5, s25, $0xb8;
	[tilespmem:$0x1E800] =	vst v63  }
0x4d: {  	_ =	swait.ge [sflag:s22], $0x4000  }
0x4e: {  	[sflag:s22] =	ssyncset.done $0x0  }
0x4f: {  	s0 =	simm.s32 $0x400;
	s4 =	simm.s32 $0x180;
	[sflag:s22] =	ssyncadd.s32 $0xFFFFC000  }
.LBB2_2:
0x50: {  	[tilespmem:s26], [sflag:$0x2] =	stream.indirect.gather [hbm4b:s1+s25], $0x80, s4, s25, $0xb8;
	[tilespmem:$0x1E800] =	vst v63  }
0x51: {  	s4 =	smov.u32 s0  }
0x52: {  	p0 =	sne.s32 s0, $0x4800;
	s0 =	sadd.s32 $0x400, s0;
	_ =	swait.ge [sflag:s23], $0x4000  }
0x53: {  	s4 =	sshra.s32 s4, $0x2;
	[sflag:s23] =	ssyncset.done $0x0  }
0x54: {  	s5 =	sadd.s32 $0x1400, s4;
	[sflag:s23] =	ssyncadd.s32 $0xFFFFC000  }
0x55: {  	[spmem:s2] =	stream.indirect.scatter.add.f32 [tilespmem:s21], [sflag:$0x3], $0x80, s5, s25, $0xb8;
	[tilespmem:$0x1E800] =	vst v63  }
0x56: {  	_ =	swait.ge [sflag:s22], $0x4000  }
0x57: {  	[sflag:s22] =	ssyncset.done $0x0  }
0x58: {  	s5 =	sadd.s32 $0x100, s4;
	[sflag:s22] =	ssyncadd.s32 $0xFFFFC000  }
0x59: {  	[tilespmem:s21], [sflag:$0x1] =	stream.indirect.gather [hbm4b:s1+s25], $0x80, s5, s25, $0xb8;
	[tilespmem:$0x1E800] =	vst v63  }
0x5a: {  	_ =	swait.ge [sflag:s28], $0x4000  }
0x5b: {  	[sflag:s28] =	ssyncset.done $0x0  }
.Ltmp0:
0x5c: {  	s5 =	sadd.s32 $0x1480, s4;
	[sflag:s28] =	ssyncadd.s32 $0xFFFFC000;
	(pc) =	sbr.rel @p0 .LBB2_2-.Ltmp0, $4  }
0x5d: {  	[spmem:s2] =	stream.indirect.scatter.add.f32 [tilespmem:s26], [sflag:$0x3], $0x80, s5, s25, $0xb8;
	[tilespmem:$0x1E800] =	vst v63  }
0x5e: {  	_ =	swait.ge [sflag:s22], $0x4000  }
0x5f: {  	[sflag:s22] =	ssyncset.done $0x0  }
0x60: {  	s4 =	sadd.s32 $0x180, s4;
	[sflag:s22] =	ssyncadd.s32 $0xFFFFC000  }
0x61: {  	[tilespmem:s26], [sflag:$0x2] =	stream.indirect.gather [hbm4b:s1+s25], $0x80, s4, s25, $0xb8;
	[tilespmem:$0x1E800] =	vst v63  }
0x62: {  	_ =	swait.ge [sflag:s23], $0x4000  }
0x63: {  	[sflag:s23] =	ssyncset.done $0x0  }
0x64: {  	[sflag:s23] =	ssyncadd.s32 $0xFFFFC000  }
0x65: {  	[spmem:s2] =	stream.indirect.scatter.add.f32 [tilespmem:s21], [sflag:$0x3], $0x80, s29, s25, $0xb8;
	[tilespmem:$0x1E800] =	vst v63  }
0x66: {  	_ =	swait.ge [sflag:s22], $0x4000  }
0x67: {  	[sflag:s22] =	ssyncset.done $0x0  }
0x68: {  	[sflag:s22] =	ssyncadd.s32 $0xFFFFC000  }
0x69: {  	_ =	swait.ge [sflag:s28], $0x4000  }
0x6a: {  	[sflag:s28] =	ssyncset.done $0x0  }
0x6b: {  	[sflag:s28] =	ssyncadd.s32 $0xFFFFC000  }
0x6c: {  	[spmem:s2] =	stream.indirect.scatter.add.f32 [tilespmem:s26], [sflag:$0x3], $0x80, s30, s25, $0xb8;
	[tilespmem:$0x1E800] =	vst v63  }
0x6d: {  	_ =	swait.ge [sflag:s22], $0x4000  }
0x6e: {  	[sflag:s22] =	ssyncset.done $0x0  }
0x6f: {  	s0 =	simm.s32 $0x0;
	[sflag:s22] =	ssyncadd.s32 $0xFFFFC000  }
0x70: {  	[tilespmem:s0], [sflag:$0x3] =	stream.linear.gather [hbm4b:s13+s0], $0x1400, $0x38;
	[tilespmem:$0x1E800] =	vst v63  }
0x71: {  	_ =	swait.ge [sflag:s22], $0x1400  }
0x72: {  	[sflag:s22] =	ssyncset.done $0x0  }
0x73: {  	[sflag:s22] =	ssyncadd.s32 $0xFFFFEC00  }
0x74: {  	[tilespmem:s24], [sflag:$0x3] =	stream.linear.gather [hbm4b:s14+s0], $0x1400, $0x38;
	[tilespmem:$0x1E800] =	vst v63  }
0x75: {  	_ =	swait.ge [sflag:s22], $0x1400  }
0x76: {  	[sflag:s22] =	ssyncset.done $0x0  }
0x77: {  	[sflag:s22] =	ssyncadd.s32 $0xFFFFEC00  }
0x78: {  	[tilespmem:s21], [sflag:$0x1] =	stream.indirect.gather [hbm4b:s1+s25], $0x80, s0, s25, $0xb8;
	[tilespmem:$0x1E800] =	vst v63  }
0x79: {  	_ = 	snop  }
0x7a: {  	[tilespmem:s26], [sflag:$0x2] =	stream.indirect.gather [hbm4b:s1+s25], $0x80, s25, s25, $0xb8;
	[tilespmem:$0x1E800] =	vst v63  }
0x7b: {  	_ =	swait.ge [sflag:s23], $0x4000  }
0x7c: {  	[sflag:s23] =	ssyncset.done $0x0  }
0x7d: {  	s5 =	simm.s32 $0x1400;
	[sflag:s23] =	ssyncadd.s32 $0xFFFFC000  }
0x7e: {  	[spmem:s2] =	stream.indirect.scatter.add.f32 [tilespmem:s21], [sflag:$0x3], $0x80, s5, s25, $0xb8;
	[tilespmem:$0x1E800] =	vst v63  }
0x7f: {  	_ =	swait.ge [sflag:s22], $0x4000  }
0x80: {  	[sflag:s22] =	ssyncset.done $0x0  }
0x81: {  	s4 =	simm.s32 $0x100;
	[sflag:s22] =	ssyncadd.s32 $0xFFFFC000  }
0x82: {  	[tilespmem:s21], [sflag:$0x1] =	stream.indirect.gather [hbm4b:s1+s25], $0x80, s4, s25, $0xb8;
	[tilespmem:$0x1E800] =	vst v63  }
0x83: {  	_ =	swait.ge [sflag:s28], $0x4000  }
0x84: {  	[sflag:s28] =	ssyncset.done $0x0  }
0x85: {  	s5 =	simm.s32 $0x1480;
	[sflag:s28] =	ssyncadd.s32 $0xFFFFC000  }
0x86: {  	[spmem:s2] =	stream.indirect.scatter.add.f32 [tilespmem:s26], [sflag:$0x3], $0x80, s5, s25, $0xb8;
	[tilespmem:$0x1E800] =	vst v63  }
0x87: {  	_ =	swait.ge [sflag:s22], $0x4000  }
0x88: {  	[sflag:s22] =	ssyncset.done $0x0  }
0x89: {  	s0 =	simm.s32 $0x400;
	s4 =	simm.s32 $0x180;
	[sflag:s22] =	ssyncadd.s32 $0xFFFFC000  }
.LBB2_4:
0x8a: {  	[tilespmem:s26], [sflag:$0x2] =	stream.indirect.gather [hbm4b:s1+s25], $0x80, s4, s25, $0xb8;
	[tilespmem:$0x1E800] =	vst v63  }
0x8b: {  	s4 =	smov.u32 s0  }
0x8c: {  	p0 =	sne.s32 s0, $0x4800;
	s0 =	sadd.s32 $0x400, s0;
	_ =	swait.ge [sflag:s23], $0x4000  }
0x8d: {  	s4 =	sshra.s32 s4, $0x2;
	[sflag:s23] =	ssyncset.done $0x0  }
0x8e: {  	s5 =	sadd.s32 $0x1400, s4;
	[sflag:s23] =	ssyncadd.s32 $0xFFFFC000  }
0x8f: {  	[spmem:s2] =	stream.indirect.scatter.add.f32 [tilespmem:s21], [sflag:$0x3], $0x80, s5, s25, $0xb8;
	[tilespmem:$0x1E800] =	vst v63  }
0x90: {  	_ =	swait.ge [sflag:s22], $0x4000  }
0x91: {  	[sflag:s22] =	ssyncset.done $0x0  }
0x92: {  	s5 =	sadd.s32 $0x100, s4;
	[sflag:s22] =	ssyncadd.s32 $0xFFFFC000  }
0x93: {  	[tilespmem:s21], [sflag:$0x1] =	stream.indirect.gather [hbm4b:s1+s25], $0x80, s5, s25, $0xb8;
	[tilespmem:$0x1E800] =	vst v63  }
0x94: {  	_ =	swait.ge [sflag:s28], $0x4000  }
0x95: {  	[sflag:s28] =	ssyncset.done $0x0  }
.Ltmp1:
0x96: {  	s5 =	sadd.s32 $0x1480, s4;
	[sflag:s28] =	ssyncadd.s32 $0xFFFFC000;
	(pc) =	sbr.rel @p0 .LBB2_4-.Ltmp1, $4  }
0x97: {  	[spmem:s2] =	stream.indirect.scatter.add.f32 [tilespmem:s26], [sflag:$0x3], $0x80, s5, s25, $0xb8;
	[tilespmem:$0x1E800] =	vst v63  }
0x98: {  	_ =	swait.ge [sflag:s22], $0x4000  }
0x99: {  	[sflag:s22] =	ssyncset.done $0x0  }
0x9a: {  	s4 =	sadd.s32 $0x180, s4;
	[sflag:s22] =	ssyncadd.s32 $0xFFFFC000  }
0x9b: {  	[tilespmem:s26], [sflag:$0x2] =	stream.indirect.gather [hbm4b:s1+s25], $0x80, s4, s25, $0xb8;
	[tilespmem:$0x1E800] =	vst v63  }
0x9c: {  	_ =	swait.ge [sflag:s23], $0x4000  }
0x9d: {  	[sflag:s23] =	ssyncset.done $0x0  }
0x9e: {  	[sflag:s23] =	ssyncadd.s32 $0xFFFFC000  }
0x9f: {  	[spmem:s2] =	stream.indirect.scatter.add.f32 [tilespmem:s21], [sflag:$0x3], $0x80, s29, s25, $0xb8;
	[tilespmem:$0x1E800] =	vst v63  }
0xa0: {  	_ =	swait.ge [sflag:s22], $0x4000  }
0xa1: {  	[sflag:s22] =	ssyncset.done $0x0  }
0xa2: {  	[sflag:s22] =	ssyncadd.s32 $0xFFFFC000  }
0xa3: {  	_ =	swait.ge [sflag:s28], $0x4000  }
0xa4: {  	[sflag:s28] =	ssyncset.done $0x0  }
0xa5: {  	[sflag:s28] =	ssyncadd.s32 $0xFFFFC000  }
0xa6: {  	[spmem:s2] =	stream.indirect.scatter.add.f32 [tilespmem:s26], [sflag:$0x3], $0x80, s30, s25, $0xb8;
	[tilespmem:$0x1E800] =	vst v63  }
0xa7: {  	_ =	swait.ge [sflag:s22], $0x4000  }
0xa8: {  	[sflag:s22] =	ssyncset.done $0x0  }
0xa9: {  	[sflag:s22] =	ssyncadd.s32 $0xFFFFC000  }
0xaa: {  	[bflag:$0x0] =	sbarrier.arrive $0xFFFF  }
0xab: {  	[tilespmem:s21], [sflag:$0x3] =	stream.linear.gather [spmem:s6], $0x4000, $0x38;
	[tilespmem:$0x1E800] =	vst v63  }
0xac: {  	_ =	swait.ge [sflag:s22], $0x4000  }
0xad: {  	[sflag:s22] =	ssyncset.done $0x0  }
0xae: {  	[sflag:s22] =	ssyncadd.s32 $0xFFFFC000  }
0xaf: {  	[hbm4b:s15+s3] =	stream.linear.scatter [tilespmem:s21], [sflag:$0x1], $0x4000, $0x38;
	[tilespmem:$0x1E800] =	vst v63  }
0xb0: {  	_ = 	snop  }
0xb1: {  	[tilespmem:s26], [sflag:$0x3] =	stream.linear.gather [spmem:s7], $0x4000, $0x38;
	[tilespmem:$0x1E800] =	vst v63  }
0xb2: {  	_ =	swait.ge [sflag:s22], $0x4000  }
0xb3: {  	[sflag:s22] =	ssyncset.done $0x0  }
0xb4: {  	[sflag:s22] =	ssyncadd.s32 $0xFFFFC000  }
0xb5: {  	[hbm4b:s16+s3] =	stream.linear.scatter [tilespmem:s26], [sflag:$0x2], $0x4000, $0x38;
	[tilespmem:$0x1E800] =	vst v63  }
0xb6: {  	_ =	swait.ge [sflag:s23], $0x4000  }
0xb7: {  	[sflag:s23] =	ssyncset.done $0x0  }
0xb8: {  	[sflag:s23] =	ssyncadd.s32 $0xFFFFC000  }
0xb9: {  	[tilespmem:s21], [sflag:$0x3] =	stream.linear.gather [spmem:s8], $0x4000, $0x38;
	[tilespmem:$0x1E800] =	vst v63  }
0xba: {  	_ =	swait.ge [sflag:s22], $0x4000  }
0xbb: {  	[sflag:s22] =	ssyncset.done $0x0  }
0xbc: {  	[sflag:s22] =	ssyncadd.s32 $0xFFFFC000  }
0xbd: {  	[hbm4b:s17+s3] =	stream.linear.scatter [tilespmem:s21], [sflag:$0x1], $0x4000, $0x38;
	[tilespmem:$0x1E800] =	vst v63  }
0xbe: {  	_ =	swait.ge [sflag:s28], $0x4000  }
0xbf: {  	[sflag:s28] =	ssyncset.done $0x0  }
0xc0: {  	[sflag:s28] =	ssyncadd.s32 $0xFFFFC000  }
0xc1: {  	[tilespmem:s26], [sflag:$0x3] =	stream.linear.gather [spmem:s9], $0x4000, $0x38;
	[tilespmem:$0x1E800] =	vst v63  }
0xc2: {  	_ =	swait.ge [sflag:s22], $0x4000  }
0xc3: {  	[sflag:s22] =	ssyncset.done $0x0  }
0xc4: {  	[sflag:s22] =	ssyncadd.s32 $0xFFFFC000  }
0xc5: {  	[hbm4b:s18+s3] =	stream.linear.scatter [tilespmem:s26], [sflag:$0x2], $0x4000, $0x38;
	[tilespmem:$0x1E800] =	vst v63  }
0xc6: {  	_ =	swait.ge [sflag:s23], $0x4000  }
0xc7: {  	[sflag:s23] =	ssyncset.done $0x0  }
0xc8: {  	[sflag:s23] =	ssyncadd.s32 $0xFFFFC000  }
0xc9: {  	[tilespmem:s21], [sflag:$0x3] =	stream.linear.gather [spmem:s10], $0x4000, $0x38;
	[tilespmem:$0x1E800] =	vst v63  }
0xca: {  	_ =	swait.ge [sflag:s22], $0x4000  }
0xcb: {  	[sflag:s22] =	ssyncset.done $0x0  }
0xcc: {  	s31 =	sadd.s32 $0x1, s31;
	[sflag:s22] =	ssyncadd.s32 $0xFFFFC000  }
0xcd: {  	[hbm4b:s19+s3] =	stream.linear.scatter [tilespmem:s21], [sflag:$0x1], $0x4000, $0x38;
	[tilespmem:$0x1E800] =	vst v63  }
0xce: {  	p0 =	sne.s32 s31, s20;
	_ =	swait.ge [sflag:s28], $0x4000  }
.Ltmp2:
0xcf: {  	[sflag:s28] =	ssyncset.done $0x0;
	(pc) =	sbr.rel @p0 .LBB2_1-.Ltmp2, $4  }
0xd0: {  	[sflag:s28] =	ssyncadd.s32 $0xFFFFC000  }
0xd1: {  	_ =	swait.ge [sflag:s23], $0x4000  }
0xd2: {  	[sflag:s23] =	ssyncset.done $0x0  }
0xd3: {  	[sflag:s23] =	ssyncadd.s32 $0xFFFFC000  }
0xd4: {  	_ =	sfence.sel $0x180000  }
0xd5: {  	[bflag:$0x0] =	sbarrier.arrive $0xFFFF  }
0xd6: {  	_ =	strace $0x90000047  }
0xd7: {  	s0 =	stileid.u32;
	[bflag:$0x2] =	sbarrier.arrive $0xFFFF  }
0xd8: {  	p0 =	sne.s32 s0, $0x0;
	s0 =	rddreg [dreg:$0x3]  }
0xd9: {  	s0 =	sadd.s32 @!p0 $0x100000, s0  }
0xda: {  	[sflag:s0] =	ssyncadd.tile.s32 @!p0 $0x1;
	_ =	shalt  }
.Lfunc_end2:
_tile_overlayer_lowered:
.L_overlay_start_2:
0xdb: {  	(tag) =	ssettag $0x2  }
0xdc: {  	s0 =	rddreg [dreg:$0x0];
	s2 =	stileid.u32  }
0xdd: {  	s1 =	rddreg [dreg:$0x1];
	p0 =	sne.s32 s2, $0x0  }
0xde: {  	s3 =	rddreg [dreg:$0x2];
	[bflag:$0x3] =	sbarrier.arrive $0xFFFF;
	s2 =	simm.s32 @!p0 $0x1C03  }
0xdf: {  	[timem:s3], [sflag:s2] =	dma.local @!p0 [hbm:s0], s1  }
0xe0: {  	s0 =	simm.s32 @!p0 $0x3  }
0xe1: {  	_ =	swait.ge @!p0 [sflag:s0], s1  }
0xe2: {  	s1 =	ssub.s32 @!p0 $0x0, s1;
	[sflag:s0] =	ssyncset.done @!p0 $0x0  }
0xe3: {  	[sflag:s0] =	ssyncadd.s32 @!p0 s1  }
0xe4: {  	[bflag:$0x3] =	sbarrier.arrive $0xFFFF  }
0xe5: {  	_ =	shalt  }

// kernel: kernel.13.cloned.1.call-start
scs
__scs_entry_jumppad:
0x0: {  	(pc) =	sbr.rel $0x88, $3  }
0x1: {  	(tag) =	ssettag $0x0;
	lr =	simm.s32 $0x1  }
0x2: {  	[smem:$0x3F99] =	sst lr;
	_ =	strace $0xD0000000  }
0x3: {  	_ = 	snop  }
0x4: {  	_ = 	snop  }
0x5: {  	_ = 	snop  }
0x6: {  	_ = 	snop  }
0x7: {  	_ = 	snop  }
__scs_overlays_trampoline_lowered:
0x8: {  	[smem:$0x3FA8] =	sst s0  }
0x9: {  	[smem:$0x3FA9] =	sst s1  }
0xa: {  	[smem:$0x3FAA] =	sst s2  }
0xb: {  	[smem:$0x3FAB] =	sst s3  }
0xc: {  	[smem:$0x3FAC] =	sst s4  }
0xd: {  	[smem:$0x3FAD] =	sst s5  }
0xe: {  	[smem:$0x3FAE] =	sst s6  }
0xf: {  	[smem:$0x3FAF] =	sst s7  }
0x10: {  	[smem:$0x3FB0] =	sst s8  }
0x11: {  	[smem:$0x3FB1] =	sst s9;
	s0 =	simm.s32 @!p0 $0x0  }
0x12: {  	s1 =	sld [smem:$0x3F97];
	s0 =	simm.s32 @p0 $0x1  }
0x13: {  	[smem:$0x3FB2] =	sst s0;
	s0 =	simm.s32 @!p1 $0x0  }
0x14: {  	s2 =	sld [smem:$0x3F96];
	s0 =	simm.s32 @p1 $0x1  }
0x15: {  	[smem:$0x3FB3] =	sst s0;
	s0 =	simm.s32 @!p2 $0x0  }
0x16: {  	s3 =	sld [smem:$0x3FDB];
	s0 =	simm.s32 @p2 $0x1  }
0x17: {  	s4 =	simm.s32 $0x1BF5;
	[smem:$0x3FB5] =	sst s0  }
0x18: {  	s0 =	sld [smem:$0x3F98];
	_ =	swait.ge [sflag:s4], $0x0  }
0x19: {  	s7 =	sld [smem:$0x3F99]  }
0x1a: {  	s8 =	sadd.s32 $0xFFFFE003, lr  }
0x1b: {  	s9 =	sadd.s32 $0xFFFFFEF7, lr;
	s5 =	simm.s32 $0xFFFFFFFF;
	p2 =	slt.u32 s8, $0xFFFFF086  }
0x1c: {  	p1 =	slt.u32 s9, $0xF7A;
	s5 =	simm.s32 @!p2 $0x0  }
0x1d: {  	s5 =	simm.s32 @p1 $0x1;
	p0 =	seq.s32 s7, s2  }
0x1e: {  	s7 =	smul.u32 @!p0 $0xF7A, s2;
	p2 =	seq.s32 @!p0 s5, $0x0  }
0x1f: {  	s9 =	smul.u32 $0xF7A, s1;
	s8 =	simm.s32 @!p0 $0x1BF5;
	p2 =	por !p2, p0  }
0x20: {  	[sflag:s8] =	ssyncset.s32 @!p0 $0xFFFFF086;
	s6 =	sadd.s32 @!p0 s3, s7;
	s7 =	simm.s32 @!p0 $0x108  }
0x21: {  	s3 =	sadd.s32 s3, s9;
	s6 =	sadd.s32 @!p0 $0x88, s6;
	s7 =	simm.s32 @p2 $0x1082  }
0x22: {  	[simem:s7], [sflag:s8] =	dma.local @!p0 [hbm:s6], $0xF7A  }
0x23: {  	s9 =	sor.u32 $0xD0000000, s2;
	s6 =	simm.s32 $0x108;
	_ =	swait.ge @!p0 [sflag:s8], $0x0  }
0x24: {  	s3 =	sadd.s32 $0x88, s3;
	s6 =	simm.s32 @!p1 $0x1082;
	[sflag:s4] =	ssyncset.s32 $0xFFFFF086  }
0x25: {  	[simem:s6], [sflag:s4] =	dma.local [hbm:s3], $0xF7A  }
0x26: {  	[smem:$0x3F99] =	sst s1;
	(tag) =	ssettag s2;
	_ =	strace s9  }
0x27: {  	s1 =	sld [smem:$0x3FA9]  }
0x28: {  	s2 =	sld [smem:$0x3FAA]  }
0x29: {  	s4 =	sld [smem:$0x3FAC]  }
0x2a: {  	p0 =	seq.s32 s5, $0x0;
	s5 =	sld [smem:$0x3FAD]  }
0x2b: {  	s6 =	sld [smem:$0x3FAE]  }
0x2c: {  	s7 =	sld [smem:$0x3FAF]  }
0x2d: {  	s3 =	simm.s32 $0x108;
	s8 =	sld [smem:$0x3FB0]  }
0x2e: {  	s3 =	simm.s32 @!p0 $0x1082;
	s9 =	sld [smem:$0x3FB1]  }
0x2f: {  	lr =	sadd.s32 s0, s3;
	s0 =	sld [smem:$0x3FA8]  }
0x30: {  	s3 =	sld [smem:$0x3FAB]  }
0x31: {  	[smem:$0x3FB4] =	sst s10  }
0x32: {  	s10 =	sld [smem:$0x3FB2];
	_ =	sdelay $0x3  }
0x33: {  	p0 =	seq.s32 s10, $0x1;
	s10 =	sld [smem:$0x3FB4];
	_ =	sdelay $0x3  }
0x34: {  	[smem:$0x3FB4] =	sst s10  }
0x35: {  	s10 =	sld [smem:$0x3FB3];
	_ =	sdelay $0x3  }
0x36: {  	p1 =	seq.s32 s10, $0x1;
	s10 =	sld [smem:$0x3FB4];
	_ =	sdelay $0x3  }
0x37: {  	[smem:$0x3FB4] =	sst s10  }
0x38: {  	s10 =	sld [smem:$0x3FB5]  }
0x39: {  	_ = 	snop;
	(pc) =	sbr.ind lr, $3  }
0x3a: {  	_ = 	snop  }
0x3b: {  	_ = 	snop  }
0x3c: {  	p2 =	seq.s32 s10, $0x1;
	s10 =	sld [smem:$0x3FB4]  }
0x3d: {  	_ =	shalt  }
0x3e: {  	_ =	shalt  }
0x3f: {  	_ =	shalt  }
0x40: {  	_ =	shalt  }
0x41: {  	_ =	shalt  }
0x42: {  	_ =	shalt  }
0x43: {  	_ =	shalt  }
0x44: {  	_ =	shalt  }
0x45: {  	_ =	shalt  }
0x46: {  	_ =	shalt  }
0x47: {  	_ =	shalt  }
0x48: {  	_ =	shalt  }
0x49: {  	_ =	shalt  }
0x4a: {  	_ =	shalt  }
0x4b: {  	_ =	shalt  }
0x4c: {  	_ =	shalt  }
0x4d: {  	_ =	shalt  }
0x4e: {  	_ =	shalt  }
0x4f: {  	_ =	shalt  }
0x50: {  	_ =	shalt  }
0x51: {  	_ =	shalt  }
0x52: {  	_ =	shalt  }
0x53: {  	_ =	shalt  }
0x54: {  	_ =	shalt  }
0x55: {  	_ =	shalt  }
0x56: {  	_ =	shalt  }
0x57: {  	_ =	shalt  }
0x58: {  	_ =	shalt  }
0x59: {  	_ =	shalt  }
0x5a: {  	_ =	shalt  }
0x5b: {  	_ =	shalt  }
0x5c: {  	_ =	shalt  }
0x5d: {  	_ =	shalt  }
0x5e: {  	_ =	shalt  }
0x5f: {  	_ =	shalt  }
0x60: {  	_ =	shalt  }
0x61: {  	_ =	shalt  }
0x62: {  	_ =	shalt  }
0x63: {  	_ =	shalt  }
0x64: {  	_ =	shalt  }
0x65: {  	_ =	shalt  }
0x66: {  	_ =	shalt  }
0x67: {  	_ =	shalt  }
0x68: {  	_ =	shalt  }
0x69: {  	_ =	shalt  }
0x6a: {  	_ =	shalt  }
0x6b: {  	_ =	shalt  }
0x6c: {  	_ =	shalt  }
0x6d: {  	_ =	shalt  }
0x6e: {  	_ =	shalt  }
0x6f: {  	_ =	shalt  }
0x70: {  	_ =	shalt  }
0x71: {  	_ =	shalt  }
0x72: {  	_ =	shalt  }
0x73: {  	_ =	shalt  }
0x74: {  	_ =	shalt  }
0x75: {  	_ =	shalt  }
0x76: {  	_ =	shalt  }
0x77: {  	_ =	shalt  }
0x78: {  	_ =	shalt  }
0x79: {  	_ =	shalt  }
0x7a: {  	_ =	shalt  }
0x7b: {  	_ =	shalt  }
0x7c: {  	_ =	shalt  }
0x7d: {  	_ =	shalt  }
0x7e: {  	_ =	shalt  }
0x7f: {  	_ =	shalt  }
0x80: {  	_ =	shalt  }
0x81: {  	_ =	shalt  }
0x82: {  	_ =	shalt  }
0x83: {  	_ =	shalt  }
0x84: {  	_ =	shalt  }
0x85: {  	_ =	shalt  }
0x86: {  	_ =	shalt  }
0x87: {  	_ =	shalt  }
.Lfunc_end0:
.L_simem_size_0:
called_computation.2_lowered:
.L_overlay_start_0:
0x88: {  	s2 =	sld [smem:$0x3FD9]  }
0x89: {  	s3 =	sld [smem:$0x3FFE];
	_ =	sdelay $0x1  }
0x8a: {  	s1 =	srdreg.scid  }
0x8b: {  	s0 =	sand.u32 $0x1, s1  }
0x8c: {  	s17 =	sshll.u32 s0, $0xA;
	s2 =	sadd.s32 s3, s2  }
0x8d: {  	s2 =	sadd.s32 s2, s17  }
0x8e: {  	[smem:$0x3FC0] =	sst s2  }
0x8f: {  	_ = 	snop  }
0x90: {  	s2 =	sld [smem:$0x3FD0];
	(tm) =	ssettm $0x1  }
0x91: {  	s18 =	sld [smem:$0x3FFB];
	_ =	sdelay $0x3  }
0x92: {  	_ =	strace s18  }
0x93: {  	s3 =	sld [smem:$0x3FFC];
	_ =	sdelay $0x3  }
0x94: {  	_ =	strace s3  }
0x95: {  	s3 =	sld [smem:$0x3FFD];
	_ =	sdelay $0x3  }
0x96: {  	_ =	strace s3  }
0x97: {  	_ =	strace $0x8FFFFFFF  }
0x98: {  	s19 =	sld [smem:$0x3FDB];
	_ =	sdelay $0x1  }
0x99: {  	s4 =	simm.s32 $_scs_section_size  }
0x9a: {  	s5 =	simm.s32 $_size__tile_overlayer_lowered;
	s6 =	simm.s32 $_tile_overlayer_lowered  }
0x9b: {  	s22 =	simm.s32 $0x1BFF;
	s21 =	sshll.u32 s6, $0x1;
	s3 =	sadd.s32 s4, s19  }
0x9c: {  	s7 =	simm.s32 $0x0;
	s20 =	sshll.u32 s5, $0x1;
	s5 =	sadd.s32 s21, s3  }
0x9d: {  	[timem:s7], [sflag:s22] =	dma.local [hbm:s5], s20  }
0x9e: {  	_ =	swait.ge [sflag:s22], s20  }
0x9f: {  	s4 =	ssub.s32 $0x0, s20;
	[sflag:s22] =	ssyncset.done $0x0  }
0xa0: {  	[sflag:s22] =	ssyncadd.s32 s4;
	_ =	sdelay $0x1  }
0xa1: {  	s23 =	simm.s32 $0x1B8B  }
0xa2: {  	_ =	swait.ge [sflag:s23], $0x1  }
0xa3: {  	[sflag:s23] =	ssyncset.done $0x0  }
0xa4: {  	s25 =	simm.s32 $0x1B8E;
	s24 =	sld [smem:$0x3FFE];
	[sflag:s23] =	ssyncadd.s32 $0xFFFFFFFF  }
0xa5: {  	s26 =	simm.s32 $execute0_lowered;
	[smem:$0x3FD2] =	sst s25  }
0xa6: {  	s5 =	sshll.u32 s26, $0x1;
	_ =	strace $0x8000004C;
	[dreg:$0x1] =	wrdreg $0xFFFFFFFF  }
0xa7: {  	s28 =	simm.s32 $_size_execute0_lowered;
	s3 =	sadd.s32 s3, s5;
	[dreg:$0x0] =	wrdreg $0x0  }
0xa8: {  	s5 =	sshll.u32 s28, $0x1;
	[dreg:$0x2] =	wrdreg s3  }
0xa9: {  	[dreg:$0x3] =	wrdreg s5  }
0xaa: {  	[dreg:$0x4] =	wrdreg $0xC0  }
0xab: {  	_ =	task [dreg:s7], $0x5FFFF  }
0xac: {  	[dreg:$0x1] =	wrdreg $0xFFFFFFFF  }
0xad: {  	[dreg:$0x0] =	wrdreg $0x60  }
0xae: {  	[dreg:$0x2] =	wrdreg s2  }
0xaf: {  	[dreg:$0x3] =	wrdreg s24  }
0xb0: {  	[dreg:$0x4] =	wrdreg $0xA8000  }
0xb1: {  	[dreg:$0x5] =	wrdreg $0x9  }
0xb2: {  	_ =	task.clear_ibuf [dreg:s7], $0x6FFFF;
	_ =	strace $0x9000004C  }
0xb3: {  	s29 =	simm.s32 $0x9;
	_ =	strace $0x8000004E  }
0xb4: {  	_ =	swait.ge [sflag:s29], $0x1  }
0xb5: {  	[sflag:s29] =	ssyncadd.s32 $0xFFFFFFFF  }
0xb6: {  	_ =	strace $0x9000004E  }
0xb7: {  	_ =	sfence  }
0xb8: {  	s30 =	sld [smem:$0x0];
	_ =	sdelay $0x2  }
0xb9: {  	s31 =	sshll.u32 s1, $0xD;
	s1 =	sshrl.u32 s1, $0x2  }
0xba: {  	s3 =	sand.u32 $0x4000, s31;
	s1 =	sadd.s32 s1, s30  }
0xbb: {  	s0 =	sor.u32 s3, s0;
	s1 =	sshll.u32 s1, $0x11  }
0xbc: {  	s0 =	sor.u32 s1, s0  }
0xbd: {  	s0 =	sadd.s32 $0x8F2B, s0  }
0xbe: {  	[sflag:s0] =	ssyncadd.remote.s32 $0x1  }
0xbf: {  	_ =	sfence.sel $0xFFFF  }
0xc0: {  	[dreg:$0x0] =	wrdreg $0xFFFFFFFF;
	(pc) =	sbr.abs _section_cstart, $3  }
0xc1: {  	[dreg:$0x1] =	wrdreg $0xFFFFFFFF  }
0xc2: {  	_ =	task.clear_ibuf [dreg:s7], $0x2FFFF;
	_ =	strace $0x9FFFFFFF  }
0xc3: {  	(tm) =	ssettm $0x7FFFFFFF  }
tec
execute0_lowered:
.L_overlay_start_1:
0x0: {  	(tag) =	ssettag $0x1  }
0x1: {  	s1 =	rddreg [dreg:$0x0]  }
0x2: {  	s0 =	rddreg [dreg:$0x1]  }
0x3: {  	s2 =	rddreg [dreg:$0x2];
	s3 =	simm.s32 $0x0;
	s4 =	srdreg.scid  }
0x4: {  	s5 =	stileid.u32;
	s22 =	simm.s32 $0x3;
	s23 =	simm.s32 $0x1  }
0x5: {  	s24 =	simm.s32 $0x1400;
	s28 =	simm.s32 $0x2;
	s29 =	simm.s32 $0x2700  }
0x6: {  	s30 =	simm.s32 $0x2780;
	s31 =	simm.s32 $0x0;
	[smem:$0x7FF] =	sst s3  }
0x7: {  	s13 =	sadd.s32 $0x2200, s0;
	s4 =	sand.u32 $0x1, s4;
	s14 =	sadd.s32 $0xC200, s0  }
0x8: {  	s7 =	smul.u32 $0x50000, s5;
	s8 =	sadd.s32 $0x16200, s0;
	s0 =	sadd.s32 $0x16A00, s0  }
0x9: {  	s15 =	smul.u32 $0x14000, s5;
	_ =	strace $0x8000004D;
	s6 =	ssub.s32 $0x2, s4  }
0xa: {  	[dreg:$0x4] =	wrdreg s8;
	s9 =	sshll.u32 s4, $0x4;
	s4 =	smul.u32 $0x140000, s4  }
0xb: {  	s25 =	sshrl.u32 s6, $0x1;
	s7 =	sshrl.u32 s7, $0x2;
	s26 =	sor.u32 s5, s9  }
0xc: {  	s16 =	sadd.s32 $0x4000, s15;
	s17 =	sadd.s32 $0x8000, s15;
	s18 =	sadd.s32 $0xC000, s15  }
0xd: {  	s19 =	sadd.s32 $0x10000, s15;
	s20 =	ssub.s32 s6, s25;
	s6 =	sadd.s32 s7, s2  }
0xe: {  	s9 =	smul.u32 $0x2800, s26;
	s7 =	sadd.s32 s16, s2;
	s8 =	sadd.s32 s17, s2  }
0xf: {  	s10 =	sadd.s32 s19, s2;
	s15 =	sadd.s32 s15, s4;
	s16 =	sadd.s32 s4, s16  }
0x10: {  	s17 =	sadd.s32 s4, s17;
	s25 =	simm.s32 $0x80;
	s26 =	simm.s32 $0x6800  }
0x11: {  	s15 =	sshrl.u32 s15, $0x3;
	s16 =	sshrl.u32 s16, $0x3;
	s17 =	sshrl.u32 s17, $0x3  }
0x12: {  	s20 =	smax.u32 s20, $0x1;
	s21 =	sshrl.u32 s9, $0x3;
	s9 =	sadd.s32 s18, s2  }
0x13: {  	s15 =	sadd.s32 s0, s15;
	s16 =	sadd.s32 s0, s16;
	s18 =	sadd.s32 s4, s18  }
0x14: {  	s4 =	sadd.s32 s4, s19;
	s17 =	sadd.s32 s0, s17;
	s11 =	sadd.s32 s13, s21  }
0x15: {  	s12 =	sadd.s32 s14, s21;
	s21 =	sadd.s32 $0x280, s21;
	s18 =	sshrl.u32 s18, $0x3  }
0x16: {  	s4 =	sshrl.u32 s4, $0x3;
	s13 =	sadd.s32 s13, s21;
	s14 =	sadd.s32 s14, s21  }
0x17: {  	s18 =	sadd.s32 s0, s18;
	s19 =	sadd.s32 s0, s4;
	s21 =	simm.s32 $0x2800  }
.LBB2_1:
0x18: {  	s0 =	rddreg [dreg:$0x4]  }
0x19: {  	[tilespmem:s21], [sflag:$0x3] =	stream.linear.gather [hbm4b:s0+s3], $0x4000, $0x38;
	[tilespmem:$0x1E800] =	vst v63  }
0x1a: {  	_ =	swait.ge [sflag:s22], $0x4000  }
0x1b: {  	[sflag:s22] =	ssyncset.done $0x0  }
0x1c: {  	[sflag:s22] =	ssyncadd.s32 $0xFFFFC000  }
0x1d: {  	[spmem:s6] =	stream.linear.scatter [tilespmem:s21], [sflag:$0x1], $0x4000, $0x38;
	[tilespmem:$0x1E800] =	vst v63  }
0x1e: {  	_ = 	snop  }
0x1f: {  	[spmem:s7] =	stream.linear.scatter [tilespmem:s21], [sflag:$0x1], $0x4000, $0x38;
	[tilespmem:$0x1E800] =	vst v63  }
0x20: {  	_ = 	snop  }
0x21: {  	[spmem:s8] =	stream.linear.scatter [tilespmem:s21], [sflag:$0x1], $0x4000, $0x38;
	[tilespmem:$0x1E800] =	vst v63  }
0x22: {  	_ = 	snop  }
0x23: {  	[spmem:s9] =	stream.linear.scatter [tilespmem:s21], [sflag:$0x1], $0x4000, $0x38;
	[tilespmem:$0x1E800] =	vst v63  }
0x24: {  	_ = 	snop  }
0x25: {  	[spmem:s10] =	stream.linear.scatter [tilespmem:s21], [sflag:$0x1], $0x4000, $0x38;
	[tilespmem:$0x1E800] =	vst v63  }
0x26: {  	_ =	swait.ge [sflag:s23], $0x4000  }
0x27: {  	[sflag:s23] =	ssyncset.done $0x0  }
0x28: {  	[sflag:s23] =	ssyncadd.s32 $0xFFFFC000  }
0x29: {  	_ =	swait.ge [sflag:s23], $0x4000  }
0x2a: {  	[sflag:s23] =	ssyncset.done $0x0  }
0x2b: {  	[sflag:s23] =	ssyncadd.s32 $0xFFFFC000  }
0x2c: {  	_ =	swait.ge [sflag:s23], $0x4000  }
0x2d: {  	[sflag:s23] =	ssyncset.done $0x0  }
0x2e: {  	[sflag:s23] =	ssyncadd.s32 $0xFFFFC000  }
0x2f: {  	_ =	swait.ge [sflag:s23], $0x4000  }
0x30: {  	[sflag:s23] =	ssyncset.done $0x0  }
0x31: {  	[sflag:s23] =	ssyncadd.s32 $0xFFFFC000  }
0x32: {  	_ =	swait.ge [sflag:s23], $0x4000  }
0x33: {  	[sflag:s23] =	ssyncset.done $0x0  }
0x34: {  	[sflag:s23] =	ssyncadd.s32 $0xFFFFC000  }
0x35: {  	[bflag:$0x0] =	sbarrier.arrive $0xFFFF  }
0x36: {  	[tilespmem:s3], [sflag:$0x3] =	stream.linear.gather [hbm4b:s11+s3], $0x1400, $0x38;
	[tilespmem:$0x1E800] =	vst v63  }
0x37: {  	_ =	swait.ge [sflag:s22], $0x1400  }
0x38: {  	[sflag:s22] =	ssyncset.done $0x0  }
0x39: {  	[sflag:s22] =	ssyncadd.s32 $0xFFFFEC00  }
0x3a: {  	[tilespmem:s24], [sflag:$0x3] =	stream.linear.gather [hbm4b:s12+s3], $0x1400, $0x38;
	[tilespmem:$0x1E800] =	vst v63  }
0x3b: {  	_ =	swait.ge [sflag:s22], $0x1400  }
0x3c: {  	[sflag:s22] =	ssyncset.done $0x0  }
0x3d: {  	[sflag:s22] =	ssyncadd.s32 $0xFFFFEC00  }
0x3e: {  	[tilespmem:s21], [sflag:$0x1] =	stream.indirect.gather [hbm4b:s1+s25], $0x80, s3, s25, $0xb8;
	[tilespmem:$0x1E800] =	vst v63  }
0x3f: {  	_ = 	snop  }
0x40: {  	[tilespmem:s26], [sflag:$0x2] =	stream.indirect.gather [hbm4b:s1+s25], $0x80, s25, s25, $0xb8;
	[tilespmem:$0x1E800] =	vst v63  }
0x41: {  	_ =	swait.ge [sflag:s23], $0x4000  }
0x42: {  	[sflag:s23] =	ssyncset.done $0x0  }
0x43: {  	s5 =	simm.s32 $0x1400;
	[sflag:s23] =	ssyncadd.s32 $0xFFFFC000  }
0x44: {  	[spmem:s2] =	stream.indirect.scatter.add.f32 [tilespmem:s21], [sflag:$0x3], $0x80, s5, s25, $0xb8;
	[tilespmem:$0x1E800] =	vst v63  }
0x45: {  	_ =	swait.ge [sflag:s22], $0x4000  }
0x46: {  	[sflag:s22] =	ssyncset.done $0x0  }
0x47: {  	s4 =	simm.s32 $0x100;
	[sflag:s22] =	ssyncadd.s32 $0xFFFFC000  }
0x48: {  	[tilespmem:s21], [sflag:$0x1] =	stream.indirect.gather [hbm4b:s1+s25], $0x80, s4, s25, $0xb8;
	[tilespmem:$0x1E800] =	vst v63  }
0x49: {  	_ =	swait.ge [sflag:s28], $0x4000  }
0x4a: {  	[sflag:s28] =	ssyncset.done $0x0  }
0x4b: {  	s5 =	simm.s32 $0x1480;
	[sflag:s28] =	ssyncadd.s32 $0xFFFFC000  }
0x4c: {  	[spmem:s2] =	stream.indirect.scatter.add.f32 [tilespmem:s26], [sflag:$0x3], $0x80, s5, s25, $0xb8;
	[tilespmem:$0x1E800] =	vst v63  }
0x4d: {  	_ =	swait.ge [sflag:s22], $0x4000  }
0x4e: {  	[sflag:s22] =	ssyncset.done $0x0  }
0x4f: {  	s0 =	simm.s32 $0x400;
	s4 =	simm.s32 $0x180;
	[sflag:s22] =	ssyncadd.s32 $0xFFFFC000  }
.LBB2_2:
0x50: {  	[tilespmem:s26], [sflag:$0x2] =	stream.indirect.gather [hbm4b:s1+s25], $0x80, s4, s25, $0xb8;
	[tilespmem:$0x1E800] =	vst v63  }
0x51: {  	s4 =	smov.u32 s0  }
0x52: {  	p0 =	sne.s32 s0, $0x4800;
	s0 =	sadd.s32 $0x400, s0;
	_ =	swait.ge [sflag:s23], $0x4000  }
0x53: {  	s4 =	sshra.s32 s4, $0x2;
	[sflag:s23] =	ssyncset.done $0x0  }
0x54: {  	s5 =	sadd.s32 $0x1400, s4;
	[sflag:s23] =	ssyncadd.s32 $0xFFFFC000  }
0x55: {  	[spmem:s2] =	stream.indirect.scatter.add.f32 [tilespmem:s21], [sflag:$0x3], $0x80, s5, s25, $0xb8;
	[tilespmem:$0x1E800] =	vst v63  }
0x56: {  	_ =	swait.ge [sflag:s22], $0x4000  }
0x57: {  	[sflag:s22] =	ssyncset.done $0x0  }
0x58: {  	s5 =	sadd.s32 $0x100, s4;
	[sflag:s22] =	ssyncadd.s32 $0xFFFFC000  }
0x59: {  	[tilespmem:s21], [sflag:$0x1] =	stream.indirect.gather [hbm4b:s1+s25], $0x80, s5, s25, $0xb8;
	[tilespmem:$0x1E800] =	vst v63  }
0x5a: {  	_ =	swait.ge [sflag:s28], $0x4000  }
0x5b: {  	[sflag:s28] =	ssyncset.done $0x0  }
.Ltmp0:
0x5c: {  	s5 =	sadd.s32 $0x1480, s4;
	[sflag:s28] =	ssyncadd.s32 $0xFFFFC000;
	(pc) =	sbr.rel @p0 .LBB2_2-.Ltmp0, $4  }
0x5d: {  	[spmem:s2] =	stream.indirect.scatter.add.f32 [tilespmem:s26], [sflag:$0x3], $0x80, s5, s25, $0xb8;
	[tilespmem:$0x1E800] =	vst v63  }
0x5e: {  	_ =	swait.ge [sflag:s22], $0x4000  }
0x5f: {  	[sflag:s22] =	ssyncset.done $0x0  }
0x60: {  	s4 =	sadd.s32 $0x180, s4;
	[sflag:s22] =	ssyncadd.s32 $0xFFFFC000  }
0x61: {  	[tilespmem:s26], [sflag:$0x2] =	stream.indirect.gather [hbm4b:s1+s25], $0x80, s4, s25, $0xb8;
	[tilespmem:$0x1E800] =	vst v63  }
0x62: {  	_ =	swait.ge [sflag:s23], $0x4000  }
0x63: {  	[sflag:s23] =	ssyncset.done $0x0  }
0x64: {  	[sflag:s23] =	ssyncadd.s32 $0xFFFFC000  }
0x65: {  	[spmem:s2] =	stream.indirect.scatter.add.f32 [tilespmem:s21], [sflag:$0x3], $0x80, s29, s25, $0xb8;
	[tilespmem:$0x1E800] =	vst v63  }
0x66: {  	_ =	swait.ge [sflag:s22], $0x4000  }
0x67: {  	[sflag:s22] =	ssyncset.done $0x0  }
0x68: {  	[sflag:s22] =	ssyncadd.s32 $0xFFFFC000  }
0x69: {  	_ =	swait.ge [sflag:s28], $0x4000  }
0x6a: {  	[sflag:s28] =	ssyncset.done $0x0  }
0x6b: {  	[sflag:s28] =	ssyncadd.s32 $0xFFFFC000  }
0x6c: {  	[spmem:s2] =	stream.indirect.scatter.add.f32 [tilespmem:s26], [sflag:$0x3], $0x80, s30, s25, $0xb8;
	[tilespmem:$0x1E800] =	vst v63  }
0x6d: {  	_ =	swait.ge [sflag:s22], $0x4000  }
0x6e: {  	[sflag:s22] =	ssyncset.done $0x0  }
0x6f: {  	s0 =	simm.s32 $0x0;
	[sflag:s22] =	ssyncadd.s32 $0xFFFFC000  }
0x70: {  	[tilespmem:s0], [sflag:$0x3] =	stream.linear.gather [hbm4b:s13+s0], $0x1400, $0x38;
	[tilespmem:$0x1E800] =	vst v63  }
0x71: {  	_ =	swait.ge [sflag:s22], $0x1400  }
0x72: {  	[sflag:s22] =	ssyncset.done $0x0  }
0x73: {  	[sflag:s22] =	ssyncadd.s32 $0xFFFFEC00  }
0x74: {  	[tilespmem:s24], [sflag:$0x3] =	stream.linear.gather [hbm4b:s14+s0], $0x1400, $0x38;
	[tilespmem:$0x1E800] =	vst v63  }
0x75: {  	_ =	swait.ge [sflag:s22], $0x1400  }
0x76: {  	[sflag:s22] =	ssyncset.done $0x0  }
0x77: {  	[sflag:s22] =	ssyncadd.s32 $0xFFFFEC00  }
0x78: {  	[tilespmem:s21], [sflag:$0x1] =	stream.indirect.gather [hbm4b:s1+s25], $0x80, s0, s25, $0xb8;
	[tilespmem:$0x1E800] =	vst v63  }
0x79: {  	_ = 	snop  }
0x7a: {  	[tilespmem:s26], [sflag:$0x2] =	stream.indirect.gather [hbm4b:s1+s25], $0x80, s25, s25, $0xb8;
	[tilespmem:$0x1E800] =	vst v63  }
0x7b: {  	_ =	swait.ge [sflag:s23], $0x4000  }
0x7c: {  	[sflag:s23] =	ssyncset.done $0x0  }
0x7d: {  	s5 =	simm.s32 $0x1400;
	[sflag:s23] =	ssyncadd.s32 $0xFFFFC000  }
0x7e: {  	[spmem:s2] =	stream.indirect.scatter.add.f32 [tilespmem:s21], [sflag:$0x3], $0x80, s5, s25, $0xb8;
	[tilespmem:$0x1E800] =	vst v63  }
0x7f: {  	_ =	swait.ge [sflag:s22], $0x4000  }
0x80: {  	[sflag:s22] =	ssyncset.done $0x0  }
0x81: {  	s4 =	simm.s32 $0x100;
	[sflag:s22] =	ssyncadd.s32 $0xFFFFC000  }
0x82: {  	[tilespmem:s21], [sflag:$0x1] =	stream.indirect.gather [hbm4b:s1+s25], $0x80, s4, s25, $0xb8;
	[tilespmem:$0x1E800] =	vst v63  }
0x83: {  	_ =	swait.ge [sflag:s28], $0x4000  }
0x84: {  	[sflag:s28] =	ssyncset.done $0x0  }
0x85: {  	s5 =	simm.s32 $0x1480;
	[sflag:s28] =	ssyncadd.s32 $0xFFFFC000  }
0x86: {  	[spmem:s2] =	stream.indirect.scatter.add.f32 [tilespmem:s26], [sflag:$0x3], $0x80, s5, s25, $0xb8;
	[tilespmem:$0x1E800] =	vst v63  }
0x87: {  	_ =	swait.ge [sflag:s22], $0x4000  }
0x88: {  	[sflag:s22] =	ssyncset.done $0x0  }
0x89: {  	s0 =	simm.s32 $0x400;
	s4 =	simm.s32 $0x180;
	[sflag:s22] =	ssyncadd.s32 $0xFFFFC000  }
.LBB2_4:
0x8a: {  	[tilespmem:s26], [sflag:$0x2] =	stream.indirect.gather [hbm4b:s1+s25], $0x80, s4, s25, $0xb8;
	[tilespmem:$0x1E800] =	vst v63  }
0x8b: {  	s4 =	smov.u32 s0  }
0x8c: {  	p0 =	sne.s32 s0, $0x4800;
	s0 =	sadd.s32 $0x400, s0;
	_ =	swait.ge [sflag:s23], $0x4000  }
0x8d: {  	s4 =	sshra.s32 s4, $0x2;
	[sflag:s23] =	ssyncset.done $0x0  }
0x8e: {  	s5 =	sadd.s32 $0x1400, s4;
	[sflag:s23] =	ssyncadd.s32 $0xFFFFC000  }
0x8f: {  	[spmem:s2] =	stream.indirect.scatter.add.f32 [tilespmem:s21], [sflag:$0x3], $0x80, s5, s25, $0xb8;
	[tilespmem:$0x1E800] =	vst v63  }
0x90: {  	_ =	swait.ge [sflag:s22], $0x4000  }
0x91: {  	[sflag:s22] =	ssyncset.done $0x0  }
0x92: {  	s5 =	sadd.s32 $0x100, s4;
	[sflag:s22] =	ssyncadd.s32 $0xFFFFC000  }
0x93: {  	[tilespmem:s21], [sflag:$0x1] =	stream.indirect.gather [hbm4b:s1+s25], $0x80, s5, s25, $0xb8;
	[tilespmem:$0x1E800] =	vst v63  }
0x94: {  	_ =	swait.ge [sflag:s28], $0x4000  }
0x95: {  	[sflag:s28] =	ssyncset.done $0x0  }
.Ltmp1:
0x96: {  	s5 =	sadd.s32 $0x1480, s4;
	[sflag:s28] =	ssyncadd.s32 $0xFFFFC000;
	(pc) =	sbr.rel @p0 .LBB2_4-.Ltmp1, $4  }
0x97: {  	[spmem:s2] =	stream.indirect.scatter.add.f32 [tilespmem:s26], [sflag:$0x3], $0x80, s5, s25, $0xb8;
	[tilespmem:$0x1E800] =	vst v63  }
0x98: {  	_ =	swait.ge [sflag:s22], $0x4000  }
0x99: {  	[sflag:s22] =	ssyncset.done $0x0  }
0x9a: {  	s4 =	sadd.s32 $0x180, s4;
	[sflag:s22] =	ssyncadd.s32 $0xFFFFC000  }
0x9b: {  	[tilespmem:s26], [sflag:$0x2] =	stream.indirect.gather [hbm4b:s1+s25], $0x80, s4, s25, $0xb8;
	[tilespmem:$0x1E800] =	vst v63  }
0x9c: {  	_ =	swait.ge [sflag:s23], $0x4000  }
0x9d: {  	[sflag:s23] =	ssyncset.done $0x0  }
0x9e: {  	[sflag:s23] =	ssyncadd.s32 $0xFFFFC000  }
0x9f: {  	[spmem:s2] =	stream.indirect.scatter.add.f32 [tilespmem:s21], [sflag:$0x3], $0x80, s29, s25, $0xb8;
	[tilespmem:$0x1E800] =	vst v63  }
0xa0: {  	_ =	swait.ge [sflag:s22], $0x4000  }
0xa1: {  	[sflag:s22] =	ssyncset.done $0x0  }
0xa2: {  	[sflag:s22] =	ssyncadd.s32 $0xFFFFC000  }
0xa3: {  	_ =	swait.ge [sflag:s28], $0x4000  }
0xa4: {  	[sflag:s28] =	ssyncset.done $0x0  }
0xa5: {  	[sflag:s28] =	ssyncadd.s32 $0xFFFFC000  }
0xa6: {  	[spmem:s2] =	stream.indirect.scatter.add.f32 [tilespmem:s26], [sflag:$0x3], $0x80, s30, s25, $0xb8;
	[tilespmem:$0x1E800] =	vst v63  }
0xa7: {  	_ =	swait.ge [sflag:s22], $0x4000  }
0xa8: {  	[sflag:s22] =	ssyncset.done $0x0  }
0xa9: {  	[sflag:s22] =	ssyncadd.s32 $0xFFFFC000  }
0xaa: {  	[bflag:$0x0] =	sbarrier.arrive $0xFFFF  }
0xab: {  	[tilespmem:s21], [sflag:$0x3] =	stream.linear.gather [spmem:s6], $0x4000, $0x38;
	[tilespmem:$0x1E800] =	vst v63  }
0xac: {  	_ =	swait.ge [sflag:s22], $0x4000  }
0xad: {  	[sflag:s22] =	ssyncset.done $0x0  }
0xae: {  	[sflag:s22] =	ssyncadd.s32 $0xFFFFC000  }
0xaf: {  	[hbm4b:s15+s3] =	stream.linear.scatter [tilespmem:s21], [sflag:$0x1], $0x4000, $0x38;
	[tilespmem:$0x1E800] =	vst v63  }
0xb0: {  	_ = 	snop  }
0xb1: {  	[tilespmem:s26], [sflag:$0x3] =	stream.linear.gather [spmem:s7], $0x4000, $0x38;
	[tilespmem:$0x1E800] =	vst v63  }
0xb2: {  	_ =	swait.ge [sflag:s22], $0x4000  }
0xb3: {  	[sflag:s22] =	ssyncset.done $0x0  }
0xb4: {  	[sflag:s22] =	ssyncadd.s32 $0xFFFFC000  }
0xb5: {  	[hbm4b:s16+s3] =	stream.linear.scatter [tilespmem:s26], [sflag:$0x2], $0x4000, $0x38;
	[tilespmem:$0x1E800] =	vst v63  }
0xb6: {  	_ =	swait.ge [sflag:s23], $0x4000  }
0xb7: {  	[sflag:s23] =	ssyncset.done $0x0  }
0xb8: {  	[sflag:s23] =	ssyncadd.s32 $0xFFFFC000  }
0xb9: {  	[tilespmem:s21], [sflag:$0x3] =	stream.linear.gather [spmem:s8], $0x4000, $0x38;
	[tilespmem:$0x1E800] =	vst v63  }
0xba: {  	_ =	swait.ge [sflag:s22], $0x4000  }
0xbb: {  	[sflag:s22] =	ssyncset.done $0x0  }
0xbc: {  	[sflag:s22] =	ssyncadd.s32 $0xFFFFC000  }
0xbd: {  	[hbm4b:s17+s3] =	stream.linear.scatter [tilespmem:s21], [sflag:$0x1], $0x4000, $0x38;
	[tilespmem:$0x1E800] =	vst v63  }
0xbe: {  	_ =	swait.ge [sflag:s28], $0x4000  }
0xbf: {  	[sflag:s28] =	ssyncset.done $0x0  }
0xc0: {  	[sflag:s28] =	ssyncadd.s32 $0xFFFFC000  }
0xc1: {  	[tilespmem:s26], [sflag:$0x3] =	stream.linear.gather [spmem:s9], $0x4000, $0x38;
	[tilespmem:$0x1E800] =	vst v63  }
0xc2: {  	_ =	swait.ge [sflag:s22], $0x4000  }
0xc3: {  	[sflag:s22] =	ssyncset.done $0x0  }
0xc4: {  	[sflag:s22] =	ssyncadd.s32 $0xFFFFC000  }
0xc5: {  	[hbm4b:s18+s3] =	stream.linear.scatter [tilespmem:s26], [sflag:$0x2], $0x4000, $0x38;
	[tilespmem:$0x1E800] =	vst v63  }
0xc6: {  	_ =	swait.ge [sflag:s23], $0x4000  }
0xc7: {  	[sflag:s23] =	ssyncset.done $0x0  }
0xc8: {  	[sflag:s23] =	ssyncadd.s32 $0xFFFFC000  }
0xc9: {  	[tilespmem:s21], [sflag:$0x3] =	stream.linear.gather [spmem:s10], $0x4000, $0x38;
	[tilespmem:$0x1E800] =	vst v63  }
0xca: {  	_ =	swait.ge [sflag:s22], $0x4000  }
0xcb: {  	[sflag:s22] =	ssyncset.done $0x0  }
0xcc: {  	s31 =	sadd.s32 $0x1, s31;
	[sflag:s22] =	ssyncadd.s32 $0xFFFFC000  }
0xcd: {  	[hbm4b:s19+s3] =	stream.linear.scatter [tilespmem:s21], [sflag:$0x1], $0x4000, $0x38;
	[tilespmem:$0x1E800] =	vst v63  }
0xce: {  	p0 =	sne.s32 s31, s20;
	_ =	swait.ge [sflag:s28], $0x4000  }
.Ltmp2:
0xcf: {  	[sflag:s28] =	ssyncset.done $0x0;
	(pc) =	sbr.rel @p0 .LBB2_1-.Ltmp2, $4  }
0xd0: {  	[sflag:s28] =	ssyncadd.s32 $0xFFFFC000  }
0xd1: {  	_ =	swait.ge [sflag:s23], $0x4000  }
0xd2: {  	[sflag:s23] =	ssyncset.done $0x0  }
0xd3: {  	[sflag:s23] =	ssyncadd.s32 $0xFFFFC000  }
0xd4: {  	_ =	sfence.sel $0x180000  }
0xd5: {  	[bflag:$0x0] =	sbarrier.arrive $0xFFFF  }
0xd6: {  	_ =	strace $0x9000004D  }
0xd7: {  	s0 =	stileid.u32;
	[bflag:$0x2] =	sbarrier.arrive $0xFFFF  }
0xd8: {  	p0 =	sne.s32 s0, $0x0;
	s0 =	rddreg [dreg:$0x3]  }
0xd9: {  	s0 =	sadd.s32 @!p0 $0x100000, s0  }
0xda: {  	[sflag:s0] =	ssyncadd.tile.s32 @!p0 $0x1;
	_ =	shalt  }
.Lfunc_end2:
_tile_overlayer_lowered:
.L_overlay_start_2:
0xdb: {  	(tag) =	ssettag $0x2  }
0xdc: {  	s0 =	rddreg [dreg:$0x0];
	s2 =	stileid.u32  }
0xdd: {  	s1 =	rddreg [dreg:$0x1];
	p0 =	sne.s32 s2, $0x0  }
0xde: {  	s3 =	rddreg [dreg:$0x2];
	[bflag:$0x3] =	sbarrier.arrive $0xFFFF;
	s2 =	simm.s32 @!p0 $0x1C03  }
0xdf: {  	[timem:s3], [sflag:s2] =	dma.local @!p0 [hbm:s0], s1  }
0xe0: {  	s0 =	simm.s32 @!p0 $0x3  }
0xe1: {  	_ =	swait.ge @!p0 [sflag:s0], s1  }
0xe2: {  	s1 =	ssub.s32 @!p0 $0x0, s1;
	[sflag:s0] =	ssyncset.done @!p0 $0x0  }
0xe3: {  	[sflag:s0] =	ssyncadd.s32 @!p0 s1  }
0xe4: {  	[bflag:$0x3] =	sbarrier.arrive $0xFFFF  }
0xe5: {  	_ =	shalt  }

// kernel: kernel.7.cloned.1.call-start
scs
__scs_entry_jumppad:
0x0: {  	(pc) =	sbr.rel $0x88, $3  }
0x1: {  	(tag) =	ssettag $0x0;
	lr =	simm.s32 $0x1  }
0x2: {  	[smem:$0x3F99] =	sst lr;
	_ =	strace $0xD0000000  }
0x3: {  	_ = 	snop  }
0x4: {  	_ = 	snop  }
0x5: {  	_ = 	snop  }
0x6: {  	_ = 	snop  }
0x7: {  	_ = 	snop  }
__scs_overlays_trampoline_lowered:
0x8: {  	[smem:$0x3FA8] =	sst s0  }
0x9: {  	[smem:$0x3FA9] =	sst s1  }
0xa: {  	[smem:$0x3FAA] =	sst s2  }
0xb: {  	[smem:$0x3FAB] =	sst s3  }
0xc: {  	[smem:$0x3FAC] =	sst s4  }
0xd: {  	[smem:$0x3FAD] =	sst s5  }
0xe: {  	[smem:$0x3FAE] =	sst s6  }
0xf: {  	[smem:$0x3FAF] =	sst s7  }
0x10: {  	[smem:$0x3FB0] =	sst s8  }
0x11: {  	[smem:$0x3FB1] =	sst s9;
	s0 =	simm.s32 @!p0 $0x0  }
0x12: {  	s1 =	sld [smem:$0x3F97];
	s0 =	simm.s32 @p0 $0x1  }
0x13: {  	[smem:$0x3FB2] =	sst s0;
	s0 =	simm.s32 @!p1 $0x0  }
0x14: {  	s2 =	sld [smem:$0x3F96];
	s0 =	simm.s32 @p1 $0x1  }
0x15: {  	[smem:$0x3FB3] =	sst s0;
	s0 =	simm.s32 @!p2 $0x0  }
0x16: {  	s3 =	sld [smem:$0x3FDB];
	s0 =	simm.s32 @p2 $0x1  }
0x17: {  	s4 =	simm.s32 $0x1BF5;
	[smem:$0x3FB5] =	sst s0  }
0x18: {  	s0 =	sld [smem:$0x3F98];
	_ =	swait.ge [sflag:s4], $0x0  }
0x19: {  	s7 =	sld [smem:$0x3F99]  }
0x1a: {  	s8 =	sadd.s32 $0xFFFFE003, lr  }
0x1b: {  	s9 =	sadd.s32 $0xFFFFFEF7, lr;
	s5 =	simm.s32 $0xFFFFFFFF;
	p2 =	slt.u32 s8, $0xFFFFF086  }
0x1c: {  	p1 =	slt.u32 s9, $0xF7A;
	s5 =	simm.s32 @!p2 $0x0  }
0x1d: {  	s5 =	simm.s32 @p1 $0x1;
	p0 =	seq.s32 s7, s2  }
0x1e: {  	s7 =	smul.u32 @!p0 $0xF7A, s2;
	p2 =	seq.s32 @!p0 s5, $0x0  }
0x1f: {  	s9 =	smul.u32 $0xF7A, s1;
	s8 =	simm.s32 @!p0 $0x1BF5;
	p2 =	por !p2, p0  }
0x20: {  	[sflag:s8] =	ssyncset.s32 @!p0 $0xFFFFF086;
	s6 =	sadd.s32 @!p0 s3, s7;
	s7 =	simm.s32 @!p0 $0x108  }
0x21: {  	s3 =	sadd.s32 s3, s9;
	s6 =	sadd.s32 @!p0 $0x88, s6;
	s7 =	simm.s32 @p2 $0x1082  }
0x22: {  	[simem:s7], [sflag:s8] =	dma.local @!p0 [hbm:s6], $0xF7A  }
0x23: {  	s9 =	sor.u32 $0xD0000000, s2;
	s6 =	simm.s32 $0x108;
	_ =	swait.ge @!p0 [sflag:s8], $0x0  }
0x24: {  	s3 =	sadd.s32 $0x88, s3;
	s6 =	simm.s32 @!p1 $0x1082;
	[sflag:s4] =	ssyncset.s32 $0xFFFFF086  }
0x25: {  	[simem:s6], [sflag:s4] =	dma.local [hbm:s3], $0xF7A  }
0x26: {  	[smem:$0x3F99] =	sst s1;
	(tag) =	ssettag s2;
	_ =	strace s9  }
0x27: {  	s1 =	sld [smem:$0x3FA9]  }
0x28: {  	s2 =	sld [smem:$0x3FAA]  }
0x29: {  	s4 =	sld [smem:$0x3FAC]  }
0x2a: {  	p0 =	seq.s32 s5, $0x0;
	s5 =	sld [smem:$0x3FAD]  }
0x2b: {  	s6 =	sld [smem:$0x3FAE]  }
0x2c: {  	s7 =	sld [smem:$0x3FAF]  }
0x2d: {  	s3 =	simm.s32 $0x108;
	s8 =	sld [smem:$0x3FB0]  }
0x2e: {  	s3 =	simm.s32 @!p0 $0x1082;
	s9 =	sld [smem:$0x3FB1]  }
0x2f: {  	lr =	sadd.s32 s0, s3;
	s0 =	sld [smem:$0x3FA8]  }
0x30: {  	s3 =	sld [smem:$0x3FAB]  }
0x31: {  	[smem:$0x3FB4] =	sst s10  }
0x32: {  	s10 =	sld [smem:$0x3FB2];
	_ =	sdelay $0x3  }
0x33: {  	p0 =	seq.s32 s10, $0x1;
	s10 =	sld [smem:$0x3FB4];
	_ =	sdelay $0x3  }
0x34: {  	[smem:$0x3FB4] =	sst s10  }
0x35: {  	s10 =	sld [smem:$0x3FB3];
	_ =	sdelay $0x3  }
0x36: {  	p1 =	seq.s32 s10, $0x1;
	s10 =	sld [smem:$0x3FB4];
	_ =	sdelay $0x3  }
0x37: {  	[smem:$0x3FB4] =	sst s10  }
0x38: {  	s10 =	sld [smem:$0x3FB5]  }
0x39: {  	_ = 	snop;
	(pc) =	sbr.ind lr, $3  }
0x3a: {  	_ = 	snop  }
0x3b: {  	_ = 	snop  }
0x3c: {  	p2 =	seq.s32 s10, $0x1;
	s10 =	sld [smem:$0x3FB4]  }
0x3d: {  	_ =	shalt  }
0x3e: {  	_ =	shalt  }
0x3f: {  	_ =	shalt  }
0x40: {  	_ =	shalt  }
0x41: {  	_ =	shalt  }
0x42: {  	_ =	shalt  }
0x43: {  	_ =	shalt  }
0x44: {  	_ =	shalt  }
0x45: {  	_ =	shalt  }
0x46: {  	_ =	shalt  }
0x47: {  	_ =	shalt  }
0x48: {  	_ =	shalt  }
0x49: {  	_ =	shalt  }
0x4a: {  	_ =	shalt  }
0x4b: {  	_ =	shalt  }
0x4c: {  	_ =	shalt  }
0x4d: {  	_ =	shalt  }
0x4e: {  	_ =	shalt  }
0x4f: {  	_ =	shalt  }
0x50: {  	_ =	shalt  }
0x51: {  	_ =	shalt  }
0x52: {  	_ =	shalt  }
0x53: {  	_ =	shalt  }
0x54: {  	_ =	shalt  }
0x55: {  	_ =	shalt  }
0x56: {  	_ =	shalt  }
0x57: {  	_ =	shalt  }
0x58: {  	_ =	shalt  }
0x59: {  	_ =	shalt  }
0x5a: {  	_ =	shalt  }
0x5b: {  	_ =	shalt  }
0x5c: {  	_ =	shalt  }
0x5d: {  	_ =	shalt  }
0x5e: {  	_ =	shalt  }
0x5f: {  	_ =	shalt  }
0x60: {  	_ =	shalt  }
0x61: {  	_ =	shalt  }
0x62: {  	_ =	shalt  }
0x63: {  	_ =	shalt  }
0x64: {  	_ =	shalt  }
0x65: {  	_ =	shalt  }
0x66: {  	_ =	shalt  }
0x67: {  	_ =	shalt  }
0x68: {  	_ =	shalt  }
0x69: {  	_ =	shalt  }
0x6a: {  	_ =	shalt  }
0x6b: {  	_ =	shalt  }
0x6c: {  	_ =	shalt  }
0x6d: {  	_ =	shalt  }
0x6e: {  	_ =	shalt  }
0x6f: {  	_ =	shalt  }
0x70: {  	_ =	shalt  }
0x71: {  	_ =	shalt  }
0x72: {  	_ =	shalt  }
0x73: {  	_ =	shalt  }
0x74: {  	_ =	shalt  }
0x75: {  	_ =	shalt  }
0x76: {  	_ =	shalt  }
0x77: {  	_ =	shalt  }
0x78: {  	_ =	shalt  }
0x79: {  	_ =	shalt  }
0x7a: {  	_ =	shalt  }
0x7b: {  	_ =	shalt  }
0x7c: {  	_ =	shalt  }
0x7d: {  	_ =	shalt  }
0x7e: {  	_ =	shalt  }
0x7f: {  	_ =	shalt  }
0x80: {  	_ =	shalt  }
0x81: {  	_ =	shalt  }
0x82: {  	_ =	shalt  }
0x83: {  	_ =	shalt  }
0x84: {  	_ =	shalt  }
0x85: {  	_ =	shalt  }
0x86: {  	_ =	shalt  }
0x87: {  	_ =	shalt  }
.Lfunc_end0:
.L_simem_size_0:
called_computation_lowered:
.L_overlay_start_0:
0x88: {  	s2 =	sld [smem:$0x3FD9]  }
0x89: {  	s3 =	sld [smem:$0x3FFE];
	_ =	sdelay $0x1  }
0x8a: {  	s1 =	srdreg.scid  }
0x8b: {  	s0 =	sand.u32 $0x1, s1  }
0x8c: {  	s17 =	sshll.u32 s0, $0xA;
	s2 =	sadd.s32 s3, s2  }
0x8d: {  	s2 =	sadd.s32 s2, s17  }
0x8e: {  	[smem:$0x3FC0] =	sst s2  }
0x8f: {  	_ = 	snop  }
0x90: {  	s18 =	sld [smem:$0x3FD0];
	(tm) =	ssettm $0x1  }
0x91: {  	s19 =	sld [smem:$0x3FFB];
	_ =	sdelay $0x3  }
0x92: {  	_ =	strace s19  }
0x93: {  	s2 =	sld [smem:$0x3FFC];
	_ =	sdelay $0x3  }
0x94: {  	_ =	strace s2  }
0x95: {  	s2 =	sld [smem:$0x3FFD];
	_ =	sdelay $0x3  }
0x96: {  	_ =	strace s2  }
0x97: {  	_ =	strace $0x8FFFFFFF  }
0x98: {  	s20 =	sld [smem:$0x3FDB];
	_ =	sdelay $0x1  }
0x99: {  	s4 =	simm.s32 $_scs_section_size  }
0x9a: {  	s5 =	simm.s32 $_size__tile_overlayer_lowered;
	s6 =	simm.s32 $_tile_overlayer_lowered  }
0x9b: {  	s7 =	simm.s32 $0x1BFF;
	s21 =	sshll.u32 s6, $0x1;
	s4 =	sadd.s32 s4, s20  }
0x9c: {  	s22 =	simm.s32 $0x0;
	s5 =	sshll.u32 s5, $0x1;
	s6 =	sadd.s32 s21, s4  }
0x9d: {  	[timem:s22], [sflag:s7] =	dma.local [hbm:s6], s5  }
0x9e: {  	_ =	swait.ge [sflag:s7], s5  }
0x9f: {  	s5 =	ssub.s32 $0x0, s5;
	[sflag:s7] =	ssyncset.done $0x0  }
0xa0: {  	[sflag:s7] =	ssyncadd.s32 s5;
	_ =	sdelay $0x1  }
0xa1: {  	s23 =	simm.s32 $0x1B8B  }
0xa2: {  	_ =	swait.ge [sflag:s23], $0x1  }
0xa3: {  	[sflag:s23] =	ssyncset.done $0x0  }
0xa4: {  	[sflag:s23] =	ssyncadd.s32 $0xFFFFFFFF  }
0xa5: {  	s5 =	sld [smem:$0x0]  }
0xa6: {  	s6 =	sand.u32 $0xFFFFFFFE, s1  }
0xa7: {  	p0 =	sne.s32 s1, s6  }
0xa8: {  	s6 =	sshll.u32 @p0 s6, $0xE  }
0xa9: {  	s6 =	sadd.s32 @p0 $0x11B8D, s6;
	s7 =	sshll.u32 @p0 s5, $0x11  }
0xaa: {  	s6 =	sor.u32 @p0 s7, s6  }
0xab: {  	[sflag:s6] =	ssyncadd.remote.s32 @p0 $0x1;
	_ =	sdelay $0x1  }
0xac: {  	s6 =	simm.s32 @p0 $0x1B8D  }
0xad: {  	_ =	swait.eq @p0 [sflag:s6], $0x1  }
0xae: {  	[sflag:s6] =	ssyncadd.s32 @p0 $0xFFFFFFFF  }
0xaf: {  	s7 =	sshll.u32 @!p0 s1, $0xE  }
0xb0: {  	s7 =	sor.u32 @!p0 $0x4000, s7;
	s6 =	simm.s32 @!p0 $0x1B8D  }
0xb1: {  	s5 =	sshll.u32 @!p0 s5, $0x11;
	s7 =	sadd.s32 @!p0 $0x11B8D, s7;
	_ =	swait.eq @!p0 [sflag:s6], $0x1  }
0xb2: {  	s5 =	sor.u32 @!p0 s5, s7;
	[sflag:s6] =	ssyncadd.s32 @!p0 $0xFFFFFFFF  }
0xb3: {  	s25 =	simm.s32 $0x1B8E;
	s24 =	sld [smem:$0x3FFE];
	[sflag:s5] =	ssyncadd.remote.s32 @!p0 $0x1  }
0xb4: {  	s26 =	simm.s32 $execute0_lowered;
	[smem:$0x3FD2] =	sst s25  }
0xb5: {  	s6 =	sshll.u32 s26, $0x1;
	_ =	strace $0x80000049;
	[dreg:$0x1] =	wrdreg $0xFFFFFFFF  }
0xb6: {  	s28 =	simm.s32 $_size_execute0_lowered;
	s4 =	sadd.s32 s4, s6;
	[dreg:$0x0] =	wrdreg $0x0  }
0xb7: {  	s6 =	sshll.u32 s28, $0x1;
	[dreg:$0x2] =	wrdreg s4  }
0xb8: {  	[dreg:$0x3] =	wrdreg s6  }
0xb9: {  	[dreg:$0x4] =	wrdreg $0xC0  }
0xba: {  	_ =	task [dreg:s22], $0x5FFFF  }
0xbb: {  	[dreg:$0x1] =	wrdreg $0xFFFFFFFF  }
0xbc: {  	[dreg:$0x0] =	wrdreg $0x60  }
0xbd: {  	[dreg:$0x2] =	wrdreg s24  }
0xbe: {  	[dreg:$0x3] =	wrdreg s18  }
0xbf: {  	[dreg:$0x4] =	wrdreg $0xA8000  }
0xc0: {  	[dreg:$0x5] =	wrdreg $0x9  }
0xc1: {  	_ =	task.clear_ibuf [dreg:s22], $0x6FFFF;
	_ =	strace $0x90000049  }
0xc2: {  	s29 =	simm.s32 $0x9;
	_ =	strace $0x8000004B  }
0xc3: {  	_ =	swait.ge [sflag:s29], $0x1  }
0xc4: {  	[sflag:s29] =	ssyncadd.s32 $0xFFFFFFFF  }
0xc5: {  	_ =	strace $0x9000004B  }
0xc6: {  	_ =	sfence  }
0xc7: {  	s30 =	sld [smem:$0x0];
	_ =	sdelay $0x2  }
0xc8: {  	s31 =	sshll.u32 s1, $0xD;
	s1 =	sshrl.u32 s1, $0x2  }
0xc9: {  	s4 =	sand.u32 $0x4000, s31;
	s1 =	sadd.s32 s1, s30  }
0xca: {  	s0 =	sor.u32 s4, s0;
	s1 =	sshll.u32 s1, $0x11  }
0xcb: {  	s0 =	sor.u32 s1, s0  }
0xcc: {  	s0 =	sadd.s32 $0x8F2B, s0  }
0xcd: {  	[sflag:s0] =	ssyncadd.remote.s32 $0x1  }
0xce: {  	_ =	sfence.sel $0xFFFF  }
0xcf: {  	[dreg:$0x0] =	wrdreg $0xFFFFFFFF;
	(pc) =	sbr.abs _section_cstart, $3  }
0xd0: {  	[dreg:$0x1] =	wrdreg $0xFFFFFFFF  }
0xd1: {  	_ =	task.clear_ibuf [dreg:s22], $0x2FFFF;
	_ =	strace $0x9FFFFFFF  }
0xd2: {  	(tm) =	ssettm $0x7FFFFFFF  }
0xd3: {  	_ =	shalt  }
tec
execute0_lowered:
.L_overlay_start_1:
0x0: {  	(tag) =	ssettag $0x1  }
0x1: {  	s6 =	rddreg [dreg:$0x0]  }
0x2: {  	s2 =	rddreg [dreg:$0x1]  }
0x3: {  	s0 =	srdreg.scid;
	s3 =	rddreg [dreg:$0x2];
	s4 =	simm.s32 $0x0  }
0x4: {  	s21 =	simm.s32 $0x80;
	s22 =	simm.s32 $0x6800;
	s23 =	simm.s32 $0x2  }
0x5: {  	s24 =	simm.s32 $0x0;
	s8 =	sand.u32 $0x1, s0;
	s0 =	stileid.u32  }
0x6: {  	[smem:$0x7FF] =	sst s4;
	s16 =	sadd.s32 $0x66A00, s6;
	s10 =	smul.u32 $0x50000, s0  }
0x7: {  	s1 =	sshll.u32 s8, $0x4;
	s9 =	ssub.s32 $0x2, s8;
	s11 =	smul.u32 $0x14000, s0  }
0x8: {  	s14 =	smul.u32 $0x140000, s8;
	s5 =	sor.u32 s0, s1;
	s1 =	rddreg [dreg:$0x3]  }
0x9: {  	_ =	strace $0x8000004A;
	s28 =	sshrl.u32 s9, $0x1;
	s5 =	smul.u32 $0x500, s5  }
0xa: {  	s17 =	ssub.s32 s9, s28;
	s29 =	sshrl.u32 s10, $0x2;
	s12 =	sadd.s32 $0x4000, s11  }
0xb: {  	s15 =	sadd.s32 $0x8000, s11;
	s18 =	sadd.s32 $0xC000, s11;
	s13 =	sadd.s32 s11, s14  }
0xc: {  	s19 =	sadd.s32 $0x10000, s11;
	s8 =	sadd.s32 s12, s3;
	s9 =	sadd.s32 s15, s3  }
0xd: {  	s10 =	sadd.s32 s18, s3;
	s13 =	sshrl.u32 s13, $0x3;
	s20 =	sadd.s32 s14, s12  }
0xe: {  	s11 =	sadd.s32 s19, s3;
	s15 =	sadd.s32 s14, s15;
	s18 =	sadd.s32 s14, s18  }
0xf: {  	s19 =	sadd.s32 s14, s19;
	s17 =	smax.u32 s17, $0x1;
	s7 =	sadd.s32 s5, s6  }
0x10: {  	s5 =	sadd.s32 $0x16200, s6;
	s12 =	sadd.s32 s16, s13;
	s30 =	sshrl.u32 s20, $0x3  }
0x11: {  	s15 =	sshrl.u32 s15, $0x3;
	s18 =	sshrl.u32 s18, $0x3;
	s31 =	sshrl.u32 s19, $0x3  }
0x12: {  	s19 =	simm.s32 $0x2800;
	s20 =	simm.s32 $0x1;
	s6 =	sadd.s32 $0xC200, s7  }
0x13: {  	s7 =	sadd.s32 s29, s3;
	s13 =	sadd.s32 s16, s30;
	s14 =	sadd.s32 s16, s15  }
0x14: {  	s15 =	sadd.s32 s16, s18;
	s16 =	sadd.s32 s16, s31;
	s18 =	simm.s32 $0x3  }
.LBB2_1:
0x15: {  	[tilespmem:s4], [sflag:$0x3] =	stream.linear.gather [hbm4b:s6+s4], $0x2800, $0x38;
	[tilespmem:$0x1E800] =	vst v63  }
0x16: {  	_ =	swait.ge [sflag:s18], $0x2800  }
0x17: {  	[sflag:s18] =	ssyncset.done $0x0  }
0x18: {  	[sflag:s18] =	ssyncadd.s32 $0xFFFFD800  }
0x19: {  	[tilespmem:s19], [sflag:$0x3] =	stream.linear.gather [hbm4b:s5+s4], $0x4000, $0x38;
	[tilespmem:$0x1E800] =	vst v63  }
0x1a: {  	_ =	swait.ge [sflag:s18], $0x4000  }
0x1b: {  	[sflag:s18] =	ssyncset.done $0x0  }
0x1c: {  	[sflag:s18] =	ssyncadd.s32 $0xFFFFC000  }
0x1d: {  	[spmem:s7] =	stream.linear.scatter [tilespmem:s19], [sflag:$0x1], $0x4000, $0x38;
	[tilespmem:$0x1E800] =	vst v63  }
0x1e: {  	_ = 	snop  }
0x1f: {  	[spmem:s8] =	stream.linear.scatter [tilespmem:s19], [sflag:$0x1], $0x4000, $0x38;
	[tilespmem:$0x1E800] =	vst v63  }
0x20: {  	_ = 	snop  }
0x21: {  	[spmem:s9] =	stream.linear.scatter [tilespmem:s19], [sflag:$0x1], $0x4000, $0x38;
	[tilespmem:$0x1E800] =	vst v63  }
0x22: {  	_ = 	snop  }
0x23: {  	[spmem:s10] =	stream.linear.scatter [tilespmem:s19], [sflag:$0x1], $0x4000, $0x38;
	[tilespmem:$0x1E800] =	vst v63  }
0x24: {  	_ = 	snop  }
0x25: {  	[spmem:s11] =	stream.linear.scatter [tilespmem:s19], [sflag:$0x1], $0x4000, $0x38;
	[tilespmem:$0x1E800] =	vst v63  }
0x26: {  	_ =	swait.ge [sflag:s20], $0x4000  }
0x27: {  	[sflag:s20] =	ssyncset.done $0x0  }
0x28: {  	[sflag:s20] =	ssyncadd.s32 $0xFFFFC000  }
0x29: {  	_ =	swait.ge [sflag:s20], $0x4000  }
0x2a: {  	[sflag:s20] =	ssyncset.done $0x0  }
0x2b: {  	[sflag:s20] =	ssyncadd.s32 $0xFFFFC000  }
0x2c: {  	_ =	swait.ge [sflag:s20], $0x4000  }
0x2d: {  	[sflag:s20] =	ssyncset.done $0x0  }
0x2e: {  	[sflag:s20] =	ssyncadd.s32 $0xFFFFC000  }
0x2f: {  	_ =	swait.ge [sflag:s20], $0x4000  }
0x30: {  	[sflag:s20] =	ssyncset.done $0x0  }
0x31: {  	[sflag:s20] =	ssyncadd.s32 $0xFFFFC000  }
0x32: {  	_ =	swait.ge [sflag:s20], $0x4000  }
0x33: {  	[sflag:s20] =	ssyncset.done $0x0  }
0x34: {  	[sflag:s20] =	ssyncadd.s32 $0xFFFFC000  }
0x35: {  	[tilespmem:s19], [sflag:$0x3] =	stream.linear.gather [hbm4b:s2+s4], $0x4000, $0x38;
	[tilespmem:$0x1E800] =	vst v63  }
0x36: {  	_ =	swait.ge [sflag:s18], $0x4000  }
0x37: {  	[sflag:s18] =	ssyncset.done $0x0  }
0x38: {  	[sflag:s18] =	ssyncadd.s32 $0xFFFFC000  }
0x39: {  	s25 =	simm.s32 $0x0;
	[bflag:$0x0] =	sbarrier.arrive $0xFFFF  }
0x3a: {  	[spmem:s3] =	stream.indirect.scatter.add.f32 [tilespmem:s19], [sflag:$0x1], $0x80, s25, s21, $0xb8;
	[tilespmem:$0x1E800] =	vst v63  }
0x3b: {  	s28 =	simm.s32 $0x80  }
0x3c: {  	[spmem:s3] =	stream.indirect.scatter.add.f32 [tilespmem:s19], [sflag:$0x1], $0x80, s28, s21, $0xb8;
	[tilespmem:$0x1E800] =	vst v63  }
0x3d: {  	s30 =	simm.s32 $0x100  }
0x3e: {  	[spmem:s3] =	stream.indirect.scatter.add.f32 [tilespmem:s19], [sflag:$0x1], $0x80, s30, s21, $0xb8;
	[tilespmem:$0x1E800] =	vst v63  }
0x3f: {  	s31 =	simm.s32 $0x180  }
0x40: {  	[spmem:s3] =	stream.indirect.scatter.add.f32 [tilespmem:s19], [sflag:$0x1], $0x80, s31, s21, $0xb8;
	[tilespmem:$0x1E800] =	vst v63  }
0x41: {  	s26 =	simm.s32 $0x200  }
0x42: {  	[spmem:s3] =	stream.indirect.scatter.add.f32 [tilespmem:s19], [sflag:$0x1], $0x80, s26, s21, $0xb8;
	[tilespmem:$0x1E800] =	vst v63  }
0x43: {  	s28 =	simm.s32 $0x280  }
0x44: {  	[spmem:s3] =	stream.indirect.scatter.add.f32 [tilespmem:s19], [sflag:$0x1], $0x80, s28, s21, $0xb8;
	[tilespmem:$0x1E800] =	vst v63  }
0x45: {  	s30 =	simm.s32 $0x300  }
0x46: {  	[spmem:s3] =	stream.indirect.scatter.add.f32 [tilespmem:s19], [sflag:$0x1], $0x80, s30, s21, $0xb8;
	[tilespmem:$0x1E800] =	vst v63  }
0x47: {  	s31 =	simm.s32 $0x380  }
0x48: {  	[spmem:s3] =	stream.indirect.scatter.add.f32 [tilespmem:s19], [sflag:$0x1], $0x80, s31, s21, $0xb8;
	[tilespmem:$0x1E800] =	vst v63  }
0x49: {  	s26 =	simm.s32 $0x400  }
0x4a: {  	[spmem:s3] =	stream.indirect.scatter.add.f32 [tilespmem:s19], [sflag:$0x1], $0x80, s26, s21, $0xb8;
	[tilespmem:$0x1E800] =	vst v63  }
0x4b: {  	s28 =	simm.s32 $0x480  }
0x4c: {  	[spmem:s3] =	stream.indirect.scatter.add.f32 [tilespmem:s19], [sflag:$0x1], $0x80, s28, s21, $0xb8;
	[tilespmem:$0x1E800] =	vst v63  }
0x4d: {  	s30 =	simm.s32 $0x500  }
0x4e: {  	[spmem:s3] =	stream.indirect.scatter.add.f32 [tilespmem:s19], [sflag:$0x1], $0x80, s30, s21, $0xb8;
	[tilespmem:$0x1E800] =	vst v63  }
0x4f: {  	s31 =	simm.s32 $0x580  }
0x50: {  	[spmem:s3] =	stream.indirect.scatter.add.f32 [tilespmem:s19], [sflag:$0x1], $0x80, s31, s21, $0xb8;
	[tilespmem:$0x1E800] =	vst v63  }
0x51: {  	s26 =	simm.s32 $0x600  }
0x52: {  	[spmem:s3] =	stream.indirect.scatter.add.f32 [tilespmem:s19], [sflag:$0x1], $0x80, s26, s21, $0xb8;
	[tilespmem:$0x1E800] =	vst v63  }
0x53: {  	s28 =	simm.s32 $0x680  }
0x54: {  	[spmem:s3] =	stream.indirect.scatter.add.f32 [tilespmem:s19], [sflag:$0x1], $0x80, s28, s21, $0xb8;
	[tilespmem:$0x1E800] =	vst v63  }
0x55: {  	s30 =	simm.s32 $0x700  }
0x56: {  	[spmem:s3] =	stream.indirect.scatter.add.f32 [tilespmem:s19], [sflag:$0x1], $0x80, s30, s21, $0xb8;
	[tilespmem:$0x1E800] =	vst v63  }
0x57: {  	s31 =	simm.s32 $0x780  }
0x58: {  	[spmem:s3] =	stream.indirect.scatter.add.f32 [tilespmem:s19], [sflag:$0x1], $0x80, s31, s21, $0xb8;
	[tilespmem:$0x1E800] =	vst v63  }
0x59: {  	s26 =	simm.s32 $0x800  }
0x5a: {  	[spmem:s3] =	stream.indirect.scatter.add.f32 [tilespmem:s19], [sflag:$0x1], $0x80, s26, s21, $0xb8;
	[tilespmem:$0x1E800] =	vst v63  }
0x5b: {  	s28 =	simm.s32 $0x880  }
0x5c: {  	[spmem:s3] =	stream.indirect.scatter.add.f32 [tilespmem:s19], [sflag:$0x1], $0x80, s28, s21, $0xb8;
	[tilespmem:$0x1E800] =	vst v63  }
0x5d: {  	s30 =	simm.s32 $0x900  }
0x5e: {  	[spmem:s3] =	stream.indirect.scatter.add.f32 [tilespmem:s19], [sflag:$0x1], $0x80, s30, s21, $0xb8;
	[tilespmem:$0x1E800] =	vst v63  }
0x5f: {  	s31 =	simm.s32 $0x980  }
0x60: {  	[spmem:s3] =	stream.indirect.scatter.add.f32 [tilespmem:s19], [sflag:$0x1], $0x80, s31, s21, $0xb8;
	[tilespmem:$0x1E800] =	vst v63  }
0x61: {  	_ =	swait.ge [sflag:s20], $0x4000  }
0x62: {  	[sflag:s20] =	ssyncset.done $0x0  }
0x63: {  	[sflag:s20] =	ssyncadd.s32 $0xFFFFC000  }
0x64: {  	_ =	swait.ge [sflag:s20], $0x4000  }
0x65: {  	[sflag:s20] =	ssyncset.done $0x0  }
0x66: {  	[sflag:s20] =	ssyncadd.s32 $0xFFFFC000  }
0x67: {  	_ =	swait.ge [sflag:s20], $0x4000  }
0x68: {  	[sflag:s20] =	ssyncset.done $0x0  }
0x69: {  	[sflag:s20] =	ssyncadd.s32 $0xFFFFC000  }
0x6a: {  	_ =	swait.ge [sflag:s20], $0x4000  }
0x6b: {  	[sflag:s20] =	ssyncset.done $0x0  }
0x6c: {  	[sflag:s20] =	ssyncadd.s32 $0xFFFFC000  }
0x6d: {  	_ =	swait.ge [sflag:s20], $0x4000  }
0x6e: {  	[sflag:s20] =	ssyncset.done $0x0  }
0x6f: {  	[sflag:s20] =	ssyncadd.s32 $0xFFFFC000  }
0x70: {  	_ =	swait.ge [sflag:s20], $0x4000  }
0x71: {  	[sflag:s20] =	ssyncset.done $0x0  }
0x72: {  	[sflag:s20] =	ssyncadd.s32 $0xFFFFC000  }
0x73: {  	_ =	swait.ge [sflag:s20], $0x4000  }
0x74: {  	[sflag:s20] =	ssyncset.done $0x0  }
0x75: {  	[sflag:s20] =	ssyncadd.s32 $0xFFFFC000  }
0x76: {  	_ =	swait.ge [sflag:s20], $0x4000  }
0x77: {  	[sflag:s20] =	ssyncset.done $0x0  }
0x78: {  	[sflag:s20] =	ssyncadd.s32 $0xFFFFC000  }
0x79: {  	_ =	swait.ge [sflag:s20], $0x4000  }
0x7a: {  	[sflag:s20] =	ssyncset.done $0x0  }
0x7b: {  	[sflag:s20] =	ssyncadd.s32 $0xFFFFC000  }
0x7c: {  	_ =	swait.ge [sflag:s20], $0x4000  }
0x7d: {  	[sflag:s20] =	ssyncset.done $0x0  }
0x7e: {  	[sflag:s20] =	ssyncadd.s32 $0xFFFFC000  }
0x7f: {  	_ =	swait.ge [sflag:s20], $0x4000  }
0x80: {  	[sflag:s20] =	ssyncset.done $0x0  }
0x81: {  	[sflag:s20] =	ssyncadd.s32 $0xFFFFC000  }
0x82: {  	_ =	swait.ge [sflag:s20], $0x4000  }
0x83: {  	[sflag:s20] =	ssyncset.done $0x0  }
0x84: {  	[sflag:s20] =	ssyncadd.s32 $0xFFFFC000  }
0x85: {  	_ =	swait.ge [sflag:s20], $0x4000  }
0x86: {  	[sflag:s20] =	ssyncset.done $0x0  }
0x87: {  	[sflag:s20] =	ssyncadd.s32 $0xFFFFC000  }
0x88: {  	_ =	swait.ge [sflag:s20], $0x4000  }
0x89: {  	[sflag:s20] =	ssyncset.done $0x0  }
0x8a: {  	[sflag:s20] =	ssyncadd.s32 $0xFFFFC000  }
0x8b: {  	_ =	swait.ge [sflag:s20], $0x4000  }
0x8c: {  	[sflag:s20] =	ssyncset.done $0x0  }
0x8d: {  	[sflag:s20] =	ssyncadd.s32 $0xFFFFC000  }
0x8e: {  	_ =	swait.ge [sflag:s20], $0x4000  }
0x8f: {  	[sflag:s20] =	ssyncset.done $0x0  }
0x90: {  	[sflag:s20] =	ssyncadd.s32 $0xFFFFC000  }
0x91: {  	_ =	swait.ge [sflag:s20], $0x4000  }
0x92: {  	[sflag:s20] =	ssyncset.done $0x0  }
0x93: {  	[sflag:s20] =	ssyncadd.s32 $0xFFFFC000  }
0x94: {  	_ =	swait.ge [sflag:s20], $0x4000  }
0x95: {  	[sflag:s20] =	ssyncset.done $0x0  }
0x96: {  	[sflag:s20] =	ssyncadd.s32 $0xFFFFC000  }
0x97: {  	_ =	swait.ge [sflag:s20], $0x4000  }
0x98: {  	[sflag:s20] =	ssyncset.done $0x0  }
0x99: {  	[sflag:s20] =	ssyncadd.s32 $0xFFFFC000  }
0x9a: {  	_ =	swait.ge [sflag:s20], $0x4000  }
0x9b: {  	s29 =	simm.s32 $0x5000;
	s25 =	simm.s32 $0x2800;
	[sflag:s20] =	ssyncset.done $0x0  }
.LBB2_2:
0x9c: {  	s28 =	sshra.s32 s25, $0x2  }
0x9d: {  	[sflag:s20] =	ssyncadd.s32 $0xFFFFC000;
	s25 =	smov.u32 s29;
	s26 =	sadd.s32 $0x2800, s29  }
0x9e: {  	[spmem:s3] =	stream.indirect.scatter.add.f32 [tilespmem:s19], [sflag:$0x1], $0x80, s28, s21, $0xb8;
	[tilespmem:$0x1E800] =	vst v63  }
0x9f: {  	p0 =	sne.s32 s29, $0x7800;
	s29 =	sadd.s32 $0x80, s28  }
0xa0: {  	[spmem:s3] =	stream.indirect.scatter.add.f32 [tilespmem:s19], [sflag:$0x1], $0x80, s29, s21, $0xb8;
	[tilespmem:$0x1E800] =	vst v63  }
0xa1: {  	s29 =	sadd.s32 $0x100, s28  }
0xa2: {  	[spmem:s3] =	stream.indirect.scatter.add.f32 [tilespmem:s19], [sflag:$0x1], $0x80, s29, s21, $0xb8;
	[tilespmem:$0x1E800] =	vst v63  }
0xa3: {  	s29 =	sadd.s32 $0x180, s28  }
0xa4: {  	[spmem:s3] =	stream.indirect.scatter.add.f32 [tilespmem:s19], [sflag:$0x1], $0x80, s29, s21, $0xb8;
	[tilespmem:$0x1E800] =	vst v63  }
0xa5: {  	s29 =	sadd.s32 $0x200, s28  }
0xa6: {  	[spmem:s3] =	stream.indirect.scatter.add.f32 [tilespmem:s19], [sflag:$0x1], $0x80, s29, s21, $0xb8;
	[tilespmem:$0x1E800] =	vst v63  }
0xa7: {  	s29 =	sadd.s32 $0x280, s28  }
0xa8: {  	[spmem:s3] =	stream.indirect.scatter.add.f32 [tilespmem:s19], [sflag:$0x1], $0x80, s29, s21, $0xb8;
	[tilespmem:$0x1E800] =	vst v63  }
0xa9: {  	s29 =	sadd.s32 $0x300, s28  }
0xaa: {  	[spmem:s3] =	stream.indirect.scatter.add.f32 [tilespmem:s19], [sflag:$0x1], $0x80, s29, s21, $0xb8;
	[tilespmem:$0x1E800] =	vst v63  }
0xab: {  	s29 =	sadd.s32 $0x380, s28  }
0xac: {  	[spmem:s3] =	stream.indirect.scatter.add.f32 [tilespmem:s19], [sflag:$0x1], $0x80, s29, s21, $0xb8;
	[tilespmem:$0x1E800] =	vst v63  }
0xad: {  	s29 =	sadd.s32 $0x400, s28  }
0xae: {  	[spmem:s3] =	stream.indirect.scatter.add.f32 [tilespmem:s19], [sflag:$0x1], $0x80, s29, s21, $0xb8;
	[tilespmem:$0x1E800] =	vst v63  }
0xaf: {  	s29 =	sadd.s32 $0x480, s28  }
0xb0: {  	[spmem:s3] =	stream.indirect.scatter.add.f32 [tilespmem:s19], [sflag:$0x1], $0x80, s29, s21, $0xb8;
	[tilespmem:$0x1E800] =	vst v63  }
0xb1: {  	s29 =	sadd.s32 $0x500, s28  }
0xb2: {  	[spmem:s3] =	stream.indirect.scatter.add.f32 [tilespmem:s19], [sflag:$0x1], $0x80, s29, s21, $0xb8;
	[tilespmem:$0x1E800] =	vst v63  }
0xb3: {  	s29 =	sadd.s32 $0x580, s28  }
0xb4: {  	[spmem:s3] =	stream.indirect.scatter.add.f32 [tilespmem:s19], [sflag:$0x1], $0x80, s29, s21, $0xb8;
	[tilespmem:$0x1E800] =	vst v63  }
0xb5: {  	s29 =	sadd.s32 $0x600, s28  }
0xb6: {  	[spmem:s3] =	stream.indirect.scatter.add.f32 [tilespmem:s19], [sflag:$0x1], $0x80, s29, s21, $0xb8;
	[tilespmem:$0x1E800] =	vst v63  }
0xb7: {  	s29 =	sadd.s32 $0x680, s28  }
0xb8: {  	[spmem:s3] =	stream.indirect.scatter.add.f32 [tilespmem:s19], [sflag:$0x1], $0x80, s29, s21, $0xb8;
	[tilespmem:$0x1E800] =	vst v63  }
0xb9: {  	s29 =	sadd.s32 $0x700, s28  }
0xba: {  	[spmem:s3] =	stream.indirect.scatter.add.f32 [tilespmem:s19], [sflag:$0x1], $0x80, s29, s21, $0xb8;
	[tilespmem:$0x1E800] =	vst v63  }
0xbb: {  	s29 =	sadd.s32 $0x780, s28  }
0xbc: {  	[spmem:s3] =	stream.indirect.scatter.add.f32 [tilespmem:s19], [sflag:$0x1], $0x80, s29, s21, $0xb8;
	[tilespmem:$0x1E800] =	vst v63  }
0xbd: {  	s29 =	sadd.s32 $0x800, s28  }
0xbe: {  	[spmem:s3] =	stream.indirect.scatter.add.f32 [tilespmem:s19], [sflag:$0x1], $0x80, s29, s21, $0xb8;
	[tilespmem:$0x1E800] =	vst v63  }
0xbf: {  	s29 =	sadd.s32 $0x880, s28  }
0xc0: {  	[spmem:s3] =	stream.indirect.scatter.add.f32 [tilespmem:s19], [sflag:$0x1], $0x80, s29, s21, $0xb8;
	[tilespmem:$0x1E800] =	vst v63  }
0xc1: {  	s29 =	sadd.s32 $0x900, s28  }
0xc2: {  	[spmem:s3] =	stream.indirect.scatter.add.f32 [tilespmem:s19], [sflag:$0x1], $0x80, s29, s21, $0xb8;
	[tilespmem:$0x1E800] =	vst v63  }
0xc3: {  	s28 =	sadd.s32 $0x980, s28  }
0xc4: {  	[spmem:s3] =	stream.indirect.scatter.add.f32 [tilespmem:s19], [sflag:$0x1], $0x80, s28, s21, $0xb8;
	[tilespmem:$0x1E800] =	vst v63  }
0xc5: {  	_ =	swait.ge [sflag:s20], $0x4000  }
0xc6: {  	[sflag:s20] =	ssyncset.done $0x0  }
0xc7: {  	[sflag:s20] =	ssyncadd.s32 $0xFFFFC000  }
0xc8: {  	_ =	swait.ge [sflag:s20], $0x4000  }
0xc9: {  	[sflag:s20] =	ssyncset.done $0x0  }
0xca: {  	[sflag:s20] =	ssyncadd.s32 $0xFFFFC000  }
0xcb: {  	_ =	swait.ge [sflag:s20], $0x4000  }
0xcc: {  	[sflag:s20] =	ssyncset.done $0x0  }
0xcd: {  	[sflag:s20] =	ssyncadd.s32 $0xFFFFC000  }
0xce: {  	_ =	swait.ge [sflag:s20], $0x4000  }
0xcf: {  	[sflag:s20] =	ssyncset.done $0x0  }
0xd0: {  	[sflag:s20] =	ssyncadd.s32 $0xFFFFC000  }
0xd1: {  	_ =	swait.ge [sflag:s20], $0x4000  }
0xd2: {  	[sflag:s20] =	ssyncset.done $0x0  }
0xd3: {  	[sflag:s20] =	ssyncadd.s32 $0xFFFFC000  }
0xd4: {  	_ =	swait.ge [sflag:s20], $0x4000  }
0xd5: {  	[sflag:s20] =	ssyncset.done $0x0  }
0xd6: {  	[sflag:s20] =	ssyncadd.s32 $0xFFFFC000  }
0xd7: {  	_ =	swait.ge [sflag:s20], $0x4000  }
0xd8: {  	[sflag:s20] =	ssyncset.done $0x0  }
0xd9: {  	[sflag:s20] =	ssyncadd.s32 $0xFFFFC000  }
0xda: {  	_ =	swait.ge [sflag:s20], $0x4000  }
0xdb: {  	[sflag:s20] =	ssyncset.done $0x0  }
0xdc: {  	[sflag:s20] =	ssyncadd.s32 $0xFFFFC000  }
0xdd: {  	_ =	swait.ge [sflag:s20], $0x4000  }
0xde: {  	[sflag:s20] =	ssyncset.done $0x0  }
0xdf: {  	[sflag:s20] =	ssyncadd.s32 $0xFFFFC000  }
0xe0: {  	_ =	swait.ge [sflag:s20], $0x4000  }
0xe1: {  	[sflag:s20] =	ssyncset.done $0x0  }
0xe2: {  	[sflag:s20] =	ssyncadd.s32 $0xFFFFC000  }
0xe3: {  	_ =	swait.ge [sflag:s20], $0x4000  }
0xe4: {  	[sflag:s20] =	ssyncset.done $0x0  }
0xe5: {  	[sflag:s20] =	ssyncadd.s32 $0xFFFFC000  }
0xe6: {  	_ =	swait.ge [sflag:s20], $0x4000  }
0xe7: {  	[sflag:s20] =	ssyncset.done $0x0  }
0xe8: {  	[sflag:s20] =	ssyncadd.s32 $0xFFFFC000  }
0xe9: {  	_ =	swait.ge [sflag:s20], $0x4000  }
0xea: {  	[sflag:s20] =	ssyncset.done $0x0  }
0xeb: {  	[sflag:s20] =	ssyncadd.s32 $0xFFFFC000  }
0xec: {  	_ =	swait.ge [sflag:s20], $0x4000  }
0xed: {  	[sflag:s20] =	ssyncset.done $0x0  }
0xee: {  	[sflag:s20] =	ssyncadd.s32 $0xFFFFC000  }
0xef: {  	_ =	swait.ge [sflag:s20], $0x4000  }
0xf0: {  	[sflag:s20] =	ssyncset.done $0x0  }
0xf1: {  	[sflag:s20] =	ssyncadd.s32 $0xFFFFC000  }
0xf2: {  	_ =	swait.ge [sflag:s20], $0x4000  }
0xf3: {  	[sflag:s20] =	ssyncset.done $0x0  }
0xf4: {  	[sflag:s20] =	ssyncadd.s32 $0xFFFFC000  }
0xf5: {  	_ =	swait.ge [sflag:s20], $0x4000  }
0xf6: {  	[sflag:s20] =	ssyncset.done $0x0  }
0xf7: {  	[sflag:s20] =	ssyncadd.s32 $0xFFFFC000  }
0xf8: {  	_ =	swait.ge [sflag:s20], $0x4000  }
0xf9: {  	[sflag:s20] =	ssyncset.done $0x0  }
0xfa: {  	[sflag:s20] =	ssyncadd.s32 $0xFFFFC000  }
.Ltmp0:
0xfb: {  	_ =	swait.ge [sflag:s20], $0x4000;
	(pc) =	sbr.rel @p0 .LBB2_2-.Ltmp0, $4  }
0xfc: {  	[sflag:s20] =	ssyncset.done $0x0  }
0xfd: {  	[sflag:s20] =	ssyncadd.s32 $0xFFFFC000  }
0xfe: {  	_ =	swait.ge [sflag:s20], $0x4000  }
0xff: {  	s29 =	smov.u32 s26;
	[sflag:s20] =	ssyncset.done $0x0  }
0x100: {  	s25 =	sshra.s32 s25, $0x2;
	[sflag:s20] =	ssyncadd.s32 $0xFFFFC000  }
0x101: {  	[spmem:s3] =	stream.indirect.scatter.add.f32 [tilespmem:s19], [sflag:$0x1], $0x80, s25, s21, $0xb8;
	[tilespmem:$0x1E800] =	vst v63  }
0x102: {  	s26 =	sadd.s32 $0x80, s25  }
0x103: {  	[spmem:s3] =	stream.indirect.scatter.add.f32 [tilespmem:s19], [sflag:$0x1], $0x80, s26, s21, $0xb8;
	[tilespmem:$0x1E800] =	vst v63  }
0x104: {  	s31 =	sadd.s32 $0x100, s25  }
0x105: {  	[spmem:s3] =	stream.indirect.scatter.add.f32 [tilespmem:s19], [sflag:$0x1], $0x80, s31, s21, $0xb8;
	[tilespmem:$0x1E800] =	vst v63  }
0x106: {  	s28 =	sadd.s32 $0x180, s25  }
0x107: {  	[spmem:s3] =	stream.indirect.scatter.add.f32 [tilespmem:s19], [sflag:$0x1], $0x80, s28, s21, $0xb8;
	[tilespmem:$0x1E800] =	vst v63  }
0x108: {  	s29 =	sadd.s32 $0x200, s25  }
0x109: {  	[spmem:s3] =	stream.indirect.scatter.add.f32 [tilespmem:s19], [sflag:$0x1], $0x80, s29, s21, $0xb8;
	[tilespmem:$0x1E800] =	vst v63  }
0x10a: {  	s30 =	sadd.s32 $0x280, s25  }
0x10b: {  	[spmem:s3] =	stream.indirect.scatter.add.f32 [tilespmem:s19], [sflag:$0x1], $0x80, s30, s21, $0xb8;
	[tilespmem:$0x1E800] =	vst v63  }
0x10c: {  	s31 =	sadd.s32 $0x300, s25  }
0x10d: {  	[spmem:s3] =	stream.indirect.scatter.add.f32 [tilespmem:s19], [sflag:$0x1], $0x80, s31, s21, $0xb8;
	[tilespmem:$0x1E800] =	vst v63  }
0x10e: {  	s28 =	sadd.s32 $0x380, s25  }
0x10f: {  	[spmem:s3] =	stream.indirect.scatter.add.f32 [tilespmem:s19], [sflag:$0x1], $0x80, s28, s21, $0xb8;
	[tilespmem:$0x1E800] =	vst v63  }
0x110: {  	s29 =	sadd.s32 $0x400, s25  }
0x111: {  	[spmem:s3] =	stream.indirect.scatter.add.f32 [tilespmem:s19], [sflag:$0x1], $0x80, s29, s21, $0xb8;
	[tilespmem:$0x1E800] =	vst v63  }
0x112: {  	s30 =	sadd.s32 $0x480, s25  }
0x113: {  	[spmem:s3] =	stream.indirect.scatter.add.f32 [tilespmem:s19], [sflag:$0x1], $0x80, s30, s21, $0xb8;
	[tilespmem:$0x1E800] =	vst v63  }
0x114: {  	s31 =	sadd.s32 $0x500, s25  }
0x115: {  	[spmem:s3] =	stream.indirect.scatter.add.f32 [tilespmem:s19], [sflag:$0x1], $0x80, s31, s21, $0xb8;
	[tilespmem:$0x1E800] =	vst v63  }
0x116: {  	s28 =	sadd.s32 $0x580, s25  }
0x117: {  	[spmem:s3] =	stream.indirect.scatter.add.f32 [tilespmem:s19], [sflag:$0x1], $0x80, s28, s21, $0xb8;
	[tilespmem:$0x1E800] =	vst v63  }
0x118: {  	s29 =	sadd.s32 $0x600, s25  }
0x119: {  	[spmem:s3] =	stream.indirect.scatter.add.f32 [tilespmem:s19], [sflag:$0x1], $0x80, s29, s21, $0xb8;
	[tilespmem:$0x1E800] =	vst v63  }
0x11a: {  	s30 =	sadd.s32 $0x680, s25  }
0x11b: {  	[spmem:s3] =	stream.indirect.scatter.add.f32 [tilespmem:s19], [sflag:$0x1], $0x80, s30, s21, $0xb8;
	[tilespmem:$0x1E800] =	vst v63  }
0x11c: {  	s31 =	sadd.s32 $0x700, s25  }
0x11d: {  	[spmem:s3] =	stream.indirect.scatter.add.f32 [tilespmem:s19], [sflag:$0x1], $0x80, s31, s21, $0xb8;
	[tilespmem:$0x1E800] =	vst v63  }
0x11e: {  	s28 =	sadd.s32 $0x780, s25  }
0x11f: {  	[spmem:s3] =	stream.indirect.scatter.add.f32 [tilespmem:s19], [sflag:$0x1], $0x80, s28, s21, $0xb8;
	[tilespmem:$0x1E800] =	vst v63  }
0x120: {  	s29 =	sadd.s32 $0x800, s25  }
0x121: {  	[spmem:s3] =	stream.indirect.scatter.add.f32 [tilespmem:s19], [sflag:$0x1], $0x80, s29, s21, $0xb8;
	[tilespmem:$0x1E800] =	vst v63  }
0x122: {  	s30 =	sadd.s32 $0x880, s25  }
0x123: {  	[spmem:s3] =	stream.indirect.scatter.add.f32 [tilespmem:s19], [sflag:$0x1], $0x80, s30, s21, $0xb8;
	[tilespmem:$0x1E800] =	vst v63  }
0x124: {  	s31 =	sadd.s32 $0x900, s25  }
0x125: {  	[spmem:s3] =	stream.indirect.scatter.add.f32 [tilespmem:s19], [sflag:$0x1], $0x80, s31, s21, $0xb8;
	[tilespmem:$0x1E800] =	vst v63  }
0x126: {  	s25 =	sadd.s32 $0x980, s25  }
0x127: {  	[spmem:s3] =	stream.indirect.scatter.add.f32 [tilespmem:s19], [sflag:$0x1], $0x80, s25, s21, $0xb8;
	[tilespmem:$0x1E800] =	vst v63  }
0x128: {  	_ =	swait.ge [sflag:s20], $0x4000  }
0x129: {  	[sflag:s20] =	ssyncset.done $0x0  }
0x12a: {  	[sflag:s20] =	ssyncadd.s32 $0xFFFFC000  }
0x12b: {  	_ =	swait.ge [sflag:s20], $0x4000  }
0x12c: {  	[sflag:s20] =	ssyncset.done $0x0  }
0x12d: {  	[sflag:s20] =	ssyncadd.s32 $0xFFFFC000  }
0x12e: {  	_ =	swait.ge [sflag:s20], $0x4000  }
0x12f: {  	[sflag:s20] =	ssyncset.done $0x0  }
0x130: {  	[sflag:s20] =	ssyncadd.s32 $0xFFFFC000  }
0x131: {  	_ =	swait.ge [sflag:s20], $0x4000  }
0x132: {  	[sflag:s20] =	ssyncset.done $0x0  }
0x133: {  	[sflag:s20] =	ssyncadd.s32 $0xFFFFC000  }
0x134: {  	_ =	swait.ge [sflag:s20], $0x4000  }
0x135: {  	[sflag:s20] =	ssyncset.done $0x0  }
0x136: {  	[sflag:s20] =	ssyncadd.s32 $0xFFFFC000  }
0x137: {  	_ =	swait.ge [sflag:s20], $0x4000  }
0x138: {  	[sflag:s20] =	ssyncset.done $0x0  }
0x139: {  	[sflag:s20] =	ssyncadd.s32 $0xFFFFC000  }
0x13a: {  	_ =	swait.ge [sflag:s20], $0x4000  }
0x13b: {  	[sflag:s20] =	ssyncset.done $0x0  }
0x13c: {  	[sflag:s20] =	ssyncadd.s32 $0xFFFFC000  }
0x13d: {  	_ =	swait.ge [sflag:s20], $0x4000  }
0x13e: {  	[sflag:s20] =	ssyncset.done $0x0  }
0x13f: {  	[sflag:s20] =	ssyncadd.s32 $0xFFFFC000  }
0x140: {  	_ =	swait.ge [sflag:s20], $0x4000  }
0x141: {  	[sflag:s20] =	ssyncset.done $0x0  }
0x142: {  	[sflag:s20] =	ssyncadd.s32 $0xFFFFC000  }
0x143: {  	_ =	swait.ge [sflag:s20], $0x4000  }
0x144: {  	[sflag:s20] =	ssyncset.done $0x0  }
0x145: {  	[sflag:s20] =	ssyncadd.s32 $0xFFFFC000  }
0x146: {  	_ =	swait.ge [sflag:s20], $0x4000  }
0x147: {  	[sflag:s20] =	ssyncset.done $0x0  }
0x148: {  	[sflag:s20] =	ssyncadd.s32 $0xFFFFC000  }
0x149: {  	_ =	swait.ge [sflag:s20], $0x4000  }
0x14a: {  	[sflag:s20] =	ssyncset.done $0x0  }
0x14b: {  	[sflag:s20] =	ssyncadd.s32 $0xFFFFC000  }
0x14c: {  	_ =	swait.ge [sflag:s20], $0x4000  }
0x14d: {  	[sflag:s20] =	ssyncset.done $0x0  }
0x14e: {  	[sflag:s20] =	ssyncadd.s32 $0xFFFFC000  }
0x14f: {  	_ =	swait.ge [sflag:s20], $0x4000  }
0x150: {  	[sflag:s20] =	ssyncset.done $0x0  }
0x151: {  	[sflag:s20] =	ssyncadd.s32 $0xFFFFC000  }
0x152: {  	_ =	swait.ge [sflag:s20], $0x4000  }
0x153: {  	[sflag:s20] =	ssyncset.done $0x0  }
0x154: {  	[sflag:s20] =	ssyncadd.s32 $0xFFFFC000  }
0x155: {  	_ =	swait.ge [sflag:s20], $0x4000  }
0x156: {  	[sflag:s20] =	ssyncset.done $0x0  }
0x157: {  	[sflag:s20] =	ssyncadd.s32 $0xFFFFC000  }
0x158: {  	_ =	swait.ge [sflag:s20], $0x4000  }
0x159: {  	[sflag:s20] =	ssyncset.done $0x0  }
0x15a: {  	[sflag:s20] =	ssyncadd.s32 $0xFFFFC000  }
0x15b: {  	_ =	swait.ge [sflag:s20], $0x4000  }
0x15c: {  	[sflag:s20] =	ssyncset.done $0x0  }
0x15d: {  	[sflag:s20] =	ssyncadd.s32 $0xFFFFC000  }
0x15e: {  	_ =	swait.ge [sflag:s20], $0x4000  }
0x15f: {  	[sflag:s20] =	ssyncset.done $0x0  }
0x160: {  	[sflag:s20] =	ssyncadd.s32 $0xFFFFC000  }
0x161: {  	_ =	swait.ge [sflag:s20], $0x4000  }
0x162: {  	[sflag:s20] =	ssyncset.done $0x0  }
0x163: {  	[sflag:s20] =	ssyncadd.s32 $0xFFFFC000  }
0x164: {  	[bflag:$0x0] =	sbarrier.arrive $0xFFFF  }
0x165: {  	[tilespmem:s19], [sflag:$0x3] =	stream.linear.gather [spmem:s7], $0x4000, $0x38;
	[tilespmem:$0x1E800] =	vst v63  }
0x166: {  	_ =	swait.ge [sflag:s18], $0x4000  }
0x167: {  	[sflag:s18] =	ssyncset.done $0x0  }
0x168: {  	[sflag:s18] =	ssyncadd.s32 $0xFFFFC000  }
0x169: {  	[hbm4b:s12+s4] =	stream.linear.scatter [tilespmem:s19], [sflag:$0x1], $0x4000, $0x38;
	[tilespmem:$0x1E800] =	vst v63  }
0x16a: {  	_ = 	snop  }
0x16b: {  	[tilespmem:s22], [sflag:$0x3] =	stream.linear.gather [spmem:s8], $0x4000, $0x38;
	[tilespmem:$0x1E800] =	vst v63  }
0x16c: {  	_ =	swait.ge [sflag:s18], $0x4000  }
0x16d: {  	[sflag:s18] =	ssyncset.done $0x0  }
0x16e: {  	[sflag:s18] =	ssyncadd.s32 $0xFFFFC000  }
0x16f: {  	[hbm4b:s13+s4] =	stream.linear.scatter [tilespmem:s22], [sflag:$0x2], $0x4000, $0x38;
	[tilespmem:$0x1E800] =	vst v63  }
0x170: {  	_ =	swait.ge [sflag:s20], $0x4000  }
0x171: {  	[sflag:s20] =	ssyncset.done $0x0  }
0x172: {  	[sflag:s20] =	ssyncadd.s32 $0xFFFFC000  }
0x173: {  	[tilespmem:s19], [sflag:$0x3] =	stream.linear.gather [spmem:s9], $0x4000, $0x38;
	[tilespmem:$0x1E800] =	vst v63  }
0x174: {  	_ =	swait.ge [sflag:s18], $0x4000  }
0x175: {  	[sflag:s18] =	ssyncset.done $0x0  }
0x176: {  	[sflag:s18] =	ssyncadd.s32 $0xFFFFC000  }
0x177: {  	[hbm4b:s14+s4] =	stream.linear.scatter [tilespmem:s19], [sflag:$0x1], $0x4000, $0x38;
	[tilespmem:$0x1E800] =	vst v63  }
0x178: {  	_ =	swait.ge [sflag:s23], $0x4000  }
0x179: {  	[sflag:s23] =	ssyncset.done $0x0  }
0x17a: {  	[sflag:s23] =	ssyncadd.s32 $0xFFFFC000  }
0x17b: {  	[tilespmem:s22], [sflag:$0x3] =	stream.linear.gather [spmem:s10], $0x4000, $0x38;
	[tilespmem:$0x1E800] =	vst v63  }
0x17c: {  	_ =	swait.ge [sflag:s18], $0x4000  }
0x17d: {  	[sflag:s18] =	ssyncset.done $0x0  }
0x17e: {  	[sflag:s18] =	ssyncadd.s32 $0xFFFFC000  }
0x17f: {  	[hbm4b:s15+s4] =	stream.linear.scatter [tilespmem:s22], [sflag:$0x2], $0x4000, $0x38;
	[tilespmem:$0x1E800] =	vst v63  }
0x180: {  	_ =	swait.ge [sflag:s20], $0x4000  }
0x181: {  	[sflag:s20] =	ssyncset.done $0x0  }
0x182: {  	[sflag:s20] =	ssyncadd.s32 $0xFFFFC000  }
0x183: {  	[tilespmem:s19], [sflag:$0x3] =	stream.linear.gather [spmem:s11], $0x4000, $0x38;
	[tilespmem:$0x1E800] =	vst v63  }
0x184: {  	_ =	swait.ge [sflag:s18], $0x4000  }
0x185: {  	[sflag:s18] =	ssyncset.done $0x0  }
0x186: {  	s24 =	sadd.s32 $0x1, s24;
	[sflag:s18] =	ssyncadd.s32 $0xFFFFC000  }
0x187: {  	[hbm4b:s16+s4] =	stream.linear.scatter [tilespmem:s19], [sflag:$0x1], $0x4000, $0x38;
	[tilespmem:$0x1E800] =	vst v63  }
0x188: {  	p0 =	sne.s32 s24, s17;
	_ =	swait.ge [sflag:s23], $0x4000  }
.Ltmp1:
0x189: {  	[sflag:s23] =	ssyncset.done $0x0;
	(pc) =	sbr.rel @p0 .LBB2_1-.Ltmp1, $4  }
0x18a: {  	[sflag:s23] =	ssyncadd.s32 $0xFFFFC000  }
0x18b: {  	_ =	swait.ge [sflag:s20], $0x4000  }
0x18c: {  	[sflag:s20] =	ssyncset.done $0x0  }
0x18d: {  	[sflag:s20] =	ssyncadd.s32 $0xFFFFC000  }
0x18e: {  	_ =	sfence.sel $0x180000  }
0x18f: {  	[bflag:$0x0] =	sbarrier.arrive $0xFFFF  }
0x190: {  	p0 =	sne.s32 s0, $0x0;
	_ =	strace $0x9000004A  }
0x191: {  	s0 =	sadd.s32 @!p0 $0x100000, s1;
	[bflag:$0x2] =	sbarrier.arrive $0xFFFF  }
0x192: {  	[sflag:s0] =	ssyncadd.tile.s32 @!p0 $0x1;
	_ =	shalt  }
.Lfunc_end2:
_tile_overlayer_lowered:
.L_overlay_start_2:
0x193: {  	(tag) =	ssettag $0x2  }
0x194: {  	s0 =	rddreg [dreg:$0x0];
	s2 =	stileid.u32  }
0x195: {  	s1 =	rddreg [dreg:$0x1];
	p0 =	sne.s32 s2, $0x0  }
0x196: {  	s3 =	rddreg [dreg:$0x2];
	[bflag:$0x3] =	sbarrier.arrive $0xFFFF;
	s2 =	simm.s32 @!p0 $0x1C03  }
0x197: {  	[timem:s3], [sflag:s2] =	dma.local @!p0 [hbm:s0], s1  }
0x198: {  	s0 =	simm.s32 @!p0 $0x3  }
0x199: {  	_ =	swait.ge @!p0 [sflag:s0], s1  }
0x19a: {  	s1 =	ssub.s32 @!p0 $0x0, s1;
	[sflag:s0] =	ssyncset.done @!p0 $0x0  }
0x19b: {  	[sflag:s0] =	ssyncadd.s32 @!p0 s1  }
0x19c: {  	[bflag:$0x3] =	sbarrier.arrive $0xFFFF  }
0x19d: {  	_ =	shalt  }

</sc_bundles>
